<compile_context>
chip_gen: v7x
topology: tpu7x:2x2x1
jax: 0.10.2.dev20260603
libtpu: 0.0.44.dev20260713+nightly
codegen_flags: <defaults>
</compile_context>

<pallas_src>
import functools

import jax
import jax.numpy as jnp
from jax import lax
from jax.experimental import pallas as pl
from jax.experimental.pallas import tpu as pltpu
from jax.experimental.pallas import tpu_sc as plsc

N_NODES = 10000
N_EDGES = 320000
D = 128
NC = 2
NS = 16
NW = NC * NS
CHUNK = 64
K = 160
K0 = 312
K1 = 8
CHUNK2 = 128
K2 = 80
E_PAD = NW * K * CHUNK
SROWS = 10112
STRIPE = SROWS // NS
TRASH = SROWS - 1
BLK = 1000
PIECES = ((0, 128), (128, 128), (256, 128), (384, 128), (512, 120))
PIECES64 = tuple((i * 64, 64) for i in range(9)) + ((576, 56),)


def _mesh():
    return plsc.VectorSubcoreMesh(
        core_axis_name="c", subcore_axis_name="s", num_cores=NC, num_subcores=NS
    )


def _sc_segment_rows(x, ai3, aj3, zrows):

    @functools.partial(
        pl.kernel,
        out_type=jax.ShapeDtypeStruct((NC, SROWS, D), jnp.float32),
        mesh=_mesh(),
        scratch_types=[
            pltpu.VMEM((8, CHUNK), jnp.int32),
            pltpu.VMEM((8, CHUNK), jnp.int32),
            pltpu.VMEM((CHUNK, D), jnp.float32),
            pltpu.VMEM((CHUNK, D), jnp.float32),
            pltpu.VMEM((CHUNK, D), jnp.float32),
            pltpu.VMEM((CHUNK, D), jnp.float32),
            pltpu.VMEM_SHARED((SROWS, D), jnp.float32),
            pltpu.SemaphoreType.DMA,
            pltpu.SemaphoreType.DMA,
            pltpu.SemaphoreType.DMA,
            pltpu.SemaphoreType.DMA,
            pltpu.SemaphoreType.DMA,
            pltpu.SemaphoreType.DMA,
            pltpu.SemaphoreType.DMA,
            pltpu.SemaphoreType.DMA,
            pltpu.SemaphoreType.DMA,
            pltpu.SemaphoreType.DMA,
            pltpu.SemaphoreType.DMA,
            pltpu.SemaphoreType.DMA,
        ],
    )
    def sc_kernel(x_hbm, ai_hbm, aj_hbm, zrows_hbm, s_out,
                  aib, ajb, rows0, rows1, rows2, rows3, s_acc,
                  gsem0, gsem1, gsem2, gsem3,
                  isem0, isem1, isem2, isem3, isem4, isem5, isem6, isem7):
        c = lax.axis_index("c")
        s = lax.axis_index("s")
        kc = jnp.where(c == 0, K0, K1)
        base = c * (NS * K0) + s * kc
        row0 = s * STRIPE
        rows = (rows0, rows1, rows2, rows3)
        gsem = (gsem0, gsem1, gsem2, gsem3)
        isem = (isem0, isem1, isem2, isem3, isem4, isem5, isem6, isem7)

        pltpu.sync_copy(zrows_hbm, rows0)
        for off, ln in PIECES64:
            pltpu.sync_copy(rows0.at[pl.ds(0, ln)],
                            s_acc.at[pl.ds(row0 + off, ln)])
        plsc.subcore_barrier()

        for p in range(8):
            pltpu.async_copy(ai_hbm.at[base + p], aib.at[p], isem[p])
            pltpu.async_copy(aj_hbm.at[base + p], ajb.at[p], isem[p])
        for p in range(4):
            pltpu.make_async_copy(ai_hbm.at[base + p], aib.at[p], isem[p]).wait()
            pltpu.make_async_copy(aj_hbm.at[base + p], ajb.at[p], isem[p]).wait()
            pltpu.async_copy(x_hbm.at[ajb.at[p]], rows[p], gsem[p])

        def body(g, carry):
            k0 = g * 8
            for b in range(8):
                kk = k0 + b
                rs = b % 4
                b4 = (b + 4) % 8
                pltpu.make_async_copy(
                    x_hbm.at[ajb.at[b]], rows[rs], gsem[rs]).wait()
                pltpu.sync_copy(rows[rs], s_acc.at[aib.at[b]], add=True)

                @pl.when(kk + 8 < kc)
                def _():
                    pltpu.async_copy(ai_hbm.at[base + kk + 8], aib.at[b], isem[b])
                    pltpu.async_copy(aj_hbm.at[base + kk + 8], ajb.at[b], isem[b])

                @pl.when(kk + 4 < kc)
                def _():
                    pltpu.make_async_copy(
                        ai_hbm.at[base + kk + 4], aib.at[b4], isem[b4]).wait()
                    pltpu.make_async_copy(
                        aj_hbm.at[base + kk + 4], ajb.at[b4], isem[b4]).wait()
                    pltpu.async_copy(x_hbm.at[ajb.at[b4]], rows[rs], gsem[rs])

            return carry

        lax.fori_loop(0, kc // 8, body, None)
        plsc.subcore_barrier()
        for off, ln in PIECES64:
            pltpu.sync_copy(s_acc.at[pl.ds(row0 + off, ln)],
                            rows0.at[pl.ds(0, ln)])
            pltpu.sync_copy(rows0.at[pl.ds(0, ln)],
                            s_out.at[c, pl.ds(row0 + off, ln)])

    return sc_kernel(x, ai3, aj3, zrows)


def _sc_degrees(ai3, zrows, ones):

    @functools.partial(
        pl.kernel,
        out_type=jax.ShapeDtypeStruct((NC, SROWS, D), jnp.float32),
        mesh=_mesh(),
        scratch_types=[
            pltpu.VMEM((4, CHUNK2), jnp.int32),
            pltpu.VMEM((CHUNK2, D), jnp.float32),
            pltpu.VMEM_SHARED((SROWS, D), jnp.float32),
            pltpu.SemaphoreType.DMA,
            pltpu.SemaphoreType.DMA,
            pltpu.SemaphoreType.DMA,
            pltpu.SemaphoreType.DMA,
        ],
    )
    def sc_kernel(ai_hbm, zrows_hbm, ones_hbm, deg_out,
                  aib, ones_v, deg_acc, isem0, isem1, isem2, isem3):
        c = lax.axis_index("c")
        s = lax.axis_index("s")
        wid = c * NS + s
        row0 = s * STRIPE
        isem = (isem0, isem1, isem2, isem3)

        pltpu.sync_copy(zrows_hbm, ones_v)
        for off, ln in PIECES:
            pltpu.sync_copy(ones_v.at[pl.ds(0, ln)],
                            deg_acc.at[pl.ds(row0 + off, ln)])
        pltpu.sync_copy(ones_hbm, ones_v)
        plsc.subcore_barrier()

        for p in range(4):
            pltpu.async_copy(ai_hbm.at[wid, p], aib.at[p], isem[p])

        def body(g, carry):
            k0 = g * 4
            for b in range(4):
                kk = k0 + b
                pltpu.make_async_copy(
                    ai_hbm.at[wid, kk], aib.at[b], isem[b]).wait()
                pltpu.sync_copy(ones_v, deg_acc.at[aib.at[b]], add=True)

                @pl.when(kk + 4 < K2)
                def _():
                    pltpu.async_copy(ai_hbm.at[wid, kk + 4], aib.at[b], isem[b])

            return carry

        lax.fori_loop(0, K2 // 4, body, None)
        plsc.subcore_barrier()
        for off, ln in PIECES:
            pltpu.sync_copy(deg_acc.at[pl.ds(row0 + off, ln)],
                            ones_v.at[pl.ds(0, ln)])
            pltpu.sync_copy(ones_v.at[pl.ds(0, ln)],
                            deg_out.at[c, pl.ds(row0 + off, ln)])

    return sc_kernel(ai3, zrows, ones)


def _combine_body(x_ref, s_ref, d_ref, w1_ref, w2_ref, b_ref, o_ref):
    xb = x_ref[...]
    sb = s_ref[0] + s_ref[1]
    dg = d_ref[0, :, 0:1] + d_ref[1, :, 0:1]
    dn = (((1,), (1,)), ((), ()))
    h1 = lax.dot_general(xb, w1_ref[...], dn, preferred_element_type=jnp.float32)
    h2 = lax.dot_general(sb, w2_ref[...], dn, preferred_element_type=jnp.float32)
    o_ref[...] = dg * (h1 + b_ref[...]) + h2


def _tc_combine(x, s2, d2, W1, W2, b):
    return pl.pallas_call(
        _combine_body,
        grid=(N_NODES // BLK,),
        in_specs=[
            pl.BlockSpec((BLK, D), lambda i: (i, 0)),
            pl.BlockSpec((NC, BLK, D), lambda i: (0, i, 0)),
            pl.BlockSpec((NC, BLK, D), lambda i: (0, i, 0)),
            pl.BlockSpec((D, D), lambda i: (0, 0)),
            pl.BlockSpec((D, D), lambda i: (0, 0)),
            pl.BlockSpec((1, D), lambda i: (0, 0)),
        ],
        out_specs=pl.BlockSpec((BLK, D), lambda i: (i, 0)),
        out_shape=jax.ShapeDtypeStruct((N_NODES, D), jnp.float32),
    )(x, s2, d2, W1, W2, b)


def kernel(x, adj, W, b):
    ai = adj[0].astype(jnp.int32)
    aj = adj[1].astype(jnp.int32)
    pad = E_PAD - N_EDGES
    ai_p = jnp.concatenate([ai, jnp.full((pad,), TRASH, jnp.int32)])
    aj_p = jnp.concatenate([aj, jnp.zeros((pad,), jnp.int32)])
    ai3 = ai_p.reshape(NW * K, CHUNK)
    aj3 = aj_p.reshape(NW * K, CHUNK)
    ai3b = ai_p.reshape(NW, K2, CHUNK2)
    zrows = jnp.zeros((CHUNK, D), jnp.float32)
    zrows2 = jnp.zeros((CHUNK2, D), jnp.float32)
    ones = jnp.ones((CHUNK2, D), jnp.float32)
    s2 = _sc_segment_rows(x, ai3, aj3, zrows)
    d2 = _sc_degrees(ai3b, zrows2, ones)
    return _tc_combine(x, s2, d2, W[:, :D], W[:, D:], b.reshape(1, D))

# --- scband reference (transcript-rebuilt; emitter-appended) ---
"""Pipeline reference for scband-gnn-25907242729955 (READ-ONLY COPY).

The authoritative reference and input builder live on the scoring server;
editing this copy changes nothing except your own understanding.
"""

import jax, jax.numpy as jnp
import numpy as np

N_NODES = 10000
N_EDGES = 320000
D_IN = 128
D_OUT = 128

def setup_inputs(seed: int = 0) -> dict:
    key = jax.random.key(seed)
    k1, k2, k3, k4 = jax.random.split(key, 4)
    x = jax.random.normal(k1, (N_NODES, D_IN), dtype=jnp.float32)
    adj = jax.random.randint(k2, (2, N_EDGES), 0, N_NODES, dtype=jnp.int64)
    # nn.Linear(2*in_features, out_features): weight [out, 2*in], bias [out]
    bound = 1.0 / np.sqrt(2 * D_IN)
    W = jax.random.uniform(k3, (D_OUT, 2 * D_IN), dtype=jnp.float32, minval=-bound, maxval=bound)
    b = jax.random.uniform(k4, (D_OUT,), dtype=jnp.float32, minval=-bound, maxval=bound)
    return {"x": x, "adj": adj, "W": W, "b": b}

def reference(x, adj, W, b):
    Ai = adj[0]
    Aj = adj[1]
    X_i = jnp.take(x, Ai, axis=0)
    X_j = jnp.take(x, Aj, axis=0)
    X_ij = jnp.concatenate([X_i, X_j], axis=1)
    E_msg = X_ij @ W.T + b
    agg_xi = jax.ops.segment_sum(E_msg, Ai, num_segments=x.shape[0])
    return agg_xi

if __name__ == "__main__":
    import jax
    _d = setup_inputs()
    print(jax.jit(kernel)(*tuple(_d.values())))

</pallas_src>

<mosaic_0001>
#map = affine_map<(d0, d1) -> (0, 0, 0)>
#map1 = affine_map<(d0, d1) -> (0, 0)>
module attributes {stable_mosaic.version = 14 : i64} {
  func.func @sc_kernel(%arg0: i32, %arg1: i32, %arg2: memref<32x80x128xi32, #tpu.memory_space<hbm>>, %arg3: memref<128x128xf32, #tpu.memory_space<hbm>>, %arg4: memref<128x128xf32, #tpu.memory_space<hbm>>, %arg5: memref<2x10112x128xf32, #tpu.memory_space<hbm>>, %arg6: memref<4x128xi32, #tpu.memory_space<vmem>>, %arg7: memref<128x128xf32, #tpu.memory_space<vmem>>, %arg8: memref<10112x128xf32, #tpu.memory_space<vmem_shared>>, %arg9: memref<!tpu.dma_semaphore, #tpu.memory_space<semaphore_mem>>, %arg10: memref<!tpu.dma_semaphore, #tpu.memory_space<semaphore_mem>>, %arg11: memref<!tpu.dma_semaphore, #tpu.memory_space<semaphore_mem>>, %arg12: memref<!tpu.dma_semaphore, #tpu.memory_space<semaphore_mem>>) attributes {dimension_semantics = [#tpu.dimension_semantics<core_parallel>, #tpu.dimension_semantics<subcore_parallel>], iteration_bounds = array<i64: 2, 16>, scalar_prefetch = 0 : i64, scratch_operands = 7 : i64, tpu.core_type = #tpu.core_type<sc_vector_subcore>, window_params = [{transform_indices = #map}, {transform_indices = #map1}, {transform_indices = #map1}, {transform_indices = #map}]} {
    %mul3A = arith.constant 16 : i32
    %mul3A_0 = arith.muli %arg0, %mul3A : i32
    %add3A = arith.addi %mul3A_0, %arg1 : i32
    %mul3A_1 = arith.constant 632 : i32
    %mul3A_2 = arith.muli %arg1, %mul3A_1 : i32
    "tpu.region"() ({
      %run_scoped3A = tpu.sem_alloc : memref<!tpu.dma_semaphore, #tpu.memory_space<semaphore_mem>>
      tpu.enqueue_dma source(%arg3 : memref<128x128xf32, #tpu.memory_space<hbm>>) target(%arg7 : memref<128x128xf32, #tpu.memory_space<vmem>>) target_semaphore(%run_scoped3A : memref<!tpu.dma_semaphore, #tpu.memory_space<semaphore_mem>>)
      tpu.wait_dma2 semaphore(%run_scoped3A : memref<!tpu.dma_semaphore, #tpu.memory_space<semaphore_mem>>) src(%arg3 : memref<128x128xf32, #tpu.memory_space<hbm>>) dst(%arg7 : memref<128x128xf32, #tpu.memory_space<vmem>>)
      tpu.yield
    }) : () -> ()
    %add3A_3 = arith.constant 0 : i32
    %add3A_4 = arith.addi %mul3A_2, %add3A_3 : i32
    "tpu.region"() ({
      %run_scoped3A = tpu.sem_alloc : memref<!tpu.dma_semaphore, #tpu.memory_space<semaphore_mem>>
      %dma_start3A_93 = arith.constant 0 : i32
      %dma_start3A_94 = arith.constant 0 : i32
      %dma_start3A_95 = tpu.memref_slice %arg7[%dma_start3A_93, %dma_start3A_94] : memref<128x128xf32, #tpu.memory_space<vmem>> -> memref<128x128xf32, #tpu.memory_space<vmem>>
      %dma_start3A_96 = arith.constant 0 : i32
      %dma_start3A_97 = tpu.memref_slice %arg8[%add3A_4, %dma_start3A_96] : memref<10112x128xf32, #tpu.memory_space<vmem_shared>> -> memref<128x128xf32, #tpu.memory_space<vmem_shared>>
      %dma_start3A_98 = arith.constant 0 : i32
      %dma_start3A_99 = tpu.memref_slice %arg8[%add3A_4, %dma_start3A_98] : memref<10112x128xf32, #tpu.memory_space<vmem_shared>> -> memref<128x128xf32, #tpu.memory_space<vmem_shared>>
      %dma_start3A_100 = arith.constant 0 : i32
      %dma_start3A_101 = arith.constant 0 : i32
      %dma_start3A_102 = tpu.memref_slice %arg7[%dma_start3A_100, %dma_start3A_101] : memref<128x128xf32, #tpu.memory_space<vmem>> -> memref<128x128xf32, #tpu.memory_space<vmem>>
      tpu.enqueue_dma source(%dma_start3A_102 : memref<128x128xf32, #tpu.memory_space<vmem>>) target(%dma_start3A_99 : memref<128x128xf32, #tpu.memory_space<vmem_shared>>) target_semaphore(%run_scoped3A : memref<!tpu.dma_semaphore, #tpu.memory_space<semaphore_mem>>)
      %dma_wait3A = arith.constant 0 : i32
      %dma_wait3A_103 = arith.constant 0 : i32
      %dma_wait3A_104 = tpu.memref_slice %arg7[%dma_wait3A, %dma_wait3A_103] : memref<128x128xf32, #tpu.memory_space<vmem>> -> memref<128x128xf32, #tpu.memory_space<vmem>>
      %dma_wait3A_105 = arith.constant 0 : i32
      %dma_wait3A_106 = tpu.memref_slice %arg8[%add3A_4, %dma_wait3A_105] : memref<10112x128xf32, #tpu.memory_space<vmem_shared>> -> memref<128x128xf32, #tpu.memory_space<vmem_shared>>
      %dma_wait3A_107 = arith.constant 0 : i32
      %dma_wait3A_108 = tpu.memref_slice %arg8[%add3A_4, %dma_wait3A_107] : memref<10112x128xf32, #tpu.memory_space<vmem_shared>> -> memref<128x128xf32, #tpu.memory_space<vmem_shared>>
      %dma_wait3A_109 = arith.constant 0 : i32
      %dma_wait3A_110 = arith.constant 0 : i32
      %dma_wait3A_111 = tpu.memref_slice %arg7[%dma_wait3A_109, %dma_wait3A_110] : memref<128x128xf32, #tpu.memory_space<vmem>> -> memref<128x128xf32, #tpu.memory_space<vmem>>
      tpu.wait_dma2 semaphore(%run_scoped3A : memref<!tpu.dma_semaphore, #tpu.memory_space<semaphore_mem>>) src(%dma_wait3A_111 : memref<128x128xf32, #tpu.memory_space<vmem>>) dst(%dma_wait3A_108 : memref<128x128xf32, #tpu.memory_space<vmem_shared>>)
      tpu.yield
    }) : () -> ()
    %add3A_5 = arith.constant 128 : i32
    %add3A_6 = arith.addi %mul3A_2, %add3A_5 : i32
    "tpu.region"() ({
      %run_scoped3A = tpu.sem_alloc : memref<!tpu.dma_semaphore, #tpu.memory_space<semaphore_mem>>
      %dma_start3A_93 = arith.constant 0 : i32
      %dma_start3A_94 = arith.constant 0 : i32
      %dma_start3A_95 = tpu.memref_slice %arg7[%dma_start3A_93, %dma_start3A_94] : memref<128x128xf32, #tpu.memory_space<vmem>> -> memref<128x128xf32, #tpu.memory_space<vmem>>
      %dma_start3A_96 = arith.constant 0 : i32
      %dma_start3A_97 = tpu.memref_slice %arg8[%add3A_6, %dma_start3A_96] : memref<10112x128xf32, #tpu.memory_space<vmem_shared>> -> memref<128x128xf32, #tpu.memory_space<vmem_shared>>
      %dma_start3A_98 = arith.constant 0 : i32
      %dma_start3A_99 = tpu.memref_slice %arg8[%add3A_6, %dma_start3A_98] : memref<10112x128xf32, #tpu.memory_space<vmem_shared>> -> memref<128x128xf32, #tpu.memory_space<vmem_shared>>
      %dma_start3A_100 = arith.constant 0 : i32
      %dma_start3A_101 = arith.constant 0 : i32
      %dma_start3A_102 = tpu.memref_slice %arg7[%dma_start3A_100, %dma_start3A_101] : memref<128x128xf32, #tpu.memory_space<vmem>> -> memref<128x128xf32, #tpu.memory_space<vmem>>
      tpu.enqueue_dma source(%dma_start3A_102 : memref<128x128xf32, #tpu.memory_space<vmem>>) target(%dma_start3A_99 : memref<128x128xf32, #tpu.memory_space<vmem_shared>>) target_semaphore(%run_scoped3A : memref<!tpu.dma_semaphore, #tpu.memory_space<semaphore_mem>>)
      %dma_wait3A = arith.constant 0 : i32
      %dma_wait3A_103 = arith.constant 0 : i32
      %dma_wait3A_104 = tpu.memref_slice %arg7[%dma_wait3A, %dma_wait3A_103] : memref<128x128xf32, #tpu.memory_space<vmem>> -> memref<128x128xf32, #tpu.memory_space<vmem>>
      %dma_wait3A_105 = arith.constant 0 : i32
      %dma_wait3A_106 = tpu.memref_slice %arg8[%add3A_6, %dma_wait3A_105] : memref<10112x128xf32, #tpu.memory_space<vmem_shared>> -> memref<128x128xf32, #tpu.memory_space<vmem_shared>>
      %dma_wait3A_107 = arith.constant 0 : i32
      %dma_wait3A_108 = tpu.memref_slice %arg8[%add3A_6, %dma_wait3A_107] : memref<10112x128xf32, #tpu.memory_space<vmem_shared>> -> memref<128x128xf32, #tpu.memory_space<vmem_shared>>
      %dma_wait3A_109 = arith.constant 0 : i32
      %dma_wait3A_110 = arith.constant 0 : i32
      %dma_wait3A_111 = tpu.memref_slice %arg7[%dma_wait3A_109, %dma_wait3A_110] : memref<128x128xf32, #tpu.memory_space<vmem>> -> memref<128x128xf32, #tpu.memory_space<vmem>>
      tpu.wait_dma2 semaphore(%run_scoped3A : memref<!tpu.dma_semaphore, #tpu.memory_space<semaphore_mem>>) src(%dma_wait3A_111 : memref<128x128xf32, #tpu.memory_space<vmem>>) dst(%dma_wait3A_108 : memref<128x128xf32, #tpu.memory_space<vmem_shared>>)
      tpu.yield
    }) : () -> ()
    %add3A_7 = arith.constant 256 : i32
    %add3A_8 = arith.addi %mul3A_2, %add3A_7 : i32
    "tpu.region"() ({
      %run_scoped3A = tpu.sem_alloc : memref<!tpu.dma_semaphore, #tpu.memory_space<semaphore_mem>>
      %dma_start3A_93 = arith.constant 0 : i32
      %dma_start3A_94 = arith.constant 0 : i32
      %dma_start3A_95 = tpu.memref_slice %arg7[%dma_start3A_93, %dma_start3A_94] : memref<128x128xf32, #tpu.memory_space<vmem>> -> memref<128x128xf32, #tpu.memory_space<vmem>>
      %dma_start3A_96 = arith.constant 0 : i32
      %dma_start3A_97 = tpu.memref_slice %arg8[%add3A_8, %dma_start3A_96] : memref<10112x128xf32, #tpu.memory_space<vmem_shared>> -> memref<128x128xf32, #tpu.memory_space<vmem_shared>>
      %dma_start3A_98 = arith.constant 0 : i32
      %dma_start3A_99 = tpu.memref_slice %arg8[%add3A_8, %dma_start3A_98] : memref<10112x128xf32, #tpu.memory_space<vmem_shared>> -> memref<128x128xf32, #tpu.memory_space<vmem_shared>>
      %dma_start3A_100 = arith.constant 0 : i32
      %dma_start3A_101 = arith.constant 0 : i32
      %dma_start3A_102 = tpu.memref_slice %arg7[%dma_start3A_100, %dma_start3A_101] : memref<128x128xf32, #tpu.memory_space<vmem>> -> memref<128x128xf32, #tpu.memory_space<vmem>>
      tpu.enqueue_dma source(%dma_start3A_102 : memref<128x128xf32, #tpu.memory_space<vmem>>) target(%dma_start3A_99 : memref<128x128xf32, #tpu.memory_space<vmem_shared>>) target_semaphore(%run_scoped3A : memref<!tpu.dma_semaphore, #tpu.memory_space<semaphore_mem>>)
      %dma_wait3A = arith.constant 0 : i32
      %dma_wait3A_103 = arith.constant 0 : i32
      %dma_wait3A_104 = tpu.memref_slice %arg7[%dma_wait3A, %dma_wait3A_103] : memref<128x128xf32, #tpu.memory_space<vmem>> -> memref<128x128xf32, #tpu.memory_space<vmem>>
      %dma_wait3A_105 = arith.constant 0 : i32
      %dma_wait3A_106 = tpu.memref_slice %arg8[%add3A_8, %dma_wait3A_105] : memref<10112x128xf32, #tpu.memory_space<vmem_shared>> -> memref<128x128xf32, #tpu.memory_space<vmem_shared>>
      %dma_wait3A_107 = arith.constant 0 : i32
      %dma_wait3A_108 = tpu.memref_slice %arg8[%add3A_8, %dma_wait3A_107] : memref<10112x128xf32, #tpu.memory_space<vmem_shared>> -> memref<128x128xf32, #tpu.memory_space<vmem_shared>>
      %dma_wait3A_109 = arith.constant 0 : i32
      %dma_wait3A_110 = arith.constant 0 : i32
      %dma_wait3A_111 = tpu.memref_slice %arg7[%dma_wait3A_109, %dma_wait3A_110] : memref<128x128xf32, #tpu.memory_space<vmem>> -> memref<128x128xf32, #tpu.memory_space<vmem>>
      tpu.wait_dma2 semaphore(%run_scoped3A : memref<!tpu.dma_semaphore, #tpu.memory_space<semaphore_mem>>) src(%dma_wait3A_111 : memref<128x128xf32, #tpu.memory_space<vmem>>) dst(%dma_wait3A_108 : memref<128x128xf32, #tpu.memory_space<vmem_shared>>)
      tpu.yield
    }) : () -> ()
    %add3A_9 = arith.constant 384 : i32
    %add3A_10 = arith.addi %mul3A_2, %add3A_9 : i32
    "tpu.region"() ({
      %run_scoped3A = tpu.sem_alloc : memref<!tpu.dma_semaphore, #tpu.memory_space<semaphore_mem>>
      %dma_start3A_93 = arith.constant 0 : i32
      %dma_start3A_94 = arith.constant 0 : i32
      %dma_start3A_95 = tpu.memref_slice %arg7[%dma_start3A_93, %dma_start3A_94] : memref<128x128xf32, #tpu.memory_space<vmem>> -> memref<128x128xf32, #tpu.memory_space<vmem>>
      %dma_start3A_96 = arith.constant 0 : i32
      %dma_start3A_97 = tpu.memref_slice %arg8[%add3A_10, %dma_start3A_96] : memref<10112x128xf32, #tpu.memory_space<vmem_shared>> -> memref<128x128xf32, #tpu.memory_space<vmem_shared>>
      %dma_start3A_98 = arith.constant 0 : i32
      %dma_start3A_99 = tpu.memref_slice %arg8[%add3A_10, %dma_start3A_98] : memref<10112x128xf32, #tpu.memory_space<vmem_shared>> -> memref<128x128xf32, #tpu.memory_space<vmem_shared>>
      %dma_start3A_100 = arith.constant 0 : i32
      %dma_start3A_101 = arith.constant 0 : i32
      %dma_start3A_102 = tpu.memref_slice %arg7[%dma_start3A_100, %dma_start3A_101] : memref<128x128xf32, #tpu.memory_space<vmem>> -> memref<128x128xf32, #tpu.memory_space<vmem>>
      tpu.enqueue_dma source(%dma_start3A_102 : memref<128x128xf32, #tpu.memory_space<vmem>>) target(%dma_start3A_99 : memref<128x128xf32, #tpu.memory_space<vmem_shared>>) target_semaphore(%run_scoped3A : memref<!tpu.dma_semaphore, #tpu.memory_space<semaphore_mem>>)
      %dma_wait3A = arith.constant 0 : i32
      %dma_wait3A_103 = arith.constant 0 : i32
      %dma_wait3A_104 = tpu.memref_slice %arg7[%dma_wait3A, %dma_wait3A_103] : memref<128x128xf32, #tpu.memory_space<vmem>> -> memref<128x128xf32, #tpu.memory_space<vmem>>
      %dma_wait3A_105 = arith.constant 0 : i32
      %dma_wait3A_106 = tpu.memref_slice %arg8[%add3A_10, %dma_wait3A_105] : memref<10112x128xf32, #tpu.memory_space<vmem_shared>> -> memref<128x128xf32, #tpu.memory_space<vmem_shared>>
      %dma_wait3A_107 = arith.constant 0 : i32
      %dma_wait3A_108 = tpu.memref_slice %arg8[%add3A_10, %dma_wait3A_107] : memref<10112x128xf32, #tpu.memory_space<vmem_shared>> -> memref<128x128xf32, #tpu.memory_space<vmem_shared>>
      %dma_wait3A_109 = arith.constant 0 : i32
      %dma_wait3A_110 = arith.constant 0 : i32
      %dma_wait3A_111 = tpu.memref_slice %arg7[%dma_wait3A_109, %dma_wait3A_110] : memref<128x128xf32, #tpu.memory_space<vmem>> -> memref<128x128xf32, #tpu.memory_space<vmem>>
      tpu.wait_dma2 semaphore(%run_scoped3A : memref<!tpu.dma_semaphore, #tpu.memory_space<semaphore_mem>>) src(%dma_wait3A_111 : memref<128x128xf32, #tpu.memory_space<vmem>>) dst(%dma_wait3A_108 : memref<128x128xf32, #tpu.memory_space<vmem_shared>>)
      tpu.yield
    }) : () -> ()
    %add3A_11 = arith.constant 512 : i32
    %add3A_12 = arith.addi %mul3A_2, %add3A_11 : i32
    "tpu.region"() ({
      %run_scoped3A = tpu.sem_alloc : memref<!tpu.dma_semaphore, #tpu.memory_space<semaphore_mem>>
      %dma_start3A_93 = arith.constant 0 : i32
      %dma_start3A_94 = arith.constant 0 : i32
      %dma_start3A_95 = tpu.memref_slice %arg7[%dma_start3A_93, %dma_start3A_94] : memref<128x128xf32, #tpu.memory_space<vmem>> -> memref<120x128xf32, #tpu.memory_space<vmem>>
      %dma_start3A_96 = arith.constant 0 : i32
      %dma_start3A_97 = tpu.memref_slice %arg8[%add3A_12, %dma_start3A_96] : memref<10112x128xf32, #tpu.memory_space<vmem_shared>> -> memref<120x128xf32, #tpu.memory_space<vmem_shared>>
      %dma_start3A_98 = arith.constant 0 : i32
      %dma_start3A_99 = tpu.memref_slice %arg8[%add3A_12, %dma_start3A_98] : memref<10112x128xf32, #tpu.memory_space<vmem_shared>> -> memref<120x128xf32, #tpu.memory_space<vmem_shared>>
      %dma_start3A_100 = arith.constant 0 : i32
      %dma_start3A_101 = arith.constant 0 : i32
      %dma_start3A_102 = tpu.memref_slice %arg7[%dma_start3A_100, %dma_start3A_101] : memref<128x128xf32, #tpu.memory_space<vmem>> -> memref<120x128xf32, #tpu.memory_space<vmem>>
      tpu.enqueue_dma source(%dma_start3A_102 : memref<120x128xf32, #tpu.memory_space<vmem>>) target(%dma_start3A_99 : memref<120x128xf32, #tpu.memory_space<vmem_shared>>) target_semaphore(%run_scoped3A : memref<!tpu.dma_semaphore, #tpu.memory_space<semaphore_mem>>)
      %dma_wait3A = arith.constant 0 : i32
      %dma_wait3A_103 = arith.constant 0 : i32
      %dma_wait3A_104 = tpu.memref_slice %arg7[%dma_wait3A, %dma_wait3A_103] : memref<128x128xf32, #tpu.memory_space<vmem>> -> memref<120x128xf32, #tpu.memory_space<vmem>>
      %dma_wait3A_105 = arith.constant 0 : i32
      %dma_wait3A_106 = tpu.memref_slice %arg8[%add3A_12, %dma_wait3A_105] : memref<10112x128xf32, #tpu.memory_space<vmem_shared>> -> memref<120x128xf32, #tpu.memory_space<vmem_shared>>
      %dma_wait3A_107 = arith.constant 0 : i32
      %dma_wait3A_108 = tpu.memref_slice %arg8[%add3A_12, %dma_wait3A_107] : memref<10112x128xf32, #tpu.memory_space<vmem_shared>> -> memref<120x128xf32, #tpu.memory_space<vmem_shared>>
      %dma_wait3A_109 = arith.constant 0 : i32
      %dma_wait3A_110 = arith.constant 0 : i32
      %dma_wait3A_111 = tpu.memref_slice %arg7[%dma_wait3A_109, %dma_wait3A_110] : memref<128x128xf32, #tpu.memory_space<vmem>> -> memref<120x128xf32, #tpu.memory_space<vmem>>
      tpu.wait_dma2 semaphore(%run_scoped3A : memref<!tpu.dma_semaphore, #tpu.memory_space<semaphore_mem>>) src(%dma_wait3A_111 : memref<120x128xf32, #tpu.memory_space<vmem>>) dst(%dma_wait3A_108 : memref<120x128xf32, #tpu.memory_space<vmem_shared>>)
      tpu.yield
    }) : () -> ()
    "tpu.region"() ({
      %run_scoped3A = tpu.sem_alloc : memref<!tpu.dma_semaphore, #tpu.memory_space<semaphore_mem>>
      tpu.enqueue_dma source(%arg4 : memref<128x128xf32, #tpu.memory_space<hbm>>) target(%arg7 : memref<128x128xf32, #tpu.memory_space<vmem>>) target_semaphore(%run_scoped3A : memref<!tpu.dma_semaphore, #tpu.memory_space<semaphore_mem>>)
      tpu.wait_dma2 semaphore(%run_scoped3A : memref<!tpu.dma_semaphore, #tpu.memory_space<semaphore_mem>>) src(%arg4 : memref<128x128xf32, #tpu.memory_space<hbm>>) dst(%arg7 : memref<128x128xf32, #tpu.memory_space<vmem>>)
      tpu.yield
    }) : () -> ()
    %barrier3A = arith.constant 0 : index
    tpu.barrier barrier_id(%barrier3A)
    %dma_start3A = arith.constant 0 : i32
    %dma_start3A_13 = arith.constant 0 : i32
    %dma_start3A_14 = arith.constant 0 : i32
    %dma_start3A_15 = tpu.memref_slice %arg6[%dma_start3A_13, %dma_start3A_14] : memref<4x128xi32, #tpu.memory_space<vmem>> -> memref<1x128xi32, #tpu.memory_space<vmem>>
    %dma_start3A_16 = tpu.memref_squeeze %dma_start3A_15 : memref<1x128xi32, #tpu.memory_space<vmem>> -> memref<128xi32, #tpu.memory_space<vmem>>
    %dma_start3A_17 = arith.constant 0 : i32
    %dma_start3A_18 = tpu.memref_slice %arg2[%add3A, %dma_start3A, %dma_start3A_17] : memref<32x80x128xi32, #tpu.memory_space<hbm>> -> memref<1x1x128xi32, #tpu.memory_space<hbm>>
    %dma_start3A_19 = tpu.memref_squeeze %dma_start3A_18 : memref<1x1x128xi32, #tpu.memory_space<hbm>> -> memref<128xi32, #tpu.memory_space<hbm>>
    %dma_start3A_20 = arith.constant 0 : i32
    %dma_start3A_21 = tpu.memref_slice %arg6[%dma_start3A_13, %dma_start3A_20] : memref<4x128xi32, #tpu.memory_space<vmem>> -> memref<1x128xi32, #tpu.memory_space<vmem>>
    %dma_start3A_22 = tpu.memref_squeeze %dma_start3A_21 : memref<1x128xi32, #tpu.memory_space<vmem>> -> memref<128xi32, #tpu.memory_space<vmem>>
    %dma_start3A_23 = arith.constant 0 : i32
    %dma_start3A_24 = tpu.memref_slice %arg2[%add3A, %dma_start3A, %dma_start3A_23] : memref<32x80x128xi32, #tpu.memory_space<hbm>> -> memref<1x1x128xi32, #tpu.memory_space<hbm>>
    %dma_start3A_25 = tpu.memref_squeeze %dma_start3A_24 : memref<1x1x128xi32, #tpu.memory_space<hbm>> -> memref<128xi32, #tpu.memory_space<hbm>>
    tpu.enqueue_dma source(%dma_start3A_25 : memref<128xi32, #tpu.memory_space<hbm>>) target(%dma_start3A_22 : memref<128xi32, #tpu.memory_space<vmem>>) target_semaphore(%arg9 : memref<!tpu.dma_semaphore, #tpu.memory_space<semaphore_mem>>)
    %dma_start3A_26 = arith.constant 1 : i32
    %dma_start3A_27 = arith.constant 1 : i32
    %dma_start3A_28 = arith.constant 0 : i32
    %dma_start3A_29 = tpu.memref_slice %arg6[%dma_start3A_27, %dma_start3A_28] : memref<4x128xi32, #tpu.memory_space<vmem>> -> memref<1x128xi32, #tpu.memory_space<vmem>>
    %dma_start3A_30 = tpu.memref_squeeze %dma_start3A_29 : memref<1x128xi32, #tpu.memory_space<vmem>> -> memref<128xi32, #tpu.memory_space<vmem>>
    %dma_start3A_31 = arith.constant 0 : i32
    %dma_start3A_32 = tpu.memref_slice %arg2[%add3A, %dma_start3A_26, %dma_start3A_31] : memref<32x80x128xi32, #tpu.memory_space<hbm>> -> memref<1x1x128xi32, #tpu.memory_space<hbm>>
    %dma_start3A_33 = tpu.memref_squeeze %dma_start3A_32 : memref<1x1x128xi32, #tpu.memory_space<hbm>> -> memref<128xi32, #tpu.memory_space<hbm>>
    %dma_start3A_34 = arith.constant 0 : i32
    %dma_start3A_35 = tpu.memref_slice %arg6[%dma_start3A_27, %dma_start3A_34] : memref<4x128xi32, #tpu.memory_space<vmem>> -> memref<1x128xi32, #tpu.memory_space<vmem>>
    %dma_start3A_36 = tpu.memref_squeeze %dma_start3A_35 : memref<1x128xi32, #tpu.memory_space<vmem>> -> memref<128xi32, #tpu.memory_space<vmem>>
    %dma_start3A_37 = arith.constant 0 : i32
    %dma_start3A_38 = tpu.memref_slice %arg2[%add3A, %dma_start3A_26, %dma_start3A_37] : memref<32x80x128xi32, #tpu.memory_space<hbm>> -> memref<1x1x128xi32, #tpu.memory_space<hbm>>
    %dma_start3A_39 = tpu.memref_squeeze %dma_start3A_38 : memref<1x1x128xi32, #tpu.memory_space<hbm>> -> memref<128xi32, #tpu.memory_space<hbm>>
    tpu.enqueue_dma source(%dma_start3A_39 : memref<128xi32, #tpu.memory_space<hbm>>) target(%dma_start3A_36 : memref<128xi32, #tpu.memory_space<vmem>>) target_semaphore(%arg10 : memref<!tpu.dma_semaphore, #tpu.memory_space<semaphore_mem>>)
    %dma_start3A_40 = arith.constant 2 : i32
    %dma_start3A_41 = arith.constant 2 : i32
    %dma_start3A_42 = arith.constant 0 : i32
    %dma_start3A_43 = tpu.memref_slice %arg6[%dma_start3A_41, %dma_start3A_42] : memref<4x128xi32, #tpu.memory_space<vmem>> -> memref<1x128xi32, #tpu.memory_space<vmem>>
    %dma_start3A_44 = tpu.memref_squeeze %dma_start3A_43 : memref<1x128xi32, #tpu.memory_space<vmem>> -> memref<128xi32, #tpu.memory_space<vmem>>
    %dma_start3A_45 = arith.constant 0 : i32
    %dma_start3A_46 = tpu.memref_slice %arg2[%add3A, %dma_start3A_40, %dma_start3A_45] : memref<32x80x128xi32, #tpu.memory_space<hbm>> -> memref<1x1x128xi32, #tpu.memory_space<hbm>>
    %dma_start3A_47 = tpu.memref_squeeze %dma_start3A_46 : memref<1x1x128xi32, #tpu.memory_space<hbm>> -> memref<128xi32, #tpu.memory_space<hbm>>
    %dma_start3A_48 = arith.constant 0 : i32
    %dma_start3A_49 = tpu.memref_slice %arg6[%dma_start3A_41, %dma_start3A_48] : memref<4x128xi32, #tpu.memory_space<vmem>> -> memref<1x128xi32, #tpu.memory_space<vmem>>
    %dma_start3A_50 = tpu.memref_squeeze %dma_start3A_49 : memref<1x128xi32, #tpu.memory_space<vmem>> -> memref<128xi32, #tpu.memory_space<vmem>>
    %dma_start3A_51 = arith.constant 0 : i32
    %dma_start3A_52 = tpu.memref_slice %arg2[%add3A, %dma_start3A_40, %dma_start3A_51] : memref<32x80x128xi32, #tpu.memory_space<hbm>> -> memref<1x1x128xi32, #tpu.memory_space<hbm>>
    %dma_start3A_53 = tpu.memref_squeeze %dma_start3A_52 : memref<1x1x128xi32, #tpu.memory_space<hbm>> -> memref<128xi32, #tpu.memory_space<hbm>>
    tpu.enqueue_dma source(%dma_start3A_53 : memref<128xi32, #tpu.memory_space<hbm>>) target(%dma_start3A_50 : memref<128xi32, #tpu.memory_space<vmem>>) target_semaphore(%arg11 : memref<!tpu.dma_semaphore, #tpu.memory_space<semaphore_mem>>)
    %dma_start3A_54 = arith.constant 3 : i32
    %dma_start3A_55 = arith.constant 3 : i32
    %dma_start3A_56 = arith.constant 0 : i32
    %dma_start3A_57 = tpu.memref_slice %arg6[%dma_start3A_55, %dma_start3A_56] : memref<4x128xi32, #tpu.memory_space<vmem>> -> memref<1x128xi32, #tpu.memory_space<vmem>>
    %dma_start3A_58 = tpu.memref_squeeze %dma_start3A_57 : memref<1x128xi32, #tpu.memory_space<vmem>> -> memref<128xi32, #tpu.memory_space<vmem>>
    %dma_start3A_59 = arith.constant 0 : i32
    %dma_start3A_60 = tpu.memref_slice %arg2[%add3A, %dma_start3A_54, %dma_start3A_59] : memref<32x80x128xi32, #tpu.memory_space<hbm>> -> memref<1x1x128xi32, #tpu.memory_space<hbm>>
    %dma_start3A_61 = tpu.memref_squeeze %dma_start3A_60 : memref<1x1x128xi32, #tpu.memory_space<hbm>> -> memref<128xi32, #tpu.memory_space<hbm>>
    %dma_start3A_62 = arith.constant 0 : i32
    %dma_start3A_63 = tpu.memref_slice %arg6[%dma_start3A_55, %dma_start3A_62] : memref<4x128xi32, #tpu.memory_space<vmem>> -> memref<1x128xi32, #tpu.memory_space<vmem>>
    %dma_start3A_64 = tpu.memref_squeeze %dma_start3A_63 : memref<1x128xi32, #tpu.memory_space<vmem>> -> memref<128xi32, #tpu.memory_space<vmem>>
    %dma_start3A_65 = arith.constant 0 : i32
    %dma_start3A_66 = tpu.memref_slice %arg2[%add3A, %dma_start3A_54, %dma_start3A_65] : memref<32x80x128xi32, #tpu.memory_space<hbm>> -> memref<1x1x128xi32, #tpu.memory_space<hbm>>
    %dma_start3A_67 = tpu.memref_squeeze %dma_start3A_66 : memref<1x1x128xi32, #tpu.memory_space<hbm>> -> memref<128xi32, #tpu.memory_space<hbm>>
    tpu.enqueue_dma source(%dma_start3A_67 : memref<128xi32, #tpu.memory_space<hbm>>) target(%dma_start3A_64 : memref<128xi32, #tpu.memory_space<vmem>>) target_semaphore(%arg12 : memref<!tpu.dma_semaphore, #tpu.memory_space<semaphore_mem>>)
    %scan3A = arith.constant 0 : i32
    %scan3A_68 = arith.constant 20 : i32
    %scan3A_69 = arith.addi %scan3A, %scan3A_68 : i32
    %scan3A_70 = arith.constant 1 : i32
    scf.for %scan3A_93 = %scan3A to %scan3A_69 step %scan3A_70  : i32 {
      %mul3A_94 = arith.constant 4 : i32
      %mul3A_95 = arith.muli %scan3A_93, %mul3A_94 : i32
      %add3A_96 = arith.constant 0 : i32
      %add3A_97 = arith.addi %mul3A_95, %add3A_96 : i32
      %dma_wait3A = arith.constant 0 : i32
      %dma_wait3A_98 = arith.constant 0 : i32
      %dma_wait3A_99 = tpu.memref_slice %arg6[%dma_wait3A, %dma_wait3A_98] : memref<4x128xi32, #tpu.memory_space<vmem>> -> memref<1x128xi32, #tpu.memory_space<vmem>>
      %dma_wait3A_100 = tpu.memref_squeeze %dma_wait3A_99 : memref<1x128xi32, #tpu.memory_space<vmem>> -> memref<128xi32, #tpu.memory_space<vmem>>
      %dma_wait3A_101 = arith.constant 0 : i32
      %dma_wait3A_102 = tpu.memref_slice %arg2[%add3A, %add3A_97, %dma_wait3A_101] : memref<32x80x128xi32, #tpu.memory_space<hbm>> -> memref<1x1x128xi32, #tpu.memory_space<hbm>>
      %dma_wait3A_103 = tpu.memref_squeeze %dma_wait3A_102 : memref<1x1x128xi32, #tpu.memory_space<hbm>> -> memref<128xi32, #tpu.memory_space<hbm>>
      %dma_wait3A_104 = arith.constant 0 : i32
      %dma_wait3A_105 = tpu.memref_slice %arg6[%dma_wait3A, %dma_wait3A_104] : memref<4x128xi32, #tpu.memory_space<vmem>> -> memref<1x128xi32, #tpu.memory_space<vmem>>
      %dma_wait3A_106 = tpu.memref_squeeze %dma_wait3A_105 : memref<1x128xi32, #tpu.memory_space<vmem>> -> memref<128xi32, #tpu.memory_space<vmem>>
      %dma_wait3A_107 = arith.constant 0 : i32
      %dma_wait3A_108 = tpu.memref_slice %arg2[%add3A, %add3A_97, %dma_wait3A_107] : memref<32x80x128xi32, #tpu.memory_space<hbm>> -> memref<1x1x128xi32, #tpu.memory_space<hbm>>
      %dma_wait3A_109 = tpu.memref_squeeze %dma_wait3A_108 : memref<1x1x128xi32, #tpu.memory_space<hbm>> -> memref<128xi32, #tpu.memory_space<hbm>>
      tpu.wait_dma2 semaphore(%arg9 : memref<!tpu.dma_semaphore, #tpu.memory_space<semaphore_mem>>) src(%dma_wait3A_109 : memref<128xi32, #tpu.memory_space<hbm>>) dst(%dma_wait3A_106 : memref<128xi32, #tpu.memory_space<vmem>>)
      %run_scoped3A = arith.constant 0 : i32
      "tpu.region"() ({
        %run_scoped3A_183 = tpu.sem_alloc : memref<!tpu.dma_semaphore, #tpu.memory_space<semaphore_mem>>
        %dma_start3A_184 = arith.constant 0 : i32
        %dma_start3A_185 = tpu.memref_slice %arg6[%run_scoped3A, %dma_start3A_184] : memref<4x128xi32, #tpu.memory_space<vmem>> -> memref<1x128xi32, #tpu.memory_space<vmem>>
        %dma_start3A_186 = tpu.memref_squeeze %dma_start3A_185 : memref<1x128xi32, #tpu.memory_space<vmem>> -> memref<128xi32, #tpu.memory_space<vmem>>
        %dma_start3A_187 = arith.constant 0 : i32
        %dma_start3A_188 = arith.constant 0 : i32
        %dma_start3A_189 = tpu.memref_slice %arg8[%dma_start3A_187, %dma_start3A_188] : memref<10112x128xf32, #tpu.memory_space<vmem_shared>> -> memref<10112x128xf32, #tpu.memory_space<vmem_shared>>
        tpu.enqueue_indirect_dma source(%arg7 : memref<128x128xf32, #tpu.memory_space<vmem>>) target(%dma_start3A_189 : memref<10112x128xf32, #tpu.memory_space<vmem_shared>>) offsets(%dma_start3A_186 : memref<128xi32, #tpu.memory_space<vmem>>) semaphore(%run_scoped3A_183 : memref<!tpu.dma_semaphore, #tpu.memory_space<semaphore_mem>>) {add = true}
        %dma_wait3A_190 = arith.constant 0 : i32
        %dma_wait3A_191 = tpu.memref_slice %arg6[%run_scoped3A, %dma_wait3A_190] : memref<4x128xi32, #tpu.memory_space<vmem>> -> memref<1x128xi32, #tpu.memory_space<vmem>>
        %dma_wait3A_192 = tpu.memref_squeeze %dma_wait3A_191 : memref<1x128xi32, #tpu.memory_space<vmem>> -> memref<128xi32, #tpu.memory_space<vmem>>
        %dma_wait3A_193 = arith.constant 0 : i32
        %dma_wait3A_194 = arith.constant 0 : i32
        %dma_wait3A_195 = tpu.memref_slice %arg8[%dma_wait3A_193, %dma_wait3A_194] : memref<10112x128xf32, #tpu.memory_space<vmem_shared>> -> memref<10112x128xf32, #tpu.memory_space<vmem_shared>>
        tpu.wait_indirect_dma semaphore(%run_scoped3A_183 : memref<!tpu.dma_semaphore, #tpu.memory_space<semaphore_mem>>) src(%arg7 : memref<128x128xf32, #tpu.memory_space<vmem>>) dst(%dma_wait3A_195 : memref<10112x128xf32, #tpu.memory_space<vmem_shared>>)
        tpu.yield
      }) : () -> ()
      %add3A_110 = arith.constant 4 : i32
      %add3A_111 = arith.addi %add3A_97, %add3A_110 : i32
      %lt3A = arith.constant 80 : i32
      %lt3A_112 = arith.cmpi slt, %add3A_111, %lt3A : i32
      %convert_element_type3A = arith.extui %lt3A_112 : i1 to i32
      %cond3A = arith.constant 0 : i32
      %cond3A_113 = arith.cmpi ne, %convert_element_type3A, %cond3A : i32
      scf.if %cond3A_113 {
        %add3A_183 = arith.constant 4 : i32
        %add3A_184 = arith.addi %add3A_97, %add3A_183 : i32
        %dma_start3A_185 = arith.constant 0 : i32
        %dma_start3A_186 = arith.constant 0 : i32
        %dma_start3A_187 = tpu.memref_slice %arg6[%dma_start3A_185, %dma_start3A_186] : memref<4x128xi32, #tpu.memory_space<vmem>> -> memref<1x128xi32, #tpu.memory_space<vmem>>
        %dma_start3A_188 = tpu.memref_squeeze %dma_start3A_187 : memref<1x128xi32, #tpu.memory_space<vmem>> -> memref<128xi32, #tpu.memory_space<vmem>>
        %dma_start3A_189 = arith.constant 0 : i32
        %dma_start3A_190 = tpu.memref_slice %arg2[%add3A, %add3A_184, %dma_start3A_189] : memref<32x80x128xi32, #tpu.memory_space<hbm>> -> memref<1x1x128xi32, #tpu.memory_space<hbm>>
        %dma_start3A_191 = tpu.memref_squeeze %dma_start3A_190 : memref<1x1x128xi32, #tpu.memory_space<hbm>> -> memref<128xi32, #tpu.memory_space<hbm>>
        %dma_start3A_192 = arith.constant 0 : i32
        %dma_start3A_193 = tpu.memref_slice %arg6[%dma_start3A_185, %dma_start3A_192] : memref<4x128xi32, #tpu.memory_space<vmem>> -> memref<1x128xi32, #tpu.memory_space<vmem>>
        %dma_start3A_194 = tpu.memref_squeeze %dma_start3A_193 : memref<1x128xi32, #tpu.memory_space<vmem>> -> memref<128xi32, #tpu.memory_space<vmem>>
        %dma_start3A_195 = arith.constant 0 : i32
        %dma_start3A_196 = tpu.memref_slice %arg2[%add3A, %add3A_184, %dma_start3A_195] : memref<32x80x128xi32, #tpu.memory_space<hbm>> -> memref<1x1x128xi32, #tpu.memory_space<hbm>>
        %dma_start3A_197 = tpu.memref_squeeze %dma_start3A_196 : memref<1x1x128xi32, #tpu.memory_space<hbm>> -> memref<128xi32, #tpu.memory_space<hbm>>
        tpu.enqueue_dma source(%dma_start3A_197 : memref<128xi32, #tpu.memory_space<hbm>>) target(%dma_start3A_194 : memref<128xi32, #tpu.memory_space<vmem>>) target_semaphore(%arg9 : memref<!tpu.dma_semaphore, #tpu.memory_space<semaphore_mem>>)
      } else {
      }
      %add3A_114 = arith.constant 1 : i32
      %add3A_115 = arith.addi %mul3A_95, %add3A_114 : i32
      %dma_wait3A_116 = arith.constant 1 : i32
      %dma_wait3A_117 = arith.constant 0 : i32
      %dma_wait3A_118 = tpu.memref_slice %arg6[%dma_wait3A_116, %dma_wait3A_117] : memref<4x128xi32, #tpu.memory_space<vmem>> -> memref<1x128xi32, #tpu.memory_space<vmem>>
      %dma_wait3A_119 = tpu.memref_squeeze %dma_wait3A_118 : memref<1x128xi32, #tpu.memory_space<vmem>> -> memref<128xi32, #tpu.memory_space<vmem>>
      %dma_wait3A_120 = arith.constant 0 : i32
      %dma_wait3A_121 = tpu.memref_slice %arg2[%add3A, %add3A_115, %dma_wait3A_120] : memref<32x80x128xi32, #tpu.memory_space<hbm>> -> memref<1x1x128xi32, #tpu.memory_space<hbm>>
      %dma_wait3A_122 = tpu.memref_squeeze %dma_wait3A_121 : memref<1x1x128xi32, #tpu.memory_space<hbm>> -> memref<128xi32, #tpu.memory_space<hbm>>
      %dma_wait3A_123 = arith.constant 0 : i32
      %dma_wait3A_124 = tpu.memref_slice %arg6[%dma_wait3A_116, %dma_wait3A_123] : memref<4x128xi32, #tpu.memory_space<vmem>> -> memref<1x128xi32, #tpu.memory_space<vmem>>
      %dma_wait3A_125 = tpu.memref_squeeze %dma_wait3A_124 : memref<1x128xi32, #tpu.memory_space<vmem>> -> memref<128xi32, #tpu.memory_space<vmem>>
      %dma_wait3A_126 = arith.constant 0 : i32
      %dma_wait3A_127 = tpu.memref_slice %arg2[%add3A, %add3A_115, %dma_wait3A_126] : memref<32x80x128xi32, #tpu.memory_space<hbm>> -> memref<1x1x128xi32, #tpu.memory_space<hbm>>
      %dma_wait3A_128 = tpu.memref_squeeze %dma_wait3A_127 : memref<1x1x128xi32, #tpu.memory_space<hbm>> -> memref<128xi32, #tpu.memory_space<hbm>>
      tpu.wait_dma2 semaphore(%arg10 : memref<!tpu.dma_semaphore, #tpu.memory_space<semaphore_mem>>) src(%dma_wait3A_128 : memref<128xi32, #tpu.memory_space<hbm>>) dst(%dma_wait3A_125 : memref<128xi32, #tpu.memory_space<vmem>>)
      %run_scoped3A_129 = arith.constant 1 : i32
      "tpu.region"() ({
        %run_scoped3A_183 = tpu.sem_alloc : memref<!tpu.dma_semaphore, #tpu.memory_space<semaphore_mem>>
        %dma_start3A_184 = arith.constant 0 : i32
        %dma_start3A_185 = tpu.memref_slice %arg6[%run_scoped3A_129, %dma_start3A_184] : memref<4x128xi32, #tpu.memory_space<vmem>> -> memref<1x128xi32, #tpu.memory_space<vmem>>
        %dma_start3A_186 = tpu.memref_squeeze %dma_start3A_185 : memref<1x128xi32, #tpu.memory_space<vmem>> -> memref<128xi32, #tpu.memory_space<vmem>>
        %dma_start3A_187 = arith.constant 0 : i32
        %dma_start3A_188 = arith.constant 0 : i32
        %dma_start3A_189 = tpu.memref_slice %arg8[%dma_start3A_187, %dma_start3A_188] : memref<10112x128xf32, #tpu.memory_space<vmem_shared>> -> memref<10112x128xf32, #tpu.memory_space<vmem_shared>>
        tpu.enqueue_indirect_dma source(%arg7 : memref<128x128xf32, #tpu.memory_space<vmem>>) target(%dma_start3A_189 : memref<10112x128xf32, #tpu.memory_space<vmem_shared>>) offsets(%dma_start3A_186 : memref<128xi32, #tpu.memory_space<vmem>>) semaphore(%run_scoped3A_183 : memref<!tpu.dma_semaphore, #tpu.memory_space<semaphore_mem>>) {add = true}
        %dma_wait3A_190 = arith.constant 0 : i32
        %dma_wait3A_191 = tpu.memref_slice %arg6[%run_scoped3A_129, %dma_wait3A_190] : memref<4x128xi32, #tpu.memory_space<vmem>> -> memref<1x128xi32, #tpu.memory_space<vmem>>
        %dma_wait3A_192 = tpu.memref_squeeze %dma_wait3A_191 : memref<1x128xi32, #tpu.memory_space<vmem>> -> memref<128xi32, #tpu.memory_space<vmem>>
        %dma_wait3A_193 = arith.constant 0 : i32
        %dma_wait3A_194 = arith.constant 0 : i32
        %dma_wait3A_195 = tpu.memref_slice %arg8[%dma_wait3A_193, %dma_wait3A_194] : memref<10112x128xf32, #tpu.memory_space<vmem_shared>> -> memref<10112x128xf32, #tpu.memory_space<vmem_shared>>
        tpu.wait_indirect_dma semaphore(%run_scoped3A_183 : memref<!tpu.dma_semaphore, #tpu.memory_space<semaphore_mem>>) src(%arg7 : memref<128x128xf32, #tpu.memory_space<vmem>>) dst(%dma_wait3A_195 : memref<10112x128xf32, #tpu.memory_space<vmem_shared>>)
        tpu.yield
      }) : () -> ()
      %add3A_130 = arith.constant 4 : i32
      %add3A_131 = arith.addi %add3A_115, %add3A_130 : i32
      %lt3A_132 = arith.constant 80 : i32
      %lt3A_133 = arith.cmpi slt, %add3A_131, %lt3A_132 : i32
      %convert_element_type3A_134 = arith.extui %lt3A_133 : i1 to i32
      %cond3A_135 = arith.constant 0 : i32
      %cond3A_136 = arith.cmpi ne, %convert_element_type3A_134, %cond3A_135 : i32
      scf.if %cond3A_136 {
        %add3A_183 = arith.constant 4 : i32
        %add3A_184 = arith.addi %add3A_115, %add3A_183 : i32
        %dma_start3A_185 = arith.constant 1 : i32
        %dma_start3A_186 = arith.constant 0 : i32
        %dma_start3A_187 = tpu.memref_slice %arg6[%dma_start3A_185, %dma_start3A_186] : memref<4x128xi32, #tpu.memory_space<vmem>> -> memref<1x128xi32, #tpu.memory_space<vmem>>
        %dma_start3A_188 = tpu.memref_squeeze %dma_start3A_187 : memref<1x128xi32, #tpu.memory_space<vmem>> -> memref<128xi32, #tpu.memory_space<vmem>>
        %dma_start3A_189 = arith.constant 0 : i32
        %dma_start3A_190 = tpu.memref_slice %arg2[%add3A, %add3A_184, %dma_start3A_189] : memref<32x80x128xi32, #tpu.memory_space<hbm>> -> memref<1x1x128xi32, #tpu.memory_space<hbm>>
        %dma_start3A_191 = tpu.memref_squeeze %dma_start3A_190 : memref<1x1x128xi32, #tpu.memory_space<hbm>> -> memref<128xi32, #tpu.memory_space<hbm>>
        %dma_start3A_192 = arith.constant 0 : i32
        %dma_start3A_193 = tpu.memref_slice %arg6[%dma_start3A_185, %dma_start3A_192] : memref<4x128xi32, #tpu.memory_space<vmem>> -> memref<1x128xi32, #tpu.memory_space<vmem>>
        %dma_start3A_194 = tpu.memref_squeeze %dma_start3A_193 : memref<1x128xi32, #tpu.memory_space<vmem>> -> memref<128xi32, #tpu.memory_space<vmem>>
        %dma_start3A_195 = arith.constant 0 : i32
        %dma_start3A_196 = tpu.memref_slice %arg2[%add3A, %add3A_184, %dma_start3A_195] : memref<32x80x128xi32, #tpu.memory_space<hbm>> -> memref<1x1x128xi32, #tpu.memory_space<hbm>>
        %dma_start3A_197 = tpu.memref_squeeze %dma_start3A_196 : memref<1x1x128xi32, #tpu.memory_space<hbm>> -> memref<128xi32, #tpu.memory_space<hbm>>
        tpu.enqueue_dma source(%dma_start3A_197 : memref<128xi32, #tpu.memory_space<hbm>>) target(%dma_start3A_194 : memref<128xi32, #tpu.memory_space<vmem>>) target_semaphore(%arg10 : memref<!tpu.dma_semaphore, #tpu.memory_space<semaphore_mem>>)
      } else {
      }
      %add3A_137 = arith.constant 2 : i32
      %add3A_138 = arith.addi %mul3A_95, %add3A_137 : i32
      %dma_wait3A_139 = arith.constant 2 : i32
      %dma_wait3A_140 = arith.constant 0 : i32
      %dma_wait3A_141 = tpu.memref_slice %arg6[%dma_wait3A_139, %dma_wait3A_140] : memref<4x128xi32, #tpu.memory_space<vmem>> -> memref<1x128xi32, #tpu.memory_space<vmem>>
      %dma_wait3A_142 = tpu.memref_squeeze %dma_wait3A_141 : memref<1x128xi32, #tpu.memory_space<vmem>> -> memref<128xi32, #tpu.memory_space<vmem>>
      %dma_wait3A_143 = arith.constant 0 : i32
      %dma_wait3A_144 = tpu.memref_slice %arg2[%add3A, %add3A_138, %dma_wait3A_143] : memref<32x80x128xi32, #tpu.memory_space<hbm>> -> memref<1x1x128xi32, #tpu.memory_space<hbm>>
      %dma_wait3A_145 = tpu.memref_squeeze %dma_wait3A_144 : memref<1x1x128xi32, #tpu.memory_space<hbm>> -> memref<128xi32, #tpu.memory_space<hbm>>
      %dma_wait3A_146 = arith.constant 0 : i32
      %dma_wait3A_147 = tpu.memref_slice %arg6[%dma_wait3A_139, %dma_wait3A_146] : memref<4x128xi32, #tpu.memory_space<vmem>> -> memref<1x128xi32, #tpu.memory_space<vmem>>
      %dma_wait3A_148 = tpu.memref_squeeze %dma_wait3A_147 : memref<1x128xi32, #tpu.memory_space<vmem>> -> memref<128xi32, #tpu.memory_space<vmem>>
      %dma_wait3A_149 = arith.constant 0 : i32
      %dma_wait3A_150 = tpu.memref_slice %arg2[%add3A, %add3A_138, %dma_wait3A_149] : memref<32x80x128xi32, #tpu.memory_space<hbm>> -> memref<1x1x128xi32, #tpu.memory_space<hbm>>
      %dma_wait3A_151 = tpu.memref_squeeze %dma_wait3A_150 : memref<1x1x128xi32, #tpu.memory_space<hbm>> -> memref<128xi32, #tpu.memory_space<hbm>>
      tpu.wait_dma2 semaphore(%arg11 : memref<!tpu.dma_semaphore, #tpu.memory_space<semaphore_mem>>) src(%dma_wait3A_151 : memref<128xi32, #tpu.memory_space<hbm>>) dst(%dma_wait3A_148 : memref<128xi32, #tpu.memory_space<vmem>>)
      %run_scoped3A_152 = arith.constant 2 : i32
      "tpu.region"() ({
        %run_scoped3A_183 = tpu.sem_alloc : memref<!tpu.dma_semaphore, #tpu.memory_space<semaphore_mem>>
        %dma_start3A_184 = arith.constant 0 : i32
        %dma_start3A_185 = tpu.memref_slice %arg6[%run_scoped3A_152, %dma_start3A_184] : memref<4x128xi32, #tpu.memory_space<vmem>> -> memref<1x128xi32, #tpu.memory_space<vmem>>
        %dma_start3A_186 = tpu.memref_squeeze %dma_start3A_185 : memref<1x128xi32, #tpu.memory_space<vmem>> -> memref<128xi32, #tpu.memory_space<vmem>>
        %dma_start3A_187 = arith.constant 0 : i32
        %dma_start3A_188 = arith.constant 0 : i32
        %dma_start3A_189 = tpu.memref_slice %arg8[%dma_start3A_187, %dma_start3A_188] : memref<10112x128xf32, #tpu.memory_space<vmem_shared>> -> memref<10112x128xf32, #tpu.memory_space<vmem_shared>>
        tpu.enqueue_indirect_dma source(%arg7 : memref<128x128xf32, #tpu.memory_space<vmem>>) target(%dma_start3A_189 : memref<10112x128xf32, #tpu.memory_space<vmem_shared>>) offsets(%dma_start3A_186 : memref<128xi32, #tpu.memory_space<vmem>>) semaphore(%run_scoped3A_183 : memref<!tpu.dma_semaphore, #tpu.memory_space<semaphore_mem>>) {add = true}
        %dma_wait3A_190 = arith.constant 0 : i32
        %dma_wait3A_191 = tpu.memref_slice %arg6[%run_scoped3A_152, %dma_wait3A_190] : memref<4x128xi32, #tpu.memory_space<vmem>> -> memref<1x128xi32, #tpu.memory_space<vmem>>
        %dma_wait3A_192 = tpu.memref_squeeze %dma_wait3A_191 : memref<1x128xi32, #tpu.memory_space<vmem>> -> memref<128xi32, #tpu.memory_space<vmem>>
        %dma_wait3A_193 = arith.constant 0 : i32
        %dma_wait3A_194 = arith.constant 0 : i32
        %dma_wait3A_195 = tpu.memref_slice %arg8[%dma_wait3A_193, %dma_wait3A_194] : memref<10112x128xf32, #tpu.memory_space<vmem_shared>> -> memref<10112x128xf32, #tpu.memory_space<vmem_shared>>
        tpu.wait_indirect_dma semaphore(%run_scoped3A_183 : memref<!tpu.dma_semaphore, #tpu.memory_space<semaphore_mem>>) src(%arg7 : memref<128x128xf32, #tpu.memory_space<vmem>>) dst(%dma_wait3A_195 : memref<10112x128xf32, #tpu.memory_space<vmem_shared>>)
        tpu.yield
      }) : () -> ()
      %add3A_153 = arith.constant 4 : i32
      %add3A_154 = arith.addi %add3A_138, %add3A_153 : i32
      %lt3A_155 = arith.constant 80 : i32
      %lt3A_156 = arith.cmpi slt, %add3A_154, %lt3A_155 : i32
      %convert_element_type3A_157 = arith.extui %lt3A_156 : i1 to i32
      %cond3A_158 = arith.constant 0 : i32
      %cond3A_159 = arith.cmpi ne, %convert_element_type3A_157, %cond3A_158 : i32
      scf.if %cond3A_159 {
        %add3A_183 = arith.constant 4 : i32
        %add3A_184 = arith.addi %add3A_138, %add3A_183 : i32
        %dma_start3A_185 = arith.constant 2 : i32
        %dma_start3A_186 = arith.constant 0 : i32
        %dma_start3A_187 = tpu.memref_slice %arg6[%dma_start3A_185, %dma_start3A_186] : memref<4x128xi32, #tpu.memory_space<vmem>> -> memref<1x128xi32, #tpu.memory_space<vmem>>
        %dma_start3A_188 = tpu.memref_squeeze %dma_start3A_187 : memref<1x128xi32, #tpu.memory_space<vmem>> -> memref<128xi32, #tpu.memory_space<vmem>>
        %dma_start3A_189 = arith.constant 0 : i32
        %dma_start3A_190 = tpu.memref_slice %arg2[%add3A, %add3A_184, %dma_start3A_189] : memref<32x80x128xi32, #tpu.memory_space<hbm>> -> memref<1x1x128xi32, #tpu.memory_space<hbm>>
        %dma_start3A_191 = tpu.memref_squeeze %dma_start3A_190 : memref<1x1x128xi32, #tpu.memory_space<hbm>> -> memref<128xi32, #tpu.memory_space<hbm>>
        %dma_start3A_192 = arith.constant 0 : i32
        %dma_start3A_193 = tpu.memref_slice %arg6[%dma_start3A_185, %dma_start3A_192] : memref<4x128xi32, #tpu.memory_space<vmem>> -> memref<1x128xi32, #tpu.memory_space<vmem>>
        %dma_start3A_194 = tpu.memref_squeeze %dma_start3A_193 : memref<1x128xi32, #tpu.memory_space<vmem>> -> memref<128xi32, #tpu.memory_space<vmem>>
        %dma_start3A_195 = arith.constant 0 : i32
        %dma_start3A_196 = tpu.memref_slice %arg2[%add3A, %add3A_184, %dma_start3A_195] : memref<32x80x128xi32, #tpu.memory_space<hbm>> -> memref<1x1x128xi32, #tpu.memory_space<hbm>>
        %dma_start3A_197 = tpu.memref_squeeze %dma_start3A_196 : memref<1x1x128xi32, #tpu.memory_space<hbm>> -> memref<128xi32, #tpu.memory_space<hbm>>
        tpu.enqueue_dma source(%dma_start3A_197 : memref<128xi32, #tpu.memory_space<hbm>>) target(%dma_start3A_194 : memref<128xi32, #tpu.memory_space<vmem>>) target_semaphore(%arg11 : memref<!tpu.dma_semaphore, #tpu.memory_space<semaphore_mem>>)
      } else {
      }
      %add3A_160 = arith.constant 3 : i32
      %add3A_161 = arith.addi %mul3A_95, %add3A_160 : i32
      %dma_wait3A_162 = arith.constant 3 : i32
      %dma_wait3A_163 = arith.constant 0 : i32
      %dma_wait3A_164 = tpu.memref_slice %arg6[%dma_wait3A_162, %dma_wait3A_163] : memref<4x128xi32, #tpu.memory_space<vmem>> -> memref<1x128xi32, #tpu.memory_space<vmem>>
      %dma_wait3A_165 = tpu.memref_squeeze %dma_wait3A_164 : memref<1x128xi32, #tpu.memory_space<vmem>> -> memref<128xi32, #tpu.memory_space<vmem>>
      %dma_wait3A_166 = arith.constant 0 : i32
      %dma_wait3A_167 = tpu.memref_slice %arg2[%add3A, %add3A_161, %dma_wait3A_166] : memref<32x80x128xi32, #tpu.memory_space<hbm>> -> memref<1x1x128xi32, #tpu.memory_space<hbm>>
      %dma_wait3A_168 = tpu.memref_squeeze %dma_wait3A_167 : memref<1x1x128xi32, #tpu.memory_space<hbm>> -> memref<128xi32, #tpu.memory_space<hbm>>
      %dma_wait3A_169 = arith.constant 0 : i32
      %dma_wait3A_170 = tpu.memref_slice %arg6[%dma_wait3A_162, %dma_wait3A_169] : memref<4x128xi32, #tpu.memory_space<vmem>> -> memref<1x128xi32, #tpu.memory_space<vmem>>
      %dma_wait3A_171 = tpu.memref_squeeze %dma_wait3A_170 : memref<1x128xi32, #tpu.memory_space<vmem>> -> memref<128xi32, #tpu.memory_space<vmem>>
      %dma_wait3A_172 = arith.constant 0 : i32
      %dma_wait3A_173 = tpu.memref_slice %arg2[%add3A, %add3A_161, %dma_wait3A_172] : memref<32x80x128xi32, #tpu.memory_space<hbm>> -> memref<1x1x128xi32, #tpu.memory_space<hbm>>
      %dma_wait3A_174 = tpu.memref_squeeze %dma_wait3A_173 : memref<1x1x128xi32, #tpu.memory_space<hbm>> -> memref<128xi32, #tpu.memory_space<hbm>>
      tpu.wait_dma2 semaphore(%arg12 : memref<!tpu.dma_semaphore, #tpu.memory_space<semaphore_mem>>) src(%dma_wait3A_174 : memref<128xi32, #tpu.memory_space<hbm>>) dst(%dma_wait3A_171 : memref<128xi32, #tpu.memory_space<vmem>>)
      %run_scoped3A_175 = arith.constant 3 : i32
      "tpu.region"() ({
        %run_scoped3A_183 = tpu.sem_alloc : memref<!tpu.dma_semaphore, #tpu.memory_space<semaphore_mem>>
        %dma_start3A_184 = arith.constant 0 : i32
        %dma_start3A_185 = tpu.memref_slice %arg6[%run_scoped3A_175, %dma_start3A_184] : memref<4x128xi32, #tpu.memory_space<vmem>> -> memref<1x128xi32, #tpu.memory_space<vmem>>
        %dma_start3A_186 = tpu.memref_squeeze %dma_start3A_185 : memref<1x128xi32, #tpu.memory_space<vmem>> -> memref<128xi32, #tpu.memory_space<vmem>>
        %dma_start3A_187 = arith.constant 0 : i32
        %dma_start3A_188 = arith.constant 0 : i32
        %dma_start3A_189 = tpu.memref_slice %arg8[%dma_start3A_187, %dma_start3A_188] : memref<10112x128xf32, #tpu.memory_space<vmem_shared>> -> memref<10112x128xf32, #tpu.memory_space<vmem_shared>>
        tpu.enqueue_indirect_dma source(%arg7 : memref<128x128xf32, #tpu.memory_space<vmem>>) target(%dma_start3A_189 : memref<10112x128xf32, #tpu.memory_space<vmem_shared>>) offsets(%dma_start3A_186 : memref<128xi32, #tpu.memory_space<vmem>>) semaphore(%run_scoped3A_183 : memref<!tpu.dma_semaphore, #tpu.memory_space<semaphore_mem>>) {add = true}
        %dma_wait3A_190 = arith.constant 0 : i32
        %dma_wait3A_191 = tpu.memref_slice %arg6[%run_scoped3A_175, %dma_wait3A_190] : memref<4x128xi32, #tpu.memory_space<vmem>> -> memref<1x128xi32, #tpu.memory_space<vmem>>
        %dma_wait3A_192 = tpu.memref_squeeze %dma_wait3A_191 : memref<1x128xi32, #tpu.memory_space<vmem>> -> memref<128xi32, #tpu.memory_space<vmem>>
        %dma_wait3A_193 = arith.constant 0 : i32
        %dma_wait3A_194 = arith.constant 0 : i32
        %dma_wait3A_195 = tpu.memref_slice %arg8[%dma_wait3A_193, %dma_wait3A_194] : memref<10112x128xf32, #tpu.memory_space<vmem_shared>> -> memref<10112x128xf32, #tpu.memory_space<vmem_shared>>
        tpu.wait_indirect_dma semaphore(%run_scoped3A_183 : memref<!tpu.dma_semaphore, #tpu.memory_space<semaphore_mem>>) src(%arg7 : memref<128x128xf32, #tpu.memory_space<vmem>>) dst(%dma_wait3A_195 : memref<10112x128xf32, #tpu.memory_space<vmem_shared>>)
        tpu.yield
      }) : () -> ()
      %add3A_176 = arith.constant 4 : i32
      %add3A_177 = arith.addi %add3A_161, %add3A_176 : i32
      %lt3A_178 = arith.constant 80 : i32
      %lt3A_179 = arith.cmpi slt, %add3A_177, %lt3A_178 : i32
      %convert_element_type3A_180 = arith.extui %lt3A_179 : i1 to i32
      %cond3A_181 = arith.constant 0 : i32
      %cond3A_182 = arith.cmpi ne, %convert_element_type3A_180, %cond3A_181 : i32
      scf.if %cond3A_182 {
        %add3A_183 = arith.constant 4 : i32
        %add3A_184 = arith.addi %add3A_161, %add3A_183 : i32
        %dma_start3A_185 = arith.constant 3 : i32
        %dma_start3A_186 = arith.constant 0 : i32
        %dma_start3A_187 = tpu.memref_slice %arg6[%dma_start3A_185, %dma_start3A_186] : memref<4x128xi32, #tpu.memory_space<vmem>> -> memref<1x128xi32, #tpu.memory_space<vmem>>
        %dma_start3A_188 = tpu.memref_squeeze %dma_start3A_187 : memref<1x128xi32, #tpu.memory_space<vmem>> -> memref<128xi32, #tpu.memory_space<vmem>>
        %dma_start3A_189 = arith.constant 0 : i32
        %dma_start3A_190 = tpu.memref_slice %arg2[%add3A, %add3A_184, %dma_start3A_189] : memref<32x80x128xi32, #tpu.memory_space<hbm>> -> memref<1x1x128xi32, #tpu.memory_space<hbm>>
        %dma_start3A_191 = tpu.memref_squeeze %dma_start3A_190 : memref<1x1x128xi32, #tpu.memory_space<hbm>> -> memref<128xi32, #tpu.memory_space<hbm>>
        %dma_start3A_192 = arith.constant 0 : i32
        %dma_start3A_193 = tpu.memref_slice %arg6[%dma_start3A_185, %dma_start3A_192] : memref<4x128xi32, #tpu.memory_space<vmem>> -> memref<1x128xi32, #tpu.memory_space<vmem>>
        %dma_start3A_194 = tpu.memref_squeeze %dma_start3A_193 : memref<1x128xi32, #tpu.memory_space<vmem>> -> memref<128xi32, #tpu.memory_space<vmem>>
        %dma_start3A_195 = arith.constant 0 : i32
        %dma_start3A_196 = tpu.memref_slice %arg2[%add3A, %add3A_184, %dma_start3A_195] : memref<32x80x128xi32, #tpu.memory_space<hbm>> -> memref<1x1x128xi32, #tpu.memory_space<hbm>>
        %dma_start3A_197 = tpu.memref_squeeze %dma_start3A_196 : memref<1x1x128xi32, #tpu.memory_space<hbm>> -> memref<128xi32, #tpu.memory_space<hbm>>
        tpu.enqueue_dma source(%dma_start3A_197 : memref<128xi32, #tpu.memory_space<hbm>>) target(%dma_start3A_194 : memref<128xi32, #tpu.memory_space<vmem>>) target_semaphore(%arg12 : memref<!tpu.dma_semaphore, #tpu.memory_space<semaphore_mem>>)
      } else {
      }
    }
    %scan3A_71 = arith.constant 20 : i32
    %barrier3A_72 = arith.constant 0 : index
    tpu.barrier barrier_id(%barrier3A_72)
    %add3A_73 = arith.constant 0 : i32
    %add3A_74 = arith.addi %mul3A_2, %add3A_73 : i32
    "tpu.region"() ({
      %run_scoped3A = tpu.sem_alloc : memref<!tpu.dma_semaphore, #tpu.memory_space<semaphore_mem>>
      %dma_start3A_93 = arith.constant 0 : i32
      %dma_start3A_94 = arith.constant 0 : i32
      %dma_start3A_95 = tpu.memref_slice %arg7[%dma_start3A_93, %dma_start3A_94] : memref<128x128xf32, #tpu.memory_space<vmem>> -> memref<128x128xf32, #tpu.memory_space<vmem>>
      %dma_start3A_96 = arith.constant 0 : i32
      %dma_start3A_97 = tpu.memref_slice %arg8[%add3A_74, %dma_start3A_96] : memref<10112x128xf32, #tpu.memory_space<vmem_shared>> -> memref<128x128xf32, #tpu.memory_space<vmem_shared>>
      %dma_start3A_98 = arith.constant 0 : i32
      %dma_start3A_99 = arith.constant 0 : i32
      %dma_start3A_100 = tpu.memref_slice %arg7[%dma_start3A_98, %dma_start3A_99] : memref<128x128xf32, #tpu.memory_space<vmem>> -> memref<128x128xf32, #tpu.memory_space<vmem>>
      %dma_start3A_101 = arith.constant 0 : i32
      %dma_start3A_102 = tpu.memref_slice %arg8[%add3A_74, %dma_start3A_101] : memref<10112x128xf32, #tpu.memory_space<vmem_shared>> -> memref<128x128xf32, #tpu.memory_space<vmem_shared>>
      tpu.enqueue_dma source(%dma_start3A_102 : memref<128x128xf32, #tpu.memory_space<vmem_shared>>) target(%dma_start3A_100 : memref<128x128xf32, #tpu.memory_space<vmem>>) target_semaphore(%run_scoped3A : memref<!tpu.dma_semaphore, #tpu.memory_space<semaphore_mem>>)
      %dma_wait3A = arith.constant 0 : i32
      %dma_wait3A_103 = arith.constant 0 : i32
      %dma_wait3A_104 = tpu.memref_slice %arg7[%dma_wait3A, %dma_wait3A_103] : memref<128x128xf32, #tpu.memory_space<vmem>> -> memref<128x128xf32, #tpu.memory_space<vmem>>
      %dma_wait3A_105 = arith.constant 0 : i32
      %dma_wait3A_106 = tpu.memref_slice %arg8[%add3A_74, %dma_wait3A_105] : memref<10112x128xf32, #tpu.memory_space<vmem_shared>> -> memref<128x128xf32, #tpu.memory_space<vmem_shared>>
      %dma_wait3A_107 = arith.constant 0 : i32
      %dma_wait3A_108 = arith.constant 0 : i32
      %dma_wait3A_109 = tpu.memref_slice %arg7[%dma_wait3A_107, %dma_wait3A_108] : memref<128x128xf32, #tpu.memory_space<vmem>> -> memref<128x128xf32, #tpu.memory_space<vmem>>
      %dma_wait3A_110 = arith.constant 0 : i32
      %dma_wait3A_111 = tpu.memref_slice %arg8[%add3A_74, %dma_wait3A_110] : memref<10112x128xf32, #tpu.memory_space<vmem_shared>> -> memref<128x128xf32, #tpu.memory_space<vmem_shared>>
      tpu.wait_dma2 semaphore(%run_scoped3A : memref<!tpu.dma_semaphore, #tpu.memory_space<semaphore_mem>>) src(%dma_wait3A_111 : memref<128x128xf32, #tpu.memory_space<vmem_shared>>) dst(%dma_wait3A_109 : memref<128x128xf32, #tpu.memory_space<vmem>>)
      tpu.yield
    }) : () -> ()
    %add3A_75 = arith.constant 0 : i32
    %add3A_76 = arith.addi %mul3A_2, %add3A_75 : i32
    "tpu.region"() ({
      %run_scoped3A = tpu.sem_alloc : memref<!tpu.dma_semaphore, #tpu.memory_space<semaphore_mem>>
      %dma_start3A_93 = arith.constant 0 : i32
      %dma_start3A_94 = arith.constant 0 : i32
      %dma_start3A_95 = tpu.memref_slice %arg7[%dma_start3A_93, %dma_start3A_94] : memref<128x128xf32, #tpu.memory_space<vmem>> -> memref<128x128xf32, #tpu.memory_space<vmem>>
      %dma_start3A_96 = arith.constant 0 : i32
      %dma_start3A_97 = tpu.memref_slice %arg5[%arg0, %add3A_76, %dma_start3A_96] : memref<2x10112x128xf32, #tpu.memory_space<hbm>> -> memref<1x128x128xf32, #tpu.memory_space<hbm>>
      %dma_start3A_98 = tpu.memref_squeeze %dma_start3A_97 : memref<1x128x128xf32, #tpu.memory_space<hbm>> -> memref<128x128xf32, #tpu.memory_space<hbm>>
      %dma_start3A_99 = arith.constant 0 : i32
      %dma_start3A_100 = tpu.memref_slice %arg5[%arg0, %add3A_76, %dma_start3A_99] : memref<2x10112x128xf32, #tpu.memory_space<hbm>> -> memref<1x128x128xf32, #tpu.memory_space<hbm>>
      %dma_start3A_101 = tpu.memref_squeeze %dma_start3A_100 : memref<1x128x128xf32, #tpu.memory_space<hbm>> -> memref<128x128xf32, #tpu.memory_space<hbm>>
      %dma_start3A_102 = arith.constant 0 : i32
      %dma_start3A_103 = arith.constant 0 : i32
      %dma_start3A_104 = tpu.memref_slice %arg7[%dma_start3A_102, %dma_start3A_103] : memref<128x128xf32, #tpu.memory_space<vmem>> -> memref<128x128xf32, #tpu.memory_space<vmem>>
      tpu.enqueue_dma source(%dma_start3A_104 : memref<128x128xf32, #tpu.memory_space<vmem>>) target(%dma_start3A_101 : memref<128x128xf32, #tpu.memory_space<hbm>>) target_semaphore(%run_scoped3A : memref<!tpu.dma_semaphore, #tpu.memory_space<semaphore_mem>>)
      %dma_wait3A = arith.constant 0 : i32
      %dma_wait3A_105 = arith.constant 0 : i32
      %dma_wait3A_106 = tpu.memref_slice %arg7[%dma_wait3A, %dma_wait3A_105] : memref<128x128xf32, #tpu.memory_space<vmem>> -> memref<128x128xf32, #tpu.memory_space<vmem>>
      %dma_wait3A_107 = arith.constant 0 : i32
      %dma_wait3A_108 = tpu.memref_slice %arg5[%arg0, %add3A_76, %dma_wait3A_107] : memref<2x10112x128xf32, #tpu.memory_space<hbm>> -> memref<1x128x128xf32, #tpu.memory_space<hbm>>
      %dma_wait3A_109 = tpu.memref_squeeze %dma_wait3A_108 : memref<1x128x128xf32, #tpu.memory_space<hbm>> -> memref<128x128xf32, #tpu.memory_space<hbm>>
      %dma_wait3A_110 = arith.constant 0 : i32
      %dma_wait3A_111 = tpu.memref_slice %arg5[%arg0, %add3A_76, %dma_wait3A_110] : memref<2x10112x128xf32, #tpu.memory_space<hbm>> -> memref<1x128x128xf32, #tpu.memory_space<hbm>>
      %dma_wait3A_112 = tpu.memref_squeeze %dma_wait3A_111 : memref<1x128x128xf32, #tpu.memory_space<hbm>> -> memref<128x128xf32, #tpu.memory_space<hbm>>
      %dma_wait3A_113 = arith.constant 0 : i32
      %dma_wait3A_114 = arith.constant 0 : i32
      %dma_wait3A_115 = tpu.memref_slice %arg7[%dma_wait3A_113, %dma_wait3A_114] : memref<128x128xf32, #tpu.memory_space<vmem>> -> memref<128x128xf32, #tpu.memory_space<vmem>>
      tpu.wait_dma2 semaphore(%run_scoped3A : memref<!tpu.dma_semaphore, #tpu.memory_space<semaphore_mem>>) src(%dma_wait3A_115 : memref<128x128xf32, #tpu.memory_space<vmem>>) dst(%dma_wait3A_112 : memref<128x128xf32, #tpu.memory_space<hbm>>)
      tpu.yield
    }) : () -> ()
    %add3A_77 = arith.constant 128 : i32
    %add3A_78 = arith.addi %mul3A_2, %add3A_77 : i32
    "tpu.region"() ({
      %run_scoped3A = tpu.sem_alloc : memref<!tpu.dma_semaphore, #tpu.memory_space<semaphore_mem>>
      %dma_start3A_93 = arith.constant 0 : i32
      %dma_start3A_94 = arith.constant 0 : i32
      %dma_start3A_95 = tpu.memref_slice %arg7[%dma_start3A_93, %dma_start3A_94] : memref<128x128xf32, #tpu.memory_space<vmem>> -> memref<128x128xf32, #tpu.memory_space<vmem>>
      %dma_start3A_96 = arith.constant 0 : i32
      %dma_start3A_97 = tpu.memref_slice %arg8[%add3A_78, %dma_start3A_96] : memref<10112x128xf32, #tpu.memory_space<vmem_shared>> -> memref<128x128xf32, #tpu.memory_space<vmem_shared>>
      %dma_start3A_98 = arith.constant 0 : i32
      %dma_start3A_99 = arith.constant 0 : i32
      %dma_start3A_100 = tpu.memref_slice %arg7[%dma_start3A_98, %dma_start3A_99] : memref<128x128xf32, #tpu.memory_space<vmem>> -> memref<128x128xf32, #tpu.memory_space<vmem>>
      %dma_start3A_101 = arith.constant 0 : i32
      %dma_start3A_102 = tpu.memref_slice %arg8[%add3A_78, %dma_start3A_101] : memref<10112x128xf32, #tpu.memory_space<vmem_shared>> -> memref<128x128xf32, #tpu.memory_space<vmem_shared>>
      tpu.enqueue_dma source(%dma_start3A_102 : memref<128x128xf32, #tpu.memory_space<vmem_shared>>) target(%dma_start3A_100 : memref<128x128xf32, #tpu.memory_space<vmem>>) target_semaphore(%run_scoped3A : memref<!tpu.dma_semaphore, #tpu.memory_space<semaphore_mem>>)
      %dma_wait3A = arith.constant 0 : i32
      %dma_wait3A_103 = arith.constant 0 : i32
      %dma_wait3A_104 = tpu.memref_slice %arg7[%dma_wait3A, %dma_wait3A_103] : memref<128x128xf32, #tpu.memory_space<vmem>> -> memref<128x128xf32, #tpu.memory_space<vmem>>
      %dma_wait3A_105 = arith.constant 0 : i32
      %dma_wait3A_106 = tpu.memref_slice %arg8[%add3A_78, %dma_wait3A_105] : memref<10112x128xf32, #tpu.memory_space<vmem_shared>> -> memref<128x128xf32, #tpu.memory_space<vmem_shared>>
      %dma_wait3A_107 = arith.constant 0 : i32
      %dma_wait3A_108 = arith.constant 0 : i32
      %dma_wait3A_109 = tpu.memref_slice %arg7[%dma_wait3A_107, %dma_wait3A_108] : memref<128x128xf32, #tpu.memory_space<vmem>> -> memref<128x128xf32, #tpu.memory_space<vmem>>
      %dma_wait3A_110 = arith.constant 0 : i32
      %dma_wait3A_111 = tpu.memref_slice %arg8[%add3A_78, %dma_wait3A_110] : memref<10112x128xf32, #tpu.memory_space<vmem_shared>> -> memref<128x128xf32, #tpu.memory_space<vmem_shared>>
      tpu.wait_dma2 semaphore(%run_scoped3A : memref<!tpu.dma_semaphore, #tpu.memory_space<semaphore_mem>>) src(%dma_wait3A_111 : memref<128x128xf32, #tpu.memory_space<vmem_shared>>) dst(%dma_wait3A_109 : memref<128x128xf32, #tpu.memory_space<vmem>>)
      tpu.yield
    }) : () -> ()
    %add3A_79 = arith.constant 128 : i32
    %add3A_80 = arith.addi %mul3A_2, %add3A_79 : i32
    "tpu.region"() ({
      %run_scoped3A = tpu.sem_alloc : memref<!tpu.dma_semaphore, #tpu.memory_space<semaphore_mem>>
      %dma_start3A_93 = arith.constant 0 : i32
      %dma_start3A_94 = arith.constant 0 : i32
      %dma_start3A_95 = tpu.memref_slice %arg7[%dma_start3A_93, %dma_start3A_94] : memref<128x128xf32, #tpu.memory_space<vmem>> -> memref<128x128xf32, #tpu.memory_space<vmem>>
      %dma_start3A_96 = arith.constant 0 : i32
      %dma_start3A_97 = tpu.memref_slice %arg5[%arg0, %add3A_80, %dma_start3A_96] : memref<2x10112x128xf32, #tpu.memory_space<hbm>> -> memref<1x128x128xf32, #tpu.memory_space<hbm>>
      %dma_start3A_98 = tpu.memref_squeeze %dma_start3A_97 : memref<1x128x128xf32, #tpu.memory_space<hbm>> -> memref<128x128xf32, #tpu.memory_space<hbm>>
      %dma_start3A_99 = arith.constant 0 : i32
      %dma_start3A_100 = tpu.memref_slice %arg5[%arg0, %add3A_80, %dma_start3A_99] : memref<2x10112x128xf32, #tpu.memory_space<hbm>> -> memref<1x128x128xf32, #tpu.memory_space<hbm>>
      %dma_start3A_101 = tpu.memref_squeeze %dma_start3A_100 : memref<1x128x128xf32, #tpu.memory_space<hbm>> -> memref<128x128xf32, #tpu.memory_space<hbm>>
      %dma_start3A_102 = arith.constant 0 : i32
      %dma_start3A_103 = arith.constant 0 : i32
      %dma_start3A_104 = tpu.memref_slice %arg7[%dma_start3A_102, %dma_start3A_103] : memref<128x128xf32, #tpu.memory_space<vmem>> -> memref<128x128xf32, #tpu.memory_space<vmem>>
      tpu.enqueue_dma source(%dma_start3A_104 : memref<128x128xf32, #tpu.memory_space<vmem>>) target(%dma_start3A_101 : memref<128x128xf32, #tpu.memory_space<hbm>>) target_semaphore(%run_scoped3A : memref<!tpu.dma_semaphore, #tpu.memory_space<semaphore_mem>>)
      %dma_wait3A = arith.constant 0 : i32
      %dma_wait3A_105 = arith.constant 0 : i32
      %dma_wait3A_106 = tpu.memref_slice %arg7[%dma_wait3A, %dma_wait3A_105] : memref<128x128xf32, #tpu.memory_space<vmem>> -> memref<128x128xf32, #tpu.memory_space<vmem>>
      %dma_wait3A_107 = arith.constant 0 : i32
      %dma_wait3A_108 = tpu.memref_slice %arg5[%arg0, %add3A_80, %dma_wait3A_107] : memref<2x10112x128xf32, #tpu.memory_space<hbm>> -> memref<1x128x128xf32, #tpu.memory_space<hbm>>
      %dma_wait3A_109 = tpu.memref_squeeze %dma_wait3A_108 : memref<1x128x128xf32, #tpu.memory_space<hbm>> -> memref<128x128xf32, #tpu.memory_space<hbm>>
      %dma_wait3A_110 = arith.constant 0 : i32
      %dma_wait3A_111 = tpu.memref_slice %arg5[%arg0, %add3A_80, %dma_wait3A_110] : memref<2x10112x128xf32, #tpu.memory_space<hbm>> -> memref<1x128x128xf32, #tpu.memory_space<hbm>>
      %dma_wait3A_112 = tpu.memref_squeeze %dma_wait3A_111 : memref<1x128x128xf32, #tpu.memory_space<hbm>> -> memref<128x128xf32, #tpu.memory_space<hbm>>
      %dma_wait3A_113 = arith.constant 0 : i32
      %dma_wait3A_114 = arith.constant 0 : i32
      %dma_wait3A_115 = tpu.memref_slice %arg7[%dma_wait3A_113, %dma_wait3A_114] : memref<128x128xf32, #tpu.memory_space<vmem>> -> memref<128x128xf32, #tpu.memory_space<vmem>>
      tpu.wait_dma2 semaphore(%run_scoped3A : memref<!tpu.dma_semaphore, #tpu.memory_space<semaphore_mem>>) src(%dma_wait3A_115 : memref<128x128xf32, #tpu.memory_space<vmem>>) dst(%dma_wait3A_112 : memref<128x128xf32, #tpu.memory_space<hbm>>)
      tpu.yield
    }) : () -> ()
    %add3A_81 = arith.constant 256 : i32
    %add3A_82 = arith.addi %mul3A_2, %add3A_81 : i32
    "tpu.region"() ({
      %run_scoped3A = tpu.sem_alloc : memref<!tpu.dma_semaphore, #tpu.memory_space<semaphore_mem>>
      %dma_start3A_93 = arith.constant 0 : i32
      %dma_start3A_94 = arith.constant 0 : i32
      %dma_start3A_95 = tpu.memref_slice %arg7[%dma_start3A_93, %dma_start3A_94] : memref<128x128xf32, #tpu.memory_space<vmem>> -> memref<128x128xf32, #tpu.memory_space<vmem>>
      %dma_start3A_96 = arith.constant 0 : i32
      %dma_start3A_97 = tpu.memref_slice %arg8[%add3A_82, %dma_start3A_96] : memref<10112x128xf32, #tpu.memory_space<vmem_shared>> -> memref<128x128xf32, #tpu.memory_space<vmem_shared>>
      %dma_start3A_98 = arith.constant 0 : i32
      %dma_start3A_99 = arith.constant 0 : i32
      %dma_start3A_100 = tpu.memref_slice %arg7[%dma_start3A_98, %dma_start3A_99] : memref<128x128xf32, #tpu.memory_space<vmem>> -> memref<128x128xf32, #tpu.memory_space<vmem>>
      %dma_start3A_101 = arith.constant 0 : i32
      %dma_start3A_102 = tpu.memref_slice %arg8[%add3A_82, %dma_start3A_101] : memref<10112x128xf32, #tpu.memory_space<vmem_shared>> -> memref<128x128xf32, #tpu.memory_space<vmem_shared>>
      tpu.enqueue_dma source(%dma_start3A_102 : memref<128x128xf32, #tpu.memory_space<vmem_shared>>) target(%dma_start3A_100 : memref<128x128xf32, #tpu.memory_space<vmem>>) target_semaphore(%run_scoped3A : memref<!tpu.dma_semaphore, #tpu.memory_space<semaphore_mem>>)
      %dma_wait3A = arith.constant 0 : i32
      %dma_wait3A_103 = arith.constant 0 : i32
      %dma_wait3A_104 = tpu.memref_slice %arg7[%dma_wait3A, %dma_wait3A_103] : memref<128x128xf32, #tpu.memory_space<vmem>> -> memref<128x128xf32, #tpu.memory_space<vmem>>
      %dma_wait3A_105 = arith.constant 0 : i32
      %dma_wait3A_106 = tpu.memref_slice %arg8[%add3A_82, %dma_wait3A_105] : memref<10112x128xf32, #tpu.memory_space<vmem_shared>> -> memref<128x128xf32, #tpu.memory_space<vmem_shared>>
      %dma_wait3A_107 = arith.constant 0 : i32
      %dma_wait3A_108 = arith.constant 0 : i32
      %dma_wait3A_109 = tpu.memref_slice %arg7[%dma_wait3A_107, %dma_wait3A_108] : memref<128x128xf32, #tpu.memory_space<vmem>> -> memref<128x128xf32, #tpu.memory_space<vmem>>
      %dma_wait3A_110 = arith.constant 0 : i32
      %dma_wait3A_111 = tpu.memref_slice %arg8[%add3A_82, %dma_wait3A_110] : memref<10112x128xf32, #tpu.memory_space<vmem_shared>> -> memref<128x128xf32, #tpu.memory_space<vmem_shared>>
      tpu.wait_dma2 semaphore(%run_scoped3A : memref<!tpu.dma_semaphore, #tpu.memory_space<semaphore_mem>>) src(%dma_wait3A_111 : memref<128x128xf32, #tpu.memory_space<vmem_shared>>) dst(%dma_wait3A_109 : memref<128x128xf32, #tpu.memory_space<vmem>>)
      tpu.yield
    }) : () -> ()
    %add3A_83 = arith.constant 256 : i32
    %add3A_84 = arith.addi %mul3A_2, %add3A_83 : i32
    "tpu.region"() ({
      %run_scoped3A = tpu.sem_alloc : memref<!tpu.dma_semaphore, #tpu.memory_space<semaphore_mem>>
      %dma_start3A_93 = arith.constant 0 : i32
      %dma_start3A_94 = arith.constant 0 : i32
      %dma_start3A_95 = tpu.memref_slice %arg7[%dma_start3A_93, %dma_start3A_94] : memref<128x128xf32, #tpu.memory_space<vmem>> -> memref<128x128xf32, #tpu.memory_space<vmem>>
      %dma_start3A_96 = arith.constant 0 : i32
      %dma_start3A_97 = tpu.memref_slice %arg5[%arg0, %add3A_84, %dma_start3A_96] : memref<2x10112x128xf32, #tpu.memory_space<hbm>> -> memref<1x128x128xf32, #tpu.memory_space<hbm>>
      %dma_start3A_98 = tpu.memref_squeeze %dma_start3A_97 : memref<1x128x128xf32, #tpu.memory_space<hbm>> -> memref<128x128xf32, #tpu.memory_space<hbm>>
      %dma_start3A_99 = arith.constant 0 : i32
      %dma_start3A_100 = tpu.memref_slice %arg5[%arg0, %add3A_84, %dma_start3A_99] : memref<2x10112x128xf32, #tpu.memory_space<hbm>> -> memref<1x128x128xf32, #tpu.memory_space<hbm>>
      %dma_start3A_101 = tpu.memref_squeeze %dma_start3A_100 : memref<1x128x128xf32, #tpu.memory_space<hbm>> -> memref<128x128xf32, #tpu.memory_space<hbm>>
      %dma_start3A_102 = arith.constant 0 : i32
      %dma_start3A_103 = arith.constant 0 : i32
      %dma_start3A_104 = tpu.memref_slice %arg7[%dma_start3A_102, %dma_start3A_103] : memref<128x128xf32, #tpu.memory_space<vmem>> -> memref<128x128xf32, #tpu.memory_space<vmem>>
      tpu.enqueue_dma source(%dma_start3A_104 : memref<128x128xf32, #tpu.memory_space<vmem>>) target(%dma_start3A_101 : memref<128x128xf32, #tpu.memory_space<hbm>>) target_semaphore(%run_scoped3A : memref<!tpu.dma_semaphore, #tpu.memory_space<semaphore_mem>>)
      %dma_wait3A = arith.constant 0 : i32
      %dma_wait3A_105 = arith.constant 0 : i32
      %dma_wait3A_106 = tpu.memref_slice %arg7[%dma_wait3A, %dma_wait3A_105] : memref<128x128xf32, #tpu.memory_space<vmem>> -> memref<128x128xf32, #tpu.memory_space<vmem>>
      %dma_wait3A_107 = arith.constant 0 : i32
      %dma_wait3A_108 = tpu.memref_slice %arg5[%arg0, %add3A_84, %dma_wait3A_107] : memref<2x10112x128xf32, #tpu.memory_space<hbm>> -> memref<1x128x128xf32, #tpu.memory_space<hbm>>
      %dma_wait3A_109 = tpu.memref_squeeze %dma_wait3A_108 : memref<1x128x128xf32, #tpu.memory_space<hbm>> -> memref<128x128xf32, #tpu.memory_space<hbm>>
      %dma_wait3A_110 = arith.constant 0 : i32
      %dma_wait3A_111 = tpu.memref_slice %arg5[%arg0, %add3A_84, %dma_wait3A_110] : memref<2x10112x128xf32, #tpu.memory_space<hbm>> -> memref<1x128x128xf32, #tpu.memory_space<hbm>>
      %dma_wait3A_112 = tpu.memref_squeeze %dma_wait3A_111 : memref<1x128x128xf32, #tpu.memory_space<hbm>> -> memref<128x128xf32, #tpu.memory_space<hbm>>
      %dma_wait3A_113 = arith.constant 0 : i32
      %dma_wait3A_114 = arith.constant 0 : i32
      %dma_wait3A_115 = tpu.memref_slice %arg7[%dma_wait3A_113, %dma_wait3A_114] : memref<128x128xf32, #tpu.memory_space<vmem>> -> memref<128x128xf32, #tpu.memory_space<vmem>>
      tpu.wait_dma2 semaphore(%run_scoped3A : memref<!tpu.dma_semaphore, #tpu.memory_space<semaphore_mem>>) src(%dma_wait3A_115 : memref<128x128xf32, #tpu.memory_space<vmem>>) dst(%dma_wait3A_112 : memref<128x128xf32, #tpu.memory_space<hbm>>)
      tpu.yield
    }) : () -> ()
    %add3A_85 = arith.constant 384 : i32
    %add3A_86 = arith.addi %mul3A_2, %add3A_85 : i32
    "tpu.region"() ({
      %run_scoped3A = tpu.sem_alloc : memref<!tpu.dma_semaphore, #tpu.memory_space<semaphore_mem>>
      %dma_start3A_93 = arith.constant 0 : i32
      %dma_start3A_94 = arith.constant 0 : i32
      %dma_start3A_95 = tpu.memref_slice %arg7[%dma_start3A_93, %dma_start3A_94] : memref<128x128xf32, #tpu.memory_space<vmem>> -> memref<128x128xf32, #tpu.memory_space<vmem>>
      %dma_start3A_96 = arith.constant 0 : i32
      %dma_start3A_97 = tpu.memref_slice %arg8[%add3A_86, %dma_start3A_96] : memref<10112x128xf32, #tpu.memory_space<vmem_shared>> -> memref<128x128xf32, #tpu.memory_space<vmem_shared>>
      %dma_start3A_98 = arith.constant 0 : i32
      %dma_start3A_99 = arith.constant 0 : i32
      %dma_start3A_100 = tpu.memref_slice %arg7[%dma_start3A_98, %dma_start3A_99] : memref<128x128xf32, #tpu.memory_space<vmem>> -> memref<128x128xf32, #tpu.memory_space<vmem>>
      %dma_start3A_101 = arith.constant 0 : i32
      %dma_start3A_102 = tpu.memref_slice %arg8[%add3A_86, %dma_start3A_101] : memref<10112x128xf32, #tpu.memory_space<vmem_shared>> -> memref<128x128xf32, #tpu.memory_space<vmem_shared>>
      tpu.enqueue_dma source(%dma_start3A_102 : memref<128x128xf32, #tpu.memory_space<vmem_shared>>) target(%dma_start3A_100 : memref<128x128xf32, #tpu.memory_space<vmem>>) target_semaphore(%run_scoped3A : memref<!tpu.dma_semaphore, #tpu.memory_space<semaphore_mem>>)
      %dma_wait3A = arith.constant 0 : i32
      %dma_wait3A_103 = arith.constant 0 : i32
      %dma_wait3A_104 = tpu.memref_slice %arg7[%dma_wait3A, %dma_wait3A_103] : memref<128x128xf32, #tpu.memory_space<vmem>> -> memref<128x128xf32, #tpu.memory_space<vmem>>
      %dma_wait3A_105 = arith.constant 0 : i32
      %dma_wait3A_106 = tpu.memref_slice %arg8[%add3A_86, %dma_wait3A_105] : memref<10112x128xf32, #tpu.memory_space<vmem_shared>> -> memref<128x128xf32, #tpu.memory_space<vmem_shared>>
      %dma_wait3A_107 = arith.constant 0 : i32
      %dma_wait3A_108 = arith.constant 0 : i32
      %dma_wait3A_109 = tpu.memref_slice %arg7[%dma_wait3A_107, %dma_wait3A_108] : memref<128x128xf32, #tpu.memory_space<vmem>> -> memref<128x128xf32, #tpu.memory_space<vmem>>
      %dma_wait3A_110 = arith.constant 0 : i32
      %dma_wait3A_111 = tpu.memref_slice %arg8[%add3A_86, %dma_wait3A_110] : memref<10112x128xf32, #tpu.memory_space<vmem_shared>> -> memref<128x128xf32, #tpu.memory_space<vmem_shared>>
      tpu.wait_dma2 semaphore(%run_scoped3A : memref<!tpu.dma_semaphore, #tpu.memory_space<semaphore_mem>>) src(%dma_wait3A_111 : memref<128x128xf32, #tpu.memory_space<vmem_shared>>) dst(%dma_wait3A_109 : memref<128x128xf32, #tpu.memory_space<vmem>>)
      tpu.yield
    }) : () -> ()
    %add3A_87 = arith.constant 384 : i32
    %add3A_88 = arith.addi %mul3A_2, %add3A_87 : i32
    "tpu.region"() ({
      %run_scoped3A = tpu.sem_alloc : memref<!tpu.dma_semaphore, #tpu.memory_space<semaphore_mem>>
      %dma_start3A_93 = arith.constant 0 : i32
      %dma_start3A_94 = arith.constant 0 : i32
      %dma_start3A_95 = tpu.memref_slice %arg7[%dma_start3A_93, %dma_start3A_94] : memref<128x128xf32, #tpu.memory_space<vmem>> -> memref<128x128xf32, #tpu.memory_space<vmem>>
      %dma_start3A_96 = arith.constant 0 : i32
      %dma_start3A_97 = tpu.memref_slice %arg5[%arg0, %add3A_88, %dma_start3A_96] : memref<2x10112x128xf32, #tpu.memory_space<hbm>> -> memref<1x128x128xf32, #tpu.memory_space<hbm>>
      %dma_start3A_98 = tpu.memref_squeeze %dma_start3A_97 : memref<1x128x128xf32, #tpu.memory_space<hbm>> -> memref<128x128xf32, #tpu.memory_space<hbm>>
      %dma_start3A_99 = arith.constant 0 : i32
      %dma_start3A_100 = tpu.memref_slice %arg5[%arg0, %add3A_88, %dma_start3A_99] : memref<2x10112x128xf32, #tpu.memory_space<hbm>> -> memref<1x128x128xf32, #tpu.memory_space<hbm>>
      %dma_start3A_101 = tpu.memref_squeeze %dma_start3A_100 : memref<1x128x128xf32, #tpu.memory_space<hbm>> -> memref<128x128xf32, #tpu.memory_space<hbm>>
      %dma_start3A_102 = arith.constant 0 : i32
      %dma_start3A_103 = arith.constant 0 : i32
      %dma_start3A_104 = tpu.memref_slice %arg7[%dma_start3A_102, %dma_start3A_103] : memref<128x128xf32, #tpu.memory_space<vmem>> -> memref<128x128xf32, #tpu.memory_space<vmem>>
      tpu.enqueue_dma source(%dma_start3A_104 : memref<128x128xf32, #tpu.memory_space<vmem>>) target(%dma_start3A_101 : memref<128x128xf32, #tpu.memory_space<hbm>>) target_semaphore(%run_scoped3A : memref<!tpu.dma_semaphore, #tpu.memory_space<semaphore_mem>>)
      %dma_wait3A = arith.constant 0 : i32
      %dma_wait3A_105 = arith.constant 0 : i32
      %dma_wait3A_106 = tpu.memref_slice %arg7[%dma_wait3A, %dma_wait3A_105] : memref<128x128xf32, #tpu.memory_space<vmem>> -> memref<128x128xf32, #tpu.memory_space<vmem>>
      %dma_wait3A_107 = arith.constant 0 : i32
      %dma_wait3A_108 = tpu.memref_slice %arg5[%arg0, %add3A_88, %dma_wait3A_107] : memref<2x10112x128xf32, #tpu.memory_space<hbm>> -> memref<1x128x128xf32, #tpu.memory_space<hbm>>
      %dma_wait3A_109 = tpu.memref_squeeze %dma_wait3A_108 : memref<1x128x128xf32, #tpu.memory_space<hbm>> -> memref<128x128xf32, #tpu.memory_space<hbm>>
      %dma_wait3A_110 = arith.constant 0 : i32
      %dma_wait3A_111 = tpu.memref_slice %arg5[%arg0, %add3A_88, %dma_wait3A_110] : memref<2x10112x128xf32, #tpu.memory_space<hbm>> -> memref<1x128x128xf32, #tpu.memory_space<hbm>>
      %dma_wait3A_112 = tpu.memref_squeeze %dma_wait3A_111 : memref<1x128x128xf32, #tpu.memory_space<hbm>> -> memref<128x128xf32, #tpu.memory_space<hbm>>
      %dma_wait3A_113 = arith.constant 0 : i32
      %dma_wait3A_114 = arith.constant 0 : i32
      %dma_wait3A_115 = tpu.memref_slice %arg7[%dma_wait3A_113, %dma_wait3A_114] : memref<128x128xf32, #tpu.memory_space<vmem>> -> memref<128x128xf32, #tpu.memory_space<vmem>>
      tpu.wait_dma2 semaphore(%run_scoped3A : memref<!tpu.dma_semaphore, #tpu.memory_space<semaphore_mem>>) src(%dma_wait3A_115 : memref<128x128xf32, #tpu.memory_space<vmem>>) dst(%dma_wait3A_112 : memref<128x128xf32, #tpu.memory_space<hbm>>)
      tpu.yield
    }) : () -> ()
    %add3A_89 = arith.constant 512 : i32
    %add3A_90 = arith.addi %mul3A_2, %add3A_89 : i32
    "tpu.region"() ({
      %run_scoped3A = tpu.sem_alloc : memref<!tpu.dma_semaphore, #tpu.memory_space<semaphore_mem>>
      %dma_start3A_93 = arith.constant 0 : i32
      %dma_start3A_94 = arith.constant 0 : i32
      %dma_start3A_95 = tpu.memref_slice %arg7[%dma_start3A_93, %dma_start3A_94] : memref<128x128xf32, #tpu.memory_space<vmem>> -> memref<120x128xf32, #tpu.memory_space<vmem>>
      %dma_start3A_96 = arith.constant 0 : i32
      %dma_start3A_97 = tpu.memref_slice %arg8[%add3A_90, %dma_start3A_96] : memref<10112x128xf32, #tpu.memory_space<vmem_shared>> -> memref<120x128xf32, #tpu.memory_space<vmem_shared>>
      %dma_start3A_98 = arith.constant 0 : i32
      %dma_start3A_99 = arith.constant 0 : i32
      %dma_start3A_100 = tpu.memref_slice %arg7[%dma_start3A_98, %dma_start3A_99] : memref<128x128xf32, #tpu.memory_space<vmem>> -> memref<120x128xf32, #tpu.memory_space<vmem>>
      %dma_start3A_101 = arith.constant 0 : i32
      %dma_start3A_102 = tpu.memref_slice %arg8[%add3A_90, %dma_start3A_101] : memref<10112x128xf32, #tpu.memory_space<vmem_shared>> -> memref<120x128xf32, #tpu.memory_space<vmem_shared>>
      tpu.enqueue_dma source(%dma_start3A_102 : memref<120x128xf32, #tpu.memory_space<vmem_shared>>) target(%dma_start3A_100 : memref<120x128xf32, #tpu.memory_space<vmem>>) target_semaphore(%run_scoped3A : memref<!tpu.dma_semaphore, #tpu.memory_space<semaphore_mem>>)
      %dma_wait3A = arith.constant 0 : i32
      %dma_wait3A_103 = arith.constant 0 : i32
      %dma_wait3A_104 = tpu.memref_slice %arg7[%dma_wait3A, %dma_wait3A_103] : memref<128x128xf32, #tpu.memory_space<vmem>> -> memref<120x128xf32, #tpu.memory_space<vmem>>
      %dma_wait3A_105 = arith.constant 0 : i32
      %dma_wait3A_106 = tpu.memref_slice %arg8[%add3A_90, %dma_wait3A_105] : memref<10112x128xf32, #tpu.memory_space<vmem_shared>> -> memref<120x128xf32, #tpu.memory_space<vmem_shared>>
      %dma_wait3A_107 = arith.constant 0 : i32
      %dma_wait3A_108 = arith.constant 0 : i32
      %dma_wait3A_109 = tpu.memref_slice %arg7[%dma_wait3A_107, %dma_wait3A_108] : memref<128x128xf32, #tpu.memory_space<vmem>> -> memref<120x128xf32, #tpu.memory_space<vmem>>
      %dma_wait3A_110 = arith.constant 0 : i32
      %dma_wait3A_111 = tpu.memref_slice %arg8[%add3A_90, %dma_wait3A_110] : memref<10112x128xf32, #tpu.memory_space<vmem_shared>> -> memref<120x128xf32, #tpu.memory_space<vmem_shared>>
      tpu.wait_dma2 semaphore(%run_scoped3A : memref<!tpu.dma_semaphore, #tpu.memory_space<semaphore_mem>>) src(%dma_wait3A_111 : memref<120x128xf32, #tpu.memory_space<vmem_shared>>) dst(%dma_wait3A_109 : memref<120x128xf32, #tpu.memory_space<vmem>>)
      tpu.yield
    }) : () -> ()
    %add3A_91 = arith.constant 512 : i32
    %add3A_92 = arith.addi %mul3A_2, %add3A_91 : i32
    "tpu.region"() ({
      %run_scoped3A = tpu.sem_alloc : memref<!tpu.dma_semaphore, #tpu.memory_space<semaphore_mem>>
      %dma_start3A_93 = arith.constant 0 : i32
      %dma_start3A_94 = arith.constant 0 : i32
      %dma_start3A_95 = tpu.memref_slice %arg7[%dma_start3A_93, %dma_start3A_94] : memref<128x128xf32, #tpu.memory_space<vmem>> -> memref<120x128xf32, #tpu.memory_space<vmem>>
      %dma_start3A_96 = arith.constant 0 : i32
      %dma_start3A_97 = tpu.memref_slice %arg5[%arg0, %add3A_92, %dma_start3A_96] : memref<2x10112x128xf32, #tpu.memory_space<hbm>> -> memref<1x120x128xf32, #tpu.memory_space<hbm>>
      %dma_start3A_98 = tpu.memref_squeeze %dma_start3A_97 : memref<1x120x128xf32, #tpu.memory_space<hbm>> -> memref<120x128xf32, #tpu.memory_space<hbm>>
      %dma_start3A_99 = arith.constant 0 : i32
      %dma_start3A_100 = tpu.memref_slice %arg5[%arg0, %add3A_92, %dma_start3A_99] : memref<2x10112x128xf32, #tpu.memory_space<hbm>> -> memref<1x120x128xf32, #tpu.memory_space<hbm>>
      %dma_start3A_101 = tpu.memref_squeeze %dma_start3A_100 : memref<1x120x128xf32, #tpu.memory_space<hbm>> -> memref<120x128xf32, #tpu.memory_space<hbm>>
      %dma_start3A_102 = arith.constant 0 : i32
      %dma_start3A_103 = arith.constant 0 : i32
      %dma_start3A_104 = tpu.memref_slice %arg7[%dma_start3A_102, %dma_start3A_103] : memref<128x128xf32, #tpu.memory_space<vmem>> -> memref<120x128xf32, #tpu.memory_space<vmem>>
      tpu.enqueue_dma source(%dma_start3A_104 : memref<120x128xf32, #tpu.memory_space<vmem>>) target(%dma_start3A_101 : memref<120x128xf32, #tpu.memory_space<hbm>>) target_semaphore(%run_scoped3A : memref<!tpu.dma_semaphore, #tpu.memory_space<semaphore_mem>>)
      %dma_wait3A = arith.constant 0 : i32
      %dma_wait3A_105 = arith.constant 0 : i32
      %dma_wait3A_106 = tpu.memref_slice %arg7[%dma_wait3A, %dma_wait3A_105] : memref<128x128xf32, #tpu.memory_space<vmem>> -> memref<120x128xf32, #tpu.memory_space<vmem>>
      %dma_wait3A_107 = arith.constant 0 : i32
      %dma_wait3A_108 = tpu.memref_slice %arg5[%arg0, %add3A_92, %dma_wait3A_107] : memref<2x10112x128xf32, #tpu.memory_space<hbm>> -> memref<1x120x128xf32, #tpu.memory_space<hbm>>
      %dma_wait3A_109 = tpu.memref_squeeze %dma_wait3A_108 : memref<1x120x128xf32, #tpu.memory_space<hbm>> -> memref<120x128xf32, #tpu.memory_space<hbm>>
      %dma_wait3A_110 = arith.constant 0 : i32
      %dma_wait3A_111 = tpu.memref_slice %arg5[%arg0, %add3A_92, %dma_wait3A_110] : memref<2x10112x128xf32, #tpu.memory_space<hbm>> -> memref<1x120x128xf32, #tpu.memory_space<hbm>>
      %dma_wait3A_112 = tpu.memref_squeeze %dma_wait3A_111 : memref<1x120x128xf32, #tpu.memory_space<hbm>> -> memref<120x128xf32, #tpu.memory_space<hbm>>
      %dma_wait3A_113 = arith.constant 0 : i32
      %dma_wait3A_114 = arith.constant 0 : i32
      %dma_wait3A_115 = tpu.memref_slice %arg7[%dma_wait3A_113, %dma_wait3A_114] : memref<128x128xf32, #tpu.memory_space<vmem>> -> memref<120x128xf32, #tpu.memory_space<vmem>>
      tpu.wait_dma2 semaphore(%run_scoped3A : memref<!tpu.dma_semaphore, #tpu.memory_space<semaphore_mem>>) src(%dma_wait3A_115 : memref<120x128xf32, #tpu.memory_space<vmem>>) dst(%dma_wait3A_112 : memref<120x128xf32, #tpu.memory_space<hbm>>)
      tpu.yield
    }) : () -> ()
    return
  }
}

#map = affine_map<(d0, d1) -> (0, 0)>
#map1 = affine_map<(d0, d1) -> (0, 0, 0)>
module attributes {stable_mosaic.version = 14 : i64} {
  func.func @sc_kernel(%arg0: i32, %arg1: i32, %arg2: memref<10000x128xf32, #tpu.memory_space<hbm>>, %arg3: memref<5120x64xi32, #tpu.memory_space<hbm>>, %arg4: memref<5120x64xi32, #tpu.memory_space<hbm>>, %arg5: memref<64x128xf32, #tpu.memory_space<hbm>>, %arg6: memref<2x10112x128xf32, #tpu.memory_space<hbm>>, %arg7: memref<8x64xi32, #tpu.memory_space<vmem>>, %arg8: memref<8x64xi32, #tpu.memory_space<vmem>>, %arg9: memref<64x128xf32, #tpu.memory_space<vmem>>, %arg10: memref<64x128xf32, #tpu.memory_space<vmem>>, %arg11: memref<64x128xf32, #tpu.memory_space<vmem>>, %arg12: memref<64x128xf32, #tpu.memory_space<vmem>>, %arg13: memref<10112x128xf32, #tpu.memory_space<vmem_shared>>, %arg14: memref<!tpu.dma_semaphore, #tpu.memory_space<semaphore_mem>>, %arg15: memref<!tpu.dma_semaphore, #tpu.memory_space<semaphore_mem>>, %arg16: memref<!tpu.dma_semaphore, #tpu.memory_space<semaphore_mem>>, %arg17: memref<!tpu.dma_semaphore, #tpu.memory_space<semaphore_mem>>, %arg18: memref<!tpu.dma_semaphore, #tpu.memory_space<semaphore_mem>>, %arg19: memref<!tpu.dma_semaphore, #tpu.memory_space<semaphore_mem>>, %arg20: memref<!tpu.dma_semaphore, #tpu.memory_space<semaphore_mem>>, %arg21: memref<!tpu.dma_semaphore, #tpu.memory_space<semaphore_mem>>, %arg22: memref<!tpu.dma_semaphore, #tpu.memory_space<semaphore_mem>>, %arg23: memref<!tpu.dma_semaphore, #tpu.memory_space<semaphore_mem>>, %arg24: memref<!tpu.dma_semaphore, #tpu.memory_space<semaphore_mem>>, %arg25: memref<!tpu.dma_semaphore, #tpu.memory_space<semaphore_mem>>) attributes {dimension_semantics = [#tpu.dimension_semantics<core_parallel>, #tpu.dimension_semantics<subcore_parallel>], iteration_bounds = array<i64: 2, 16>, scalar_prefetch = 0 : i64, scratch_operands = 19 : i64, tpu.core_type = #tpu.core_type<sc_vector_subcore>, window_params = [{transform_indices = #map}, {transform_indices = #map}, {transform_indices = #map}, {transform_indices = #map}, {transform_indices = #map1}]} {
    %eq3A = arith.constant 0 : i32
    %eq3A_0 = arith.cmpi eq, %arg0, %eq3A : i32
    %jit3A = arith.constant 312 : i32
    %jit3A_1 = arith.constant 8 : i32
    %select_n3A = arith.select %eq3A_0, %jit3A, %jit3A_1 : i32
    %mul3A = arith.constant 4992 : i32
    %mul3A_2 = arith.muli %arg0, %mul3A : i32
    %mul3A_3 = arith.muli %arg1, %select_n3A : i32
    %add3A = arith.addi %mul3A_2, %mul3A_3 : i32
    %mul3A_4 = arith.constant 632 : i32
    %mul3A_5 = arith.muli %arg1, %mul3A_4 : i32
    "tpu.region"() ({
      %run_scoped3A = tpu.sem_alloc : memref<!tpu.dma_semaphore, #tpu.memory_space<semaphore_mem>>
      tpu.enqueue_dma source(%arg5 : memref<64x128xf32, #tpu.memory_space<hbm>>) target(%arg9 : memref<64x128xf32, #tpu.memory_space<vmem>>) target_semaphore(%run_scoped3A : memref<!tpu.dma_semaphore, #tpu.memory_space<semaphore_mem>>)
      tpu.wait_dma2 semaphore(%run_scoped3A : memref<!tpu.dma_semaphore, #tpu.memory_space<semaphore_mem>>) src(%arg5 : memref<64x128xf32, #tpu.memory_space<hbm>>) dst(%arg9 : memref<64x128xf32, #tpu.memory_space<vmem>>)
      tpu.yield
    }) : () -> ()
    %add3A_6 = arith.constant 0 : i32
    %add3A_7 = arith.addi %mul3A_5, %add3A_6 : i32
    "tpu.region"() ({
      %run_scoped3A = tpu.sem_alloc : memref<!tpu.dma_semaphore, #tpu.memory_space<semaphore_mem>>
      %dma_start3A_479 = arith.constant 0 : i32
      %dma_start3A_480 = arith.constant 0 : i32
      %dma_start3A_481 = tpu.memref_slice %arg9[%dma_start3A_479, %dma_start3A_480] : memref<64x128xf32, #tpu.memory_space<vmem>> -> memref<64x128xf32, #tpu.memory_space<vmem>>
      %dma_start3A_482 = arith.constant 0 : i32
      %dma_start3A_483 = tpu.memref_slice %arg13[%add3A_7, %dma_start3A_482] : memref<10112x128xf32, #tpu.memory_space<vmem_shared>> -> memref<64x128xf32, #tpu.memory_space<vmem_shared>>
      %dma_start3A_484 = arith.constant 0 : i32
      %dma_start3A_485 = tpu.memref_slice %arg13[%add3A_7, %dma_start3A_484] : memref<10112x128xf32, #tpu.memory_space<vmem_shared>> -> memref<64x128xf32, #tpu.memory_space<vmem_shared>>
      %dma_start3A_486 = arith.constant 0 : i32
      %dma_start3A_487 = arith.constant 0 : i32
      %dma_start3A_488 = tpu.memref_slice %arg9[%dma_start3A_486, %dma_start3A_487] : memref<64x128xf32, #tpu.memory_space<vmem>> -> memref<64x128xf32, #tpu.memory_space<vmem>>
      tpu.enqueue_dma source(%dma_start3A_488 : memref<64x128xf32, #tpu.memory_space<vmem>>) target(%dma_start3A_485 : memref<64x128xf32, #tpu.memory_space<vmem_shared>>) target_semaphore(%run_scoped3A : memref<!tpu.dma_semaphore, #tpu.memory_space<semaphore_mem>>)
      %dma_wait3A_489 = arith.constant 0 : i32
      %dma_wait3A_490 = arith.constant 0 : i32
      %dma_wait3A_491 = tpu.memref_slice %arg9[%dma_wait3A_489, %dma_wait3A_490] : memref<64x128xf32, #tpu.memory_space<vmem>> -> memref<64x128xf32, #tpu.memory_space<vmem>>
      %dma_wait3A_492 = arith.constant 0 : i32
      %dma_wait3A_493 = tpu.memref_slice %arg13[%add3A_7, %dma_wait3A_492] : memref<10112x128xf32, #tpu.memory_space<vmem_shared>> -> memref<64x128xf32, #tpu.memory_space<vmem_shared>>
      %dma_wait3A_494 = arith.constant 0 : i32
      %dma_wait3A_495 = tpu.memref_slice %arg13[%add3A_7, %dma_wait3A_494] : memref<10112x128xf32, #tpu.memory_space<vmem_shared>> -> memref<64x128xf32, #tpu.memory_space<vmem_shared>>
      %dma_wait3A_496 = arith.constant 0 : i32
      %dma_wait3A_497 = arith.constant 0 : i32
      %dma_wait3A_498 = tpu.memref_slice %arg9[%dma_wait3A_496, %dma_wait3A_497] : memref<64x128xf32, #tpu.memory_space<vmem>> -> memref<64x128xf32, #tpu.memory_space<vmem>>
      tpu.wait_dma2 semaphore(%run_scoped3A : memref<!tpu.dma_semaphore, #tpu.memory_space<semaphore_mem>>) src(%dma_wait3A_498 : memref<64x128xf32, #tpu.memory_space<vmem>>) dst(%dma_wait3A_495 : memref<64x128xf32, #tpu.memory_space<vmem_shared>>)
      tpu.yield
    }) : () -> ()
    %add3A_8 = arith.constant 64 : i32
    %add3A_9 = arith.addi %mul3A_5, %add3A_8 : i32
    "tpu.region"() ({
      %run_scoped3A = tpu.sem_alloc : memref<!tpu.dma_semaphore, #tpu.memory_space<semaphore_mem>>
      %dma_start3A_479 = arith.constant 0 : i32
      %dma_start3A_480 = arith.constant 0 : i32
      %dma_start3A_481 = tpu.memref_slice %arg9[%dma_start3A_479, %dma_start3A_480] : memref<64x128xf32, #tpu.memory_space<vmem>> -> memref<64x128xf32, #tpu.memory_space<vmem>>
      %dma_start3A_482 = arith.constant 0 : i32
      %dma_start3A_483 = tpu.memref_slice %arg13[%add3A_9, %dma_start3A_482] : memref<10112x128xf32, #tpu.memory_space<vmem_shared>> -> memref<64x128xf32, #tpu.memory_space<vmem_shared>>
      %dma_start3A_484 = arith.constant 0 : i32
      %dma_start3A_485 = tpu.memref_slice %arg13[%add3A_9, %dma_start3A_484] : memref<10112x128xf32, #tpu.memory_space<vmem_shared>> -> memref<64x128xf32, #tpu.memory_space<vmem_shared>>
      %dma_start3A_486 = arith.constant 0 : i32
      %dma_start3A_487 = arith.constant 0 : i32
      %dma_start3A_488 = tpu.memref_slice %arg9[%dma_start3A_486, %dma_start3A_487] : memref<64x128xf32, #tpu.memory_space<vmem>> -> memref<64x128xf32, #tpu.memory_space<vmem>>
      tpu.enqueue_dma source(%dma_start3A_488 : memref<64x128xf32, #tpu.memory_space<vmem>>) target(%dma_start3A_485 : memref<64x128xf32, #tpu.memory_space<vmem_shared>>) target_semaphore(%run_scoped3A : memref<!tpu.dma_semaphore, #tpu.memory_space<semaphore_mem>>)
      %dma_wait3A_489 = arith.constant 0 : i32
      %dma_wait3A_490 = arith.constant 0 : i32
      %dma_wait3A_491 = tpu.memref_slice %arg9[%dma_wait3A_489, %dma_wait3A_490] : memref<64x128xf32, #tpu.memory_space<vmem>> -> memref<64x128xf32, #tpu.memory_space<vmem>>
      %dma_wait3A_492 = arith.constant 0 : i32
      %dma_wait3A_493 = tpu.memref_slice %arg13[%add3A_9, %dma_wait3A_492] : memref<10112x128xf32, #tpu.memory_space<vmem_shared>> -> memref<64x128xf32, #tpu.memory_space<vmem_shared>>
      %dma_wait3A_494 = arith.constant 0 : i32
      %dma_wait3A_495 = tpu.memref_slice %arg13[%add3A_9, %dma_wait3A_494] : memref<10112x128xf32, #tpu.memory_space<vmem_shared>> -> memref<64x128xf32, #tpu.memory_space<vmem_shared>>
      %dma_wait3A_496 = arith.constant 0 : i32
      %dma_wait3A_497 = arith.constant 0 : i32
      %dma_wait3A_498 = tpu.memref_slice %arg9[%dma_wait3A_496, %dma_wait3A_497] : memref<64x128xf32, #tpu.memory_space<vmem>> -> memref<64x128xf32, #tpu.memory_space<vmem>>
      tpu.wait_dma2 semaphore(%run_scoped3A : memref<!tpu.dma_semaphore, #tpu.memory_space<semaphore_mem>>) src(%dma_wait3A_498 : memref<64x128xf32, #tpu.memory_space<vmem>>) dst(%dma_wait3A_495 : memref<64x128xf32, #tpu.memory_space<vmem_shared>>)
      tpu.yield
    }) : () -> ()
    %add3A_10 = arith.constant 128 : i32
    %add3A_11 = arith.addi %mul3A_5, %add3A_10 : i32
    "tpu.region"() ({
      %run_scoped3A = tpu.sem_alloc : memref<!tpu.dma_semaphore, #tpu.memory_space<semaphore_mem>>
      %dma_start3A_479 = arith.constant 0 : i32
      %dma_start3A_480 = arith.constant 0 : i32
      %dma_start3A_481 = tpu.memref_slice %arg9[%dma_start3A_479, %dma_start3A_480] : memref<64x128xf32, #tpu.memory_space<vmem>> -> memref<64x128xf32, #tpu.memory_space<vmem>>
      %dma_start3A_482 = arith.constant 0 : i32
      %dma_start3A_483 = tpu.memref_slice %arg13[%add3A_11, %dma_start3A_482] : memref<10112x128xf32, #tpu.memory_space<vmem_shared>> -> memref<64x128xf32, #tpu.memory_space<vmem_shared>>
      %dma_start3A_484 = arith.constant 0 : i32
      %dma_start3A_485 = tpu.memref_slice %arg13[%add3A_11, %dma_start3A_484] : memref<10112x128xf32, #tpu.memory_space<vmem_shared>> -> memref<64x128xf32, #tpu.memory_space<vmem_shared>>
      %dma_start3A_486 = arith.constant 0 : i32
      %dma_start3A_487 = arith.constant 0 : i32
      %dma_start3A_488 = tpu.memref_slice %arg9[%dma_start3A_486, %dma_start3A_487] : memref<64x128xf32, #tpu.memory_space<vmem>> -> memref<64x128xf32, #tpu.memory_space<vmem>>
      tpu.enqueue_dma source(%dma_start3A_488 : memref<64x128xf32, #tpu.memory_space<vmem>>) target(%dma_start3A_485 : memref<64x128xf32, #tpu.memory_space<vmem_shared>>) target_semaphore(%run_scoped3A : memref<!tpu.dma_semaphore, #tpu.memory_space<semaphore_mem>>)
      %dma_wait3A_489 = arith.constant 0 : i32
      %dma_wait3A_490 = arith.constant 0 : i32
      %dma_wait3A_491 = tpu.memref_slice %arg9[%dma_wait3A_489, %dma_wait3A_490] : memref<64x128xf32, #tpu.memory_space<vmem>> -> memref<64x128xf32, #tpu.memory_space<vmem>>
      %dma_wait3A_492 = arith.constant 0 : i32
      %dma_wait3A_493 = tpu.memref_slice %arg13[%add3A_11, %dma_wait3A_492] : memref<10112x128xf32, #tpu.memory_space<vmem_shared>> -> memref<64x128xf32, #tpu.memory_space<vmem_shared>>
      %dma_wait3A_494 = arith.constant 0 : i32
      %dma_wait3A_495 = tpu.memref_slice %arg13[%add3A_11, %dma_wait3A_494] : memref<10112x128xf32, #tpu.memory_space<vmem_shared>> -> memref<64x128xf32, #tpu.memory_space<vmem_shared>>
      %dma_wait3A_496 = arith.constant 0 : i32
      %dma_wait3A_497 = arith.constant 0 : i32
      %dma_wait3A_498 = tpu.memref_slice %arg9[%dma_wait3A_496, %dma_wait3A_497] : memref<64x128xf32, #tpu.memory_space<vmem>> -> memref<64x128xf32, #tpu.memory_space<vmem>>
      tpu.wait_dma2 semaphore(%run_scoped3A : memref<!tpu.dma_semaphore, #tpu.memory_space<semaphore_mem>>) src(%dma_wait3A_498 : memref<64x128xf32, #tpu.memory_space<vmem>>) dst(%dma_wait3A_495 : memref<64x128xf32, #tpu.memory_space<vmem_shared>>)
      tpu.yield
    }) : () -> ()
    %add3A_12 = arith.constant 192 : i32
    %add3A_13 = arith.addi %mul3A_5, %add3A_12 : i32
    "tpu.region"() ({
      %run_scoped3A = tpu.sem_alloc : memref<!tpu.dma_semaphore, #tpu.memory_space<semaphore_mem>>
      %dma_start3A_479 = arith.constant 0 : i32
      %dma_start3A_480 = arith.constant 0 : i32
      %dma_start3A_481 = tpu.memref_slice %arg9[%dma_start3A_479, %dma_start3A_480] : memref<64x128xf32, #tpu.memory_space<vmem>> -> memref<64x128xf32, #tpu.memory_space<vmem>>
      %dma_start3A_482 = arith.constant 0 : i32
      %dma_start3A_483 = tpu.memref_slice %arg13[%add3A_13, %dma_start3A_482] : memref<10112x128xf32, #tpu.memory_space<vmem_shared>> -> memref<64x128xf32, #tpu.memory_space<vmem_shared>>
      %dma_start3A_484 = arith.constant 0 : i32
      %dma_start3A_485 = tpu.memref_slice %arg13[%add3A_13, %dma_start3A_484] : memref<10112x128xf32, #tpu.memory_space<vmem_shared>> -> memref<64x128xf32, #tpu.memory_space<vmem_shared>>
      %dma_start3A_486 = arith.constant 0 : i32
      %dma_start3A_487 = arith.constant 0 : i32
      %dma_start3A_488 = tpu.memref_slice %arg9[%dma_start3A_486, %dma_start3A_487] : memref<64x128xf32, #tpu.memory_space<vmem>> -> memref<64x128xf32, #tpu.memory_space<vmem>>
      tpu.enqueue_dma source(%dma_start3A_488 : memref<64x128xf32, #tpu.memory_space<vmem>>) target(%dma_start3A_485 : memref<64x128xf32, #tpu.memory_space<vmem_shared>>) target_semaphore(%run_scoped3A : memref<!tpu.dma_semaphore, #tpu.memory_space<semaphore_mem>>)
      %dma_wait3A_489 = arith.constant 0 : i32
      %dma_wait3A_490 = arith.constant 0 : i32
      %dma_wait3A_491 = tpu.memref_slice %arg9[%dma_wait3A_489, %dma_wait3A_490] : memref<64x128xf32, #tpu.memory_space<vmem>> -> memref<64x128xf32, #tpu.memory_space<vmem>>
      %dma_wait3A_492 = arith.constant 0 : i32
      %dma_wait3A_493 = tpu.memref_slice %arg13[%add3A_13, %dma_wait3A_492] : memref<10112x128xf32, #tpu.memory_space<vmem_shared>> -> memref<64x128xf32, #tpu.memory_space<vmem_shared>>
      %dma_wait3A_494 = arith.constant 0 : i32
      %dma_wait3A_495 = tpu.memref_slice %arg13[%add3A_13, %dma_wait3A_494] : memref<10112x128xf32, #tpu.memory_space<vmem_shared>> -> memref<64x128xf32, #tpu.memory_space<vmem_shared>>
      %dma_wait3A_496 = arith.constant 0 : i32
      %dma_wait3A_497 = arith.constant 0 : i32
      %dma_wait3A_498 = tpu.memref_slice %arg9[%dma_wait3A_496, %dma_wait3A_497] : memref<64x128xf32, #tpu.memory_space<vmem>> -> memref<64x128xf32, #tpu.memory_space<vmem>>
      tpu.wait_dma2 semaphore(%run_scoped3A : memref<!tpu.dma_semaphore, #tpu.memory_space<semaphore_mem>>) src(%dma_wait3A_498 : memref<64x128xf32, #tpu.memory_space<vmem>>) dst(%dma_wait3A_495 : memref<64x128xf32, #tpu.memory_space<vmem_shared>>)
      tpu.yield
    }) : () -> ()
    %add3A_14 = arith.constant 256 : i32
    %add3A_15 = arith.addi %mul3A_5, %add3A_14 : i32
    "tpu.region"() ({
      %run_scoped3A = tpu.sem_alloc : memref<!tpu.dma_semaphore, #tpu.memory_space<semaphore_mem>>
      %dma_start3A_479 = arith.constant 0 : i32
      %dma_start3A_480 = arith.constant 0 : i32
      %dma_start3A_481 = tpu.memref_slice %arg9[%dma_start3A_479, %dma_start3A_480] : memref<64x128xf32, #tpu.memory_space<vmem>> -> memref<64x128xf32, #tpu.memory_space<vmem>>
      %dma_start3A_482 = arith.constant 0 : i32
      %dma_start3A_483 = tpu.memref_slice %arg13[%add3A_15, %dma_start3A_482] : memref<10112x128xf32, #tpu.memory_space<vmem_shared>> -> memref<64x128xf32, #tpu.memory_space<vmem_shared>>
      %dma_start3A_484 = arith.constant 0 : i32
      %dma_start3A_485 = tpu.memref_slice %arg13[%add3A_15, %dma_start3A_484] : memref<10112x128xf32, #tpu.memory_space<vmem_shared>> -> memref<64x128xf32, #tpu.memory_space<vmem_shared>>
      %dma_start3A_486 = arith.constant 0 : i32
      %dma_start3A_487 = arith.constant 0 : i32
      %dma_start3A_488 = tpu.memref_slice %arg9[%dma_start3A_486, %dma_start3A_487] : memref<64x128xf32, #tpu.memory_space<vmem>> -> memref<64x128xf32, #tpu.memory_space<vmem>>
      tpu.enqueue_dma source(%dma_start3A_488 : memref<64x128xf32, #tpu.memory_space<vmem>>) target(%dma_start3A_485 : memref<64x128xf32, #tpu.memory_space<vmem_shared>>) target_semaphore(%run_scoped3A : memref<!tpu.dma_semaphore, #tpu.memory_space<semaphore_mem>>)
      %dma_wait3A_489 = arith.constant 0 : i32
      %dma_wait3A_490 = arith.constant 0 : i32
      %dma_wait3A_491 = tpu.memref_slice %arg9[%dma_wait3A_489, %dma_wait3A_490] : memref<64x128xf32, #tpu.memory_space<vmem>> -> memref<64x128xf32, #tpu.memory_space<vmem>>
      %dma_wait3A_492 = arith.constant 0 : i32
      %dma_wait3A_493 = tpu.memref_slice %arg13[%add3A_15, %dma_wait3A_492] : memref<10112x128xf32, #tpu.memory_space<vmem_shared>> -> memref<64x128xf32, #tpu.memory_space<vmem_shared>>
      %dma_wait3A_494 = arith.constant 0 : i32
      %dma_wait3A_495 = tpu.memref_slice %arg13[%add3A_15, %dma_wait3A_494] : memref<10112x128xf32, #tpu.memory_space<vmem_shared>> -> memref<64x128xf32, #tpu.memory_space<vmem_shared>>
      %dma_wait3A_496 = arith.constant 0 : i32
      %dma_wait3A_497 = arith.constant 0 : i32
      %dma_wait3A_498 = tpu.memref_slice %arg9[%dma_wait3A_496, %dma_wait3A_497] : memref<64x128xf32, #tpu.memory_space<vmem>> -> memref<64x128xf32, #tpu.memory_space<vmem>>
      tpu.wait_dma2 semaphore(%run_scoped3A : memref<!tpu.dma_semaphore, #tpu.memory_space<semaphore_mem>>) src(%dma_wait3A_498 : memref<64x128xf32, #tpu.memory_space<vmem>>) dst(%dma_wait3A_495 : memref<64x128xf32, #tpu.memory_space<vmem_shared>>)
      tpu.yield
    }) : () -> ()
    %add3A_16 = arith.constant 320 : i32
    %add3A_17 = arith.addi %mul3A_5, %add3A_16 : i32
    "tpu.region"() ({
      %run_scoped3A = tpu.sem_alloc : memref<!tpu.dma_semaphore, #tpu.memory_space<semaphore_mem>>
      %dma_start3A_479 = arith.constant 0 : i32
      %dma_start3A_480 = arith.constant 0 : i32
      %dma_start3A_481 = tpu.memref_slice %arg9[%dma_start3A_479, %dma_start3A_480] : memref<64x128xf32, #tpu.memory_space<vmem>> -> memref<64x128xf32, #tpu.memory_space<vmem>>
      %dma_start3A_482 = arith.constant 0 : i32
      %dma_start3A_483 = tpu.memref_slice %arg13[%add3A_17, %dma_start3A_482] : memref<10112x128xf32, #tpu.memory_space<vmem_shared>> -> memref<64x128xf32, #tpu.memory_space<vmem_shared>>
      %dma_start3A_484 = arith.constant 0 : i32
      %dma_start3A_485 = tpu.memref_slice %arg13[%add3A_17, %dma_start3A_484] : memref<10112x128xf32, #tpu.memory_space<vmem_shared>> -> memref<64x128xf32, #tpu.memory_space<vmem_shared>>
      %dma_start3A_486 = arith.constant 0 : i32
      %dma_start3A_487 = arith.constant 0 : i32
      %dma_start3A_488 = tpu.memref_slice %arg9[%dma_start3A_486, %dma_start3A_487] : memref<64x128xf32, #tpu.memory_space<vmem>> -> memref<64x128xf32, #tpu.memory_space<vmem>>
      tpu.enqueue_dma source(%dma_start3A_488 : memref<64x128xf32, #tpu.memory_space<vmem>>) target(%dma_start3A_485 : memref<64x128xf32, #tpu.memory_space<vmem_shared>>) target_semaphore(%run_scoped3A : memref<!tpu.dma_semaphore, #tpu.memory_space<semaphore_mem>>)
      %dma_wait3A_489 = arith.constant 0 : i32
      %dma_wait3A_490 = arith.constant 0 : i32
      %dma_wait3A_491 = tpu.memref_slice %arg9[%dma_wait3A_489, %dma_wait3A_490] : memref<64x128xf32, #tpu.memory_space<vmem>> -> memref<64x128xf32, #tpu.memory_space<vmem>>
      %dma_wait3A_492 = arith.constant 0 : i32
      %dma_wait3A_493 = tpu.memref_slice %arg13[%add3A_17, %dma_wait3A_492] : memref<10112x128xf32, #tpu.memory_space<vmem_shared>> -> memref<64x128xf32, #tpu.memory_space<vmem_shared>>
      %dma_wait3A_494 = arith.constant 0 : i32
      %dma_wait3A_495 = tpu.memref_slice %arg13[%add3A_17, %dma_wait3A_494] : memref<10112x128xf32, #tpu.memory_space<vmem_shared>> -> memref<64x128xf32, #tpu.memory_space<vmem_shared>>
      %dma_wait3A_496 = arith.constant 0 : i32
      %dma_wait3A_497 = arith.constant 0 : i32
      %dma_wait3A_498 = tpu.memref_slice %arg9[%dma_wait3A_496, %dma_wait3A_497] : memref<64x128xf32, #tpu.memory_space<vmem>> -> memref<64x128xf32, #tpu.memory_space<vmem>>
      tpu.wait_dma2 semaphore(%run_scoped3A : memref<!tpu.dma_semaphore, #tpu.memory_space<semaphore_mem>>) src(%dma_wait3A_498 : memref<64x128xf32, #tpu.memory_space<vmem>>) dst(%dma_wait3A_495 : memref<64x128xf32, #tpu.memory_space<vmem_shared>>)
      tpu.yield
    }) : () -> ()
    %add3A_18 = arith.constant 384 : i32
    %add3A_19 = arith.addi %mul3A_5, %add3A_18 : i32
    "tpu.region"() ({
      %run_scoped3A = tpu.sem_alloc : memref<!tpu.dma_semaphore, #tpu.memory_space<semaphore_mem>>
      %dma_start3A_479 = arith.constant 0 : i32
      %dma_start3A_480 = arith.constant 0 : i32
      %dma_start3A_481 = tpu.memref_slice %arg9[%dma_start3A_479, %dma_start3A_480] : memref<64x128xf32, #tpu.memory_space<vmem>> -> memref<64x128xf32, #tpu.memory_space<vmem>>
      %dma_start3A_482 = arith.constant 0 : i32
      %dma_start3A_483 = tpu.memref_slice %arg13[%add3A_19, %dma_start3A_482] : memref<10112x128xf32, #tpu.memory_space<vmem_shared>> -> memref<64x128xf32, #tpu.memory_space<vmem_shared>>
      %dma_start3A_484 = arith.constant 0 : i32
      %dma_start3A_485 = tpu.memref_slice %arg13[%add3A_19, %dma_start3A_484] : memref<10112x128xf32, #tpu.memory_space<vmem_shared>> -> memref<64x128xf32, #tpu.memory_space<vmem_shared>>
      %dma_start3A_486 = arith.constant 0 : i32
      %dma_start3A_487 = arith.constant 0 : i32
      %dma_start3A_488 = tpu.memref_slice %arg9[%dma_start3A_486, %dma_start3A_487] : memref<64x128xf32, #tpu.memory_space<vmem>> -> memref<64x128xf32, #tpu.memory_space<vmem>>
      tpu.enqueue_dma source(%dma_start3A_488 : memref<64x128xf32, #tpu.memory_space<vmem>>) target(%dma_start3A_485 : memref<64x128xf32, #tpu.memory_space<vmem_shared>>) target_semaphore(%run_scoped3A : memref<!tpu.dma_semaphore, #tpu.memory_space<semaphore_mem>>)
      %dma_wait3A_489 = arith.constant 0 : i32
      %dma_wait3A_490 = arith.constant 0 : i32
      %dma_wait3A_491 = tpu.memref_slice %arg9[%dma_wait3A_489, %dma_wait3A_490] : memref<64x128xf32, #tpu.memory_space<vmem>> -> memref<64x128xf32, #tpu.memory_space<vmem>>
      %dma_wait3A_492 = arith.constant 0 : i32
      %dma_wait3A_493 = tpu.memref_slice %arg13[%add3A_19, %dma_wait3A_492] : memref<10112x128xf32, #tpu.memory_space<vmem_shared>> -> memref<64x128xf32, #tpu.memory_space<vmem_shared>>
      %dma_wait3A_494 = arith.constant 0 : i32
      %dma_wait3A_495 = tpu.memref_slice %arg13[%add3A_19, %dma_wait3A_494] : memref<10112x128xf32, #tpu.memory_space<vmem_shared>> -> memref<64x128xf32, #tpu.memory_space<vmem_shared>>
      %dma_wait3A_496 = arith.constant 0 : i32
      %dma_wait3A_497 = arith.constant 0 : i32
      %dma_wait3A_498 = tpu.memref_slice %arg9[%dma_wait3A_496, %dma_wait3A_497] : memref<64x128xf32, #tpu.memory_space<vmem>> -> memref<64x128xf32, #tpu.memory_space<vmem>>
      tpu.wait_dma2 semaphore(%run_scoped3A : memref<!tpu.dma_semaphore, #tpu.memory_space<semaphore_mem>>) src(%dma_wait3A_498 : memref<64x128xf32, #tpu.memory_space<vmem>>) dst(%dma_wait3A_495 : memref<64x128xf32, #tpu.memory_space<vmem_shared>>)
      tpu.yield
    }) : () -> ()
    %add3A_20 = arith.constant 448 : i32
    %add3A_21 = arith.addi %mul3A_5, %add3A_20 : i32
    "tpu.region"() ({
      %run_scoped3A = tpu.sem_alloc : memref<!tpu.dma_semaphore, #tpu.memory_space<semaphore_mem>>
      %dma_start3A_479 = arith.constant 0 : i32
      %dma_start3A_480 = arith.constant 0 : i32
      %dma_start3A_481 = tpu.memref_slice %arg9[%dma_start3A_479, %dma_start3A_480] : memref<64x128xf32, #tpu.memory_space<vmem>> -> memref<64x128xf32, #tpu.memory_space<vmem>>
      %dma_start3A_482 = arith.constant 0 : i32
      %dma_start3A_483 = tpu.memref_slice %arg13[%add3A_21, %dma_start3A_482] : memref<10112x128xf32, #tpu.memory_space<vmem_shared>> -> memref<64x128xf32, #tpu.memory_space<vmem_shared>>
      %dma_start3A_484 = arith.constant 0 : i32
      %dma_start3A_485 = tpu.memref_slice %arg13[%add3A_21, %dma_start3A_484] : memref<10112x128xf32, #tpu.memory_space<vmem_shared>> -> memref<64x128xf32, #tpu.memory_space<vmem_shared>>
      %dma_start3A_486 = arith.constant 0 : i32
      %dma_start3A_487 = arith.constant 0 : i32
      %dma_start3A_488 = tpu.memref_slice %arg9[%dma_start3A_486, %dma_start3A_487] : memref<64x128xf32, #tpu.memory_space<vmem>> -> memref<64x128xf32, #tpu.memory_space<vmem>>
      tpu.enqueue_dma source(%dma_start3A_488 : memref<64x128xf32, #tpu.memory_space<vmem>>) target(%dma_start3A_485 : memref<64x128xf32, #tpu.memory_space<vmem_shared>>) target_semaphore(%run_scoped3A : memref<!tpu.dma_semaphore, #tpu.memory_space<semaphore_mem>>)
      %dma_wait3A_489 = arith.constant 0 : i32
      %dma_wait3A_490 = arith.constant 0 : i32
      %dma_wait3A_491 = tpu.memref_slice %arg9[%dma_wait3A_489, %dma_wait3A_490] : memref<64x128xf32, #tpu.memory_space<vmem>> -> memref<64x128xf32, #tpu.memory_space<vmem>>
      %dma_wait3A_492 = arith.constant 0 : i32
      %dma_wait3A_493 = tpu.memref_slice %arg13[%add3A_21, %dma_wait3A_492] : memref<10112x128xf32, #tpu.memory_space<vmem_shared>> -> memref<64x128xf32, #tpu.memory_space<vmem_shared>>
      %dma_wait3A_494 = arith.constant 0 : i32
      %dma_wait3A_495 = tpu.memref_slice %arg13[%add3A_21, %dma_wait3A_494] : memref<10112x128xf32, #tpu.memory_space<vmem_shared>> -> memref<64x128xf32, #tpu.memory_space<vmem_shared>>
      %dma_wait3A_496 = arith.constant 0 : i32
      %dma_wait3A_497 = arith.constant 0 : i32
      %dma_wait3A_498 = tpu.memref_slice %arg9[%dma_wait3A_496, %dma_wait3A_497] : memref<64x128xf32, #tpu.memory_space<vmem>> -> memref<64x128xf32, #tpu.memory_space<vmem>>
      tpu.wait_dma2 semaphore(%run_scoped3A : memref<!tpu.dma_semaphore, #tpu.memory_space<semaphore_mem>>) src(%dma_wait3A_498 : memref<64x128xf32, #tpu.memory_space<vmem>>) dst(%dma_wait3A_495 : memref<64x128xf32, #tpu.memory_space<vmem_shared>>)
      tpu.yield
    }) : () -> ()
    %add3A_22 = arith.constant 512 : i32
    %add3A_23 = arith.addi %mul3A_5, %add3A_22 : i32
    "tpu.region"() ({
      %run_scoped3A = tpu.sem_alloc : memref<!tpu.dma_semaphore, #tpu.memory_space<semaphore_mem>>
      %dma_start3A_479 = arith.constant 0 : i32
      %dma_start3A_480 = arith.constant 0 : i32
      %dma_start3A_481 = tpu.memref_slice %arg9[%dma_start3A_479, %dma_start3A_480] : memref<64x128xf32, #tpu.memory_space<vmem>> -> memref<64x128xf32, #tpu.memory_space<vmem>>
      %dma_start3A_482 = arith.constant 0 : i32
      %dma_start3A_483 = tpu.memref_slice %arg13[%add3A_23, %dma_start3A_482] : memref<10112x128xf32, #tpu.memory_space<vmem_shared>> -> memref<64x128xf32, #tpu.memory_space<vmem_shared>>
      %dma_start3A_484 = arith.constant 0 : i32
      %dma_start3A_485 = tpu.memref_slice %arg13[%add3A_23, %dma_start3A_484] : memref<10112x128xf32, #tpu.memory_space<vmem_shared>> -> memref<64x128xf32, #tpu.memory_space<vmem_shared>>
      %dma_start3A_486 = arith.constant 0 : i32
      %dma_start3A_487 = arith.constant 0 : i32
      %dma_start3A_488 = tpu.memref_slice %arg9[%dma_start3A_486, %dma_start3A_487] : memref<64x128xf32, #tpu.memory_space<vmem>> -> memref<64x128xf32, #tpu.memory_space<vmem>>
      tpu.enqueue_dma source(%dma_start3A_488 : memref<64x128xf32, #tpu.memory_space<vmem>>) target(%dma_start3A_485 : memref<64x128xf32, #tpu.memory_space<vmem_shared>>) target_semaphore(%run_scoped3A : memref<!tpu.dma_semaphore, #tpu.memory_space<semaphore_mem>>)
      %dma_wait3A_489 = arith.constant 0 : i32
      %dma_wait3A_490 = arith.constant 0 : i32
      %dma_wait3A_491 = tpu.memref_slice %arg9[%dma_wait3A_489, %dma_wait3A_490] : memref<64x128xf32, #tpu.memory_space<vmem>> -> memref<64x128xf32, #tpu.memory_space<vmem>>
      %dma_wait3A_492 = arith.constant 0 : i32
      %dma_wait3A_493 = tpu.memref_slice %arg13[%add3A_23, %dma_wait3A_492] : memref<10112x128xf32, #tpu.memory_space<vmem_shared>> -> memref<64x128xf32, #tpu.memory_space<vmem_shared>>
      %dma_wait3A_494 = arith.constant 0 : i32
      %dma_wait3A_495 = tpu.memref_slice %arg13[%add3A_23, %dma_wait3A_494] : memref<10112x128xf32, #tpu.memory_space<vmem_shared>> -> memref<64x128xf32, #tpu.memory_space<vmem_shared>>
      %dma_wait3A_496 = arith.constant 0 : i32
      %dma_wait3A_497 = arith.constant 0 : i32
      %dma_wait3A_498 = tpu.memref_slice %arg9[%dma_wait3A_496, %dma_wait3A_497] : memref<64x128xf32, #tpu.memory_space<vmem>> -> memref<64x128xf32, #tpu.memory_space<vmem>>
      tpu.wait_dma2 semaphore(%run_scoped3A : memref<!tpu.dma_semaphore, #tpu.memory_space<semaphore_mem>>) src(%dma_wait3A_498 : memref<64x128xf32, #tpu.memory_space<vmem>>) dst(%dma_wait3A_495 : memref<64x128xf32, #tpu.memory_space<vmem_shared>>)
      tpu.yield
    }) : () -> ()
    %add3A_24 = arith.constant 576 : i32
    %add3A_25 = arith.addi %mul3A_5, %add3A_24 : i32
    "tpu.region"() ({
      %run_scoped3A = tpu.sem_alloc : memref<!tpu.dma_semaphore, #tpu.memory_space<semaphore_mem>>
      %dma_start3A_479 = arith.constant 0 : i32
      %dma_start3A_480 = arith.constant 0 : i32
      %dma_start3A_481 = tpu.memref_slice %arg9[%dma_start3A_479, %dma_start3A_480] : memref<64x128xf32, #tpu.memory_space<vmem>> -> memref<56x128xf32, #tpu.memory_space<vmem>>
      %dma_start3A_482 = arith.constant 0 : i32
      %dma_start3A_483 = tpu.memref_slice %arg13[%add3A_25, %dma_start3A_482] : memref<10112x128xf32, #tpu.memory_space<vmem_shared>> -> memref<56x128xf32, #tpu.memory_space<vmem_shared>>
      %dma_start3A_484 = arith.constant 0 : i32
      %dma_start3A_485 = tpu.memref_slice %arg13[%add3A_25, %dma_start3A_484] : memref<10112x128xf32, #tpu.memory_space<vmem_shared>> -> memref<56x128xf32, #tpu.memory_space<vmem_shared>>
      %dma_start3A_486 = arith.constant 0 : i32
      %dma_start3A_487 = arith.constant 0 : i32
      %dma_start3A_488 = tpu.memref_slice %arg9[%dma_start3A_486, %dma_start3A_487] : memref<64x128xf32, #tpu.memory_space<vmem>> -> memref<56x128xf32, #tpu.memory_space<vmem>>
      tpu.enqueue_dma source(%dma_start3A_488 : memref<56x128xf32, #tpu.memory_space<vmem>>) target(%dma_start3A_485 : memref<56x128xf32, #tpu.memory_space<vmem_shared>>) target_semaphore(%run_scoped3A : memref<!tpu.dma_semaphore, #tpu.memory_space<semaphore_mem>>)
      %dma_wait3A_489 = arith.constant 0 : i32
      %dma_wait3A_490 = arith.constant 0 : i32
      %dma_wait3A_491 = tpu.memref_slice %arg9[%dma_wait3A_489, %dma_wait3A_490] : memref<64x128xf32, #tpu.memory_space<vmem>> -> memref<56x128xf32, #tpu.memory_space<vmem>>
      %dma_wait3A_492 = arith.constant 0 : i32
      %dma_wait3A_493 = tpu.memref_slice %arg13[%add3A_25, %dma_wait3A_492] : memref<10112x128xf32, #tpu.memory_space<vmem_shared>> -> memref<56x128xf32, #tpu.memory_space<vmem_shared>>
      %dma_wait3A_494 = arith.constant 0 : i32
      %dma_wait3A_495 = tpu.memref_slice %arg13[%add3A_25, %dma_wait3A_494] : memref<10112x128xf32, #tpu.memory_space<vmem_shared>> -> memref<56x128xf32, #tpu.memory_space<vmem_shared>>
      %dma_wait3A_496 = arith.constant 0 : i32
      %dma_wait3A_497 = arith.constant 0 : i32
      %dma_wait3A_498 = tpu.memref_slice %arg9[%dma_wait3A_496, %dma_wait3A_497] : memref<64x128xf32, #tpu.memory_space<vmem>> -> memref<56x128xf32, #tpu.memory_space<vmem>>
      tpu.wait_dma2 semaphore(%run_scoped3A : memref<!tpu.dma_semaphore, #tpu.memory_space<semaphore_mem>>) src(%dma_wait3A_498 : memref<56x128xf32, #tpu.memory_space<vmem>>) dst(%dma_wait3A_495 : memref<56x128xf32, #tpu.memory_space<vmem_shared>>)
      tpu.yield
    }) : () -> ()
    %barrier3A = arith.constant 0 : index
    tpu.barrier barrier_id(%barrier3A)
    %add3A_26 = arith.constant 0 : i32
    %add3A_27 = arith.addi %add3A, %add3A_26 : i32
    %dma_start3A = arith.constant 0 : i32
    %dma_start3A_28 = arith.constant 0 : i32
    %dma_start3A_29 = tpu.memref_slice %arg7[%dma_start3A, %dma_start3A_28] : memref<8x64xi32, #tpu.memory_space<vmem>> -> memref<1x64xi32, #tpu.memory_space<vmem>>
    %dma_start3A_30 = tpu.memref_squeeze %dma_start3A_29 : memref<1x64xi32, #tpu.memory_space<vmem>> -> memref<64xi32, #tpu.memory_space<vmem>>
    %dma_start3A_31 = arith.constant 0 : i32
    %dma_start3A_32 = tpu.memref_slice %arg3[%add3A_27, %dma_start3A_31] : memref<5120x64xi32, #tpu.memory_space<hbm>> -> memref<1x64xi32, #tpu.memory_space<hbm>>
    %dma_start3A_33 = tpu.memref_squeeze %dma_start3A_32 : memref<1x64xi32, #tpu.memory_space<hbm>> -> memref<64xi32, #tpu.memory_space<hbm>>
    %dma_start3A_34 = arith.constant 0 : i32
    %dma_start3A_35 = tpu.memref_slice %arg7[%dma_start3A, %dma_start3A_34] : memref<8x64xi32, #tpu.memory_space<vmem>> -> memref<1x64xi32, #tpu.memory_space<vmem>>
    %dma_start3A_36 = tpu.memref_squeeze %dma_start3A_35 : memref<1x64xi32, #tpu.memory_space<vmem>> -> memref<64xi32, #tpu.memory_space<vmem>>
    %dma_start3A_37 = arith.constant 0 : i32
    %dma_start3A_38 = tpu.memref_slice %arg3[%add3A_27, %dma_start3A_37] : memref<5120x64xi32, #tpu.memory_space<hbm>> -> memref<1x64xi32, #tpu.memory_space<hbm>>
    %dma_start3A_39 = tpu.memref_squeeze %dma_start3A_38 : memref<1x64xi32, #tpu.memory_space<hbm>> -> memref<64xi32, #tpu.memory_space<hbm>>
    tpu.enqueue_dma source(%dma_start3A_39 : memref<64xi32, #tpu.memory_space<hbm>>) target(%dma_start3A_36 : memref<64xi32, #tpu.memory_space<vmem>>) target_semaphore(%arg18 : memref<!tpu.dma_semaphore, #tpu.memory_space<semaphore_mem>>)
    %add3A_40 = arith.constant 0 : i32
    %add3A_41 = arith.addi %add3A, %add3A_40 : i32
    %dma_start3A_42 = arith.constant 0 : i32
    %dma_start3A_43 = arith.constant 0 : i32
    %dma_start3A_44 = tpu.memref_slice %arg8[%dma_start3A_42, %dma_start3A_43] : memref<8x64xi32, #tpu.memory_space<vmem>> -> memref<1x64xi32, #tpu.memory_space<vmem>>
    %dma_start3A_45 = tpu.memref_squeeze %dma_start3A_44 : memref<1x64xi32, #tpu.memory_space<vmem>> -> memref<64xi32, #tpu.memory_space<vmem>>
    %dma_start3A_46 = arith.constant 0 : i32
    %dma_start3A_47 = tpu.memref_slice %arg4[%add3A_41, %dma_start3A_46] : memref<5120x64xi32, #tpu.memory_space<hbm>> -> memref<1x64xi32, #tpu.memory_space<hbm>>
    %dma_start3A_48 = tpu.memref_squeeze %dma_start3A_47 : memref<1x64xi32, #tpu.memory_space<hbm>> -> memref<64xi32, #tpu.memory_space<hbm>>
    %dma_start3A_49 = arith.constant 0 : i32
    %dma_start3A_50 = tpu.memref_slice %arg8[%dma_start3A_42, %dma_start3A_49] : memref<8x64xi32, #tpu.memory_space<vmem>> -> memref<1x64xi32, #tpu.memory_space<vmem>>
    %dma_start3A_51 = tpu.memref_squeeze %dma_start3A_50 : memref<1x64xi32, #tpu.memory_space<vmem>> -> memref<64xi32, #tpu.memory_space<vmem>>
    %dma_start3A_52 = arith.constant 0 : i32
    %dma_start3A_53 = tpu.memref_slice %arg4[%add3A_41, %dma_start3A_52] : memref<5120x64xi32, #tpu.memory_space<hbm>> -> memref<1x64xi32, #tpu.memory_space<hbm>>
    %dma_start3A_54 = tpu.memref_squeeze %dma_start3A_53 : memref<1x64xi32, #tpu.memory_space<hbm>> -> memref<64xi32, #tpu.memory_space<hbm>>
    tpu.enqueue_dma source(%dma_start3A_54 : memref<64xi32, #tpu.memory_space<hbm>>) target(%dma_start3A_51 : memref<64xi32, #tpu.memory_space<vmem>>) target_semaphore(%arg18 : memref<!tpu.dma_semaphore, #tpu.memory_space<semaphore_mem>>)
    %add3A_55 = arith.constant 1 : i32
    %add3A_56 = arith.addi %add3A, %add3A_55 : i32
    %dma_start3A_57 = arith.constant 1 : i32
    %dma_start3A_58 = arith.constant 0 : i32
    %dma_start3A_59 = tpu.memref_slice %arg7[%dma_start3A_57, %dma_start3A_58] : memref<8x64xi32, #tpu.memory_space<vmem>> -> memref<1x64xi32, #tpu.memory_space<vmem>>
    %dma_start3A_60 = tpu.memref_squeeze %dma_start3A_59 : memref<1x64xi32, #tpu.memory_space<vmem>> -> memref<64xi32, #tpu.memory_space<vmem>>
    %dma_start3A_61 = arith.constant 0 : i32
    %dma_start3A_62 = tpu.memref_slice %arg3[%add3A_56, %dma_start3A_61] : memref<5120x64xi32, #tpu.memory_space<hbm>> -> memref<1x64xi32, #tpu.memory_space<hbm>>
    %dma_start3A_63 = tpu.memref_squeeze %dma_start3A_62 : memref<1x64xi32, #tpu.memory_space<hbm>> -> memref<64xi32, #tpu.memory_space<hbm>>
    %dma_start3A_64 = arith.constant 0 : i32
    %dma_start3A_65 = tpu.memref_slice %arg7[%dma_start3A_57, %dma_start3A_64] : memref<8x64xi32, #tpu.memory_space<vmem>> -> memref<1x64xi32, #tpu.memory_space<vmem>>
    %dma_start3A_66 = tpu.memref_squeeze %dma_start3A_65 : memref<1x64xi32, #tpu.memory_space<vmem>> -> memref<64xi32, #tpu.memory_space<vmem>>
    %dma_start3A_67 = arith.constant 0 : i32
    %dma_start3A_68 = tpu.memref_slice %arg3[%add3A_56, %dma_start3A_67] : memref<5120x64xi32, #tpu.memory_space<hbm>> -> memref<1x64xi32, #tpu.memory_space<hbm>>
    %dma_start3A_69 = tpu.memref_squeeze %dma_start3A_68 : memref<1x64xi32, #tpu.memory_space<hbm>> -> memref<64xi32, #tpu.memory_space<hbm>>
    tpu.enqueue_dma source(%dma_start3A_69 : memref<64xi32, #tpu.memory_space<hbm>>) target(%dma_start3A_66 : memref<64xi32, #tpu.memory_space<vmem>>) target_semaphore(%arg19 : memref<!tpu.dma_semaphore, #tpu.memory_space<semaphore_mem>>)
    %add3A_70 = arith.constant 1 : i32
    %add3A_71 = arith.addi %add3A, %add3A_70 : i32
    %dma_start3A_72 = arith.constant 1 : i32
    %dma_start3A_73 = arith.constant 0 : i32
    %dma_start3A_74 = tpu.memref_slice %arg8[%dma_start3A_72, %dma_start3A_73] : memref<8x64xi32, #tpu.memory_space<vmem>> -> memref<1x64xi32, #tpu.memory_space<vmem>>
    %dma_start3A_75 = tpu.memref_squeeze %dma_start3A_74 : memref<1x64xi32, #tpu.memory_space<vmem>> -> memref<64xi32, #tpu.memory_space<vmem>>
    %dma_start3A_76 = arith.constant 0 : i32
    %dma_start3A_77 = tpu.memref_slice %arg4[%add3A_71, %dma_start3A_76] : memref<5120x64xi32, #tpu.memory_space<hbm>> -> memref<1x64xi32, #tpu.memory_space<hbm>>
    %dma_start3A_78 = tpu.memref_squeeze %dma_start3A_77 : memref<1x64xi32, #tpu.memory_space<hbm>> -> memref<64xi32, #tpu.memory_space<hbm>>
    %dma_start3A_79 = arith.constant 0 : i32
    %dma_start3A_80 = tpu.memref_slice %arg8[%dma_start3A_72, %dma_start3A_79] : memref<8x64xi32, #tpu.memory_space<vmem>> -> memref<1x64xi32, #tpu.memory_space<vmem>>
    %dma_start3A_81 = tpu.memref_squeeze %dma_start3A_80 : memref<1x64xi32, #tpu.memory_space<vmem>> -> memref<64xi32, #tpu.memory_space<vmem>>
    %dma_start3A_82 = arith.constant 0 : i32
    %dma_start3A_83 = tpu.memref_slice %arg4[%add3A_71, %dma_start3A_82] : memref<5120x64xi32, #tpu.memory_space<hbm>> -> memref<1x64xi32, #tpu.memory_space<hbm>>
    %dma_start3A_84 = tpu.memref_squeeze %dma_start3A_83 : memref<1x64xi32, #tpu.memory_space<hbm>> -> memref<64xi32, #tpu.memory_space<hbm>>
    tpu.enqueue_dma source(%dma_start3A_84 : memref<64xi32, #tpu.memory_space<hbm>>) target(%dma_start3A_81 : memref<64xi32, #tpu.memory_space<vmem>>) target_semaphore(%arg19 : memref<!tpu.dma_semaphore, #tpu.memory_space<semaphore_mem>>)
    %add3A_85 = arith.constant 2 : i32
    %add3A_86 = arith.addi %add3A, %add3A_85 : i32
    %dma_start3A_87 = arith.constant 2 : i32
    %dma_start3A_88 = arith.constant 0 : i32
    %dma_start3A_89 = tpu.memref_slice %arg7[%dma_start3A_87, %dma_start3A_88] : memref<8x64xi32, #tpu.memory_space<vmem>> -> memref<1x64xi32, #tpu.memory_space<vmem>>
    %dma_start3A_90 = tpu.memref_squeeze %dma_start3A_89 : memref<1x64xi32, #tpu.memory_space<vmem>> -> memref<64xi32, #tpu.memory_space<vmem>>
    %dma_start3A_91 = arith.constant 0 : i32
    %dma_start3A_92 = tpu.memref_slice %arg3[%add3A_86, %dma_start3A_91] : memref<5120x64xi32, #tpu.memory_space<hbm>> -> memref<1x64xi32, #tpu.memory_space<hbm>>
    %dma_start3A_93 = tpu.memref_squeeze %dma_start3A_92 : memref<1x64xi32, #tpu.memory_space<hbm>> -> memref<64xi32, #tpu.memory_space<hbm>>
    %dma_start3A_94 = arith.constant 0 : i32
    %dma_start3A_95 = tpu.memref_slice %arg7[%dma_start3A_87, %dma_start3A_94] : memref<8x64xi32, #tpu.memory_space<vmem>> -> memref<1x64xi32, #tpu.memory_space<vmem>>
    %dma_start3A_96 = tpu.memref_squeeze %dma_start3A_95 : memref<1x64xi32, #tpu.memory_space<vmem>> -> memref<64xi32, #tpu.memory_space<vmem>>
    %dma_start3A_97 = arith.constant 0 : i32
    %dma_start3A_98 = tpu.memref_slice %arg3[%add3A_86, %dma_start3A_97] : memref<5120x64xi32, #tpu.memory_space<hbm>> -> memref<1x64xi32, #tpu.memory_space<hbm>>
    %dma_start3A_99 = tpu.memref_squeeze %dma_start3A_98 : memref<1x64xi32, #tpu.memory_space<hbm>> -> memref<64xi32, #tpu.memory_space<hbm>>
    tpu.enqueue_dma source(%dma_start3A_99 : memref<64xi32, #tpu.memory_space<hbm>>) target(%dma_start3A_96 : memref<64xi32, #tpu.memory_space<vmem>>) target_semaphore(%arg20 : memref<!tpu.dma_semaphore, #tpu.memory_space<semaphore_mem>>)
    %add3A_100 = arith.constant 2 : i32
    %add3A_101 = arith.addi %add3A, %add3A_100 : i32
    %dma_start3A_102 = arith.constant 2 : i32
    %dma_start3A_103 = arith.constant 0 : i32
    %dma_start3A_104 = tpu.memref_slice %arg8[%dma_start3A_102, %dma_start3A_103] : memref<8x64xi32, #tpu.memory_space<vmem>> -> memref<1x64xi32, #tpu.memory_space<vmem>>
    %dma_start3A_105 = tpu.memref_squeeze %dma_start3A_104 : memref<1x64xi32, #tpu.memory_space<vmem>> -> memref<64xi32, #tpu.memory_space<vmem>>
    %dma_start3A_106 = arith.constant 0 : i32
    %dma_start3A_107 = tpu.memref_slice %arg4[%add3A_101, %dma_start3A_106] : memref<5120x64xi32, #tpu.memory_space<hbm>> -> memref<1x64xi32, #tpu.memory_space<hbm>>
    %dma_start3A_108 = tpu.memref_squeeze %dma_start3A_107 : memref<1x64xi32, #tpu.memory_space<hbm>> -> memref<64xi32, #tpu.memory_space<hbm>>
    %dma_start3A_109 = arith.constant 0 : i32
    %dma_start3A_110 = tpu.memref_slice %arg8[%dma_start3A_102, %dma_start3A_109] : memref<8x64xi32, #tpu.memory_space<vmem>> -> memref<1x64xi32, #tpu.memory_space<vmem>>
    %dma_start3A_111 = tpu.memref_squeeze %dma_start3A_110 : memref<1x64xi32, #tpu.memory_space<vmem>> -> memref<64xi32, #tpu.memory_space<vmem>>
    %dma_start3A_112 = arith.constant 0 : i32
    %dma_start3A_113 = tpu.memref_slice %arg4[%add3A_101, %dma_start3A_112] : memref<5120x64xi32, #tpu.memory_space<hbm>> -> memref<1x64xi32, #tpu.memory_space<hbm>>
    %dma_start3A_114 = tpu.memref_squeeze %dma_start3A_113 : memref<1x64xi32, #tpu.memory_space<hbm>> -> memref<64xi32, #tpu.memory_space<hbm>>
    tpu.enqueue_dma source(%dma_start3A_114 : memref<64xi32, #tpu.memory_space<hbm>>) target(%dma_start3A_111 : memref<64xi32, #tpu.memory_space<vmem>>) target_semaphore(%arg20 : memref<!tpu.dma_semaphore, #tpu.memory_space<semaphore_mem>>)
    %add3A_115 = arith.constant 3 : i32
    %add3A_116 = arith.addi %add3A, %add3A_115 : i32
    %dma_start3A_117 = arith.constant 3 : i32
    %dma_start3A_118 = arith.constant 0 : i32
    %dma_start3A_119 = tpu.memref_slice %arg7[%dma_start3A_117, %dma_start3A_118] : memref<8x64xi32, #tpu.memory_space<vmem>> -> memref<1x64xi32, #tpu.memory_space<vmem>>
    %dma_start3A_120 = tpu.memref_squeeze %dma_start3A_119 : memref<1x64xi32, #tpu.memory_space<vmem>> -> memref<64xi32, #tpu.memory_space<vmem>>
    %dma_start3A_121 = arith.constant 0 : i32
    %dma_start3A_122 = tpu.memref_slice %arg3[%add3A_116, %dma_start3A_121] : memref<5120x64xi32, #tpu.memory_space<hbm>> -> memref<1x64xi32, #tpu.memory_space<hbm>>
    %dma_start3A_123 = tpu.memref_squeeze %dma_start3A_122 : memref<1x64xi32, #tpu.memory_space<hbm>> -> memref<64xi32, #tpu.memory_space<hbm>>
    %dma_start3A_124 = arith.constant 0 : i32
    %dma_start3A_125 = tpu.memref_slice %arg7[%dma_start3A_117, %dma_start3A_124] : memref<8x64xi32, #tpu.memory_space<vmem>> -> memref<1x64xi32, #tpu.memory_space<vmem>>
    %dma_start3A_126 = tpu.memref_squeeze %dma_start3A_125 : memref<1x64xi32, #tpu.memory_space<vmem>> -> memref<64xi32, #tpu.memory_space<vmem>>
    %dma_start3A_127 = arith.constant 0 : i32
    %dma_start3A_128 = tpu.memref_slice %arg3[%add3A_116, %dma_start3A_127] : memref<5120x64xi32, #tpu.memory_space<hbm>> -> memref<1x64xi32, #tpu.memory_space<hbm>>
    %dma_start3A_129 = tpu.memref_squeeze %dma_start3A_128 : memref<1x64xi32, #tpu.memory_space<hbm>> -> memref<64xi32, #tpu.memory_space<hbm>>
    tpu.enqueue_dma source(%dma_start3A_129 : memref<64xi32, #tpu.memory_space<hbm>>) target(%dma_start3A_126 : memref<64xi32, #tpu.memory_space<vmem>>) target_semaphore(%arg21 : memref<!tpu.dma_semaphore, #tpu.memory_space<semaphore_mem>>)
    %add3A_130 = arith.constant 3 : i32
    %add3A_131 = arith.addi %add3A, %add3A_130 : i32
    %dma_start3A_132 = arith.constant 3 : i32
    %dma_start3A_133 = arith.constant 0 : i32
    %dma_start3A_134 = tpu.memref_slice %arg8[%dma_start3A_132, %dma_start3A_133] : memref<8x64xi32, #tpu.memory_space<vmem>> -> memref<1x64xi32, #tpu.memory_space<vmem>>
    %dma_start3A_135 = tpu.memref_squeeze %dma_start3A_134 : memref<1x64xi32, #tpu.memory_space<vmem>> -> memref<64xi32, #tpu.memory_space<vmem>>
    %dma_start3A_136 = arith.constant 0 : i32
    %dma_start3A_137 = tpu.memref_slice %arg4[%add3A_131, %dma_start3A_136] : memref<5120x64xi32, #tpu.memory_space<hbm>> -> memref<1x64xi32, #tpu.memory_space<hbm>>
    %dma_start3A_138 = tpu.memref_squeeze %dma_start3A_137 : memref<1x64xi32, #tpu.memory_space<hbm>> -> memref<64xi32, #tpu.memory_space<hbm>>
    %dma_start3A_139 = arith.constant 0 : i32
    %dma_start3A_140 = tpu.memref_slice %arg8[%dma_start3A_132, %dma_start3A_139] : memref<8x64xi32, #tpu.memory_space<vmem>> -> memref<1x64xi32, #tpu.memory_space<vmem>>
    %dma_start3A_141 = tpu.memref_squeeze %dma_start3A_140 : memref<1x64xi32, #tpu.memory_space<vmem>> -> memref<64xi32, #tpu.memory_space<vmem>>
    %dma_start3A_142 = arith.constant 0 : i32
    %dma_start3A_143 = tpu.memref_slice %arg4[%add3A_131, %dma_start3A_142] : memref<5120x64xi32, #tpu.memory_space<hbm>> -> memref<1x64xi32, #tpu.memory_space<hbm>>
    %dma_start3A_144 = tpu.memref_squeeze %dma_start3A_143 : memref<1x64xi32, #tpu.memory_space<hbm>> -> memref<64xi32, #tpu.memory_space<hbm>>
    tpu.enqueue_dma source(%dma_start3A_144 : memref<64xi32, #tpu.memory_space<hbm>>) target(%dma_start3A_141 : memref<64xi32, #tpu.memory_space<vmem>>) target_semaphore(%arg21 : memref<!tpu.dma_semaphore, #tpu.memory_space<semaphore_mem>>)
    %add3A_145 = arith.constant 4 : i32
    %add3A_146 = arith.addi %add3A, %add3A_145 : i32
    %dma_start3A_147 = arith.constant 4 : i32
    %dma_start3A_148 = arith.constant 0 : i32
    %dma_start3A_149 = tpu.memref_slice %arg7[%dma_start3A_147, %dma_start3A_148] : memref<8x64xi32, #tpu.memory_space<vmem>> -> memref<1x64xi32, #tpu.memory_space<vmem>>
    %dma_start3A_150 = tpu.memref_squeeze %dma_start3A_149 : memref<1x64xi32, #tpu.memory_space<vmem>> -> memref<64xi32, #tpu.memory_space<vmem>>
    %dma_start3A_151 = arith.constant 0 : i32
    %dma_start3A_152 = tpu.memref_slice %arg3[%add3A_146, %dma_start3A_151] : memref<5120x64xi32, #tpu.memory_space<hbm>> -> memref<1x64xi32, #tpu.memory_space<hbm>>
    %dma_start3A_153 = tpu.memref_squeeze %dma_start3A_152 : memref<1x64xi32, #tpu.memory_space<hbm>> -> memref<64xi32, #tpu.memory_space<hbm>>
    %dma_start3A_154 = arith.constant 0 : i32
    %dma_start3A_155 = tpu.memref_slice %arg7[%dma_start3A_147, %dma_start3A_154] : memref<8x64xi32, #tpu.memory_space<vmem>> -> memref<1x64xi32, #tpu.memory_space<vmem>>
    %dma_start3A_156 = tpu.memref_squeeze %dma_start3A_155 : memref<1x64xi32, #tpu.memory_space<vmem>> -> memref<64xi32, #tpu.memory_space<vmem>>
    %dma_start3A_157 = arith.constant 0 : i32
    %dma_start3A_158 = tpu.memref_slice %arg3[%add3A_146, %dma_start3A_157] : memref<5120x64xi32, #tpu.memory_space<hbm>> -> memref<1x64xi32, #tpu.memory_space<hbm>>
    %dma_start3A_159 = tpu.memref_squeeze %dma_start3A_158 : memref<1x64xi32, #tpu.memory_space<hbm>> -> memref<64xi32, #tpu.memory_space<hbm>>
    tpu.enqueue_dma source(%dma_start3A_159 : memref<64xi32, #tpu.memory_space<hbm>>) target(%dma_start3A_156 : memref<64xi32, #tpu.memory_space<vmem>>) target_semaphore(%arg22 : memref<!tpu.dma_semaphore, #tpu.memory_space<semaphore_mem>>)
    %add3A_160 = arith.constant 4 : i32
    %add3A_161 = arith.addi %add3A, %add3A_160 : i32
    %dma_start3A_162 = arith.constant 4 : i32
    %dma_start3A_163 = arith.constant 0 : i32
    %dma_start3A_164 = tpu.memref_slice %arg8[%dma_start3A_162, %dma_start3A_163] : memref<8x64xi32, #tpu.memory_space<vmem>> -> memref<1x64xi32, #tpu.memory_space<vmem>>
    %dma_start3A_165 = tpu.memref_squeeze %dma_start3A_164 : memref<1x64xi32, #tpu.memory_space<vmem>> -> memref<64xi32, #tpu.memory_space<vmem>>
    %dma_start3A_166 = arith.constant 0 : i32
    %dma_start3A_167 = tpu.memref_slice %arg4[%add3A_161, %dma_start3A_166] : memref<5120x64xi32, #tpu.memory_space<hbm>> -> memref<1x64xi32, #tpu.memory_space<hbm>>
    %dma_start3A_168 = tpu.memref_squeeze %dma_start3A_167 : memref<1x64xi32, #tpu.memory_space<hbm>> -> memref<64xi32, #tpu.memory_space<hbm>>
    %dma_start3A_169 = arith.constant 0 : i32
    %dma_start3A_170 = tpu.memref_slice %arg8[%dma_start3A_162, %dma_start3A_169] : memref<8x64xi32, #tpu.memory_space<vmem>> -> memref<1x64xi32, #tpu.memory_space<vmem>>
    %dma_start3A_171 = tpu.memref_squeeze %dma_start3A_170 : memref<1x64xi32, #tpu.memory_space<vmem>> -> memref<64xi32, #tpu.memory_space<vmem>>
    %dma_start3A_172 = arith.constant 0 : i32
    %dma_start3A_173 = tpu.memref_slice %arg4[%add3A_161, %dma_start3A_172] : memref<5120x64xi32, #tpu.memory_space<hbm>> -> memref<1x64xi32, #tpu.memory_space<hbm>>
    %dma_start3A_174 = tpu.memref_squeeze %dma_start3A_173 : memref<1x64xi32, #tpu.memory_space<hbm>> -> memref<64xi32, #tpu.memory_space<hbm>>
    tpu.enqueue_dma source(%dma_start3A_174 : memref<64xi32, #tpu.memory_space<hbm>>) target(%dma_start3A_171 : memref<64xi32, #tpu.memory_space<vmem>>) target_semaphore(%arg22 : memref<!tpu.dma_semaphore, #tpu.memory_space<semaphore_mem>>)
    %add3A_175 = arith.constant 5 : i32
    %add3A_176 = arith.addi %add3A, %add3A_175 : i32
    %dma_start3A_177 = arith.constant 5 : i32
    %dma_start3A_178 = arith.constant 0 : i32
    %dma_start3A_179 = tpu.memref_slice %arg7[%dma_start3A_177, %dma_start3A_178] : memref<8x64xi32, #tpu.memory_space<vmem>> -> memref<1x64xi32, #tpu.memory_space<vmem>>
    %dma_start3A_180 = tpu.memref_squeeze %dma_start3A_179 : memref<1x64xi32, #tpu.memory_space<vmem>> -> memref<64xi32, #tpu.memory_space<vmem>>
    %dma_start3A_181 = arith.constant 0 : i32
    %dma_start3A_182 = tpu.memref_slice %arg3[%add3A_176, %dma_start3A_181] : memref<5120x64xi32, #tpu.memory_space<hbm>> -> memref<1x64xi32, #tpu.memory_space<hbm>>
    %dma_start3A_183 = tpu.memref_squeeze %dma_start3A_182 : memref<1x64xi32, #tpu.memory_space<hbm>> -> memref<64xi32, #tpu.memory_space<hbm>>
    %dma_start3A_184 = arith.constant 0 : i32
    %dma_start3A_185 = tpu.memref_slice %arg7[%dma_start3A_177, %dma_start3A_184] : memref<8x64xi32, #tpu.memory_space<vmem>> -> memref<1x64xi32, #tpu.memory_space<vmem>>
    %dma_start3A_186 = tpu.memref_squeeze %dma_start3A_185 : memref<1x64xi32, #tpu.memory_space<vmem>> -> memref<64xi32, #tpu.memory_space<vmem>>
    %dma_start3A_187 = arith.constant 0 : i32
    %dma_start3A_188 = tpu.memref_slice %arg3[%add3A_176, %dma_start3A_187] : memref<5120x64xi32, #tpu.memory_space<hbm>> -> memref<1x64xi32, #tpu.memory_space<hbm>>
    %dma_start3A_189 = tpu.memref_squeeze %dma_start3A_188 : memref<1x64xi32, #tpu.memory_space<hbm>> -> memref<64xi32, #tpu.memory_space<hbm>>
    tpu.enqueue_dma source(%dma_start3A_189 : memref<64xi32, #tpu.memory_space<hbm>>) target(%dma_start3A_186 : memref<64xi32, #tpu.memory_space<vmem>>) target_semaphore(%arg23 : memref<!tpu.dma_semaphore, #tpu.memory_space<semaphore_mem>>)
    %add3A_190 = arith.constant 5 : i32
    %add3A_191 = arith.addi %add3A, %add3A_190 : i32
    %dma_start3A_192 = arith.constant 5 : i32
    %dma_start3A_193 = arith.constant 0 : i32
    %dma_start3A_194 = tpu.memref_slice %arg8[%dma_start3A_192, %dma_start3A_193] : memref<8x64xi32, #tpu.memory_space<vmem>> -> memref<1x64xi32, #tpu.memory_space<vmem>>
    %dma_start3A_195 = tpu.memref_squeeze %dma_start3A_194 : memref<1x64xi32, #tpu.memory_space<vmem>> -> memref<64xi32, #tpu.memory_space<vmem>>
    %dma_start3A_196 = arith.constant 0 : i32
    %dma_start3A_197 = tpu.memref_slice %arg4[%add3A_191, %dma_start3A_196] : memref<5120x64xi32, #tpu.memory_space<hbm>> -> memref<1x64xi32, #tpu.memory_space<hbm>>
    %dma_start3A_198 = tpu.memref_squeeze %dma_start3A_197 : memref<1x64xi32, #tpu.memory_space<hbm>> -> memref<64xi32, #tpu.memory_space<hbm>>
    %dma_start3A_199 = arith.constant 0 : i32
    %dma_start3A_200 = tpu.memref_slice %arg8[%dma_start3A_192, %dma_start3A_199] : memref<8x64xi32, #tpu.memory_space<vmem>> -> memref<1x64xi32, #tpu.memory_space<vmem>>
    %dma_start3A_201 = tpu.memref_squeeze %dma_start3A_200 : memref<1x64xi32, #tpu.memory_space<vmem>> -> memref<64xi32, #tpu.memory_space<vmem>>
    %dma_start3A_202 = arith.constant 0 : i32
    %dma_start3A_203 = tpu.memref_slice %arg4[%add3A_191, %dma_start3A_202] : memref<5120x64xi32, #tpu.memory_space<hbm>> -> memref<1x64xi32, #tpu.memory_space<hbm>>
    %dma_start3A_204 = tpu.memref_squeeze %dma_start3A_203 : memref<1x64xi32, #tpu.memory_space<hbm>> -> memref<64xi32, #tpu.memory_space<hbm>>
    tpu.enqueue_dma source(%dma_start3A_204 : memref<64xi32, #tpu.memory_space<hbm>>) target(%dma_start3A_201 : memref<64xi32, #tpu.memory_space<vmem>>) target_semaphore(%arg23 : memref<!tpu.dma_semaphore, #tpu.memory_space<semaphore_mem>>)
    %add3A_205 = arith.constant 6 : i32
    %add3A_206 = arith.addi %add3A, %add3A_205 : i32
    %dma_start3A_207 = arith.constant 6 : i32
    %dma_start3A_208 = arith.constant 0 : i32
    %dma_start3A_209 = tpu.memref_slice %arg7[%dma_start3A_207, %dma_start3A_208] : memref<8x64xi32, #tpu.memory_space<vmem>> -> memref<1x64xi32, #tpu.memory_space<vmem>>
    %dma_start3A_210 = tpu.memref_squeeze %dma_start3A_209 : memref<1x64xi32, #tpu.memory_space<vmem>> -> memref<64xi32, #tpu.memory_space<vmem>>
    %dma_start3A_211 = arith.constant 0 : i32
    %dma_start3A_212 = tpu.memref_slice %arg3[%add3A_206, %dma_start3A_211] : memref<5120x64xi32, #tpu.memory_space<hbm>> -> memref<1x64xi32, #tpu.memory_space<hbm>>
    %dma_start3A_213 = tpu.memref_squeeze %dma_start3A_212 : memref<1x64xi32, #tpu.memory_space<hbm>> -> memref<64xi32, #tpu.memory_space<hbm>>
    %dma_start3A_214 = arith.constant 0 : i32
    %dma_start3A_215 = tpu.memref_slice %arg7[%dma_start3A_207, %dma_start3A_214] : memref<8x64xi32, #tpu.memory_space<vmem>> -> memref<1x64xi32, #tpu.memory_space<vmem>>
    %dma_start3A_216 = tpu.memref_squeeze %dma_start3A_215 : memref<1x64xi32, #tpu.memory_space<vmem>> -> memref<64xi32, #tpu.memory_space<vmem>>
    %dma_start3A_217 = arith.constant 0 : i32
    %dma_start3A_218 = tpu.memref_slice %arg3[%add3A_206, %dma_start3A_217] : memref<5120x64xi32, #tpu.memory_space<hbm>> -> memref<1x64xi32, #tpu.memory_space<hbm>>
    %dma_start3A_219 = tpu.memref_squeeze %dma_start3A_218 : memref<1x64xi32, #tpu.memory_space<hbm>> -> memref<64xi32, #tpu.memory_space<hbm>>
    tpu.enqueue_dma source(%dma_start3A_219 : memref<64xi32, #tpu.memory_space<hbm>>) target(%dma_start3A_216 : memref<64xi32, #tpu.memory_space<vmem>>) target_semaphore(%arg24 : memref<!tpu.dma_semaphore, #tpu.memory_space<semaphore_mem>>)
    %add3A_220 = arith.constant 6 : i32
    %add3A_221 = arith.addi %add3A, %add3A_220 : i32
    %dma_start3A_222 = arith.constant 6 : i32
    %dma_start3A_223 = arith.constant 0 : i32
    %dma_start3A_224 = tpu.memref_slice %arg8[%dma_start3A_222, %dma_start3A_223] : memref<8x64xi32, #tpu.memory_space<vmem>> -> memref<1x64xi32, #tpu.memory_space<vmem>>
    %dma_start3A_225 = tpu.memref_squeeze %dma_start3A_224 : memref<1x64xi32, #tpu.memory_space<vmem>> -> memref<64xi32, #tpu.memory_space<vmem>>
    %dma_start3A_226 = arith.constant 0 : i32
    %dma_start3A_227 = tpu.memref_slice %arg4[%add3A_221, %dma_start3A_226] : memref<5120x64xi32, #tpu.memory_space<hbm>> -> memref<1x64xi32, #tpu.memory_space<hbm>>
    %dma_start3A_228 = tpu.memref_squeeze %dma_start3A_227 : memref<1x64xi32, #tpu.memory_space<hbm>> -> memref<64xi32, #tpu.memory_space<hbm>>
    %dma_start3A_229 = arith.constant 0 : i32
    %dma_start3A_230 = tpu.memref_slice %arg8[%dma_start3A_222, %dma_start3A_229] : memref<8x64xi32, #tpu.memory_space<vmem>> -> memref<1x64xi32, #tpu.memory_space<vmem>>
    %dma_start3A_231 = tpu.memref_squeeze %dma_start3A_230 : memref<1x64xi32, #tpu.memory_space<vmem>> -> memref<64xi32, #tpu.memory_space<vmem>>
    %dma_start3A_232 = arith.constant 0 : i32
    %dma_start3A_233 = tpu.memref_slice %arg4[%add3A_221, %dma_start3A_232] : memref<5120x64xi32, #tpu.memory_space<hbm>> -> memref<1x64xi32, #tpu.memory_space<hbm>>
    %dma_start3A_234 = tpu.memref_squeeze %dma_start3A_233 : memref<1x64xi32, #tpu.memory_space<hbm>> -> memref<64xi32, #tpu.memory_space<hbm>>
    tpu.enqueue_dma source(%dma_start3A_234 : memref<64xi32, #tpu.memory_space<hbm>>) target(%dma_start3A_231 : memref<64xi32, #tpu.memory_space<vmem>>) target_semaphore(%arg24 : memref<!tpu.dma_semaphore, #tpu.memory_space<semaphore_mem>>)
    %add3A_235 = arith.constant 7 : i32
    %add3A_236 = arith.addi %add3A, %add3A_235 : i32
    %dma_start3A_237 = arith.constant 7 : i32
    %dma_start3A_238 = arith.constant 0 : i32
    %dma_start3A_239 = tpu.memref_slice %arg7[%dma_start3A_237, %dma_start3A_238] : memref<8x64xi32, #tpu.memory_space<vmem>> -> memref<1x64xi32, #tpu.memory_space<vmem>>
    %dma_start3A_240 = tpu.memref_squeeze %dma_start3A_239 : memref<1x64xi32, #tpu.memory_space<vmem>> -> memref<64xi32, #tpu.memory_space<vmem>>
    %dma_start3A_241 = arith.constant 0 : i32
    %dma_start3A_242 = tpu.memref_slice %arg3[%add3A_236, %dma_start3A_241] : memref<5120x64xi32, #tpu.memory_space<hbm>> -> memref<1x64xi32, #tpu.memory_space<hbm>>
    %dma_start3A_243 = tpu.memref_squeeze %dma_start3A_242 : memref<1x64xi32, #tpu.memory_space<hbm>> -> memref<64xi32, #tpu.memory_space<hbm>>
    %dma_start3A_244 = arith.constant 0 : i32
    %dma_start3A_245 = tpu.memref_slice %arg7[%dma_start3A_237, %dma_start3A_244] : memref<8x64xi32, #tpu.memory_space<vmem>> -> memref<1x64xi32, #tpu.memory_space<vmem>>
    %dma_start3A_246 = tpu.memref_squeeze %dma_start3A_245 : memref<1x64xi32, #tpu.memory_space<vmem>> -> memref<64xi32, #tpu.memory_space<vmem>>
    %dma_start3A_247 = arith.constant 0 : i32
    %dma_start3A_248 = tpu.memref_slice %arg3[%add3A_236, %dma_start3A_247] : memref<5120x64xi32, #tpu.memory_space<hbm>> -> memref<1x64xi32, #tpu.memory_space<hbm>>
    %dma_start3A_249 = tpu.memref_squeeze %dma_start3A_248 : memref<1x64xi32, #tpu.memory_space<hbm>> -> memref<64xi32, #tpu.memory_space<hbm>>
    tpu.enqueue_dma source(%dma_start3A_249 : memref<64xi32, #tpu.memory_space<hbm>>) target(%dma_start3A_246 : memref<64xi32, #tpu.memory_space<vmem>>) target_semaphore(%arg25 : memref<!tpu.dma_semaphore, #tpu.memory_space<semaphore_mem>>)
    %add3A_250 = arith.constant 7 : i32
    %add3A_251 = arith.addi %add3A, %add3A_250 : i32
    %dma_start3A_252 = arith.constant 7 : i32
    %dma_start3A_253 = arith.constant 0 : i32
    %dma_start3A_254 = tpu.memref_slice %arg8[%dma_start3A_252, %dma_start3A_253] : memref<8x64xi32, #tpu.memory_space<vmem>> -> memref<1x64xi32, #tpu.memory_space<vmem>>
    %dma_start3A_255 = tpu.memref_squeeze %dma_start3A_254 : memref<1x64xi32, #tpu.memory_space<vmem>> -> memref<64xi32, #tpu.memory_space<vmem>>
    %dma_start3A_256 = arith.constant 0 : i32
    %dma_start3A_257 = tpu.memref_slice %arg4[%add3A_251, %dma_start3A_256] : memref<5120x64xi32, #tpu.memory_space<hbm>> -> memref<1x64xi32, #tpu.memory_space<hbm>>
    %dma_start3A_258 = tpu.memref_squeeze %dma_start3A_257 : memref<1x64xi32, #tpu.memory_space<hbm>> -> memref<64xi32, #tpu.memory_space<hbm>>
    %dma_start3A_259 = arith.constant 0 : i32
    %dma_start3A_260 = tpu.memref_slice %arg8[%dma_start3A_252, %dma_start3A_259] : memref<8x64xi32, #tpu.memory_space<vmem>> -> memref<1x64xi32, #tpu.memory_space<vmem>>
    %dma_start3A_261 = tpu.memref_squeeze %dma_start3A_260 : memref<1x64xi32, #tpu.memory_space<vmem>> -> memref<64xi32, #tpu.memory_space<vmem>>
    %dma_start3A_262 = arith.constant 0 : i32
    %dma_start3A_263 = tpu.memref_slice %arg4[%add3A_251, %dma_start3A_262] : memref<5120x64xi32, #tpu.memory_space<hbm>> -> memref<1x64xi32, #tpu.memory_space<hbm>>
    %dma_start3A_264 = tpu.memref_squeeze %dma_start3A_263 : memref<1x64xi32, #tpu.memory_space<hbm>> -> memref<64xi32, #tpu.memory_space<hbm>>
    tpu.enqueue_dma source(%dma_start3A_264 : memref<64xi32, #tpu.memory_space<hbm>>) target(%dma_start3A_261 : memref<64xi32, #tpu.memory_space<vmem>>) target_semaphore(%arg25 : memref<!tpu.dma_semaphore, #tpu.memory_space<semaphore_mem>>)
    %add3A_265 = arith.constant 0 : i32
    %add3A_266 = arith.addi %add3A, %add3A_265 : i32
    %dma_wait3A = arith.constant 0 : i32
    %dma_wait3A_267 = arith.constant 0 : i32
    %dma_wait3A_268 = tpu.memref_slice %arg7[%dma_wait3A, %dma_wait3A_267] : memref<8x64xi32, #tpu.memory_space<vmem>> -> memref<1x64xi32, #tpu.memory_space<vmem>>
    %dma_wait3A_269 = tpu.memref_squeeze %dma_wait3A_268 : memref<1x64xi32, #tpu.memory_space<vmem>> -> memref<64xi32, #tpu.memory_space<vmem>>
    %dma_wait3A_270 = arith.constant 0 : i32
    %dma_wait3A_271 = tpu.memref_slice %arg3[%add3A_266, %dma_wait3A_270] : memref<5120x64xi32, #tpu.memory_space<hbm>> -> memref<1x64xi32, #tpu.memory_space<hbm>>
    %dma_wait3A_272 = tpu.memref_squeeze %dma_wait3A_271 : memref<1x64xi32, #tpu.memory_space<hbm>> -> memref<64xi32, #tpu.memory_space<hbm>>
    %dma_wait3A_273 = arith.constant 0 : i32
    %dma_wait3A_274 = tpu.memref_slice %arg7[%dma_wait3A, %dma_wait3A_273] : memref<8x64xi32, #tpu.memory_space<vmem>> -> memref<1x64xi32, #tpu.memory_space<vmem>>
    %dma_wait3A_275 = tpu.memref_squeeze %dma_wait3A_274 : memref<1x64xi32, #tpu.memory_space<vmem>> -> memref<64xi32, #tpu.memory_space<vmem>>
    %dma_wait3A_276 = arith.constant 0 : i32
    %dma_wait3A_277 = tpu.memref_slice %arg3[%add3A_266, %dma_wait3A_276] : memref<5120x64xi32, #tpu.memory_space<hbm>> -> memref<1x64xi32, #tpu.memory_space<hbm>>
    %dma_wait3A_278 = tpu.memref_squeeze %dma_wait3A_277 : memref<1x64xi32, #tpu.memory_space<hbm>> -> memref<64xi32, #tpu.memory_space<hbm>>
    tpu.wait_dma2 semaphore(%arg18 : memref<!tpu.dma_semaphore, #tpu.memory_space<semaphore_mem>>) src(%dma_wait3A_278 : memref<64xi32, #tpu.memory_space<hbm>>) dst(%dma_wait3A_275 : memref<64xi32, #tpu.memory_space<vmem>>)
    %add3A_279 = arith.constant 0 : i32
    %add3A_280 = arith.addi %add3A, %add3A_279 : i32
    %dma_wait3A_281 = arith.constant 0 : i32
    %dma_wait3A_282 = arith.constant 0 : i32
    %dma_wait3A_283 = tpu.memref_slice %arg8[%dma_wait3A_281, %dma_wait3A_282] : memref<8x64xi32, #tpu.memory_space<vmem>> -> memref<1x64xi32, #tpu.memory_space<vmem>>
    %dma_wait3A_284 = tpu.memref_squeeze %dma_wait3A_283 : memref<1x64xi32, #tpu.memory_space<vmem>> -> memref<64xi32, #tpu.memory_space<vmem>>
    %dma_wait3A_285 = arith.constant 0 : i32
    %dma_wait3A_286 = tpu.memref_slice %arg4[%add3A_280, %dma_wait3A_285] : memref<5120x64xi32, #tpu.memory_space<hbm>> -> memref<1x64xi32, #tpu.memory_space<hbm>>
    %dma_wait3A_287 = tpu.memref_squeeze %dma_wait3A_286 : memref<1x64xi32, #tpu.memory_space<hbm>> -> memref<64xi32, #tpu.memory_space<hbm>>
    %dma_wait3A_288 = arith.constant 0 : i32
    %dma_wait3A_289 = tpu.memref_slice %arg8[%dma_wait3A_281, %dma_wait3A_288] : memref<8x64xi32, #tpu.memory_space<vmem>> -> memref<1x64xi32, #tpu.memory_space<vmem>>
    %dma_wait3A_290 = tpu.memref_squeeze %dma_wait3A_289 : memref<1x64xi32, #tpu.memory_space<vmem>> -> memref<64xi32, #tpu.memory_space<vmem>>
    %dma_wait3A_291 = arith.constant 0 : i32
    %dma_wait3A_292 = tpu.memref_slice %arg4[%add3A_280, %dma_wait3A_291] : memref<5120x64xi32, #tpu.memory_space<hbm>> -> memref<1x64xi32, #tpu.memory_space<hbm>>
    %dma_wait3A_293 = tpu.memref_squeeze %dma_wait3A_292 : memref<1x64xi32, #tpu.memory_space<hbm>> -> memref<64xi32, #tpu.memory_space<hbm>>
    tpu.wait_dma2 semaphore(%arg18 : memref<!tpu.dma_semaphore, #tpu.memory_space<semaphore_mem>>) src(%dma_wait3A_293 : memref<64xi32, #tpu.memory_space<hbm>>) dst(%dma_wait3A_290 : memref<64xi32, #tpu.memory_space<vmem>>)
    %dma_start3A_294 = arith.constant 0 : i32
    %dma_start3A_295 = arith.constant 0 : i32
    %dma_start3A_296 = tpu.memref_slice %arg8[%dma_start3A_294, %dma_start3A_295] : memref<8x64xi32, #tpu.memory_space<vmem>> -> memref<1x64xi32, #tpu.memory_space<vmem>>
    %dma_start3A_297 = tpu.memref_squeeze %dma_start3A_296 : memref<1x64xi32, #tpu.memory_space<vmem>> -> memref<64xi32, #tpu.memory_space<vmem>>
    %dma_start3A_298 = arith.constant 0 : i32
    %dma_start3A_299 = arith.constant 0 : i32
    %dma_start3A_300 = tpu.memref_slice %arg2[%dma_start3A_298, %dma_start3A_299] : memref<10000x128xf32, #tpu.memory_space<hbm>> -> memref<10000x128xf32, #tpu.memory_space<hbm>>
    tpu.enqueue_indirect_dma source(%dma_start3A_300 : memref<10000x128xf32, #tpu.memory_space<hbm>>) target(%arg9 : memref<64x128xf32, #tpu.memory_space<vmem>>) offsets(%dma_start3A_297 : memref<64xi32, #tpu.memory_space<vmem>>) semaphore(%arg14 : memref<!tpu.dma_semaphore, #tpu.memory_space<semaphore_mem>>)
    %add3A_301 = arith.constant 1 : i32
    %add3A_302 = arith.addi %add3A, %add3A_301 : i32
    %dma_wait3A_303 = arith.constant 1 : i32
    %dma_wait3A_304 = arith.constant 0 : i32
    %dma_wait3A_305 = tpu.memref_slice %arg7[%dma_wait3A_303, %dma_wait3A_304] : memref<8x64xi32, #tpu.memory_space<vmem>> -> memref<1x64xi32, #tpu.memory_space<vmem>>
    %dma_wait3A_306 = tpu.memref_squeeze %dma_wait3A_305 : memref<1x64xi32, #tpu.memory_space<vmem>> -> memref<64xi32, #tpu.memory_space<vmem>>
    %dma_wait3A_307 = arith.constant 0 : i32
    %dma_wait3A_308 = tpu.memref_slice %arg3[%add3A_302, %dma_wait3A_307] : memref<5120x64xi32, #tpu.memory_space<hbm>> -> memref<1x64xi32, #tpu.memory_space<hbm>>
    %dma_wait3A_309 = tpu.memref_squeeze %dma_wait3A_308 : memref<1x64xi32, #tpu.memory_space<hbm>> -> memref<64xi32, #tpu.memory_space<hbm>>
    %dma_wait3A_310 = arith.constant 0 : i32
    %dma_wait3A_311 = tpu.memref_slice %arg7[%dma_wait3A_303, %dma_wait3A_310] : memref<8x64xi32, #tpu.memory_space<vmem>> -> memref<1x64xi32, #tpu.memory_space<vmem>>
    %dma_wait3A_312 = tpu.memref_squeeze %dma_wait3A_311 : memref<1x64xi32, #tpu.memory_space<vmem>> -> memref<64xi32, #tpu.memory_space<vmem>>
    %dma_wait3A_313 = arith.constant 0 : i32
    %dma_wait3A_314 = tpu.memref_slice %arg3[%add3A_302, %dma_wait3A_313] : memref<5120x64xi32, #tpu.memory_space<hbm>> -> memref<1x64xi32, #tpu.memory_space<hbm>>
    %dma_wait3A_315 = tpu.memref_squeeze %dma_wait3A_314 : memref<1x64xi32, #tpu.memory_space<hbm>> -> memref<64xi32, #tpu.memory_space<hbm>>
    tpu.wait_dma2 semaphore(%arg19 : memref<!tpu.dma_semaphore, #tpu.memory_space<semaphore_mem>>) src(%dma_wait3A_315 : memref<64xi32, #tpu.memory_space<hbm>>) dst(%dma_wait3A_312 : memref<64xi32, #tpu.memory_space<vmem>>)
    %add3A_316 = arith.constant 1 : i32
    %add3A_317 = arith.addi %add3A, %add3A_316 : i32
    %dma_wait3A_318 = arith.constant 1 : i32
    %dma_wait3A_319 = arith.constant 0 : i32
    %dma_wait3A_320 = tpu.memref_slice %arg8[%dma_wait3A_318, %dma_wait3A_319] : memref<8x64xi32, #tpu.memory_space<vmem>> -> memref<1x64xi32, #tpu.memory_space<vmem>>
    %dma_wait3A_321 = tpu.memref_squeeze %dma_wait3A_320 : memref<1x64xi32, #tpu.memory_space<vmem>> -> memref<64xi32, #tpu.memory_space<vmem>>
    %dma_wait3A_322 = arith.constant 0 : i32
    %dma_wait3A_323 = tpu.memref_slice %arg4[%add3A_317, %dma_wait3A_322] : memref<5120x64xi32, #tpu.memory_space<hbm>> -> memref<1x64xi32, #tpu.memory_space<hbm>>
    %dma_wait3A_324 = tpu.memref_squeeze %dma_wait3A_323 : memref<1x64xi32, #tpu.memory_space<hbm>> -> memref<64xi32, #tpu.memory_space<hbm>>
    %dma_wait3A_325 = arith.constant 0 : i32
    %dma_wait3A_326 = tpu.memref_slice %arg8[%dma_wait3A_318, %dma_wait3A_325] : memref<8x64xi32, #tpu.memory_space<vmem>> -> memref<1x64xi32, #tpu.memory_space<vmem>>
    %dma_wait3A_327 = tpu.memref_squeeze %dma_wait3A_326 : memref<1x64xi32, #tpu.memory_space<vmem>> -> memref<64xi32, #tpu.memory_space<vmem>>
    %dma_wait3A_328 = arith.constant 0 : i32
    %dma_wait3A_329 = tpu.memref_slice %arg4[%add3A_317, %dma_wait3A_328] : memref<5120x64xi32, #tpu.memory_space<hbm>> -> memref<1x64xi32, #tpu.memory_space<hbm>>
    %dma_wait3A_330 = tpu.memref_squeeze %dma_wait3A_329 : memref<1x64xi32, #tpu.memory_space<hbm>> -> memref<64xi32, #tpu.memory_space<hbm>>
    tpu.wait_dma2 semaphore(%arg19 : memref<!tpu.dma_semaphore, #tpu.memory_space<semaphore_mem>>) src(%dma_wait3A_330 : memref<64xi32, #tpu.memory_space<hbm>>) dst(%dma_wait3A_327 : memref<64xi32, #tpu.memory_space<vmem>>)
    %dma_start3A_331 = arith.constant 1 : i32
    %dma_start3A_332 = arith.constant 0 : i32
    %dma_start3A_333 = tpu.memref_slice %arg8[%dma_start3A_331, %dma_start3A_332] : memref<8x64xi32, #tpu.memory_space<vmem>> -> memref<1x64xi32, #tpu.memory_space<vmem>>
    %dma_start3A_334 = tpu.memref_squeeze %dma_start3A_333 : memref<1x64xi32, #tpu.memory_space<vmem>> -> memref<64xi32, #tpu.memory_space<vmem>>
    %dma_start3A_335 = arith.constant 0 : i32
    %dma_start3A_336 = arith.constant 0 : i32
    %dma_start3A_337 = tpu.memref_slice %arg2[%dma_start3A_335, %dma_start3A_336] : memref<10000x128xf32, #tpu.memory_space<hbm>> -> memref<10000x128xf32, #tpu.memory_space<hbm>>
    tpu.enqueue_indirect_dma source(%dma_start3A_337 : memref<10000x128xf32, #tpu.memory_space<hbm>>) target(%arg10 : memref<64x128xf32, #tpu.memory_space<vmem>>) offsets(%dma_start3A_334 : memref<64xi32, #tpu.memory_space<vmem>>) semaphore(%arg15 : memref<!tpu.dma_semaphore, #tpu.memory_space<semaphore_mem>>)
    %add3A_338 = arith.constant 2 : i32
    %add3A_339 = arith.addi %add3A, %add3A_338 : i32
    %dma_wait3A_340 = arith.constant 2 : i32
    %dma_wait3A_341 = arith.constant 0 : i32
    %dma_wait3A_342 = tpu.memref_slice %arg7[%dma_wait3A_340, %dma_wait3A_341] : memref<8x64xi32, #tpu.memory_space<vmem>> -> memref<1x64xi32, #tpu.memory_space<vmem>>
    %dma_wait3A_343 = tpu.memref_squeeze %dma_wait3A_342 : memref<1x64xi32, #tpu.memory_space<vmem>> -> memref<64xi32, #tpu.memory_space<vmem>>
    %dma_wait3A_344 = arith.constant 0 : i32
    %dma_wait3A_345 = tpu.memref_slice %arg3[%add3A_339, %dma_wait3A_344] : memref<5120x64xi32, #tpu.memory_space<hbm>> -> memref<1x64xi32, #tpu.memory_space<hbm>>
    %dma_wait3A_346 = tpu.memref_squeeze %dma_wait3A_345 : memref<1x64xi32, #tpu.memory_space<hbm>> -> memref<64xi32, #tpu.memory_space<hbm>>
    %dma_wait3A_347 = arith.constant 0 : i32
    %dma_wait3A_348 = tpu.memref_slice %arg7[%dma_wait3A_340, %dma_wait3A_347] : memref<8x64xi32, #tpu.memory_space<vmem>> -> memref<1x64xi32, #tpu.memory_space<vmem>>
    %dma_wait3A_349 = tpu.memref_squeeze %dma_wait3A_348 : memref<1x64xi32, #tpu.memory_space<vmem>> -> memref<64xi32, #tpu.memory_space<vmem>>
    %dma_wait3A_350 = arith.constant 0 : i32
    %dma_wait3A_351 = tpu.memref_slice %arg3[%add3A_339, %dma_wait3A_350] : memref<5120x64xi32, #tpu.memory_space<hbm>> -> memref<1x64xi32, #tpu.memory_space<hbm>>
    %dma_wait3A_352 = tpu.memref_squeeze %dma_wait3A_351 : memref<1x64xi32, #tpu.memory_space<hbm>> -> memref<64xi32, #tpu.memory_space<hbm>>
    tpu.wait_dma2 semaphore(%arg20 : memref<!tpu.dma_semaphore, #tpu.memory_space<semaphore_mem>>) src(%dma_wait3A_352 : memref<64xi32, #tpu.memory_space<hbm>>) dst(%dma_wait3A_349 : memref<64xi32, #tpu.memory_space<vmem>>)
    %add3A_353 = arith.constant 2 : i32
    %add3A_354 = arith.addi %add3A, %add3A_353 : i32
    %dma_wait3A_355 = arith.constant 2 : i32
    %dma_wait3A_356 = arith.constant 0 : i32
    %dma_wait3A_357 = tpu.memref_slice %arg8[%dma_wait3A_355, %dma_wait3A_356] : memref<8x64xi32, #tpu.memory_space<vmem>> -> memref<1x64xi32, #tpu.memory_space<vmem>>
    %dma_wait3A_358 = tpu.memref_squeeze %dma_wait3A_357 : memref<1x64xi32, #tpu.memory_space<vmem>> -> memref<64xi32, #tpu.memory_space<vmem>>
    %dma_wait3A_359 = arith.constant 0 : i32
    %dma_wait3A_360 = tpu.memref_slice %arg4[%add3A_354, %dma_wait3A_359] : memref<5120x64xi32, #tpu.memory_space<hbm>> -> memref<1x64xi32, #tpu.memory_space<hbm>>
    %dma_wait3A_361 = tpu.memref_squeeze %dma_wait3A_360 : memref<1x64xi32, #tpu.memory_space<hbm>> -> memref<64xi32, #tpu.memory_space<hbm>>
    %dma_wait3A_362 = arith.constant 0 : i32
    %dma_wait3A_363 = tpu.memref_slice %arg8[%dma_wait3A_355, %dma_wait3A_362] : memref<8x64xi32, #tpu.memory_space<vmem>> -> memref<1x64xi32, #tpu.memory_space<vmem>>
    %dma_wait3A_364 = tpu.memref_squeeze %dma_wait3A_363 : memref<1x64xi32, #tpu.memory_space<vmem>> -> memref<64xi32, #tpu.memory_space<vmem>>
    %dma_wait3A_365 = arith.constant 0 : i32
    %dma_wait3A_366 = tpu.memref_slice %arg4[%add3A_354, %dma_wait3A_365] : memref<5120x64xi32, #tpu.memory_space<hbm>> -> memref<1x64xi32, #tpu.memory_space<hbm>>
    %dma_wait3A_367 = tpu.memref_squeeze %dma_wait3A_366 : memref<1x64xi32, #tpu.memory_space<hbm>> -> memref<64xi32, #tpu.memory_space<hbm>>
    tpu.wait_dma2 semaphore(%arg20 : memref<!tpu.dma_semaphore, #tpu.memory_space<semaphore_mem>>) src(%dma_wait3A_367 : memref<64xi32, #tpu.memory_space<hbm>>) dst(%dma_wait3A_364 : memref<64xi32, #tpu.memory_space<vmem>>)
    %dma_start3A_368 = arith.constant 2 : i32
    %dma_start3A_369 = arith.constant 0 : i32
    %dma_start3A_370 = tpu.memref_slice %arg8[%dma_start3A_368, %dma_start3A_369] : memref<8x64xi32, #tpu.memory_space<vmem>> -> memref<1x64xi32, #tpu.memory_space<vmem>>
    %dma_start3A_371 = tpu.memref_squeeze %dma_start3A_370 : memref<1x64xi32, #tpu.memory_space<vmem>> -> memref<64xi32, #tpu.memory_space<vmem>>
    %dma_start3A_372 = arith.constant 0 : i32
    %dma_start3A_373 = arith.constant 0 : i32
    %dma_start3A_374 = tpu.memref_slice %arg2[%dma_start3A_372, %dma_start3A_373] : memref<10000x128xf32, #tpu.memory_space<hbm>> -> memref<10000x128xf32, #tpu.memory_space<hbm>>
    tpu.enqueue_indirect_dma source(%dma_start3A_374 : memref<10000x128xf32, #tpu.memory_space<hbm>>) target(%arg11 : memref<64x128xf32, #tpu.memory_space<vmem>>) offsets(%dma_start3A_371 : memref<64xi32, #tpu.memory_space<vmem>>) semaphore(%arg16 : memref<!tpu.dma_semaphore, #tpu.memory_space<semaphore_mem>>)
    %add3A_375 = arith.constant 3 : i32
    %add3A_376 = arith.addi %add3A, %add3A_375 : i32
    %dma_wait3A_377 = arith.constant 3 : i32
    %dma_wait3A_378 = arith.constant 0 : i32
    %dma_wait3A_379 = tpu.memref_slice %arg7[%dma_wait3A_377, %dma_wait3A_378] : memref<8x64xi32, #tpu.memory_space<vmem>> -> memref<1x64xi32, #tpu.memory_space<vmem>>
    %dma_wait3A_380 = tpu.memref_squeeze %dma_wait3A_379 : memref<1x64xi32, #tpu.memory_space<vmem>> -> memref<64xi32, #tpu.memory_space<vmem>>
    %dma_wait3A_381 = arith.constant 0 : i32
    %dma_wait3A_382 = tpu.memref_slice %arg3[%add3A_376, %dma_wait3A_381] : memref<5120x64xi32, #tpu.memory_space<hbm>> -> memref<1x64xi32, #tpu.memory_space<hbm>>
    %dma_wait3A_383 = tpu.memref_squeeze %dma_wait3A_382 : memref<1x64xi32, #tpu.memory_space<hbm>> -> memref<64xi32, #tpu.memory_space<hbm>>
    %dma_wait3A_384 = arith.constant 0 : i32
    %dma_wait3A_385 = tpu.memref_slice %arg7[%dma_wait3A_377, %dma_wait3A_384] : memref<8x64xi32, #tpu.memory_space<vmem>> -> memref<1x64xi32, #tpu.memory_space<vmem>>
    %dma_wait3A_386 = tpu.memref_squeeze %dma_wait3A_385 : memref<1x64xi32, #tpu.memory_space<vmem>> -> memref<64xi32, #tpu.memory_space<vmem>>
    %dma_wait3A_387 = arith.constant 0 : i32
    %dma_wait3A_388 = tpu.memref_slice %arg3[%add3A_376, %dma_wait3A_387] : memref<5120x64xi32, #tpu.memory_space<hbm>> -> memref<1x64xi32, #tpu.memory_space<hbm>>
    %dma_wait3A_389 = tpu.memref_squeeze %dma_wait3A_388 : memref<1x64xi32, #tpu.memory_space<hbm>> -> memref<64xi32, #tpu.memory_space<hbm>>
    tpu.wait_dma2 semaphore(%arg21 : memref<!tpu.dma_semaphore, #tpu.memory_space<semaphore_mem>>) src(%dma_wait3A_389 : memref<64xi32, #tpu.memory_space<hbm>>) dst(%dma_wait3A_386 : memref<64xi32, #tpu.memory_space<vmem>>)
    %add3A_390 = arith.constant 3 : i32
    %add3A_391 = arith.addi %add3A, %add3A_390 : i32
    %dma_wait3A_392 = arith.constant 3 : i32
    %dma_wait3A_393 = arith.constant 0 : i32
    %dma_wait3A_394 = tpu.memref_slice %arg8[%dma_wait3A_392, %dma_wait3A_393] : memref<8x64xi32, #tpu.memory_space<vmem>> -> memref<1x64xi32, #tpu.memory_space<vmem>>
    %dma_wait3A_395 = tpu.memref_squeeze %dma_wait3A_394 : memref<1x64xi32, #tpu.memory_space<vmem>> -> memref<64xi32, #tpu.memory_space<vmem>>
    %dma_wait3A_396 = arith.constant 0 : i32
    %dma_wait3A_397 = tpu.memref_slice %arg4[%add3A_391, %dma_wait3A_396] : memref<5120x64xi32, #tpu.memory_space<hbm>> -> memref<1x64xi32, #tpu.memory_space<hbm>>
    %dma_wait3A_398 = tpu.memref_squeeze %dma_wait3A_397 : memref<1x64xi32, #tpu.memory_space<hbm>> -> memref<64xi32, #tpu.memory_space<hbm>>
    %dma_wait3A_399 = arith.constant 0 : i32
    %dma_wait3A_400 = tpu.memref_slice %arg8[%dma_wait3A_392, %dma_wait3A_399] : memref<8x64xi32, #tpu.memory_space<vmem>> -> memref<1x64xi32, #tpu.memory_space<vmem>>
    %dma_wait3A_401 = tpu.memref_squeeze %dma_wait3A_400 : memref<1x64xi32, #tpu.memory_space<vmem>> -> memref<64xi32, #tpu.memory_space<vmem>>
    %dma_wait3A_402 = arith.constant 0 : i32
    %dma_wait3A_403 = tpu.memref_slice %arg4[%add3A_391, %dma_wait3A_402] : memref<5120x64xi32, #tpu.memory_space<hbm>> -> memref<1x64xi32, #tpu.memory_space<hbm>>
    %dma_wait3A_404 = tpu.memref_squeeze %dma_wait3A_403 : memref<1x64xi32, #tpu.memory_space<hbm>> -> memref<64xi32, #tpu.memory_space<hbm>>
    tpu.wait_dma2 semaphore(%arg21 : memref<!tpu.dma_semaphore, #tpu.memory_space<semaphore_mem>>) src(%dma_wait3A_404 : memref<64xi32, #tpu.memory_space<hbm>>) dst(%dma_wait3A_401 : memref<64xi32, #tpu.memory_space<vmem>>)
    %dma_start3A_405 = arith.constant 3 : i32
    %dma_start3A_406 = arith.constant 0 : i32
    %dma_start3A_407 = tpu.memref_slice %arg8[%dma_start3A_405, %dma_start3A_406] : memref<8x64xi32, #tpu.memory_space<vmem>> -> memref<1x64xi32, #tpu.memory_space<vmem>>
    %dma_start3A_408 = tpu.memref_squeeze %dma_start3A_407 : memref<1x64xi32, #tpu.memory_space<vmem>> -> memref<64xi32, #tpu.memory_space<vmem>>
    %dma_start3A_409 = arith.constant 0 : i32
    %dma_start3A_410 = arith.constant 0 : i32
    %dma_start3A_411 = tpu.memref_slice %arg2[%dma_start3A_409, %dma_start3A_410] : memref<10000x128xf32, #tpu.memory_space<hbm>> -> memref<10000x128xf32, #tpu.memory_space<hbm>>
    tpu.enqueue_indirect_dma source(%dma_start3A_411 : memref<10000x128xf32, #tpu.memory_space<hbm>>) target(%arg12 : memref<64x128xf32, #tpu.memory_space<vmem>>) offsets(%dma_start3A_408 : memref<64xi32, #tpu.memory_space<vmem>>) semaphore(%arg17 : memref<!tpu.dma_semaphore, #tpu.memory_space<semaphore_mem>>)
    %jit3A_412 = arith.constant 8 : i32
    %div3A = arith.divsi %select_n3A, %jit3A_412 : i32
    %sign3A = arith.constant 0 : i32
    %sign3A_413 = arith.cmpi sgt, %select_n3A, %sign3A : i32
    %sign3A_414 = arith.extui %sign3A_413 : i1 to i32
    %sign3A_415 = arith.constant 0 : i32
    %sign3A_416 = arith.cmpi slt, %select_n3A, %sign3A_415 : i32
    %sign3A_417 = arith.extui %sign3A_416 : i1 to i32
    %sign3A_418 = arith.subi %sign3A_414, %sign3A_417 : i32
    %sign3A_419 = arith.constant 0 : i32
    %sign3A_420 = arith.cmpi sgt, %jit3A_412, %sign3A_419 : i32
    %sign3A_421 = arith.extui %sign3A_420 : i1 to i32
    %sign3A_422 = arith.constant 0 : i32
    %sign3A_423 = arith.cmpi slt, %jit3A_412, %sign3A_422 : i32
    %sign3A_424 = arith.extui %sign3A_423 : i1 to i32
    %sign3A_425 = arith.subi %sign3A_421, %sign3A_424 : i32
    %ne3A = arith.cmpi ne, %sign3A_418, %sign3A_425 : i32
    %rem3A = arith.remsi %select_n3A, %jit3A_412 : i32
    %ne3A_426 = arith.constant 0 : i32
    %ne3A_427 = arith.cmpi ne, %rem3A, %ne3A_426 : i32
    %and3A = arith.andi %ne3A, %ne3A_427 : i1
    %sub3A = arith.constant 1 : i32
    %sub3A_428 = arith.subi %div3A, %sub3A : i32
    %select_n3A_429 = arith.select %and3A, %sub3A_428, %div3A : i32
    %while3A = arith.constant 0 : i32
    %while3A_430 = arith.subi %select_n3A_429, %while3A : i32
    %while3A_431 = arith.addi %while3A, %while3A_430 : i32
    %while3A_432 = arith.constant 1 : i32
    %while3A_433 = arith.divsi %while3A_430, %while3A_432 : i32
    %while3A_434 = arith.muli %while3A_433, %while3A_432 : i32
    %while3A_435 = arith.addi %while3A, %while3A_434 : i32
    %while3A_436 = arith.constant 1 : i32
    scf.for %while3A_479 = %while3A to %while3A_435 step %while3A_436  : i32 {
      %mul3A_480 = arith.constant 8 : i32
      %mul3A_481 = arith.muli %while3A_479, %mul3A_480 : i32
      %add3A_482 = arith.constant 0 : i32
      %add3A_483 = arith.addi %mul3A_481, %add3A_482 : i32
      %dma_wait3A_484 = arith.constant 0 : i32
      %dma_wait3A_485 = arith.constant 0 : i32
      %dma_wait3A_486 = tpu.memref_slice %arg8[%dma_wait3A_484, %dma_wait3A_485] : memref<8x64xi32, #tpu.memory_space<vmem>> -> memref<1x64xi32, #tpu.memory_space<vmem>>
      %dma_wait3A_487 = tpu.memref_squeeze %dma_wait3A_486 : memref<1x64xi32, #tpu.memory_space<vmem>> -> memref<64xi32, #tpu.memory_space<vmem>>
      %dma_wait3A_488 = arith.constant 0 : i32
      %dma_wait3A_489 = arith.constant 0 : i32
      %dma_wait3A_490 = tpu.memref_slice %arg2[%dma_wait3A_488, %dma_wait3A_489] : memref<10000x128xf32, #tpu.memory_space<hbm>> -> memref<10000x128xf32, #tpu.memory_space<hbm>>
      tpu.wait_indirect_dma semaphore(%arg14 : memref<!tpu.dma_semaphore, #tpu.memory_space<semaphore_mem>>) src(%dma_wait3A_490 : memref<10000x128xf32, #tpu.memory_space<hbm>>) dst(%arg9 : memref<64x128xf32, #tpu.memory_space<vmem>>)
      %run_scoped3A = arith.constant 0 : i32
      "tpu.region"() ({
        %run_scoped3A_654 = tpu.sem_alloc : memref<!tpu.dma_semaphore, #tpu.memory_space<semaphore_mem>>
        %dma_start3A_655 = arith.constant 0 : i32
        %dma_start3A_656 = tpu.memref_slice %arg7[%run_scoped3A, %dma_start3A_655] : memref<8x64xi32, #tpu.memory_space<vmem>> -> memref<1x64xi32, #tpu.memory_space<vmem>>
        %dma_start3A_657 = tpu.memref_squeeze %dma_start3A_656 : memref<1x64xi32, #tpu.memory_space<vmem>> -> memref<64xi32, #tpu.memory_space<vmem>>
        %dma_start3A_658 = arith.constant 0 : i32
        %dma_start3A_659 = arith.constant 0 : i32
        %dma_start3A_660 = tpu.memref_slice %arg13[%dma_start3A_658, %dma_start3A_659] : memref<10112x128xf32, #tpu.memory_space<vmem_shared>> -> memref<10112x128xf32, #tpu.memory_space<vmem_shared>>
        tpu.enqueue_indirect_dma source(%arg9 : memref<64x128xf32, #tpu.memory_space<vmem>>) target(%dma_start3A_660 : memref<10112x128xf32, #tpu.memory_space<vmem_shared>>) offsets(%dma_start3A_657 : memref<64xi32, #tpu.memory_space<vmem>>) semaphore(%run_scoped3A_654 : memref<!tpu.dma_semaphore, #tpu.memory_space<semaphore_mem>>) {add = true}
        %dma_wait3A_661 = arith.constant 0 : i32
        %dma_wait3A_662 = tpu.memref_slice %arg7[%run_scoped3A, %dma_wait3A_661] : memref<8x64xi32, #tpu.memory_space<vmem>> -> memref<1x64xi32, #tpu.memory_space<vmem>>
        %dma_wait3A_663 = tpu.memref_squeeze %dma_wait3A_662 : memref<1x64xi32, #tpu.memory_space<vmem>> -> memref<64xi32, #tpu.memory_space<vmem>>
        %dma_wait3A_664 = arith.constant 0 : i32
        %dma_wait3A_665 = arith.constant 0 : i32
        %dma_wait3A_666 = tpu.memref_slice %arg13[%dma_wait3A_664, %dma_wait3A_665] : memref<10112x128xf32, #tpu.memory_space<vmem_shared>> -> memref<10112x128xf32, #tpu.memory_space<vmem_shared>>
        tpu.wait_indirect_dma semaphore(%run_scoped3A_654 : memref<!tpu.dma_semaphore, #tpu.memory_space<semaphore_mem>>) src(%arg9 : memref<64x128xf32, #tpu.memory_space<vmem>>) dst(%dma_wait3A_666 : memref<10112x128xf32, #tpu.memory_space<vmem_shared>>)
        tpu.yield
      }) : () -> ()
      %add3A_491 = arith.constant 8 : i32
      %add3A_492 = arith.addi %add3A_483, %add3A_491 : i32
      %lt3A = arith.cmpi slt, %add3A_492, %select_n3A : i32
      %convert_element_type3A = arith.extui %lt3A : i1 to i32
      %cond3A = arith.constant 0 : i32
      %cond3A_493 = arith.cmpi ne, %convert_element_type3A, %cond3A : i32
      scf.if %cond3A_493 {
        %add3A_654 = arith.addi %add3A, %add3A_483 : i32
        %add3A_655 = arith.constant 8 : i32
        %add3A_656 = arith.addi %add3A_654, %add3A_655 : i32
        %dma_start3A_657 = arith.constant 0 : i32
        %dma_start3A_658 = arith.constant 0 : i32
        %dma_start3A_659 = tpu.memref_slice %arg7[%dma_start3A_657, %dma_start3A_658] : memref<8x64xi32, #tpu.memory_space<vmem>> -> memref<1x64xi32, #tpu.memory_space<vmem>>
        %dma_start3A_660 = tpu.memref_squeeze %dma_start3A_659 : memref<1x64xi32, #tpu.memory_space<vmem>> -> memref<64xi32, #tpu.memory_space<vmem>>
        %dma_start3A_661 = arith.constant 0 : i32
        %dma_start3A_662 = tpu.memref_slice %arg3[%add3A_656, %dma_start3A_661] : memref<5120x64xi32, #tpu.memory_space<hbm>> -> memref<1x64xi32, #tpu.memory_space<hbm>>
        %dma_start3A_663 = tpu.memref_squeeze %dma_start3A_662 : memref<1x64xi32, #tpu.memory_space<hbm>> -> memref<64xi32, #tpu.memory_space<hbm>>
        %dma_start3A_664 = arith.constant 0 : i32
        %dma_start3A_665 = tpu.memref_slice %arg7[%dma_start3A_657, %dma_start3A_664] : memref<8x64xi32, #tpu.memory_space<vmem>> -> memref<1x64xi32, #tpu.memory_space<vmem>>
        %dma_start3A_666 = tpu.memref_squeeze %dma_start3A_665 : memref<1x64xi32, #tpu.memory_space<vmem>> -> memref<64xi32, #tpu.memory_space<vmem>>
        %dma_start3A_667 = arith.constant 0 : i32
        %dma_start3A_668 = tpu.memref_slice %arg3[%add3A_656, %dma_start3A_667] : memref<5120x64xi32, #tpu.memory_space<hbm>> -> memref<1x64xi32, #tpu.memory_space<hbm>>
        %dma_start3A_669 = tpu.memref_squeeze %dma_start3A_668 : memref<1x64xi32, #tpu.memory_space<hbm>> -> memref<64xi32, #tpu.memory_space<hbm>>
        tpu.enqueue_dma source(%dma_start3A_669 : memref<64xi32, #tpu.memory_space<hbm>>) target(%dma_start3A_666 : memref<64xi32, #tpu.memory_space<vmem>>) target_semaphore(%arg18 : memref<!tpu.dma_semaphore, #tpu.memory_space<semaphore_mem>>)
        %add3A_670 = arith.addi %add3A, %add3A_483 : i32
        %add3A_671 = arith.constant 8 : i32
        %add3A_672 = arith.addi %add3A_670, %add3A_671 : i32
        %dma_start3A_673 = arith.constant 0 : i32
        %dma_start3A_674 = arith.constant 0 : i32
        %dma_start3A_675 = tpu.memref_slice %arg8[%dma_start3A_673, %dma_start3A_674] : memref<8x64xi32, #tpu.memory_space<vmem>> -> memref<1x64xi32, #tpu.memory_space<vmem>>
        %dma_start3A_676 = tpu.memref_squeeze %dma_start3A_675 : memref<1x64xi32, #tpu.memory_space<vmem>> -> memref<64xi32, #tpu.memory_space<vmem>>
        %dma_start3A_677 = arith.constant 0 : i32
        %dma_start3A_678 = tpu.memref_slice %arg4[%add3A_672, %dma_start3A_677] : memref<5120x64xi32, #tpu.memory_space<hbm>> -> memref<1x64xi32, #tpu.memory_space<hbm>>
        %dma_start3A_679 = tpu.memref_squeeze %dma_start3A_678 : memref<1x64xi32, #tpu.memory_space<hbm>> -> memref<64xi32, #tpu.memory_space<hbm>>
        %dma_start3A_680 = arith.constant 0 : i32
        %dma_start3A_681 = tpu.memref_slice %arg8[%dma_start3A_673, %dma_start3A_680] : memref<8x64xi32, #tpu.memory_space<vmem>> -> memref<1x64xi32, #tpu.memory_space<vmem>>
        %dma_start3A_682 = tpu.memref_squeeze %dma_start3A_681 : memref<1x64xi32, #tpu.memory_space<vmem>> -> memref<64xi32, #tpu.memory_space<vmem>>
        %dma_start3A_683 = arith.constant 0 : i32
        %dma_start3A_684 = tpu.memref_slice %arg4[%add3A_672, %dma_start3A_683] : memref<5120x64xi32, #tpu.memory_space<hbm>> -> memref<1x64xi32, #tpu.memory_space<hbm>>
        %dma_start3A_685 = tpu.memref_squeeze %dma_start3A_684 : memref<1x64xi32, #tpu.memory_space<hbm>> -> memref<64xi32, #tpu.memory_space<hbm>>
        tpu.enqueue_dma source(%dma_start3A_685 : memref<64xi32, #tpu.memory_space<hbm>>) target(%dma_start3A_682 : memref<64xi32, #tpu.memory_space<vmem>>) target_semaphore(%arg18 : memref<!tpu.dma_semaphore, #tpu.memory_space<semaphore_mem>>)
      } else {
      }
      %add3A_494 = arith.constant 4 : i32
      %add3A_495 = arith.addi %add3A_483, %add3A_494 : i32
      %lt3A_496 = arith.cmpi slt, %add3A_495, %select_n3A : i32
      %convert_element_type3A_497 = arith.extui %lt3A_496 : i1 to i32
      %cond3A_498 = arith.constant 0 : i32
      %cond3A_499 = arith.cmpi ne, %convert_element_type3A_497, %cond3A_498 : i32
      scf.if %cond3A_499 {
        %add3A_654 = arith.addi %add3A, %add3A_483 : i32
        %add3A_655 = arith.constant 4 : i32
        %add3A_656 = arith.addi %add3A_654, %add3A_655 : i32
        %dma_wait3A_657 = arith.constant 4 : i32
        %dma_wait3A_658 = arith.constant 0 : i32
        %dma_wait3A_659 = tpu.memref_slice %arg7[%dma_wait3A_657, %dma_wait3A_658] : memref<8x64xi32, #tpu.memory_space<vmem>> -> memref<1x64xi32, #tpu.memory_space<vmem>>
        %dma_wait3A_660 = tpu.memref_squeeze %dma_wait3A_659 : memref<1x64xi32, #tpu.memory_space<vmem>> -> memref<64xi32, #tpu.memory_space<vmem>>
        %dma_wait3A_661 = arith.constant 0 : i32
        %dma_wait3A_662 = tpu.memref_slice %arg3[%add3A_656, %dma_wait3A_661] : memref<5120x64xi32, #tpu.memory_space<hbm>> -> memref<1x64xi32, #tpu.memory_space<hbm>>
        %dma_wait3A_663 = tpu.memref_squeeze %dma_wait3A_662 : memref<1x64xi32, #tpu.memory_space<hbm>> -> memref<64xi32, #tpu.memory_space<hbm>>
        %dma_wait3A_664 = arith.constant 0 : i32
        %dma_wait3A_665 = tpu.memref_slice %arg7[%dma_wait3A_657, %dma_wait3A_664] : memref<8x64xi32, #tpu.memory_space<vmem>> -> memref<1x64xi32, #tpu.memory_space<vmem>>
        %dma_wait3A_666 = tpu.memref_squeeze %dma_wait3A_665 : memref<1x64xi32, #tpu.memory_space<vmem>> -> memref<64xi32, #tpu.memory_space<vmem>>
        %dma_wait3A_667 = arith.constant 0 : i32
        %dma_wait3A_668 = tpu.memref_slice %arg3[%add3A_656, %dma_wait3A_667] : memref<5120x64xi32, #tpu.memory_space<hbm>> -> memref<1x64xi32, #tpu.memory_space<hbm>>
        %dma_wait3A_669 = tpu.memref_squeeze %dma_wait3A_668 : memref<1x64xi32, #tpu.memory_space<hbm>> -> memref<64xi32, #tpu.memory_space<hbm>>
        tpu.wait_dma2 semaphore(%arg22 : memref<!tpu.dma_semaphore, #tpu.memory_space<semaphore_mem>>) src(%dma_wait3A_669 : memref<64xi32, #tpu.memory_space<hbm>>) dst(%dma_wait3A_666 : memref<64xi32, #tpu.memory_space<vmem>>)
        %add3A_670 = arith.addi %add3A, %add3A_483 : i32
        %add3A_671 = arith.constant 4 : i32
        %add3A_672 = arith.addi %add3A_670, %add3A_671 : i32
        %dma_wait3A_673 = arith.constant 4 : i32
        %dma_wait3A_674 = arith.constant 0 : i32
        %dma_wait3A_675 = tpu.memref_slice %arg8[%dma_wait3A_673, %dma_wait3A_674] : memref<8x64xi32, #tpu.memory_space<vmem>> -> memref<1x64xi32, #tpu.memory_space<vmem>>
        %dma_wait3A_676 = tpu.memref_squeeze %dma_wait3A_675 : memref<1x64xi32, #tpu.memory_space<vmem>> -> memref<64xi32, #tpu.memory_space<vmem>>
        %dma_wait3A_677 = arith.constant 0 : i32
        %dma_wait3A_678 = tpu.memref_slice %arg4[%add3A_672, %dma_wait3A_677] : memref<5120x64xi32, #tpu.memory_space<hbm>> -> memref<1x64xi32, #tpu.memory_space<hbm>>
        %dma_wait3A_679 = tpu.memref_squeeze %dma_wait3A_678 : memref<1x64xi32, #tpu.memory_space<hbm>> -> memref<64xi32, #tpu.memory_space<hbm>>
        %dma_wait3A_680 = arith.constant 0 : i32
        %dma_wait3A_681 = tpu.memref_slice %arg8[%dma_wait3A_673, %dma_wait3A_680] : memref<8x64xi32, #tpu.memory_space<vmem>> -> memref<1x64xi32, #tpu.memory_space<vmem>>
        %dma_wait3A_682 = tpu.memref_squeeze %dma_wait3A_681 : memref<1x64xi32, #tpu.memory_space<vmem>> -> memref<64xi32, #tpu.memory_space<vmem>>
        %dma_wait3A_683 = arith.constant 0 : i32
        %dma_wait3A_684 = tpu.memref_slice %arg4[%add3A_672, %dma_wait3A_683] : memref<5120x64xi32, #tpu.memory_space<hbm>> -> memref<1x64xi32, #tpu.memory_space<hbm>>
        %dma_wait3A_685 = tpu.memref_squeeze %dma_wait3A_684 : memref<1x64xi32, #tpu.memory_space<hbm>> -> memref<64xi32, #tpu.memory_space<hbm>>
        tpu.wait_dma2 semaphore(%arg22 : memref<!tpu.dma_semaphore, #tpu.memory_space<semaphore_mem>>) src(%dma_wait3A_685 : memref<64xi32, #tpu.memory_space<hbm>>) dst(%dma_wait3A_682 : memref<64xi32, #tpu.memory_space<vmem>>)
        %dma_start3A_686 = arith.constant 4 : i32
        %dma_start3A_687 = arith.constant 0 : i32
        %dma_start3A_688 = tpu.memref_slice %arg8[%dma_start3A_686, %dma_start3A_687] : memref<8x64xi32, #tpu.memory_space<vmem>> -> memref<1x64xi32, #tpu.memory_space<vmem>>
        %dma_start3A_689 = tpu.memref_squeeze %dma_start3A_688 : memref<1x64xi32, #tpu.memory_space<vmem>> -> memref<64xi32, #tpu.memory_space<vmem>>
        %dma_start3A_690 = arith.constant 0 : i32
        %dma_start3A_691 = arith.constant 0 : i32
        %dma_start3A_692 = tpu.memref_slice %arg2[%dma_start3A_690, %dma_start3A_691] : memref<10000x128xf32, #tpu.memory_space<hbm>> -> memref<10000x128xf32, #tpu.memory_space<hbm>>
        tpu.enqueue_indirect_dma source(%dma_start3A_692 : memref<10000x128xf32, #tpu.memory_space<hbm>>) target(%arg9 : memref<64x128xf32, #tpu.memory_space<vmem>>) offsets(%dma_start3A_689 : memref<64xi32, #tpu.memory_space<vmem>>) semaphore(%arg14 : memref<!tpu.dma_semaphore, #tpu.memory_space<semaphore_mem>>)
      } else {
      }
      %add3A_500 = arith.constant 1 : i32
      %add3A_501 = arith.addi %mul3A_481, %add3A_500 : i32
      %dma_wait3A_502 = arith.constant 1 : i32
      %dma_wait3A_503 = arith.constant 0 : i32
      %dma_wait3A_504 = tpu.memref_slice %arg8[%dma_wait3A_502, %dma_wait3A_503] : memref<8x64xi32, #tpu.memory_space<vmem>> -> memref<1x64xi32, #tpu.memory_space<vmem>>
      %dma_wait3A_505 = tpu.memref_squeeze %dma_wait3A_504 : memref<1x64xi32, #tpu.memory_space<vmem>> -> memref<64xi32, #tpu.memory_space<vmem>>
      %dma_wait3A_506 = arith.constant 0 : i32
      %dma_wait3A_507 = arith.constant 0 : i32
      %dma_wait3A_508 = tpu.memref_slice %arg2[%dma_wait3A_506, %dma_wait3A_507] : memref<10000x128xf32, #tpu.memory_space<hbm>> -> memref<10000x128xf32, #tpu.memory_space<hbm>>
      tpu.wait_indirect_dma semaphore(%arg15 : memref<!tpu.dma_semaphore, #tpu.memory_space<semaphore_mem>>) src(%dma_wait3A_508 : memref<10000x128xf32, #tpu.memory_space<hbm>>) dst(%arg10 : memref<64x128xf32, #tpu.memory_space<vmem>>)
      %run_scoped3A_509 = arith.constant 1 : i32
      "tpu.region"() ({
        %run_scoped3A_654 = tpu.sem_alloc : memref<!tpu.dma_semaphore, #tpu.memory_space<semaphore_mem>>
        %dma_start3A_655 = arith.constant 0 : i32
        %dma_start3A_656 = tpu.memref_slice %arg7[%run_scoped3A_509, %dma_start3A_655] : memref<8x64xi32, #tpu.memory_space<vmem>> -> memref<1x64xi32, #tpu.memory_space<vmem>>
        %dma_start3A_657 = tpu.memref_squeeze %dma_start3A_656 : memref<1x64xi32, #tpu.memory_space<vmem>> -> memref<64xi32, #tpu.memory_space<vmem>>
        %dma_start3A_658 = arith.constant 0 : i32
        %dma_start3A_659 = arith.constant 0 : i32
        %dma_start3A_660 = tpu.memref_slice %arg13[%dma_start3A_658, %dma_start3A_659] : memref<10112x128xf32, #tpu.memory_space<vmem_shared>> -> memref<10112x128xf32, #tpu.memory_space<vmem_shared>>
        tpu.enqueue_indirect_dma source(%arg10 : memref<64x128xf32, #tpu.memory_space<vmem>>) target(%dma_start3A_660 : memref<10112x128xf32, #tpu.memory_space<vmem_shared>>) offsets(%dma_start3A_657 : memref<64xi32, #tpu.memory_space<vmem>>) semaphore(%run_scoped3A_654 : memref<!tpu.dma_semaphore, #tpu.memory_space<semaphore_mem>>) {add = true}
        %dma_wait3A_661 = arith.constant 0 : i32
        %dma_wait3A_662 = tpu.memref_slice %arg7[%run_scoped3A_509, %dma_wait3A_661] : memref<8x64xi32, #tpu.memory_space<vmem>> -> memref<1x64xi32, #tpu.memory_space<vmem>>
        %dma_wait3A_663 = tpu.memref_squeeze %dma_wait3A_662 : memref<1x64xi32, #tpu.memory_space<vmem>> -> memref<64xi32, #tpu.memory_space<vmem>>
        %dma_wait3A_664 = arith.constant 0 : i32
        %dma_wait3A_665 = arith.constant 0 : i32
        %dma_wait3A_666 = tpu.memref_slice %arg13[%dma_wait3A_664, %dma_wait3A_665] : memref<10112x128xf32, #tpu.memory_space<vmem_shared>> -> memref<10112x128xf32, #tpu.memory_space<vmem_shared>>
        tpu.wait_indirect_dma semaphore(%run_scoped3A_654 : memref<!tpu.dma_semaphore, #tpu.memory_space<semaphore_mem>>) src(%arg10 : memref<64x128xf32, #tpu.memory_space<vmem>>) dst(%dma_wait3A_666 : memref<10112x128xf32, #tpu.memory_space<vmem_shared>>)
        tpu.yield
      }) : () -> ()
      %add3A_510 = arith.constant 8 : i32
      %add3A_511 = arith.addi %add3A_501, %add3A_510 : i32
      %lt3A_512 = arith.cmpi slt, %add3A_511, %select_n3A : i32
      %convert_element_type3A_513 = arith.extui %lt3A_512 : i1 to i32
      %cond3A_514 = arith.constant 0 : i32
      %cond3A_515 = arith.cmpi ne, %convert_element_type3A_513, %cond3A_514 : i32
      scf.if %cond3A_515 {
        %add3A_654 = arith.addi %add3A, %add3A_501 : i32
        %add3A_655 = arith.constant 8 : i32
        %add3A_656 = arith.addi %add3A_654, %add3A_655 : i32
        %dma_start3A_657 = arith.constant 1 : i32
        %dma_start3A_658 = arith.constant 0 : i32
        %dma_start3A_659 = tpu.memref_slice %arg7[%dma_start3A_657, %dma_start3A_658] : memref<8x64xi32, #tpu.memory_space<vmem>> -> memref<1x64xi32, #tpu.memory_space<vmem>>
        %dma_start3A_660 = tpu.memref_squeeze %dma_start3A_659 : memref<1x64xi32, #tpu.memory_space<vmem>> -> memref<64xi32, #tpu.memory_space<vmem>>
        %dma_start3A_661 = arith.constant 0 : i32
        %dma_start3A_662 = tpu.memref_slice %arg3[%add3A_656, %dma_start3A_661] : memref<5120x64xi32, #tpu.memory_space<hbm>> -> memref<1x64xi32, #tpu.memory_space<hbm>>
        %dma_start3A_663 = tpu.memref_squeeze %dma_start3A_662 : memref<1x64xi32, #tpu.memory_space<hbm>> -> memref<64xi32, #tpu.memory_space<hbm>>
        %dma_start3A_664 = arith.constant 0 : i32
        %dma_start3A_665 = tpu.memref_slice %arg7[%dma_start3A_657, %dma_start3A_664] : memref<8x64xi32, #tpu.memory_space<vmem>> -> memref<1x64xi32, #tpu.memory_space<vmem>>
        %dma_start3A_666 = tpu.memref_squeeze %dma_start3A_665 : memref<1x64xi32, #tpu.memory_space<vmem>> -> memref<64xi32, #tpu.memory_space<vmem>>
        %dma_start3A_667 = arith.constant 0 : i32
        %dma_start3A_668 = tpu.memref_slice %arg3[%add3A_656, %dma_start3A_667] : memref<5120x64xi32, #tpu.memory_space<hbm>> -> memref<1x64xi32, #tpu.memory_space<hbm>>
        %dma_start3A_669 = tpu.memref_squeeze %dma_start3A_668 : memref<1x64xi32, #tpu.memory_space<hbm>> -> memref<64xi32, #tpu.memory_space<hbm>>
        tpu.enqueue_dma source(%dma_start3A_669 : memref<64xi32, #tpu.memory_space<hbm>>) target(%dma_start3A_666 : memref<64xi32, #tpu.memory_space<vmem>>) target_semaphore(%arg19 : memref<!tpu.dma_semaphore, #tpu.memory_space<semaphore_mem>>)
        %add3A_670 = arith.addi %add3A, %add3A_501 : i32
        %add3A_671 = arith.constant 8 : i32
        %add3A_672 = arith.addi %add3A_670, %add3A_671 : i32
        %dma_start3A_673 = arith.constant 1 : i32
        %dma_start3A_674 = arith.constant 0 : i32
        %dma_start3A_675 = tpu.memref_slice %arg8[%dma_start3A_673, %dma_start3A_674] : memref<8x64xi32, #tpu.memory_space<vmem>> -> memref<1x64xi32, #tpu.memory_space<vmem>>
        %dma_start3A_676 = tpu.memref_squeeze %dma_start3A_675 : memref<1x64xi32, #tpu.memory_space<vmem>> -> memref<64xi32, #tpu.memory_space<vmem>>
        %dma_start3A_677 = arith.constant 0 : i32
        %dma_start3A_678 = tpu.memref_slice %arg4[%add3A_672, %dma_start3A_677] : memref<5120x64xi32, #tpu.memory_space<hbm>> -> memref<1x64xi32, #tpu.memory_space<hbm>>
        %dma_start3A_679 = tpu.memref_squeeze %dma_start3A_678 : memref<1x64xi32, #tpu.memory_space<hbm>> -> memref<64xi32, #tpu.memory_space<hbm>>
        %dma_start3A_680 = arith.constant 0 : i32
        %dma_start3A_681 = tpu.memref_slice %arg8[%dma_start3A_673, %dma_start3A_680] : memref<8x64xi32, #tpu.memory_space<vmem>> -> memref<1x64xi32, #tpu.memory_space<vmem>>
        %dma_start3A_682 = tpu.memref_squeeze %dma_start3A_681 : memref<1x64xi32, #tpu.memory_space<vmem>> -> memref<64xi32, #tpu.memory_space<vmem>>
        %dma_start3A_683 = arith.constant 0 : i32
        %dma_start3A_684 = tpu.memref_slice %arg4[%add3A_672, %dma_start3A_683] : memref<5120x64xi32, #tpu.memory_space<hbm>> -> memref<1x64xi32, #tpu.memory_space<hbm>>
        %dma_start3A_685 = tpu.memref_squeeze %dma_start3A_684 : memref<1x64xi32, #tpu.memory_space<hbm>> -> memref<64xi32, #tpu.memory_space<hbm>>
        tpu.enqueue_dma source(%dma_start3A_685 : memref<64xi32, #tpu.memory_space<hbm>>) target(%dma_start3A_682 : memref<64xi32, #tpu.memory_space<vmem>>) target_semaphore(%arg19 : memref<!tpu.dma_semaphore, #tpu.memory_space<semaphore_mem>>)
      } else {
      }
      %add3A_516 = arith.constant 4 : i32
      %add3A_517 = arith.addi %add3A_501, %add3A_516 : i32
      %lt3A_518 = arith.cmpi slt, %add3A_517, %select_n3A : i32
      %convert_element_type3A_519 = arith.extui %lt3A_518 : i1 to i32
      %cond3A_520 = arith.constant 0 : i32
      %cond3A_521 = arith.cmpi ne, %convert_element_type3A_519, %cond3A_520 : i32
      scf.if %cond3A_521 {
        %add3A_654 = arith.addi %add3A, %add3A_501 : i32
        %add3A_655 = arith.constant 4 : i32
        %add3A_656 = arith.addi %add3A_654, %add3A_655 : i32
        %dma_wait3A_657 = arith.constant 5 : i32
        %dma_wait3A_658 = arith.constant 0 : i32
        %dma_wait3A_659 = tpu.memref_slice %arg7[%dma_wait3A_657, %dma_wait3A_658] : memref<8x64xi32, #tpu.memory_space<vmem>> -> memref<1x64xi32, #tpu.memory_space<vmem>>
        %dma_wait3A_660 = tpu.memref_squeeze %dma_wait3A_659 : memref<1x64xi32, #tpu.memory_space<vmem>> -> memref<64xi32, #tpu.memory_space<vmem>>
        %dma_wait3A_661 = arith.constant 0 : i32
        %dma_wait3A_662 = tpu.memref_slice %arg3[%add3A_656, %dma_wait3A_661] : memref<5120x64xi32, #tpu.memory_space<hbm>> -> memref<1x64xi32, #tpu.memory_space<hbm>>
        %dma_wait3A_663 = tpu.memref_squeeze %dma_wait3A_662 : memref<1x64xi32, #tpu.memory_space<hbm>> -> memref<64xi32, #tpu.memory_space<hbm>>
        %dma_wait3A_664 = arith.constant 0 : i32
        %dma_wait3A_665 = tpu.memref_slice %arg7[%dma_wait3A_657, %dma_wait3A_664] : memref<8x64xi32, #tpu.memory_space<vmem>> -> memref<1x64xi32, #tpu.memory_space<vmem>>
        %dma_wait3A_666 = tpu.memref_squeeze %dma_wait3A_665 : memref<1x64xi32, #tpu.memory_space<vmem>> -> memref<64xi32, #tpu.memory_space<vmem>>
        %dma_wait3A_667 = arith.constant 0 : i32
        %dma_wait3A_668 = tpu.memref_slice %arg3[%add3A_656, %dma_wait3A_667] : memref<5120x64xi32, #tpu.memory_space<hbm>> -> memref<1x64xi32, #tpu.memory_space<hbm>>
        %dma_wait3A_669 = tpu.memref_squeeze %dma_wait3A_668 : memref<1x64xi32, #tpu.memory_space<hbm>> -> memref<64xi32, #tpu.memory_space<hbm>>
        tpu.wait_dma2 semaphore(%arg23 : memref<!tpu.dma_semaphore, #tpu.memory_space<semaphore_mem>>) src(%dma_wait3A_669 : memref<64xi32, #tpu.memory_space<hbm>>) dst(%dma_wait3A_666 : memref<64xi32, #tpu.memory_space<vmem>>)
        %add3A_670 = arith.addi %add3A, %add3A_501 : i32
        %add3A_671 = arith.constant 4 : i32
        %add3A_672 = arith.addi %add3A_670, %add3A_671 : i32
        %dma_wait3A_673 = arith.constant 5 : i32
        %dma_wait3A_674 = arith.constant 0 : i32
        %dma_wait3A_675 = tpu.memref_slice %arg8[%dma_wait3A_673, %dma_wait3A_674] : memref<8x64xi32, #tpu.memory_space<vmem>> -> memref<1x64xi32, #tpu.memory_space<vmem>>
        %dma_wait3A_676 = tpu.memref_squeeze %dma_wait3A_675 : memref<1x64xi32, #tpu.memory_space<vmem>> -> memref<64xi32, #tpu.memory_space<vmem>>
        %dma_wait3A_677 = arith.constant 0 : i32
        %dma_wait3A_678 = tpu.memref_slice %arg4[%add3A_672, %dma_wait3A_677] : memref<5120x64xi32, #tpu.memory_space<hbm>> -> memref<1x64xi32, #tpu.memory_space<hbm>>
        %dma_wait3A_679 = tpu.memref_squeeze %dma_wait3A_678 : memref<1x64xi32, #tpu.memory_space<hbm>> -> memref<64xi32, #tpu.memory_space<hbm>>
        %dma_wait3A_680 = arith.constant 0 : i32
        %dma_wait3A_681 = tpu.memref_slice %arg8[%dma_wait3A_673, %dma_wait3A_680] : memref<8x64xi32, #tpu.memory_space<vmem>> -> memref<1x64xi32, #tpu.memory_space<vmem>>
        %dma_wait3A_682 = tpu.memref_squeeze %dma_wait3A_681 : memref<1x64xi32, #tpu.memory_space<vmem>> -> memref<64xi32, #tpu.memory_space<vmem>>
        %dma_wait3A_683 = arith.constant 0 : i32
        %dma_wait3A_684 = tpu.memref_slice %arg4[%add3A_672, %dma_wait3A_683] : memref<5120x64xi32, #tpu.memory_space<hbm>> -> memref<1x64xi32, #tpu.memory_space<hbm>>
        %dma_wait3A_685 = tpu.memref_squeeze %dma_wait3A_684 : memref<1x64xi32, #tpu.memory_space<hbm>> -> memref<64xi32, #tpu.memory_space<hbm>>
        tpu.wait_dma2 semaphore(%arg23 : memref<!tpu.dma_semaphore, #tpu.memory_space<semaphore_mem>>) src(%dma_wait3A_685 : memref<64xi32, #tpu.memory_space<hbm>>) dst(%dma_wait3A_682 : memref<64xi32, #tpu.memory_space<vmem>>)
        %dma_start3A_686 = arith.constant 5 : i32
        %dma_start3A_687 = arith.constant 0 : i32
        %dma_start3A_688 = tpu.memref_slice %arg8[%dma_start3A_686, %dma_start3A_687] : memref<8x64xi32, #tpu.memory_space<vmem>> -> memref<1x64xi32, #tpu.memory_space<vmem>>
        %dma_start3A_689 = tpu.memref_squeeze %dma_start3A_688 : memref<1x64xi32, #tpu.memory_space<vmem>> -> memref<64xi32, #tpu.memory_space<vmem>>
        %dma_start3A_690 = arith.constant 0 : i32
        %dma_start3A_691 = arith.constant 0 : i32
        %dma_start3A_692 = tpu.memref_slice %arg2[%dma_start3A_690, %dma_start3A_691] : memref<10000x128xf32, #tpu.memory_space<hbm>> -> memref<10000x128xf32, #tpu.memory_space<hbm>>
        tpu.enqueue_indirect_dma source(%dma_start3A_692 : memref<10000x128xf32, #tpu.memory_space<hbm>>) target(%arg10 : memref<64x128xf32, #tpu.memory_space<vmem>>) offsets(%dma_start3A_689 : memref<64xi32, #tpu.memory_space<vmem>>) semaphore(%arg15 : memref<!tpu.dma_semaphore, #tpu.memory_space<semaphore_mem>>)
      } else {
      }
      %add3A_522 = arith.constant 2 : i32
      %add3A_523 = arith.addi %mul3A_481, %add3A_522 : i32
      %dma_wait3A_524 = arith.constant 2 : i32
      %dma_wait3A_525 = arith.constant 0 : i32
      %dma_wait3A_526 = tpu.memref_slice %arg8[%dma_wait3A_524, %dma_wait3A_525] : memref<8x64xi32, #tpu.memory_space<vmem>> -> memref<1x64xi32, #tpu.memory_space<vmem>>
      %dma_wait3A_527 = tpu.memref_squeeze %dma_wait3A_526 : memref<1x64xi32, #tpu.memory_space<vmem>> -> memref<64xi32, #tpu.memory_space<vmem>>
      %dma_wait3A_528 = arith.constant 0 : i32
      %dma_wait3A_529 = arith.constant 0 : i32
      %dma_wait3A_530 = tpu.memref_slice %arg2[%dma_wait3A_528, %dma_wait3A_529] : memref<10000x128xf32, #tpu.memory_space<hbm>> -> memref<10000x128xf32, #tpu.memory_space<hbm>>
      tpu.wait_indirect_dma semaphore(%arg16 : memref<!tpu.dma_semaphore, #tpu.memory_space<semaphore_mem>>) src(%dma_wait3A_530 : memref<10000x128xf32, #tpu.memory_space<hbm>>) dst(%arg11 : memref<64x128xf32, #tpu.memory_space<vmem>>)
      %run_scoped3A_531 = arith.constant 2 : i32
      "tpu.region"() ({
        %run_scoped3A_654 = tpu.sem_alloc : memref<!tpu.dma_semaphore, #tpu.memory_space<semaphore_mem>>
        %dma_start3A_655 = arith.constant 0 : i32
        %dma_start3A_656 = tpu.memref_slice %arg7[%run_scoped3A_531, %dma_start3A_655] : memref<8x64xi32, #tpu.memory_space<vmem>> -> memref<1x64xi32, #tpu.memory_space<vmem>>
        %dma_start3A_657 = tpu.memref_squeeze %dma_start3A_656 : memref<1x64xi32, #tpu.memory_space<vmem>> -> memref<64xi32, #tpu.memory_space<vmem>>
        %dma_start3A_658 = arith.constant 0 : i32
        %dma_start3A_659 = arith.constant 0 : i32
        %dma_start3A_660 = tpu.memref_slice %arg13[%dma_start3A_658, %dma_start3A_659] : memref<10112x128xf32, #tpu.memory_space<vmem_shared>> -> memref<10112x128xf32, #tpu.memory_space<vmem_shared>>
        tpu.enqueue_indirect_dma source(%arg11 : memref<64x128xf32, #tpu.memory_space<vmem>>) target(%dma_start3A_660 : memref<10112x128xf32, #tpu.memory_space<vmem_shared>>) offsets(%dma_start3A_657 : memref<64xi32, #tpu.memory_space<vmem>>) semaphore(%run_scoped3A_654 : memref<!tpu.dma_semaphore, #tpu.memory_space<semaphore_mem>>) {add = true}
        %dma_wait3A_661 = arith.constant 0 : i32
        %dma_wait3A_662 = tpu.memref_slice %arg7[%run_scoped3A_531, %dma_wait3A_661] : memref<8x64xi32, #tpu.memory_space<vmem>> -> memref<1x64xi32, #tpu.memory_space<vmem>>
        %dma_wait3A_663 = tpu.memref_squeeze %dma_wait3A_662 : memref<1x64xi32, #tpu.memory_space<vmem>> -> memref<64xi32, #tpu.memory_space<vmem>>
        %dma_wait3A_664 = arith.constant 0 : i32
        %dma_wait3A_665 = arith.constant 0 : i32
        %dma_wait3A_666 = tpu.memref_slice %arg13[%dma_wait3A_664, %dma_wait3A_665] : memref<10112x128xf32, #tpu.memory_space<vmem_shared>> -> memref<10112x128xf32, #tpu.memory_space<vmem_shared>>
        tpu.wait_indirect_dma semaphore(%run_scoped3A_654 : memref<!tpu.dma_semaphore, #tpu.memory_space<semaphore_mem>>) src(%arg11 : memref<64x128xf32, #tpu.memory_space<vmem>>) dst(%dma_wait3A_666 : memref<10112x128xf32, #tpu.memory_space<vmem_shared>>)
        tpu.yield
      }) : () -> ()
      %add3A_532 = arith.constant 8 : i32
      %add3A_533 = arith.addi %add3A_523, %add3A_532 : i32
      %lt3A_534 = arith.cmpi slt, %add3A_533, %select_n3A : i32
      %convert_element_type3A_535 = arith.extui %lt3A_534 : i1 to i32
      %cond3A_536 = arith.constant 0 : i32
      %cond3A_537 = arith.cmpi ne, %convert_element_type3A_535, %cond3A_536 : i32
      scf.if %cond3A_537 {
        %add3A_654 = arith.addi %add3A, %add3A_523 : i32
        %add3A_655 = arith.constant 8 : i32
        %add3A_656 = arith.addi %add3A_654, %add3A_655 : i32
        %dma_start3A_657 = arith.constant 2 : i32
        %dma_start3A_658 = arith.constant 0 : i32
        %dma_start3A_659 = tpu.memref_slice %arg7[%dma_start3A_657, %dma_start3A_658] : memref<8x64xi32, #tpu.memory_space<vmem>> -> memref<1x64xi32, #tpu.memory_space<vmem>>
        %dma_start3A_660 = tpu.memref_squeeze %dma_start3A_659 : memref<1x64xi32, #tpu.memory_space<vmem>> -> memref<64xi32, #tpu.memory_space<vmem>>
        %dma_start3A_661 = arith.constant 0 : i32
        %dma_start3A_662 = tpu.memref_slice %arg3[%add3A_656, %dma_start3A_661] : memref<5120x64xi32, #tpu.memory_space<hbm>> -> memref<1x64xi32, #tpu.memory_space<hbm>>
        %dma_start3A_663 = tpu.memref_squeeze %dma_start3A_662 : memref<1x64xi32, #tpu.memory_space<hbm>> -> memref<64xi32, #tpu.memory_space<hbm>>
        %dma_start3A_664 = arith.constant 0 : i32
        %dma_start3A_665 = tpu.memref_slice %arg7[%dma_start3A_657, %dma_start3A_664] : memref<8x64xi32, #tpu.memory_space<vmem>> -> memref<1x64xi32, #tpu.memory_space<vmem>>
        %dma_start3A_666 = tpu.memref_squeeze %dma_start3A_665 : memref<1x64xi32, #tpu.memory_space<vmem>> -> memref<64xi32, #tpu.memory_space<vmem>>
        %dma_start3A_667 = arith.constant 0 : i32
        %dma_start3A_668 = tpu.memref_slice %arg3[%add3A_656, %dma_start3A_667] : memref<5120x64xi32, #tpu.memory_space<hbm>> -> memref<1x64xi32, #tpu.memory_space<hbm>>
        %dma_start3A_669 = tpu.memref_squeeze %dma_start3A_668 : memref<1x64xi32, #tpu.memory_space<hbm>> -> memref<64xi32, #tpu.memory_space<hbm>>
        tpu.enqueue_dma source(%dma_start3A_669 : memref<64xi32, #tpu.memory_space<hbm>>) target(%dma_start3A_666 : memref<64xi32, #tpu.memory_space<vmem>>) target_semaphore(%arg20 : memref<!tpu.dma_semaphore, #tpu.memory_space<semaphore_mem>>)
        %add3A_670 = arith.addi %add3A, %add3A_523 : i32
        %add3A_671 = arith.constant 8 : i32
        %add3A_672 = arith.addi %add3A_670, %add3A_671 : i32
        %dma_start3A_673 = arith.constant 2 : i32
        %dma_start3A_674 = arith.constant 0 : i32
        %dma_start3A_675 = tpu.memref_slice %arg8[%dma_start3A_673, %dma_start3A_674] : memref<8x64xi32, #tpu.memory_space<vmem>> -> memref<1x64xi32, #tpu.memory_space<vmem>>
        %dma_start3A_676 = tpu.memref_squeeze %dma_start3A_675 : memref<1x64xi32, #tpu.memory_space<vmem>> -> memref<64xi32, #tpu.memory_space<vmem>>
        %dma_start3A_677 = arith.constant 0 : i32
        %dma_start3A_678 = tpu.memref_slice %arg4[%add3A_672, %dma_start3A_677] : memref<5120x64xi32, #tpu.memory_space<hbm>> -> memref<1x64xi32, #tpu.memory_space<hbm>>
        %dma_start3A_679 = tpu.memref_squeeze %dma_start3A_678 : memref<1x64xi32, #tpu.memory_space<hbm>> -> memref<64xi32, #tpu.memory_space<hbm>>
        %dma_start3A_680 = arith.constant 0 : i32
        %dma_start3A_681 = tpu.memref_slice %arg8[%dma_start3A_673, %dma_start3A_680] : memref<8x64xi32, #tpu.memory_space<vmem>> -> memref<1x64xi32, #tpu.memory_space<vmem>>
        %dma_start3A_682 = tpu.memref_squeeze %dma_start3A_681 : memref<1x64xi32, #tpu.memory_space<vmem>> -> memref<64xi32, #tpu.memory_space<vmem>>
        %dma_start3A_683 = arith.constant 0 : i32
        %dma_start3A_684 = tpu.memref_slice %arg4[%add3A_672, %dma_start3A_683] : memref<5120x64xi32, #tpu.memory_space<hbm>> -> memref<1x64xi32, #tpu.memory_space<hbm>>
        %dma_start3A_685 = tpu.memref_squeeze %dma_start3A_684 : memref<1x64xi32, #tpu.memory_space<hbm>> -> memref<64xi32, #tpu.memory_space<hbm>>
        tpu.enqueue_dma source(%dma_start3A_685 : memref<64xi32, #tpu.memory_space<hbm>>) target(%dma_start3A_682 : memref<64xi32, #tpu.memory_space<vmem>>) target_semaphore(%arg20 : memref<!tpu.dma_semaphore, #tpu.memory_space<semaphore_mem>>)
      } else {
      }
      %add3A_538 = arith.constant 4 : i32
      %add3A_539 = arith.addi %add3A_523, %add3A_538 : i32
      %lt3A_540 = arith.cmpi slt, %add3A_539, %select_n3A : i32
      %convert_element_type3A_541 = arith.extui %lt3A_540 : i1 to i32
      %cond3A_542 = arith.constant 0 : i32
      %cond3A_543 = arith.cmpi ne, %convert_element_type3A_541, %cond3A_542 : i32
      scf.if %cond3A_543 {
        %add3A_654 = arith.addi %add3A, %add3A_523 : i32
        %add3A_655 = arith.constant 4 : i32
        %add3A_656 = arith.addi %add3A_654, %add3A_655 : i32
        %dma_wait3A_657 = arith.constant 6 : i32
        %dma_wait3A_658 = arith.constant 0 : i32
        %dma_wait3A_659 = tpu.memref_slice %arg7[%dma_wait3A_657, %dma_wait3A_658] : memref<8x64xi32, #tpu.memory_space<vmem>> -> memref<1x64xi32, #tpu.memory_space<vmem>>
        %dma_wait3A_660 = tpu.memref_squeeze %dma_wait3A_659 : memref<1x64xi32, #tpu.memory_space<vmem>> -> memref<64xi32, #tpu.memory_space<vmem>>
        %dma_wait3A_661 = arith.constant 0 : i32
        %dma_wait3A_662 = tpu.memref_slice %arg3[%add3A_656, %dma_wait3A_661] : memref<5120x64xi32, #tpu.memory_space<hbm>> -> memref<1x64xi32, #tpu.memory_space<hbm>>
        %dma_wait3A_663 = tpu.memref_squeeze %dma_wait3A_662 : memref<1x64xi32, #tpu.memory_space<hbm>> -> memref<64xi32, #tpu.memory_space<hbm>>
        %dma_wait3A_664 = arith.constant 0 : i32
        %dma_wait3A_665 = tpu.memref_slice %arg7[%dma_wait3A_657, %dma_wait3A_664] : memref<8x64xi32, #tpu.memory_space<vmem>> -> memref<1x64xi32, #tpu.memory_space<vmem>>
        %dma_wait3A_666 = tpu.memref_squeeze %dma_wait3A_665 : memref<1x64xi32, #tpu.memory_space<vmem>> -> memref<64xi32, #tpu.memory_space<vmem>>
        %dma_wait3A_667 = arith.constant 0 : i32
        %dma_wait3A_668 = tpu.memref_slice %arg3[%add3A_656, %dma_wait3A_667] : memref<5120x64xi32, #tpu.memory_space<hbm>> -> memref<1x64xi32, #tpu.memory_space<hbm>>
        %dma_wait3A_669 = tpu.memref_squeeze %dma_wait3A_668 : memref<1x64xi32, #tpu.memory_space<hbm>> -> memref<64xi32, #tpu.memory_space<hbm>>
        tpu.wait_dma2 semaphore(%arg24 : memref<!tpu.dma_semaphore, #tpu.memory_space<semaphore_mem>>) src(%dma_wait3A_669 : memref<64xi32, #tpu.memory_space<hbm>>) dst(%dma_wait3A_666 : memref<64xi32, #tpu.memory_space<vmem>>)
        %add3A_670 = arith.addi %add3A, %add3A_523 : i32
        %add3A_671 = arith.constant 4 : i32
        %add3A_672 = arith.addi %add3A_670, %add3A_671 : i32
        %dma_wait3A_673 = arith.constant 6 : i32
        %dma_wait3A_674 = arith.constant 0 : i32
        %dma_wait3A_675 = tpu.memref_slice %arg8[%dma_wait3A_673, %dma_wait3A_674] : memref<8x64xi32, #tpu.memory_space<vmem>> -> memref<1x64xi32, #tpu.memory_space<vmem>>
        %dma_wait3A_676 = tpu.memref_squeeze %dma_wait3A_675 : memref<1x64xi32, #tpu.memory_space<vmem>> -> memref<64xi32, #tpu.memory_space<vmem>>
        %dma_wait3A_677 = arith.constant 0 : i32
        %dma_wait3A_678 = tpu.memref_slice %arg4[%add3A_672, %dma_wait3A_677] : memref<5120x64xi32, #tpu.memory_space<hbm>> -> memref<1x64xi32, #tpu.memory_space<hbm>>
        %dma_wait3A_679 = tpu.memref_squeeze %dma_wait3A_678 : memref<1x64xi32, #tpu.memory_space<hbm>> -> memref<64xi32, #tpu.memory_space<hbm>>
        %dma_wait3A_680 = arith.constant 0 : i32
        %dma_wait3A_681 = tpu.memref_slice %arg8[%dma_wait3A_673, %dma_wait3A_680] : memref<8x64xi32, #tpu.memory_space<vmem>> -> memref<1x64xi32, #tpu.memory_space<vmem>>
        %dma_wait3A_682 = tpu.memref_squeeze %dma_wait3A_681 : memref<1x64xi32, #tpu.memory_space<vmem>> -> memref<64xi32, #tpu.memory_space<vmem>>
        %dma_wait3A_683 = arith.constant 0 : i32
        %dma_wait3A_684 = tpu.memref_slice %arg4[%add3A_672, %dma_wait3A_683] : memref<5120x64xi32, #tpu.memory_space<hbm>> -> memref<1x64xi32, #tpu.memory_space<hbm>>
        %dma_wait3A_685 = tpu.memref_squeeze %dma_wait3A_684 : memref<1x64xi32, #tpu.memory_space<hbm>> -> memref<64xi32, #tpu.memory_space<hbm>>
        tpu.wait_dma2 semaphore(%arg24 : memref<!tpu.dma_semaphore, #tpu.memory_space<semaphore_mem>>) src(%dma_wait3A_685 : memref<64xi32, #tpu.memory_space<hbm>>) dst(%dma_wait3A_682 : memref<64xi32, #tpu.memory_space<vmem>>)
        %dma_start3A_686 = arith.constant 6 : i32
        %dma_start3A_687 = arith.constant 0 : i32
        %dma_start3A_688 = tpu.memref_slice %arg8[%dma_start3A_686, %dma_start3A_687] : memref<8x64xi32, #tpu.memory_space<vmem>> -> memref<1x64xi32, #tpu.memory_space<vmem>>
        %dma_start3A_689 = tpu.memref_squeeze %dma_start3A_688 : memref<1x64xi32, #tpu.memory_space<vmem>> -> memref<64xi32, #tpu.memory_space<vmem>>
        %dma_start3A_690 = arith.constant 0 : i32
        %dma_start3A_691 = arith.constant 0 : i32
        %dma_start3A_692 = tpu.memref_slice %arg2[%dma_start3A_690, %dma_start3A_691] : memref<10000x128xf32, #tpu.memory_space<hbm>> -> memref<10000x128xf32, #tpu.memory_space<hbm>>
        tpu.enqueue_indirect_dma source(%dma_start3A_692 : memref<10000x128xf32, #tpu.memory_space<hbm>>) target(%arg11 : memref<64x128xf32, #tpu.memory_space<vmem>>) offsets(%dma_start3A_689 : memref<64xi32, #tpu.memory_space<vmem>>) semaphore(%arg16 : memref<!tpu.dma_semaphore, #tpu.memory_space<semaphore_mem>>)
      } else {
      }
      %add3A_544 = arith.constant 3 : i32
      %add3A_545 = arith.addi %mul3A_481, %add3A_544 : i32
      %dma_wait3A_546 = arith.constant 3 : i32
      %dma_wait3A_547 = arith.constant 0 : i32
      %dma_wait3A_548 = tpu.memref_slice %arg8[%dma_wait3A_546, %dma_wait3A_547] : memref<8x64xi32, #tpu.memory_space<vmem>> -> memref<1x64xi32, #tpu.memory_space<vmem>>
      %dma_wait3A_549 = tpu.memref_squeeze %dma_wait3A_548 : memref<1x64xi32, #tpu.memory_space<vmem>> -> memref<64xi32, #tpu.memory_space<vmem>>
      %dma_wait3A_550 = arith.constant 0 : i32
      %dma_wait3A_551 = arith.constant 0 : i32
      %dma_wait3A_552 = tpu.memref_slice %arg2[%dma_wait3A_550, %dma_wait3A_551] : memref<10000x128xf32, #tpu.memory_space<hbm>> -> memref<10000x128xf32, #tpu.memory_space<hbm>>
      tpu.wait_indirect_dma semaphore(%arg17 : memref<!tpu.dma_semaphore, #tpu.memory_space<semaphore_mem>>) src(%dma_wait3A_552 : memref<10000x128xf32, #tpu.memory_space<hbm>>) dst(%arg12 : memref<64x128xf32, #tpu.memory_space<vmem>>)
      %run_scoped3A_553 = arith.constant 3 : i32
      "tpu.region"() ({
        %run_scoped3A_654 = tpu.sem_alloc : memref<!tpu.dma_semaphore, #tpu.memory_space<semaphore_mem>>
        %dma_start3A_655 = arith.constant 0 : i32
        %dma_start3A_656 = tpu.memref_slice %arg7[%run_scoped3A_553, %dma_start3A_655] : memref<8x64xi32, #tpu.memory_space<vmem>> -> memref<1x64xi32, #tpu.memory_space<vmem>>
        %dma_start3A_657 = tpu.memref_squeeze %dma_start3A_656 : memref<1x64xi32, #tpu.memory_space<vmem>> -> memref<64xi32, #tpu.memory_space<vmem>>
        %dma_start3A_658 = arith.constant 0 : i32
        %dma_start3A_659 = arith.constant 0 : i32
        %dma_start3A_660 = tpu.memref_slice %arg13[%dma_start3A_658, %dma_start3A_659] : memref<10112x128xf32, #tpu.memory_space<vmem_shared>> -> memref<10112x128xf32, #tpu.memory_space<vmem_shared>>
        tpu.enqueue_indirect_dma source(%arg12 : memref<64x128xf32, #tpu.memory_space<vmem>>) target(%dma_start3A_660 : memref<10112x128xf32, #tpu.memory_space<vmem_shared>>) offsets(%dma_start3A_657 : memref<64xi32, #tpu.memory_space<vmem>>) semaphore(%run_scoped3A_654 : memref<!tpu.dma_semaphore, #tpu.memory_space<semaphore_mem>>) {add = true}
        %dma_wait3A_661 = arith.constant 0 : i32
        %dma_wait3A_662 = tpu.memref_slice %arg7[%run_scoped3A_553, %dma_wait3A_661] : memref<8x64xi32, #tpu.memory_space<vmem>> -> memref<1x64xi32, #tpu.memory_space<vmem>>
        %dma_wait3A_663 = tpu.memref_squeeze %dma_wait3A_662 : memref<1x64xi32, #tpu.memory_space<vmem>> -> memref<64xi32, #tpu.memory_space<vmem>>
        %dma_wait3A_664 = arith.constant 0 : i32
        %dma_wait3A_665 = arith.constant 0 : i32
        %dma_wait3A_666 = tpu.memref_slice %arg13[%dma_wait3A_664, %dma_wait3A_665] : memref<10112x128xf32, #tpu.memory_space<vmem_shared>> -> memref<10112x128xf32, #tpu.memory_space<vmem_shared>>
        tpu.wait_indirect_dma semaphore(%run_scoped3A_654 : memref<!tpu.dma_semaphore, #tpu.memory_space<semaphore_mem>>) src(%arg12 : memref<64x128xf32, #tpu.memory_space<vmem>>) dst(%dma_wait3A_666 : memref<10112x128xf32, #tpu.memory_space<vmem_shared>>)
        tpu.yield
      }) : () -> ()
      %add3A_554 = arith.constant 8 : i32
      %add3A_555 = arith.addi %add3A_545, %add3A_554 : i32
      %lt3A_556 = arith.cmpi slt, %add3A_555, %select_n3A : i32
      %convert_element_type3A_557 = arith.extui %lt3A_556 : i1 to i32
      %cond3A_558 = arith.constant 0 : i32
      %cond3A_559 = arith.cmpi ne, %convert_element_type3A_557, %cond3A_558 : i32
      scf.if %cond3A_559 {
        %add3A_654 = arith.addi %add3A, %add3A_545 : i32
        %add3A_655 = arith.constant 8 : i32
        %add3A_656 = arith.addi %add3A_654, %add3A_655 : i32
        %dma_start3A_657 = arith.constant 3 : i32
        %dma_start3A_658 = arith.constant 0 : i32
        %dma_start3A_659 = tpu.memref_slice %arg7[%dma_start3A_657, %dma_start3A_658] : memref<8x64xi32, #tpu.memory_space<vmem>> -> memref<1x64xi32, #tpu.memory_space<vmem>>
        %dma_start3A_660 = tpu.memref_squeeze %dma_start3A_659 : memref<1x64xi32, #tpu.memory_space<vmem>> -> memref<64xi32, #tpu.memory_space<vmem>>
        %dma_start3A_661 = arith.constant 0 : i32
        %dma_start3A_662 = tpu.memref_slice %arg3[%add3A_656, %dma_start3A_661] : memref<5120x64xi32, #tpu.memory_space<hbm>> -> memref<1x64xi32, #tpu.memory_space<hbm>>
        %dma_start3A_663 = tpu.memref_squeeze %dma_start3A_662 : memref<1x64xi32, #tpu.memory_space<hbm>> -> memref<64xi32, #tpu.memory_space<hbm>>
        %dma_start3A_664 = arith.constant 0 : i32
        %dma_start3A_665 = tpu.memref_slice %arg7[%dma_start3A_657, %dma_start3A_664] : memref<8x64xi32, #tpu.memory_space<vmem>> -> memref<1x64xi32, #tpu.memory_space<vmem>>
        %dma_start3A_666 = tpu.memref_squeeze %dma_start3A_665 : memref<1x64xi32, #tpu.memory_space<vmem>> -> memref<64xi32, #tpu.memory_space<vmem>>
        %dma_start3A_667 = arith.constant 0 : i32
        %dma_start3A_668 = tpu.memref_slice %arg3[%add3A_656, %dma_start3A_667] : memref<5120x64xi32, #tpu.memory_space<hbm>> -> memref<1x64xi32, #tpu.memory_space<hbm>>
        %dma_start3A_669 = tpu.memref_squeeze %dma_start3A_668 : memref<1x64xi32, #tpu.memory_space<hbm>> -> memref<64xi32, #tpu.memory_space<hbm>>
        tpu.enqueue_dma source(%dma_start3A_669 : memref<64xi32, #tpu.memory_space<hbm>>) target(%dma_start3A_666 : memref<64xi32, #tpu.memory_space<vmem>>) target_semaphore(%arg21 : memref<!tpu.dma_semaphore, #tpu.memory_space<semaphore_mem>>)
        %add3A_670 = arith.addi %add3A, %add3A_545 : i32
        %add3A_671 = arith.constant 8 : i32
        %add3A_672 = arith.addi %add3A_670, %add3A_671 : i32
        %dma_start3A_673 = arith.constant 3 : i32
        %dma_start3A_674 = arith.constant 0 : i32
        %dma_start3A_675 = tpu.memref_slice %arg8[%dma_start3A_673, %dma_start3A_674] : memref<8x64xi32, #tpu.memory_space<vmem>> -> memref<1x64xi32, #tpu.memory_space<vmem>>
        %dma_start3A_676 = tpu.memref_squeeze %dma_start3A_675 : memref<1x64xi32, #tpu.memory_space<vmem>> -> memref<64xi32, #tpu.memory_space<vmem>>
        %dma_start3A_677 = arith.constant 0 : i32
        %dma_start3A_678 = tpu.memref_slice %arg4[%add3A_672, %dma_start3A_677] : memref<5120x64xi32, #tpu.memory_space<hbm>> -> memref<1x64xi32, #tpu.memory_space<hbm>>
        %dma_start3A_679 = tpu.memref_squeeze %dma_start3A_678 : memref<1x64xi32, #tpu.memory_space<hbm>> -> memref<64xi32, #tpu.memory_space<hbm>>
        %dma_start3A_680 = arith.constant 0 : i32
        %dma_start3A_681 = tpu.memref_slice %arg8[%dma_start3A_673, %dma_start3A_680] : memref<8x64xi32, #tpu.memory_space<vmem>> -> memref<1x64xi32, #tpu.memory_space<vmem>>
        %dma_start3A_682 = tpu.memref_squeeze %dma_start3A_681 : memref<1x64xi32, #tpu.memory_space<vmem>> -> memref<64xi32, #tpu.memory_space<vmem>>
        %dma_start3A_683 = arith.constant 0 : i32
        %dma_start3A_684 = tpu.memref_slice %arg4[%add3A_672, %dma_start3A_683] : memref<5120x64xi32, #tpu.memory_space<hbm>> -> memref<1x64xi32, #tpu.memory_space<hbm>>
        %dma_start3A_685 = tpu.memref_squeeze %dma_start3A_684 : memref<1x64xi32, #tpu.memory_space<hbm>> -> memref<64xi32, #tpu.memory_space<hbm>>
        tpu.enqueue_dma source(%dma_start3A_685 : memref<64xi32, #tpu.memory_space<hbm>>) target(%dma_start3A_682 : memref<64xi32, #tpu.memory_space<vmem>>) target_semaphore(%arg21 : memref<!tpu.dma_semaphore, #tpu.memory_space<semaphore_mem>>)
      } else {
      }
      %add3A_560 = arith.constant 4 : i32
      %add3A_561 = arith.addi %add3A_545, %add3A_560 : i32
      %lt3A_562 = arith.cmpi slt, %add3A_561, %select_n3A : i32
      %convert_element_type3A_563 = arith.extui %lt3A_562 : i1 to i32
      %cond3A_564 = arith.constant 0 : i32
      %cond3A_565 = arith.cmpi ne, %convert_element_type3A_563, %cond3A_564 : i32
      scf.if %cond3A_565 {
        %add3A_654 = arith.addi %add3A, %add3A_545 : i32
        %add3A_655 = arith.constant 4 : i32
        %add3A_656 = arith.addi %add3A_654, %add3A_655 : i32
        %dma_wait3A_657 = arith.constant 7 : i32
        %dma_wait3A_658 = arith.constant 0 : i32
        %dma_wait3A_659 = tpu.memref_slice %arg7[%dma_wait3A_657, %dma_wait3A_658] : memref<8x64xi32, #tpu.memory_space<vmem>> -> memref<1x64xi32, #tpu.memory_space<vmem>>
        %dma_wait3A_660 = tpu.memref_squeeze %dma_wait3A_659 : memref<1x64xi32, #tpu.memory_space<vmem>> -> memref<64xi32, #tpu.memory_space<vmem>>
        %dma_wait3A_661 = arith.constant 0 : i32
        %dma_wait3A_662 = tpu.memref_slice %arg3[%add3A_656, %dma_wait3A_661] : memref<5120x64xi32, #tpu.memory_space<hbm>> -> memref<1x64xi32, #tpu.memory_space<hbm>>
        %dma_wait3A_663 = tpu.memref_squeeze %dma_wait3A_662 : memref<1x64xi32, #tpu.memory_space<hbm>> -> memref<64xi32, #tpu.memory_space<hbm>>
        %dma_wait3A_664 = arith.constant 0 : i32
        %dma_wait3A_665 = tpu.memref_slice %arg7[%dma_wait3A_657, %dma_wait3A_664] : memref<8x64xi32, #tpu.memory_space<vmem>> -> memref<1x64xi32, #tpu.memory_space<vmem>>
        %dma_wait3A_666 = tpu.memref_squeeze %dma_wait3A_665 : memref<1x64xi32, #tpu.memory_space<vmem>> -> memref<64xi32, #tpu.memory_space<vmem>>
        %dma_wait3A_667 = arith.constant 0 : i32
        %dma_wait3A_668 = tpu.memref_slice %arg3[%add3A_656, %dma_wait3A_667] : memref<5120x64xi32, #tpu.memory_space<hbm>> -> memref<1x64xi32, #tpu.memory_space<hbm>>
        %dma_wait3A_669 = tpu.memref_squeeze %dma_wait3A_668 : memref<1x64xi32, #tpu.memory_space<hbm>> -> memref<64xi32, #tpu.memory_space<hbm>>
        tpu.wait_dma2 semaphore(%arg25 : memref<!tpu.dma_semaphore, #tpu.memory_space<semaphore_mem>>) src(%dma_wait3A_669 : memref<64xi32, #tpu.memory_space<hbm>>) dst(%dma_wait3A_666 : memref<64xi32, #tpu.memory_space<vmem>>)
        %add3A_670 = arith.addi %add3A, %add3A_545 : i32
        %add3A_671 = arith.constant 4 : i32
        %add3A_672 = arith.addi %add3A_670, %add3A_671 : i32
        %dma_wait3A_673 = arith.constant 7 : i32
        %dma_wait3A_674 = arith.constant 0 : i32
        %dma_wait3A_675 = tpu.memref_slice %arg8[%dma_wait3A_673, %dma_wait3A_674] : memref<8x64xi32, #tpu.memory_space<vmem>> -> memref<1x64xi32, #tpu.memory_space<vmem>>
        %dma_wait3A_676 = tpu.memref_squeeze %dma_wait3A_675 : memref<1x64xi32, #tpu.memory_space<vmem>> -> memref<64xi32, #tpu.memory_space<vmem>>
        %dma_wait3A_677 = arith.constant 0 : i32
        %dma_wait3A_678 = tpu.memref_slice %arg4[%add3A_672, %dma_wait3A_677] : memref<5120x64xi32, #tpu.memory_space<hbm>> -> memref<1x64xi32, #tpu.memory_space<hbm>>
        %dma_wait3A_679 = tpu.memref_squeeze %dma_wait3A_678 : memref<1x64xi32, #tpu.memory_space<hbm>> -> memref<64xi32, #tpu.memory_space<hbm>>
        %dma_wait3A_680 = arith.constant 0 : i32
        %dma_wait3A_681 = tpu.memref_slice %arg8[%dma_wait3A_673, %dma_wait3A_680] : memref<8x64xi32, #tpu.memory_space<vmem>> -> memref<1x64xi32, #tpu.memory_space<vmem>>
        %dma_wait3A_682 = tpu.memref_squeeze %dma_wait3A_681 : memref<1x64xi32, #tpu.memory_space<vmem>> -> memref<64xi32, #tpu.memory_space<vmem>>
        %dma_wait3A_683 = arith.constant 0 : i32
        %dma_wait3A_684 = tpu.memref_slice %arg4[%add3A_672, %dma_wait3A_683] : memref<5120x64xi32, #tpu.memory_space<hbm>> -> memref<1x64xi32, #tpu.memory_space<hbm>>
        %dma_wait3A_685 = tpu.memref_squeeze %dma_wait3A_684 : memref<1x64xi32, #tpu.memory_space<hbm>> -> memref<64xi32, #tpu.memory_space<hbm>>
        tpu.wait_dma2 semaphore(%arg25 : memref<!tpu.dma_semaphore, #tpu.memory_space<semaphore_mem>>) src(%dma_wait3A_685 : memref<64xi32, #tpu.memory_space<hbm>>) dst(%dma_wait3A_682 : memref<64xi32, #tpu.memory_space<vmem>>)
        %dma_start3A_686 = arith.constant 7 : i32
        %dma_start3A_687 = arith.constant 0 : i32
        %dma_start3A_688 = tpu.memref_slice %arg8[%dma_start3A_686, %dma_start3A_687] : memref<8x64xi32, #tpu.memory_space<vmem>> -> memref<1x64xi32, #tpu.memory_space<vmem>>
        %dma_start3A_689 = tpu.memref_squeeze %dma_start3A_688 : memref<1x64xi32, #tpu.memory_space<vmem>> -> memref<64xi32, #tpu.memory_space<vmem>>
        %dma_start3A_690 = arith.constant 0 : i32
        %dma_start3A_691 = arith.constant 0 : i32
        %dma_start3A_692 = tpu.memref_slice %arg2[%dma_start3A_690, %dma_start3A_691] : memref<10000x128xf32, #tpu.memory_space<hbm>> -> memref<10000x128xf32, #tpu.memory_space<hbm>>
        tpu.enqueue_indirect_dma source(%dma_start3A_692 : memref<10000x128xf32, #tpu.memory_space<hbm>>) target(%arg12 : memref<64x128xf32, #tpu.memory_space<vmem>>) offsets(%dma_start3A_689 : memref<64xi32, #tpu.memory_space<vmem>>) semaphore(%arg17 : memref<!tpu.dma_semaphore, #tpu.memory_space<semaphore_mem>>)
      } else {
      }
      %add3A_566 = arith.constant 4 : i32
      %add3A_567 = arith.addi %mul3A_481, %add3A_566 : i32
      %dma_wait3A_568 = arith.constant 4 : i32
      %dma_wait3A_569 = arith.constant 0 : i32
      %dma_wait3A_570 = tpu.memref_slice %arg8[%dma_wait3A_568, %dma_wait3A_569] : memref<8x64xi32, #tpu.memory_space<vmem>> -> memref<1x64xi32, #tpu.memory_space<vmem>>
      %dma_wait3A_571 = tpu.memref_squeeze %dma_wait3A_570 : memref<1x64xi32, #tpu.memory_space<vmem>> -> memref<64xi32, #tpu.memory_space<vmem>>
      %dma_wait3A_572 = arith.constant 0 : i32
      %dma_wait3A_573 = arith.constant 0 : i32
      %dma_wait3A_574 = tpu.memref_slice %arg2[%dma_wait3A_572, %dma_wait3A_573] : memref<10000x128xf32, #tpu.memory_space<hbm>> -> memref<10000x128xf32, #tpu.memory_space<hbm>>
      tpu.wait_indirect_dma semaphore(%arg14 : memref<!tpu.dma_semaphore, #tpu.memory_space<semaphore_mem>>) src(%dma_wait3A_574 : memref<10000x128xf32, #tpu.memory_space<hbm>>) dst(%arg9 : memref<64x128xf32, #tpu.memory_space<vmem>>)
      %run_scoped3A_575 = arith.constant 4 : i32
      "tpu.region"() ({
        %run_scoped3A_654 = tpu.sem_alloc : memref<!tpu.dma_semaphore, #tpu.memory_space<semaphore_mem>>
        %dma_start3A_655 = arith.constant 0 : i32
        %dma_start3A_656 = tpu.memref_slice %arg7[%run_scoped3A_575, %dma_start3A_655] : memref<8x64xi32, #tpu.memory_space<vmem>> -> memref<1x64xi32, #tpu.memory_space<vmem>>
        %dma_start3A_657 = tpu.memref_squeeze %dma_start3A_656 : memref<1x64xi32, #tpu.memory_space<vmem>> -> memref<64xi32, #tpu.memory_space<vmem>>
        %dma_start3A_658 = arith.constant 0 : i32
        %dma_start3A_659 = arith.constant 0 : i32
        %dma_start3A_660 = tpu.memref_slice %arg13[%dma_start3A_658, %dma_start3A_659] : memref<10112x128xf32, #tpu.memory_space<vmem_shared>> -> memref<10112x128xf32, #tpu.memory_space<vmem_shared>>
        tpu.enqueue_indirect_dma source(%arg9 : memref<64x128xf32, #tpu.memory_space<vmem>>) target(%dma_start3A_660 : memref<10112x128xf32, #tpu.memory_space<vmem_shared>>) offsets(%dma_start3A_657 : memref<64xi32, #tpu.memory_space<vmem>>) semaphore(%run_scoped3A_654 : memref<!tpu.dma_semaphore, #tpu.memory_space<semaphore_mem>>) {add = true}
        %dma_wait3A_661 = arith.constant 0 : i32
        %dma_wait3A_662 = tpu.memref_slice %arg7[%run_scoped3A_575, %dma_wait3A_661] : memref<8x64xi32, #tpu.memory_space<vmem>> -> memref<1x64xi32, #tpu.memory_space<vmem>>
        %dma_wait3A_663 = tpu.memref_squeeze %dma_wait3A_662 : memref<1x64xi32, #tpu.memory_space<vmem>> -> memref<64xi32, #tpu.memory_space<vmem>>
        %dma_wait3A_664 = arith.constant 0 : i32
        %dma_wait3A_665 = arith.constant 0 : i32
        %dma_wait3A_666 = tpu.memref_slice %arg13[%dma_wait3A_664, %dma_wait3A_665] : memref<10112x128xf32, #tpu.memory_space<vmem_shared>> -> memref<10112x128xf32, #tpu.memory_space<vmem_shared>>
        tpu.wait_indirect_dma semaphore(%run_scoped3A_654 : memref<!tpu.dma_semaphore, #tpu.memory_space<semaphore_mem>>) src(%arg9 : memref<64x128xf32, #tpu.memory_space<vmem>>) dst(%dma_wait3A_666 : memref<10112x128xf32, #tpu.memory_space<vmem_shared>>)
        tpu.yield
      }) : () -> ()
      %add3A_576 = arith.constant 8 : i32
      %add3A_577 = arith.addi %add3A_567, %add3A_576 : i32
      %lt3A_578 = arith.cmpi slt, %add3A_577, %select_n3A : i32
      %convert_element_type3A_579 = arith.extui %lt3A_578 : i1 to i32
      %cond3A_580 = arith.constant 0 : i32
      %cond3A_581 = arith.cmpi ne, %convert_element_type3A_579, %cond3A_580 : i32
      scf.if %cond3A_581 {
        %add3A_654 = arith.addi %add3A, %add3A_567 : i32
        %add3A_655 = arith.constant 8 : i32
        %add3A_656 = arith.addi %add3A_654, %add3A_655 : i32
        %dma_start3A_657 = arith.constant 4 : i32
        %dma_start3A_658 = arith.constant 0 : i32
        %dma_start3A_659 = tpu.memref_slice %arg7[%dma_start3A_657, %dma_start3A_658] : memref<8x64xi32, #tpu.memory_space<vmem>> -> memref<1x64xi32, #tpu.memory_space<vmem>>
        %dma_start3A_660 = tpu.memref_squeeze %dma_start3A_659 : memref<1x64xi32, #tpu.memory_space<vmem>> -> memref<64xi32, #tpu.memory_space<vmem>>
        %dma_start3A_661 = arith.constant 0 : i32
        %dma_start3A_662 = tpu.memref_slice %arg3[%add3A_656, %dma_start3A_661] : memref<5120x64xi32, #tpu.memory_space<hbm>> -> memref<1x64xi32, #tpu.memory_space<hbm>>
        %dma_start3A_663 = tpu.memref_squeeze %dma_start3A_662 : memref<1x64xi32, #tpu.memory_space<hbm>> -> memref<64xi32, #tpu.memory_space<hbm>>
        %dma_start3A_664 = arith.constant 0 : i32
        %dma_start3A_665 = tpu.memref_slice %arg7[%dma_start3A_657, %dma_start3A_664] : memref<8x64xi32, #tpu.memory_space<vmem>> -> memref<1x64xi32, #tpu.memory_space<vmem>>
        %dma_start3A_666 = tpu.memref_squeeze %dma_start3A_665 : memref<1x64xi32, #tpu.memory_space<vmem>> -> memref<64xi32, #tpu.memory_space<vmem>>
        %dma_start3A_667 = arith.constant 0 : i32
        %dma_start3A_668 = tpu.memref_slice %arg3[%add3A_656, %dma_start3A_667] : memref<5120x64xi32, #tpu.memory_space<hbm>> -> memref<1x64xi32, #tpu.memory_space<hbm>>
        %dma_start3A_669 = tpu.memref_squeeze %dma_start3A_668 : memref<1x64xi32, #tpu.memory_space<hbm>> -> memref<64xi32, #tpu.memory_space<hbm>>
        tpu.enqueue_dma source(%dma_start3A_669 : memref<64xi32, #tpu.memory_space<hbm>>) target(%dma_start3A_666 : memref<64xi32, #tpu.memory_space<vmem>>) target_semaphore(%arg22 : memref<!tpu.dma_semaphore, #tpu.memory_space<semaphore_mem>>)
        %add3A_670 = arith.addi %add3A, %add3A_567 : i32
        %add3A_671 = arith.constant 8 : i32
        %add3A_672 = arith.addi %add3A_670, %add3A_671 : i32
        %dma_start3A_673 = arith.constant 4 : i32
        %dma_start3A_674 = arith.constant 0 : i32
        %dma_start3A_675 = tpu.memref_slice %arg8[%dma_start3A_673, %dma_start3A_674] : memref<8x64xi32, #tpu.memory_space<vmem>> -> memref<1x64xi32, #tpu.memory_space<vmem>>
        %dma_start3A_676 = tpu.memref_squeeze %dma_start3A_675 : memref<1x64xi32, #tpu.memory_space<vmem>> -> memref<64xi32, #tpu.memory_space<vmem>>
        %dma_start3A_677 = arith.constant 0 : i32
        %dma_start3A_678 = tpu.memref_slice %arg4[%add3A_672, %dma_start3A_677] : memref<5120x64xi32, #tpu.memory_space<hbm>> -> memref<1x64xi32, #tpu.memory_space<hbm>>
        %dma_start3A_679 = tpu.memref_squeeze %dma_start3A_678 : memref<1x64xi32, #tpu.memory_space<hbm>> -> memref<64xi32, #tpu.memory_space<hbm>>
        %dma_start3A_680 = arith.constant 0 : i32
        %dma_start3A_681 = tpu.memref_slice %arg8[%dma_start3A_673, %dma_start3A_680] : memref<8x64xi32, #tpu.memory_space<vmem>> -> memref<1x64xi32, #tpu.memory_space<vmem>>
        %dma_start3A_682 = tpu.memref_squeeze %dma_start3A_681 : memref<1x64xi32, #tpu.memory_space<vmem>> -> memref<64xi32, #tpu.memory_space<vmem>>
        %dma_start3A_683 = arith.constant 0 : i32
        %dma_start3A_684 = tpu.memref_slice %arg4[%add3A_672, %dma_start3A_683] : memref<5120x64xi32, #tpu.memory_space<hbm>> -> memref<1x64xi32, #tpu.memory_space<hbm>>
        %dma_start3A_685 = tpu.memref_squeeze %dma_start3A_684 : memref<1x64xi32, #tpu.memory_space<hbm>> -> memref<64xi32, #tpu.memory_space<hbm>>
        tpu.enqueue_dma source(%dma_start3A_685 : memref<64xi32, #tpu.memory_space<hbm>>) target(%dma_start3A_682 : memref<64xi32, #tpu.memory_space<vmem>>) target_semaphore(%arg22 : memref<!tpu.dma_semaphore, #tpu.memory_space<semaphore_mem>>)
      } else {
      }
      %add3A_582 = arith.constant 4 : i32
      %add3A_583 = arith.addi %add3A_567, %add3A_582 : i32
      %lt3A_584 = arith.cmpi slt, %add3A_583, %select_n3A : i32
      %convert_element_type3A_585 = arith.extui %lt3A_584 : i1 to i32
      %cond3A_586 = arith.constant 0 : i32
      %cond3A_587 = arith.cmpi ne, %convert_element_type3A_585, %cond3A_586 : i32
      scf.if %cond3A_587 {
        %add3A_654 = arith.addi %add3A, %add3A_567 : i32
        %add3A_655 = arith.constant 4 : i32
        %add3A_656 = arith.addi %add3A_654, %add3A_655 : i32
        %dma_wait3A_657 = arith.constant 0 : i32
        %dma_wait3A_658 = arith.constant 0 : i32
        %dma_wait3A_659 = tpu.memref_slice %arg7[%dma_wait3A_657, %dma_wait3A_658] : memref<8x64xi32, #tpu.memory_space<vmem>> -> memref<1x64xi32, #tpu.memory_space<vmem>>
        %dma_wait3A_660 = tpu.memref_squeeze %dma_wait3A_659 : memref<1x64xi32, #tpu.memory_space<vmem>> -> memref<64xi32, #tpu.memory_space<vmem>>
        %dma_wait3A_661 = arith.constant 0 : i32
        %dma_wait3A_662 = tpu.memref_slice %arg3[%add3A_656, %dma_wait3A_661] : memref<5120x64xi32, #tpu.memory_space<hbm>> -> memref<1x64xi32, #tpu.memory_space<hbm>>
        %dma_wait3A_663 = tpu.memref_squeeze %dma_wait3A_662 : memref<1x64xi32, #tpu.memory_space<hbm>> -> memref<64xi32, #tpu.memory_space<hbm>>
        %dma_wait3A_664 = arith.constant 0 : i32
        %dma_wait3A_665 = tpu.memref_slice %arg7[%dma_wait3A_657, %dma_wait3A_664] : memref<8x64xi32, #tpu.memory_space<vmem>> -> memref<1x64xi32, #tpu.memory_space<vmem>>
        %dma_wait3A_666 = tpu.memref_squeeze %dma_wait3A_665 : memref<1x64xi32, #tpu.memory_space<vmem>> -> memref<64xi32, #tpu.memory_space<vmem>>
        %dma_wait3A_667 = arith.constant 0 : i32
        %dma_wait3A_668 = tpu.memref_slice %arg3[%add3A_656, %dma_wait3A_667] : memref<5120x64xi32, #tpu.memory_space<hbm>> -> memref<1x64xi32, #tpu.memory_space<hbm>>
        %dma_wait3A_669 = tpu.memref_squeeze %dma_wait3A_668 : memref<1x64xi32, #tpu.memory_space<hbm>> -> memref<64xi32, #tpu.memory_space<hbm>>
        tpu.wait_dma2 semaphore(%arg18 : memref<!tpu.dma_semaphore, #tpu.memory_space<semaphore_mem>>) src(%dma_wait3A_669 : memref<64xi32, #tpu.memory_space<hbm>>) dst(%dma_wait3A_666 : memref<64xi32, #tpu.memory_space<vmem>>)
        %add3A_670 = arith.addi %add3A, %add3A_567 : i32
        %add3A_671 = arith.constant 4 : i32
        %add3A_672 = arith.addi %add3A_670, %add3A_671 : i32
        %dma_wait3A_673 = arith.constant 0 : i32
        %dma_wait3A_674 = arith.constant 0 : i32
        %dma_wait3A_675 = tpu.memref_slice %arg8[%dma_wait3A_673, %dma_wait3A_674] : memref<8x64xi32, #tpu.memory_space<vmem>> -> memref<1x64xi32, #tpu.memory_space<vmem>>
        %dma_wait3A_676 = tpu.memref_squeeze %dma_wait3A_675 : memref<1x64xi32, #tpu.memory_space<vmem>> -> memref<64xi32, #tpu.memory_space<vmem>>
        %dma_wait3A_677 = arith.constant 0 : i32
        %dma_wait3A_678 = tpu.memref_slice %arg4[%add3A_672, %dma_wait3A_677] : memref<5120x64xi32, #tpu.memory_space<hbm>> -> memref<1x64xi32, #tpu.memory_space<hbm>>
        %dma_wait3A_679 = tpu.memref_squeeze %dma_wait3A_678 : memref<1x64xi32, #tpu.memory_space<hbm>> -> memref<64xi32, #tpu.memory_space<hbm>>
        %dma_wait3A_680 = arith.constant 0 : i32
        %dma_wait3A_681 = tpu.memref_slice %arg8[%dma_wait3A_673, %dma_wait3A_680] : memref<8x64xi32, #tpu.memory_space<vmem>> -> memref<1x64xi32, #tpu.memory_space<vmem>>
        %dma_wait3A_682 = tpu.memref_squeeze %dma_wait3A_681 : memref<1x64xi32, #tpu.memory_space<vmem>> -> memref<64xi32, #tpu.memory_space<vmem>>
        %dma_wait3A_683 = arith.constant 0 : i32
        %dma_wait3A_684 = tpu.memref_slice %arg4[%add3A_672, %dma_wait3A_683] : memref<5120x64xi32, #tpu.memory_space<hbm>> -> memref<1x64xi32, #tpu.memory_space<hbm>>
        %dma_wait3A_685 = tpu.memref_squeeze %dma_wait3A_684 : memref<1x64xi32, #tpu.memory_space<hbm>> -> memref<64xi32, #tpu.memory_space<hbm>>
        tpu.wait_dma2 semaphore(%arg18 : memref<!tpu.dma_semaphore, #tpu.memory_space<semaphore_mem>>) src(%dma_wait3A_685 : memref<64xi32, #tpu.memory_space<hbm>>) dst(%dma_wait3A_682 : memref<64xi32, #tpu.memory_space<vmem>>)
        %dma_start3A_686 = arith.constant 0 : i32
        %dma_start3A_687 = arith.constant 0 : i32
        %dma_start3A_688 = tpu.memref_slice %arg8[%dma_start3A_686, %dma_start3A_687] : memref<8x64xi32, #tpu.memory_space<vmem>> -> memref<1x64xi32, #tpu.memory_space<vmem>>
        %dma_start3A_689 = tpu.memref_squeeze %dma_start3A_688 : memref<1x64xi32, #tpu.memory_space<vmem>> -> memref<64xi32, #tpu.memory_space<vmem>>
        %dma_start3A_690 = arith.constant 0 : i32
        %dma_start3A_691 = arith.constant 0 : i32
        %dma_start3A_692 = tpu.memref_slice %arg2[%dma_start3A_690, %dma_start3A_691] : memref<10000x128xf32, #tpu.memory_space<hbm>> -> memref<10000x128xf32, #tpu.memory_space<hbm>>
        tpu.enqueue_indirect_dma source(%dma_start3A_692 : memref<10000x128xf32, #tpu.memory_space<hbm>>) target(%arg9 : memref<64x128xf32, #tpu.memory_space<vmem>>) offsets(%dma_start3A_689 : memref<64xi32, #tpu.memory_space<vmem>>) semaphore(%arg14 : memref<!tpu.dma_semaphore, #tpu.memory_space<semaphore_mem>>)
      } else {
      }
      %add3A_588 = arith.constant 5 : i32
      %add3A_589 = arith.addi %mul3A_481, %add3A_588 : i32
      %dma_wait3A_590 = arith.constant 5 : i32
      %dma_wait3A_591 = arith.constant 0 : i32
      %dma_wait3A_592 = tpu.memref_slice %arg8[%dma_wait3A_590, %dma_wait3A_591] : memref<8x64xi32, #tpu.memory_space<vmem>> -> memref<1x64xi32, #tpu.memory_space<vmem>>
      %dma_wait3A_593 = tpu.memref_squeeze %dma_wait3A_592 : memref<1x64xi32, #tpu.memory_space<vmem>> -> memref<64xi32, #tpu.memory_space<vmem>>
      %dma_wait3A_594 = arith.constant 0 : i32
      %dma_wait3A_595 = arith.constant 0 : i32
      %dma_wait3A_596 = tpu.memref_slice %arg2[%dma_wait3A_594, %dma_wait3A_595] : memref<10000x128xf32, #tpu.memory_space<hbm>> -> memref<10000x128xf32, #tpu.memory_space<hbm>>
      tpu.wait_indirect_dma semaphore(%arg15 : memref<!tpu.dma_semaphore, #tpu.memory_space<semaphore_mem>>) src(%dma_wait3A_596 : memref<10000x128xf32, #tpu.memory_space<hbm>>) dst(%arg10 : memref<64x128xf32, #tpu.memory_space<vmem>>)
      %run_scoped3A_597 = arith.constant 5 : i32
      "tpu.region"() ({
        %run_scoped3A_654 = tpu.sem_alloc : memref<!tpu.dma_semaphore, #tpu.memory_space<semaphore_mem>>
        %dma_start3A_655 = arith.constant 0 : i32
        %dma_start3A_656 = tpu.memref_slice %arg7[%run_scoped3A_597, %dma_start3A_655] : memref<8x64xi32, #tpu.memory_space<vmem>> -> memref<1x64xi32, #tpu.memory_space<vmem>>
        %dma_start3A_657 = tpu.memref_squeeze %dma_start3A_656 : memref<1x64xi32, #tpu.memory_space<vmem>> -> memref<64xi32, #tpu.memory_space<vmem>>
        %dma_start3A_658 = arith.constant 0 : i32
        %dma_start3A_659 = arith.constant 0 : i32
        %dma_start3A_660 = tpu.memref_slice %arg13[%dma_start3A_658, %dma_start3A_659] : memref<10112x128xf32, #tpu.memory_space<vmem_shared>> -> memref<10112x128xf32, #tpu.memory_space<vmem_shared>>
        tpu.enqueue_indirect_dma source(%arg10 : memref<64x128xf32, #tpu.memory_space<vmem>>) target(%dma_start3A_660 : memref<10112x128xf32, #tpu.memory_space<vmem_shared>>) offsets(%dma_start3A_657 : memref<64xi32, #tpu.memory_space<vmem>>) semaphore(%run_scoped3A_654 : memref<!tpu.dma_semaphore, #tpu.memory_space<semaphore_mem>>) {add = true}
        %dma_wait3A_661 = arith.constant 0 : i32
        %dma_wait3A_662 = tpu.memref_slice %arg7[%run_scoped3A_597, %dma_wait3A_661] : memref<8x64xi32, #tpu.memory_space<vmem>> -> memref<1x64xi32, #tpu.memory_space<vmem>>
        %dma_wait3A_663 = tpu.memref_squeeze %dma_wait3A_662 : memref<1x64xi32, #tpu.memory_space<vmem>> -> memref<64xi32, #tpu.memory_space<vmem>>
        %dma_wait3A_664 = arith.constant 0 : i32
        %dma_wait3A_665 = arith.constant 0 : i32
        %dma_wait3A_666 = tpu.memref_slice %arg13[%dma_wait3A_664, %dma_wait3A_665] : memref<10112x128xf32, #tpu.memory_space<vmem_shared>> -> memref<10112x128xf32, #tpu.memory_space<vmem_shared>>
        tpu.wait_indirect_dma semaphore(%run_scoped3A_654 : memref<!tpu.dma_semaphore, #tpu.memory_space<semaphore_mem>>) src(%arg10 : memref<64x128xf32, #tpu.memory_space<vmem>>) dst(%dma_wait3A_666 : memref<10112x128xf32, #tpu.memory_space<vmem_shared>>)
        tpu.yield
      }) : () -> ()
      %add3A_598 = arith.constant 8 : i32
      %add3A_599 = arith.addi %add3A_589, %add3A_598 : i32
      %lt3A_600 = arith.cmpi slt, %add3A_599, %select_n3A : i32
      %convert_element_type3A_601 = arith.extui %lt3A_600 : i1 to i32
      %cond3A_602 = arith.constant 0 : i32
      %cond3A_603 = arith.cmpi ne, %convert_element_type3A_601, %cond3A_602 : i32
      scf.if %cond3A_603 {
        %add3A_654 = arith.addi %add3A, %add3A_589 : i32
        %add3A_655 = arith.constant 8 : i32
        %add3A_656 = arith.addi %add3A_654, %add3A_655 : i32
        %dma_start3A_657 = arith.constant 5 : i32
        %dma_start3A_658 = arith.constant 0 : i32
        %dma_start3A_659 = tpu.memref_slice %arg7[%dma_start3A_657, %dma_start3A_658] : memref<8x64xi32, #tpu.memory_space<vmem>> -> memref<1x64xi32, #tpu.memory_space<vmem>>
        %dma_start3A_660 = tpu.memref_squeeze %dma_start3A_659 : memref<1x64xi32, #tpu.memory_space<vmem>> -> memref<64xi32, #tpu.memory_space<vmem>>
        %dma_start3A_661 = arith.constant 0 : i32
        %dma_start3A_662 = tpu.memref_slice %arg3[%add3A_656, %dma_start3A_661] : memref<5120x64xi32, #tpu.memory_space<hbm>> -> memref<1x64xi32, #tpu.memory_space<hbm>>
        %dma_start3A_663 = tpu.memref_squeeze %dma_start3A_662 : memref<1x64xi32, #tpu.memory_space<hbm>> -> memref<64xi32, #tpu.memory_space<hbm>>
        %dma_start3A_664 = arith.constant 0 : i32
        %dma_start3A_665 = tpu.memref_slice %arg7[%dma_start3A_657, %dma_start3A_664] : memref<8x64xi32, #tpu.memory_space<vmem>> -> memref<1x64xi32, #tpu.memory_space<vmem>>
        %dma_start3A_666 = tpu.memref_squeeze %dma_start3A_665 : memref<1x64xi32, #tpu.memory_space<vmem>> -> memref<64xi32, #tpu.memory_space<vmem>>
        %dma_start3A_667 = arith.constant 0 : i32
        %dma_start3A_668 = tpu.memref_slice %arg3[%add3A_656, %dma_start3A_667] : memref<5120x64xi32, #tpu.memory_space<hbm>> -> memref<1x64xi32, #tpu.memory_space<hbm>>
        %dma_start3A_669 = tpu.memref_squeeze %dma_start3A_668 : memref<1x64xi32, #tpu.memory_space<hbm>> -> memref<64xi32, #tpu.memory_space<hbm>>
        tpu.enqueue_dma source(%dma_start3A_669 : memref<64xi32, #tpu.memory_space<hbm>>) target(%dma_start3A_666 : memref<64xi32, #tpu.memory_space<vmem>>) target_semaphore(%arg23 : memref<!tpu.dma_semaphore, #tpu.memory_space<semaphore_mem>>)
        %add3A_670 = arith.addi %add3A, %add3A_589 : i32
        %add3A_671 = arith.constant 8 : i32
        %add3A_672 = arith.addi %add3A_670, %add3A_671 : i32
        %dma_start3A_673 = arith.constant 5 : i32
        %dma_start3A_674 = arith.constant 0 : i32
        %dma_start3A_675 = tpu.memref_slice %arg8[%dma_start3A_673, %dma_start3A_674] : memref<8x64xi32, #tpu.memory_space<vmem>> -> memref<1x64xi32, #tpu.memory_space<vmem>>
        %dma_start3A_676 = tpu.memref_squeeze %dma_start3A_675 : memref<1x64xi32, #tpu.memory_space<vmem>> -> memref<64xi32, #tpu.memory_space<vmem>>
        %dma_start3A_677 = arith.constant 0 : i32
        %dma_start3A_678 = tpu.memref_slice %arg4[%add3A_672, %dma_start3A_677] : memref<5120x64xi32, #tpu.memory_space<hbm>> -> memref<1x64xi32, #tpu.memory_space<hbm>>
        %dma_start3A_679 = tpu.memref_squeeze %dma_start3A_678 : memref<1x64xi32, #tpu.memory_space<hbm>> -> memref<64xi32, #tpu.memory_space<hbm>>
        %dma_start3A_680 = arith.constant 0 : i32
        %dma_start3A_681 = tpu.memref_slice %arg8[%dma_start3A_673, %dma_start3A_680] : memref<8x64xi32, #tpu.memory_space<vmem>> -> memref<1x64xi32, #tpu.memory_space<vmem>>
        %dma_start3A_682 = tpu.memref_squeeze %dma_start3A_681 : memref<1x64xi32, #tpu.memory_space<vmem>> -> memref<64xi32, #tpu.memory_space<vmem>>
        %dma_start3A_683 = arith.constant 0 : i32
        %dma_start3A_684 = tpu.memref_slice %arg4[%add3A_672, %dma_start3A_683] : memref<5120x64xi32, #tpu.memory_space<hbm>> -> memref<1x64xi32, #tpu.memory_space<hbm>>
        %dma_start3A_685 = tpu.memref_squeeze %dma_start3A_684 : memref<1x64xi32, #tpu.memory_space<hbm>> -> memref<64xi32, #tpu.memory_space<hbm>>
        tpu.enqueue_dma source(%dma_start3A_685 : memref<64xi32, #tpu.memory_space<hbm>>) target(%dma_start3A_682 : memref<64xi32, #tpu.memory_space<vmem>>) target_semaphore(%arg23 : memref<!tpu.dma_semaphore, #tpu.memory_space<semaphore_mem>>)
      } else {
      }
      %add3A_604 = arith.constant 4 : i32
      %add3A_605 = arith.addi %add3A_589, %add3A_604 : i32
      %lt3A_606 = arith.cmpi slt, %add3A_605, %select_n3A : i32
      %convert_element_type3A_607 = arith.extui %lt3A_606 : i1 to i32
      %cond3A_608 = arith.constant 0 : i32
      %cond3A_609 = arith.cmpi ne, %convert_element_type3A_607, %cond3A_608 : i32
      scf.if %cond3A_609 {
        %add3A_654 = arith.addi %add3A, %add3A_589 : i32
        %add3A_655 = arith.constant 4 : i32
        %add3A_656 = arith.addi %add3A_654, %add3A_655 : i32
        %dma_wait3A_657 = arith.constant 1 : i32
        %dma_wait3A_658 = arith.constant 0 : i32
        %dma_wait3A_659 = tpu.memref_slice %arg7[%dma_wait3A_657, %dma_wait3A_658] : memref<8x64xi32, #tpu.memory_space<vmem>> -> memref<1x64xi32, #tpu.memory_space<vmem>>
        %dma_wait3A_660 = tpu.memref_squeeze %dma_wait3A_659 : memref<1x64xi32, #tpu.memory_space<vmem>> -> memref<64xi32, #tpu.memory_space<vmem>>
        %dma_wait3A_661 = arith.constant 0 : i32
        %dma_wait3A_662 = tpu.memref_slice %arg3[%add3A_656, %dma_wait3A_661] : memref<5120x64xi32, #tpu.memory_space<hbm>> -> memref<1x64xi32, #tpu.memory_space<hbm>>
        %dma_wait3A_663 = tpu.memref_squeeze %dma_wait3A_662 : memref<1x64xi32, #tpu.memory_space<hbm>> -> memref<64xi32, #tpu.memory_space<hbm>>
        %dma_wait3A_664 = arith.constant 0 : i32
        %dma_wait3A_665 = tpu.memref_slice %arg7[%dma_wait3A_657, %dma_wait3A_664] : memref<8x64xi32, #tpu.memory_space<vmem>> -> memref<1x64xi32, #tpu.memory_space<vmem>>
        %dma_wait3A_666 = tpu.memref_squeeze %dma_wait3A_665 : memref<1x64xi32, #tpu.memory_space<vmem>> -> memref<64xi32, #tpu.memory_space<vmem>>
        %dma_wait3A_667 = arith.constant 0 : i32
        %dma_wait3A_668 = tpu.memref_slice %arg3[%add3A_656, %dma_wait3A_667] : memref<5120x64xi32, #tpu.memory_space<hbm>> -> memref<1x64xi32, #tpu.memory_space<hbm>>
        %dma_wait3A_669 = tpu.memref_squeeze %dma_wait3A_668 : memref<1x64xi32, #tpu.memory_space<hbm>> -> memref<64xi32, #tpu.memory_space<hbm>>
        tpu.wait_dma2 semaphore(%arg19 : memref<!tpu.dma_semaphore, #tpu.memory_space<semaphore_mem>>) src(%dma_wait3A_669 : memref<64xi32, #tpu.memory_space<hbm>>) dst(%dma_wait3A_666 : memref<64xi32, #tpu.memory_space<vmem>>)
        %add3A_670 = arith.addi %add3A, %add3A_589 : i32
        %add3A_671 = arith.constant 4 : i32
        %add3A_672 = arith.addi %add3A_670, %add3A_671 : i32
        %dma_wait3A_673 = arith.constant 1 : i32
        %dma_wait3A_674 = arith.constant 0 : i32
        %dma_wait3A_675 = tpu.memref_slice %arg8[%dma_wait3A_673, %dma_wait3A_674] : memref<8x64xi32, #tpu.memory_space<vmem>> -> memref<1x64xi32, #tpu.memory_space<vmem>>
        %dma_wait3A_676 = tpu.memref_squeeze %dma_wait3A_675 : memref<1x64xi32, #tpu.memory_space<vmem>> -> memref<64xi32, #tpu.memory_space<vmem>>
        %dma_wait3A_677 = arith.constant 0 : i32
        %dma_wait3A_678 = tpu.memref_slice %arg4[%add3A_672, %dma_wait3A_677] : memref<5120x64xi32, #tpu.memory_space<hbm>> -> memref<1x64xi32, #tpu.memory_space<hbm>>
        %dma_wait3A_679 = tpu.memref_squeeze %dma_wait3A_678 : memref<1x64xi32, #tpu.memory_space<hbm>> -> memref<64xi32, #tpu.memory_space<hbm>>
        %dma_wait3A_680 = arith.constant 0 : i32
        %dma_wait3A_681 = tpu.memref_slice %arg8[%dma_wait3A_673, %dma_wait3A_680] : memref<8x64xi32, #tpu.memory_space<vmem>> -> memref<1x64xi32, #tpu.memory_space<vmem>>
        %dma_wait3A_682 = tpu.memref_squeeze %dma_wait3A_681 : memref<1x64xi32, #tpu.memory_space<vmem>> -> memref<64xi32, #tpu.memory_space<vmem>>
        %dma_wait3A_683 = arith.constant 0 : i32
        %dma_wait3A_684 = tpu.memref_slice %arg4[%add3A_672, %dma_wait3A_683] : memref<5120x64xi32, #tpu.memory_space<hbm>> -> memref<1x64xi32, #tpu.memory_space<hbm>>
        %dma_wait3A_685 = tpu.memref_squeeze %dma_wait3A_684 : memref<1x64xi32, #tpu.memory_space<hbm>> -> memref<64xi32, #tpu.memory_space<hbm>>
        tpu.wait_dma2 semaphore(%arg19 : memref<!tpu.dma_semaphore, #tpu.memory_space<semaphore_mem>>) src(%dma_wait3A_685 : memref<64xi32, #tpu.memory_space<hbm>>) dst(%dma_wait3A_682 : memref<64xi32, #tpu.memory_space<vmem>>)
        %dma_start3A_686 = arith.constant 1 : i32
        %dma_start3A_687 = arith.constant 0 : i32
        %dma_start3A_688 = tpu.memref_slice %arg8[%dma_start3A_686, %dma_start3A_687] : memref<8x64xi32, #tpu.memory_space<vmem>> -> memref<1x64xi32, #tpu.memory_space<vmem>>
        %dma_start3A_689 = tpu.memref_squeeze %dma_start3A_688 : memref<1x64xi32, #tpu.memory_space<vmem>> -> memref<64xi32, #tpu.memory_space<vmem>>
        %dma_start3A_690 = arith.constant 0 : i32
        %dma_start3A_691 = arith.constant 0 : i32
        %dma_start3A_692 = tpu.memref_slice %arg2[%dma_start3A_690, %dma_start3A_691] : memref<10000x128xf32, #tpu.memory_space<hbm>> -> memref<10000x128xf32, #tpu.memory_space<hbm>>
        tpu.enqueue_indirect_dma source(%dma_start3A_692 : memref<10000x128xf32, #tpu.memory_space<hbm>>) target(%arg10 : memref<64x128xf32, #tpu.memory_space<vmem>>) offsets(%dma_start3A_689 : memref<64xi32, #tpu.memory_space<vmem>>) semaphore(%arg15 : memref<!tpu.dma_semaphore, #tpu.memory_space<semaphore_mem>>)
      } else {
      }
      %add3A_610 = arith.constant 6 : i32
      %add3A_611 = arith.addi %mul3A_481, %add3A_610 : i32
      %dma_wait3A_612 = arith.constant 6 : i32
      %dma_wait3A_613 = arith.constant 0 : i32
      %dma_wait3A_614 = tpu.memref_slice %arg8[%dma_wait3A_612, %dma_wait3A_613] : memref<8x64xi32, #tpu.memory_space<vmem>> -> memref<1x64xi32, #tpu.memory_space<vmem>>
      %dma_wait3A_615 = tpu.memref_squeeze %dma_wait3A_614 : memref<1x64xi32, #tpu.memory_space<vmem>> -> memref<64xi32, #tpu.memory_space<vmem>>
      %dma_wait3A_616 = arith.constant 0 : i32
      %dma_wait3A_617 = arith.constant 0 : i32
      %dma_wait3A_618 = tpu.memref_slice %arg2[%dma_wait3A_616, %dma_wait3A_617] : memref<10000x128xf32, #tpu.memory_space<hbm>> -> memref<10000x128xf32, #tpu.memory_space<hbm>>
      tpu.wait_indirect_dma semaphore(%arg16 : memref<!tpu.dma_semaphore, #tpu.memory_space<semaphore_mem>>) src(%dma_wait3A_618 : memref<10000x128xf32, #tpu.memory_space<hbm>>) dst(%arg11 : memref<64x128xf32, #tpu.memory_space<vmem>>)
      %run_scoped3A_619 = arith.constant 6 : i32
      "tpu.region"() ({
        %run_scoped3A_654 = tpu.sem_alloc : memref<!tpu.dma_semaphore, #tpu.memory_space<semaphore_mem>>
        %dma_start3A_655 = arith.constant 0 : i32
        %dma_start3A_656 = tpu.memref_slice %arg7[%run_scoped3A_619, %dma_start3A_655] : memref<8x64xi32, #tpu.memory_space<vmem>> -> memref<1x64xi32, #tpu.memory_space<vmem>>
        %dma_start3A_657 = tpu.memref_squeeze %dma_start3A_656 : memref<1x64xi32, #tpu.memory_space<vmem>> -> memref<64xi32, #tpu.memory_space<vmem>>
        %dma_start3A_658 = arith.constant 0 : i32
        %dma_start3A_659 = arith.constant 0 : i32
        %dma_start3A_660 = tpu.memref_slice %arg13[%dma_start3A_658, %dma_start3A_659] : memref<10112x128xf32, #tpu.memory_space<vmem_shared>> -> memref<10112x128xf32, #tpu.memory_space<vmem_shared>>
        tpu.enqueue_indirect_dma source(%arg11 : memref<64x128xf32, #tpu.memory_space<vmem>>) target(%dma_start3A_660 : memref<10112x128xf32, #tpu.memory_space<vmem_shared>>) offsets(%dma_start3A_657 : memref<64xi32, #tpu.memory_space<vmem>>) semaphore(%run_scoped3A_654 : memref<!tpu.dma_semaphore, #tpu.memory_space<semaphore_mem>>) {add = true}
        %dma_wait3A_661 = arith.constant 0 : i32
        %dma_wait3A_662 = tpu.memref_slice %arg7[%run_scoped3A_619, %dma_wait3A_661] : memref<8x64xi32, #tpu.memory_space<vmem>> -> memref<1x64xi32, #tpu.memory_space<vmem>>
        %dma_wait3A_663 = tpu.memref_squeeze %dma_wait3A_662 : memref<1x64xi32, #tpu.memory_space<vmem>> -> memref<64xi32, #tpu.memory_space<vmem>>
        %dma_wait3A_664 = arith.constant 0 : i32
        %dma_wait3A_665 = arith.constant 0 : i32
        %dma_wait3A_666 = tpu.memref_slice %arg13[%dma_wait3A_664, %dma_wait3A_665] : memref<10112x128xf32, #tpu.memory_space<vmem_shared>> -> memref<10112x128xf32, #tpu.memory_space<vmem_shared>>
        tpu.wait_indirect_dma semaphore(%run_scoped3A_654 : memref<!tpu.dma_semaphore, #tpu.memory_space<semaphore_mem>>) src(%arg11 : memref<64x128xf32, #tpu.memory_space<vmem>>) dst(%dma_wait3A_666 : memref<10112x128xf32, #tpu.memory_space<vmem_shared>>)
        tpu.yield
      }) : () -> ()
      %add3A_620 = arith.constant 8 : i32
      %add3A_621 = arith.addi %add3A_611, %add3A_620 : i32
      %lt3A_622 = arith.cmpi slt, %add3A_621, %select_n3A : i32
      %convert_element_type3A_623 = arith.extui %lt3A_622 : i1 to i32
      %cond3A_624 = arith.constant 0 : i32
      %cond3A_625 = arith.cmpi ne, %convert_element_type3A_623, %cond3A_624 : i32
      scf.if %cond3A_625 {
        %add3A_654 = arith.addi %add3A, %add3A_611 : i32
        %add3A_655 = arith.constant 8 : i32
        %add3A_656 = arith.addi %add3A_654, %add3A_655 : i32
        %dma_start3A_657 = arith.constant 6 : i32
        %dma_start3A_658 = arith.constant 0 : i32
        %dma_start3A_659 = tpu.memref_slice %arg7[%dma_start3A_657, %dma_start3A_658] : memref<8x64xi32, #tpu.memory_space<vmem>> -> memref<1x64xi32, #tpu.memory_space<vmem>>
        %dma_start3A_660 = tpu.memref_squeeze %dma_start3A_659 : memref<1x64xi32, #tpu.memory_space<vmem>> -> memref<64xi32, #tpu.memory_space<vmem>>
        %dma_start3A_661 = arith.constant 0 : i32
        %dma_start3A_662 = tpu.memref_slice %arg3[%add3A_656, %dma_start3A_661] : memref<5120x64xi32, #tpu.memory_space<hbm>> -> memref<1x64xi32, #tpu.memory_space<hbm>>
        %dma_start3A_663 = tpu.memref_squeeze %dma_start3A_662 : memref<1x64xi32, #tpu.memory_space<hbm>> -> memref<64xi32, #tpu.memory_space<hbm>>
        %dma_start3A_664 = arith.constant 0 : i32
        %dma_start3A_665 = tpu.memref_slice %arg7[%dma_start3A_657, %dma_start3A_664] : memref<8x64xi32, #tpu.memory_space<vmem>> -> memref<1x64xi32, #tpu.memory_space<vmem>>
        %dma_start3A_666 = tpu.memref_squeeze %dma_start3A_665 : memref<1x64xi32, #tpu.memory_space<vmem>> -> memref<64xi32, #tpu.memory_space<vmem>>
        %dma_start3A_667 = arith.constant 0 : i32
        %dma_start3A_668 = tpu.memref_slice %arg3[%add3A_656, %dma_start3A_667] : memref<5120x64xi32, #tpu.memory_space<hbm>> -> memref<1x64xi32, #tpu.memory_space<hbm>>
        %dma_start3A_669 = tpu.memref_squeeze %dma_start3A_668 : memref<1x64xi32, #tpu.memory_space<hbm>> -> memref<64xi32, #tpu.memory_space<hbm>>
        tpu.enqueue_dma source(%dma_start3A_669 : memref<64xi32, #tpu.memory_space<hbm>>) target(%dma_start3A_666 : memref<64xi32, #tpu.memory_space<vmem>>) target_semaphore(%arg24 : memref<!tpu.dma_semaphore, #tpu.memory_space<semaphore_mem>>)
        %add3A_670 = arith.addi %add3A, %add3A_611 : i32
        %add3A_671 = arith.constant 8 : i32
        %add3A_672 = arith.addi %add3A_670, %add3A_671 : i32
        %dma_start3A_673 = arith.constant 6 : i32
        %dma_start3A_674 = arith.constant 0 : i32
        %dma_start3A_675 = tpu.memref_slice %arg8[%dma_start3A_673, %dma_start3A_674] : memref<8x64xi32, #tpu.memory_space<vmem>> -> memref<1x64xi32, #tpu.memory_space<vmem>>
        %dma_start3A_676 = tpu.memref_squeeze %dma_start3A_675 : memref<1x64xi32, #tpu.memory_space<vmem>> -> memref<64xi32, #tpu.memory_space<vmem>>
        %dma_start3A_677 = arith.constant 0 : i32
        %dma_start3A_678 = tpu.memref_slice %arg4[%add3A_672, %dma_start3A_677] : memref<5120x64xi32, #tpu.memory_space<hbm>> -> memref<1x64xi32, #tpu.memory_space<hbm>>
        %dma_start3A_679 = tpu.memref_squeeze %dma_start3A_678 : memref<1x64xi32, #tpu.memory_space<hbm>> -> memref<64xi32, #tpu.memory_space<hbm>>
        %dma_start3A_680 = arith.constant 0 : i32
        %dma_start3A_681 = tpu.memref_slice %arg8[%dma_start3A_673, %dma_start3A_680] : memref<8x64xi32, #tpu.memory_space<vmem>> -> memref<1x64xi32, #tpu.memory_space<vmem>>
        %dma_start3A_682 = tpu.memref_squeeze %dma_start3A_681 : memref<1x64xi32, #tpu.memory_space<vmem>> -> memref<64xi32, #tpu.memory_space<vmem>>
        %dma_start3A_683 = arith.constant 0 : i32
        %dma_start3A_684 = tpu.memref_slice %arg4[%add3A_672, %dma_start3A_683] : memref<5120x64xi32, #tpu.memory_space<hbm>> -> memref<1x64xi32, #tpu.memory_space<hbm>>
        %dma_start3A_685 = tpu.memref_squeeze %dma_start3A_684 : memref<1x64xi32, #tpu.memory_space<hbm>> -> memref<64xi32, #tpu.memory_space<hbm>>
        tpu.enqueue_dma source(%dma_start3A_685 : memref<64xi32, #tpu.memory_space<hbm>>) target(%dma_start3A_682 : memref<64xi32, #tpu.memory_space<vmem>>) target_semaphore(%arg24 : memref<!tpu.dma_semaphore, #tpu.memory_space<semaphore_mem>>)
      } else {
      }
      %add3A_626 = arith.constant 4 : i32
      %add3A_627 = arith.addi %add3A_611, %add3A_626 : i32
      %lt3A_628 = arith.cmpi slt, %add3A_627, %select_n3A : i32
      %convert_element_type3A_629 = arith.extui %lt3A_628 : i1 to i32
      %cond3A_630 = arith.constant 0 : i32
      %cond3A_631 = arith.cmpi ne, %convert_element_type3A_629, %cond3A_630 : i32
      scf.if %cond3A_631 {
        %add3A_654 = arith.addi %add3A, %add3A_611 : i32
        %add3A_655 = arith.constant 4 : i32
        %add3A_656 = arith.addi %add3A_654, %add3A_655 : i32
        %dma_wait3A_657 = arith.constant 2 : i32
        %dma_wait3A_658 = arith.constant 0 : i32
        %dma_wait3A_659 = tpu.memref_slice %arg7[%dma_wait3A_657, %dma_wait3A_658] : memref<8x64xi32, #tpu.memory_space<vmem>> -> memref<1x64xi32, #tpu.memory_space<vmem>>
        %dma_wait3A_660 = tpu.memref_squeeze %dma_wait3A_659 : memref<1x64xi32, #tpu.memory_space<vmem>> -> memref<64xi32, #tpu.memory_space<vmem>>
        %dma_wait3A_661 = arith.constant 0 : i32
        %dma_wait3A_662 = tpu.memref_slice %arg3[%add3A_656, %dma_wait3A_661] : memref<5120x64xi32, #tpu.memory_space<hbm>> -> memref<1x64xi32, #tpu.memory_space<hbm>>
        %dma_wait3A_663 = tpu.memref_squeeze %dma_wait3A_662 : memref<1x64xi32, #tpu.memory_space<hbm>> -> memref<64xi32, #tpu.memory_space<hbm>>
        %dma_wait3A_664 = arith.constant 0 : i32
        %dma_wait3A_665 = tpu.memref_slice %arg7[%dma_wait3A_657, %dma_wait3A_664] : memref<8x64xi32, #tpu.memory_space<vmem>> -> memref<1x64xi32, #tpu.memory_space<vmem>>
        %dma_wait3A_666 = tpu.memref_squeeze %dma_wait3A_665 : memref<1x64xi32, #tpu.memory_space<vmem>> -> memref<64xi32, #tpu.memory_space<vmem>>
        %dma_wait3A_667 = arith.constant 0 : i32
        %dma_wait3A_668 = tpu.memref_slice %arg3[%add3A_656, %dma_wait3A_667] : memref<5120x64xi32, #tpu.memory_space<hbm>> -> memref<1x64xi32, #tpu.memory_space<hbm>>
        %dma_wait3A_669 = tpu.memref_squeeze %dma_wait3A_668 : memref<1x64xi32, #tpu.memory_space<hbm>> -> memref<64xi32, #tpu.memory_space<hbm>>
        tpu.wait_dma2 semaphore(%arg20 : memref<!tpu.dma_semaphore, #tpu.memory_space<semaphore_mem>>) src(%dma_wait3A_669 : memref<64xi32, #tpu.memory_space<hbm>>) dst(%dma_wait3A_666 : memref<64xi32, #tpu.memory_space<vmem>>)
        %add3A_670 = arith.addi %add3A, %add3A_611 : i32
        %add3A_671 = arith.constant 4 : i32
        %add3A_672 = arith.addi %add3A_670, %add3A_671 : i32
        %dma_wait3A_673 = arith.constant 2 : i32
        %dma_wait3A_674 = arith.constant 0 : i32
        %dma_wait3A_675 = tpu.memref_slice %arg8[%dma_wait3A_673, %dma_wait3A_674] : memref<8x64xi32, #tpu.memory_space<vmem>> -> memref<1x64xi32, #tpu.memory_space<vmem>>
        %dma_wait3A_676 = tpu.memref_squeeze %dma_wait3A_675 : memref<1x64xi32, #tpu.memory_space<vmem>> -> memref<64xi32, #tpu.memory_space<vmem>>
        %dma_wait3A_677 = arith.constant 0 : i32
        %dma_wait3A_678 = tpu.memref_slice %arg4[%add3A_672, %dma_wait3A_677] : memref<5120x64xi32, #tpu.memory_space<hbm>> -> memref<1x64xi32, #tpu.memory_space<hbm>>
        %dma_wait3A_679 = tpu.memref_squeeze %dma_wait3A_678 : memref<1x64xi32, #tpu.memory_space<hbm>> -> memref<64xi32, #tpu.memory_space<hbm>>
        %dma_wait3A_680 = arith.constant 0 : i32
        %dma_wait3A_681 = tpu.memref_slice %arg8[%dma_wait3A_673, %dma_wait3A_680] : memref<8x64xi32, #tpu.memory_space<vmem>> -> memref<1x64xi32, #tpu.memory_space<vmem>>
        %dma_wait3A_682 = tpu.memref_squeeze %dma_wait3A_681 : memref<1x64xi32, #tpu.memory_space<vmem>> -> memref<64xi32, #tpu.memory_space<vmem>>
        %dma_wait3A_683 = arith.constant 0 : i32
        %dma_wait3A_684 = tpu.memref_slice %arg4[%add3A_672, %dma_wait3A_683] : memref<5120x64xi32, #tpu.memory_space<hbm>> -> memref<1x64xi32, #tpu.memory_space<hbm>>
        %dma_wait3A_685 = tpu.memref_squeeze %dma_wait3A_684 : memref<1x64xi32, #tpu.memory_space<hbm>> -> memref<64xi32, #tpu.memory_space<hbm>>
        tpu.wait_dma2 semaphore(%arg20 : memref<!tpu.dma_semaphore, #tpu.memory_space<semaphore_mem>>) src(%dma_wait3A_685 : memref<64xi32, #tpu.memory_space<hbm>>) dst(%dma_wait3A_682 : memref<64xi32, #tpu.memory_space<vmem>>)
        %dma_start3A_686 = arith.constant 2 : i32
        %dma_start3A_687 = arith.constant 0 : i32
        %dma_start3A_688 = tpu.memref_slice %arg8[%dma_start3A_686, %dma_start3A_687] : memref<8x64xi32, #tpu.memory_space<vmem>> -> memref<1x64xi32, #tpu.memory_space<vmem>>
        %dma_start3A_689 = tpu.memref_squeeze %dma_start3A_688 : memref<1x64xi32, #tpu.memory_space<vmem>> -> memref<64xi32, #tpu.memory_space<vmem>>
        %dma_start3A_690 = arith.constant 0 : i32
        %dma_start3A_691 = arith.constant 0 : i32
        %dma_start3A_692 = tpu.memref_slice %arg2[%dma_start3A_690, %dma_start3A_691] : memref<10000x128xf32, #tpu.memory_space<hbm>> -> memref<10000x128xf32, #tpu.memory_space<hbm>>
        tpu.enqueue_indirect_dma source(%dma_start3A_692 : memref<10000x128xf32, #tpu.memory_space<hbm>>) target(%arg11 : memref<64x128xf32, #tpu.memory_space<vmem>>) offsets(%dma_start3A_689 : memref<64xi32, #tpu.memory_space<vmem>>) semaphore(%arg16 : memref<!tpu.dma_semaphore, #tpu.memory_space<semaphore_mem>>)
      } else {
      }
      %add3A_632 = arith.constant 7 : i32
      %add3A_633 = arith.addi %mul3A_481, %add3A_632 : i32
      %dma_wait3A_634 = arith.constant 7 : i32
      %dma_wait3A_635 = arith.constant 0 : i32
      %dma_wait3A_636 = tpu.memref_slice %arg8[%dma_wait3A_634, %dma_wait3A_635] : memref<8x64xi32, #tpu.memory_space<vmem>> -> memref<1x64xi32, #tpu.memory_space<vmem>>
      %dma_wait3A_637 = tpu.memref_squeeze %dma_wait3A_636 : memref<1x64xi32, #tpu.memory_space<vmem>> -> memref<64xi32, #tpu.memory_space<vmem>>
      %dma_wait3A_638 = arith.constant 0 : i32
      %dma_wait3A_639 = arith.constant 0 : i32
      %dma_wait3A_640 = tpu.memref_slice %arg2[%dma_wait3A_638, %dma_wait3A_639] : memref<10000x128xf32, #tpu.memory_space<hbm>> -> memref<10000x128xf32, #tpu.memory_space<hbm>>
      tpu.wait_indirect_dma semaphore(%arg17 : memref<!tpu.dma_semaphore, #tpu.memory_space<semaphore_mem>>) src(%dma_wait3A_640 : memref<10000x128xf32, #tpu.memory_space<hbm>>) dst(%arg12 : memref<64x128xf32, #tpu.memory_space<vmem>>)
      %run_scoped3A_641 = arith.constant 7 : i32
      "tpu.region"() ({
        %run_scoped3A_654 = tpu.sem_alloc : memref<!tpu.dma_semaphore, #tpu.memory_space<semaphore_mem>>
        %dma_start3A_655 = arith.constant 0 : i32
        %dma_start3A_656 = tpu.memref_slice %arg7[%run_scoped3A_641, %dma_start3A_655] : memref<8x64xi32, #tpu.memory_space<vmem>> -> memref<1x64xi32, #tpu.memory_space<vmem>>
        %dma_start3A_657 = tpu.memref_squeeze %dma_start3A_656 : memref<1x64xi32, #tpu.memory_space<vmem>> -> memref<64xi32, #tpu.memory_space<vmem>>
        %dma_start3A_658 = arith.constant 0 : i32
        %dma_start3A_659 = arith.constant 0 : i32
        %dma_start3A_660 = tpu.memref_slice %arg13[%dma_start3A_658, %dma_start3A_659] : memref<10112x128xf32, #tpu.memory_space<vmem_shared>> -> memref<10112x128xf32, #tpu.memory_space<vmem_shared>>
        tpu.enqueue_indirect_dma source(%arg12 : memref<64x128xf32, #tpu.memory_space<vmem>>) target(%dma_start3A_660 : memref<10112x128xf32, #tpu.memory_space<vmem_shared>>) offsets(%dma_start3A_657 : memref<64xi32, #tpu.memory_space<vmem>>) semaphore(%run_scoped3A_654 : memref<!tpu.dma_semaphore, #tpu.memory_space<semaphore_mem>>) {add = true}
        %dma_wait3A_661 = arith.constant 0 : i32
        %dma_wait3A_662 = tpu.memref_slice %arg7[%run_scoped3A_641, %dma_wait3A_661] : memref<8x64xi32, #tpu.memory_space<vmem>> -> memref<1x64xi32, #tpu.memory_space<vmem>>
        %dma_wait3A_663 = tpu.memref_squeeze %dma_wait3A_662 : memref<1x64xi32, #tpu.memory_space<vmem>> -> memref<64xi32, #tpu.memory_space<vmem>>
        %dma_wait3A_664 = arith.constant 0 : i32
        %dma_wait3A_665 = arith.constant 0 : i32
        %dma_wait3A_666 = tpu.memref_slice %arg13[%dma_wait3A_664, %dma_wait3A_665] : memref<10112x128xf32, #tpu.memory_space<vmem_shared>> -> memref<10112x128xf32, #tpu.memory_space<vmem_shared>>
        tpu.wait_indirect_dma semaphore(%run_scoped3A_654 : memref<!tpu.dma_semaphore, #tpu.memory_space<semaphore_mem>>) src(%arg12 : memref<64x128xf32, #tpu.memory_space<vmem>>) dst(%dma_wait3A_666 : memref<10112x128xf32, #tpu.memory_space<vmem_shared>>)
        tpu.yield
      }) : () -> ()
      %add3A_642 = arith.constant 8 : i32
      %add3A_643 = arith.addi %add3A_633, %add3A_642 : i32
      %lt3A_644 = arith.cmpi slt, %add3A_643, %select_n3A : i32
      %convert_element_type3A_645 = arith.extui %lt3A_644 : i1 to i32
      %cond3A_646 = arith.constant 0 : i32
      %cond3A_647 = arith.cmpi ne, %convert_element_type3A_645, %cond3A_646 : i32
      scf.if %cond3A_647 {
        %add3A_654 = arith.addi %add3A, %add3A_633 : i32
        %add3A_655 = arith.constant 8 : i32
        %add3A_656 = arith.addi %add3A_654, %add3A_655 : i32
        %dma_start3A_657 = arith.constant 7 : i32
        %dma_start3A_658 = arith.constant 0 : i32
        %dma_start3A_659 = tpu.memref_slice %arg7[%dma_start3A_657, %dma_start3A_658] : memref<8x64xi32, #tpu.memory_space<vmem>> -> memref<1x64xi32, #tpu.memory_space<vmem>>
        %dma_start3A_660 = tpu.memref_squeeze %dma_start3A_659 : memref<1x64xi32, #tpu.memory_space<vmem>> -> memref<64xi32, #tpu.memory_space<vmem>>
        %dma_start3A_661 = arith.constant 0 : i32
        %dma_start3A_662 = tpu.memref_slice %arg3[%add3A_656, %dma_start3A_661] : memref<5120x64xi32, #tpu.memory_space<hbm>> -> memref<1x64xi32, #tpu.memory_space<hbm>>
        %dma_start3A_663 = tpu.memref_squeeze %dma_start3A_662 : memref<1x64xi32, #tpu.memory_space<hbm>> -> memref<64xi32, #tpu.memory_space<hbm>>
        %dma_start3A_664 = arith.constant 0 : i32
        %dma_start3A_665 = tpu.memref_slice %arg7[%dma_start3A_657, %dma_start3A_664] : memref<8x64xi32, #tpu.memory_space<vmem>> -> memref<1x64xi32, #tpu.memory_space<vmem>>
        %dma_start3A_666 = tpu.memref_squeeze %dma_start3A_665 : memref<1x64xi32, #tpu.memory_space<vmem>> -> memref<64xi32, #tpu.memory_space<vmem>>
        %dma_start3A_667 = arith.constant 0 : i32
        %dma_start3A_668 = tpu.memref_slice %arg3[%add3A_656, %dma_start3A_667] : memref<5120x64xi32, #tpu.memory_space<hbm>> -> memref<1x64xi32, #tpu.memory_space<hbm>>
        %dma_start3A_669 = tpu.memref_squeeze %dma_start3A_668 : memref<1x64xi32, #tpu.memory_space<hbm>> -> memref<64xi32, #tpu.memory_space<hbm>>
        tpu.enqueue_dma source(%dma_start3A_669 : memref<64xi32, #tpu.memory_space<hbm>>) target(%dma_start3A_666 : memref<64xi32, #tpu.memory_space<vmem>>) target_semaphore(%arg25 : memref<!tpu.dma_semaphore, #tpu.memory_space<semaphore_mem>>)
        %add3A_670 = arith.addi %add3A, %add3A_633 : i32
        %add3A_671 = arith.constant 8 : i32
        %add3A_672 = arith.addi %add3A_670, %add3A_671 : i32
        %dma_start3A_673 = arith.constant 7 : i32
        %dma_start3A_674 = arith.constant 0 : i32
        %dma_start3A_675 = tpu.memref_slice %arg8[%dma_start3A_673, %dma_start3A_674] : memref<8x64xi32, #tpu.memory_space<vmem>> -> memref<1x64xi32, #tpu.memory_space<vmem>>
        %dma_start3A_676 = tpu.memref_squeeze %dma_start3A_675 : memref<1x64xi32, #tpu.memory_space<vmem>> -> memref<64xi32, #tpu.memory_space<vmem>>
        %dma_start3A_677 = arith.constant 0 : i32
        %dma_start3A_678 = tpu.memref_slice %arg4[%add3A_672, %dma_start3A_677] : memref<5120x64xi32, #tpu.memory_space<hbm>> -> memref<1x64xi32, #tpu.memory_space<hbm>>
        %dma_start3A_679 = tpu.memref_squeeze %dma_start3A_678 : memref<1x64xi32, #tpu.memory_space<hbm>> -> memref<64xi32, #tpu.memory_space<hbm>>
        %dma_start3A_680 = arith.constant 0 : i32
        %dma_start3A_681 = tpu.memref_slice %arg8[%dma_start3A_673, %dma_start3A_680] : memref<8x64xi32, #tpu.memory_space<vmem>> -> memref<1x64xi32, #tpu.memory_space<vmem>>
        %dma_start3A_682 = tpu.memref_squeeze %dma_start3A_681 : memref<1x64xi32, #tpu.memory_space<vmem>> -> memref<64xi32, #tpu.memory_space<vmem>>
        %dma_start3A_683 = arith.constant 0 : i32
        %dma_start3A_684 = tpu.memref_slice %arg4[%add3A_672, %dma_start3A_683] : memref<5120x64xi32, #tpu.memory_space<hbm>> -> memref<1x64xi32, #tpu.memory_space<hbm>>
        %dma_start3A_685 = tpu.memref_squeeze %dma_start3A_684 : memref<1x64xi32, #tpu.memory_space<hbm>> -> memref<64xi32, #tpu.memory_space<hbm>>
        tpu.enqueue_dma source(%dma_start3A_685 : memref<64xi32, #tpu.memory_space<hbm>>) target(%dma_start3A_682 : memref<64xi32, #tpu.memory_space<vmem>>) target_semaphore(%arg25 : memref<!tpu.dma_semaphore, #tpu.memory_space<semaphore_mem>>)
      } else {
      }
      %add3A_648 = arith.constant 4 : i32
      %add3A_649 = arith.addi %add3A_633, %add3A_648 : i32
      %lt3A_650 = arith.cmpi slt, %add3A_649, %select_n3A : i32
      %convert_element_type3A_651 = arith.extui %lt3A_650 : i1 to i32
      %cond3A_652 = arith.constant 0 : i32
      %cond3A_653 = arith.cmpi ne, %convert_element_type3A_651, %cond3A_652 : i32
      scf.if %cond3A_653 {
        %add3A_654 = arith.addi %add3A, %add3A_633 : i32
        %add3A_655 = arith.constant 4 : i32
        %add3A_656 = arith.addi %add3A_654, %add3A_655 : i32
        %dma_wait3A_657 = arith.constant 3 : i32
        %dma_wait3A_658 = arith.constant 0 : i32
        %dma_wait3A_659 = tpu.memref_slice %arg7[%dma_wait3A_657, %dma_wait3A_658] : memref<8x64xi32, #tpu.memory_space<vmem>> -> memref<1x64xi32, #tpu.memory_space<vmem>>
        %dma_wait3A_660 = tpu.memref_squeeze %dma_wait3A_659 : memref<1x64xi32, #tpu.memory_space<vmem>> -> memref<64xi32, #tpu.memory_space<vmem>>
        %dma_wait3A_661 = arith.constant 0 : i32
        %dma_wait3A_662 = tpu.memref_slice %arg3[%add3A_656, %dma_wait3A_661] : memref<5120x64xi32, #tpu.memory_space<hbm>> -> memref<1x64xi32, #tpu.memory_space<hbm>>
        %dma_wait3A_663 = tpu.memref_squeeze %dma_wait3A_662 : memref<1x64xi32, #tpu.memory_space<hbm>> -> memref<64xi32, #tpu.memory_space<hbm>>
        %dma_wait3A_664 = arith.constant 0 : i32
        %dma_wait3A_665 = tpu.memref_slice %arg7[%dma_wait3A_657, %dma_wait3A_664] : memref<8x64xi32, #tpu.memory_space<vmem>> -> memref<1x64xi32, #tpu.memory_space<vmem>>
        %dma_wait3A_666 = tpu.memref_squeeze %dma_wait3A_665 : memref<1x64xi32, #tpu.memory_space<vmem>> -> memref<64xi32, #tpu.memory_space<vmem>>
        %dma_wait3A_667 = arith.constant 0 : i32
        %dma_wait3A_668 = tpu.memref_slice %arg3[%add3A_656, %dma_wait3A_667] : memref<5120x64xi32, #tpu.memory_space<hbm>> -> memref<1x64xi32, #tpu.memory_space<hbm>>
        %dma_wait3A_669 = tpu.memref_squeeze %dma_wait3A_668 : memref<1x64xi32, #tpu.memory_space<hbm>> -> memref<64xi32, #tpu.memory_space<hbm>>
        tpu.wait_dma2 semaphore(%arg21 : memref<!tpu.dma_semaphore, #tpu.memory_space<semaphore_mem>>) src(%dma_wait3A_669 : memref<64xi32, #tpu.memory_space<hbm>>) dst(%dma_wait3A_666 : memref<64xi32, #tpu.memory_space<vmem>>)
        %add3A_670 = arith.addi %add3A, %add3A_633 : i32
        %add3A_671 = arith.constant 4 : i32
        %add3A_672 = arith.addi %add3A_670, %add3A_671 : i32
        %dma_wait3A_673 = arith.constant 3 : i32
        %dma_wait3A_674 = arith.constant 0 : i32
        %dma_wait3A_675 = tpu.memref_slice %arg8[%dma_wait3A_673, %dma_wait3A_674] : memref<8x64xi32, #tpu.memory_space<vmem>> -> memref<1x64xi32, #tpu.memory_space<vmem>>
        %dma_wait3A_676 = tpu.memref_squeeze %dma_wait3A_675 : memref<1x64xi32, #tpu.memory_space<vmem>> -> memref<64xi32, #tpu.memory_space<vmem>>
        %dma_wait3A_677 = arith.constant 0 : i32
        %dma_wait3A_678 = tpu.memref_slice %arg4[%add3A_672, %dma_wait3A_677] : memref<5120x64xi32, #tpu.memory_space<hbm>> -> memref<1x64xi32, #tpu.memory_space<hbm>>
        %dma_wait3A_679 = tpu.memref_squeeze %dma_wait3A_678 : memref<1x64xi32, #tpu.memory_space<hbm>> -> memref<64xi32, #tpu.memory_space<hbm>>
        %dma_wait3A_680 = arith.constant 0 : i32
        %dma_wait3A_681 = tpu.memref_slice %arg8[%dma_wait3A_673, %dma_wait3A_680] : memref<8x64xi32, #tpu.memory_space<vmem>> -> memref<1x64xi32, #tpu.memory_space<vmem>>
        %dma_wait3A_682 = tpu.memref_squeeze %dma_wait3A_681 : memref<1x64xi32, #tpu.memory_space<vmem>> -> memref<64xi32, #tpu.memory_space<vmem>>
        %dma_wait3A_683 = arith.constant 0 : i32
        %dma_wait3A_684 = tpu.memref_slice %arg4[%add3A_672, %dma_wait3A_683] : memref<5120x64xi32, #tpu.memory_space<hbm>> -> memref<1x64xi32, #tpu.memory_space<hbm>>
        %dma_wait3A_685 = tpu.memref_squeeze %dma_wait3A_684 : memref<1x64xi32, #tpu.memory_space<hbm>> -> memref<64xi32, #tpu.memory_space<hbm>>
        tpu.wait_dma2 semaphore(%arg21 : memref<!tpu.dma_semaphore, #tpu.memory_space<semaphore_mem>>) src(%dma_wait3A_685 : memref<64xi32, #tpu.memory_space<hbm>>) dst(%dma_wait3A_682 : memref<64xi32, #tpu.memory_space<vmem>>)
        %dma_start3A_686 = arith.constant 3 : i32
        %dma_start3A_687 = arith.constant 0 : i32
        %dma_start3A_688 = tpu.memref_slice %arg8[%dma_start3A_686, %dma_start3A_687] : memref<8x64xi32, #tpu.memory_space<vmem>> -> memref<1x64xi32, #tpu.memory_space<vmem>>
        %dma_start3A_689 = tpu.memref_squeeze %dma_start3A_688 : memref<1x64xi32, #tpu.memory_space<vmem>> -> memref<64xi32, #tpu.memory_space<vmem>>
        %dma_start3A_690 = arith.constant 0 : i32
        %dma_start3A_691 = arith.constant 0 : i32
        %dma_start3A_692 = tpu.memref_slice %arg2[%dma_start3A_690, %dma_start3A_691] : memref<10000x128xf32, #tpu.memory_space<hbm>> -> memref<10000x128xf32, #tpu.memory_space<hbm>>
        tpu.enqueue_indirect_dma source(%dma_start3A_692 : memref<10000x128xf32, #tpu.memory_space<hbm>>) target(%arg12 : memref<64x128xf32, #tpu.memory_space<vmem>>) offsets(%dma_start3A_689 : memref<64xi32, #tpu.memory_space<vmem>>) semaphore(%arg17 : memref<!tpu.dma_semaphore, #tpu.memory_space<semaphore_mem>>)
      } else {
      }
    }
    %while3A_437 = arith.constant 1 : i32
    scf.for %while3A_479 = %while3A_435 to %while3A_431 step %while3A_437  : i32 {
      %mul3A_480 = arith.constant 8 : i32
      %mul3A_481 = arith.muli %while3A_479, %mul3A_480 : i32
      %add3A_482 = arith.constant 0 : i32
      %add3A_483 = arith.addi %mul3A_481, %add3A_482 : i32
      %dma_wait3A_484 = arith.constant 0 : i32
      %dma_wait3A_485 = arith.constant 0 : i32
      %dma_wait3A_486 = tpu.memref_slice %arg8[%dma_wait3A_484, %dma_wait3A_485] : memref<8x64xi32, #tpu.memory_space<vmem>> -> memref<1x64xi32, #tpu.memory_space<vmem>>
      %dma_wait3A_487 = tpu.memref_squeeze %dma_wait3A_486 : memref<1x64xi32, #tpu.memory_space<vmem>> -> memref<64xi32, #tpu.memory_space<vmem>>
      %dma_wait3A_488 = arith.constant 0 : i32
      %dma_wait3A_489 = arith.constant 0 : i32
      %dma_wait3A_490 = tpu.memref_slice %arg2[%dma_wait3A_488, %dma_wait3A_489] : memref<10000x128xf32, #tpu.memory_space<hbm>> -> memref<10000x128xf32, #tpu.memory_space<hbm>>
      tpu.wait_indirect_dma semaphore(%arg14 : memref<!tpu.dma_semaphore, #tpu.memory_space<semaphore_mem>>) src(%dma_wait3A_490 : memref<10000x128xf32, #tpu.memory_space<hbm>>) dst(%arg9 : memref<64x128xf32, #tpu.memory_space<vmem>>)
      %run_scoped3A = arith.constant 0 : i32
      "tpu.region"() ({
        %run_scoped3A_654 = tpu.sem_alloc : memref<!tpu.dma_semaphore, #tpu.memory_space<semaphore_mem>>
        %dma_start3A_655 = arith.constant 0 : i32
        %dma_start3A_656 = tpu.memref_slice %arg7[%run_scoped3A, %dma_start3A_655] : memref<8x64xi32, #tpu.memory_space<vmem>> -> memref<1x64xi32, #tpu.memory_space<vmem>>
        %dma_start3A_657 = tpu.memref_squeeze %dma_start3A_656 : memref<1x64xi32, #tpu.memory_space<vmem>> -> memref<64xi32, #tpu.memory_space<vmem>>
        %dma_start3A_658 = arith.constant 0 : i32
        %dma_start3A_659 = arith.constant 0 : i32
        %dma_start3A_660 = tpu.memref_slice %arg13[%dma_start3A_658, %dma_start3A_659] : memref<10112x128xf32, #tpu.memory_space<vmem_shared>> -> memref<10112x128xf32, #tpu.memory_space<vmem_shared>>
        tpu.enqueue_indirect_dma source(%arg9 : memref<64x128xf32, #tpu.memory_space<vmem>>) target(%dma_start3A_660 : memref<10112x128xf32, #tpu.memory_space<vmem_shared>>) offsets(%dma_start3A_657 : memref<64xi32, #tpu.memory_space<vmem>>) semaphore(%run_scoped3A_654 : memref<!tpu.dma_semaphore, #tpu.memory_space<semaphore_mem>>) {add = true}
        %dma_wait3A_661 = arith.constant 0 : i32
        %dma_wait3A_662 = tpu.memref_slice %arg7[%run_scoped3A, %dma_wait3A_661] : memref<8x64xi32, #tpu.memory_space<vmem>> -> memref<1x64xi32, #tpu.memory_space<vmem>>
        %dma_wait3A_663 = tpu.memref_squeeze %dma_wait3A_662 : memref<1x64xi32, #tpu.memory_space<vmem>> -> memref<64xi32, #tpu.memory_space<vmem>>
        %dma_wait3A_664 = arith.constant 0 : i32
        %dma_wait3A_665 = arith.constant 0 : i32
        %dma_wait3A_666 = tpu.memref_slice %arg13[%dma_wait3A_664, %dma_wait3A_665] : memref<10112x128xf32, #tpu.memory_space<vmem_shared>> -> memref<10112x128xf32, #tpu.memory_space<vmem_shared>>
        tpu.wait_indirect_dma semaphore(%run_scoped3A_654 : memref<!tpu.dma_semaphore, #tpu.memory_space<semaphore_mem>>) src(%arg9 : memref<64x128xf32, #tpu.memory_space<vmem>>) dst(%dma_wait3A_666 : memref<10112x128xf32, #tpu.memory_space<vmem_shared>>)
        tpu.yield
      }) : () -> ()
      %add3A_491 = arith.constant 8 : i32
      %add3A_492 = arith.addi %add3A_483, %add3A_491 : i32
      %lt3A = arith.cmpi slt, %add3A_492, %select_n3A : i32
      %convert_element_type3A = arith.extui %lt3A : i1 to i32
      %cond3A = arith.constant 0 : i32
      %cond3A_493 = arith.cmpi ne, %convert_element_type3A, %cond3A : i32
      scf.if %cond3A_493 {
        %add3A_654 = arith.addi %add3A, %add3A_483 : i32
        %add3A_655 = arith.constant 8 : i32
        %add3A_656 = arith.addi %add3A_654, %add3A_655 : i32
        %dma_start3A_657 = arith.constant 0 : i32
        %dma_start3A_658 = arith.constant 0 : i32
        %dma_start3A_659 = tpu.memref_slice %arg7[%dma_start3A_657, %dma_start3A_658] : memref<8x64xi32, #tpu.memory_space<vmem>> -> memref<1x64xi32, #tpu.memory_space<vmem>>
        %dma_start3A_660 = tpu.memref_squeeze %dma_start3A_659 : memref<1x64xi32, #tpu.memory_space<vmem>> -> memref<64xi32, #tpu.memory_space<vmem>>
        %dma_start3A_661 = arith.constant 0 : i32
        %dma_start3A_662 = tpu.memref_slice %arg3[%add3A_656, %dma_start3A_661] : memref<5120x64xi32, #tpu.memory_space<hbm>> -> memref<1x64xi32, #tpu.memory_space<hbm>>
        %dma_start3A_663 = tpu.memref_squeeze %dma_start3A_662 : memref<1x64xi32, #tpu.memory_space<hbm>> -> memref<64xi32, #tpu.memory_space<hbm>>
        %dma_start3A_664 = arith.constant 0 : i32
        %dma_start3A_665 = tpu.memref_slice %arg7[%dma_start3A_657, %dma_start3A_664] : memref<8x64xi32, #tpu.memory_space<vmem>> -> memref<1x64xi32, #tpu.memory_space<vmem>>
        %dma_start3A_666 = tpu.memref_squeeze %dma_start3A_665 : memref<1x64xi32, #tpu.memory_space<vmem>> -> memref<64xi32, #tpu.memory_space<vmem>>
        %dma_start3A_667 = arith.constant 0 : i32
        %dma_start3A_668 = tpu.memref_slice %arg3[%add3A_656, %dma_start3A_667] : memref<5120x64xi32, #tpu.memory_space<hbm>> -> memref<1x64xi32, #tpu.memory_space<hbm>>
        %dma_start3A_669 = tpu.memref_squeeze %dma_start3A_668 : memref<1x64xi32, #tpu.memory_space<hbm>> -> memref<64xi32, #tpu.memory_space<hbm>>
        tpu.enqueue_dma source(%dma_start3A_669 : memref<64xi32, #tpu.memory_space<hbm>>) target(%dma_start3A_666 : memref<64xi32, #tpu.memory_space<vmem>>) target_semaphore(%arg18 : memref<!tpu.dma_semaphore, #tpu.memory_space<semaphore_mem>>)
        %add3A_670 = arith.addi %add3A, %add3A_483 : i32
        %add3A_671 = arith.constant 8 : i32
        %add3A_672 = arith.addi %add3A_670, %add3A_671 : i32
        %dma_start3A_673 = arith.constant 0 : i32
        %dma_start3A_674 = arith.constant 0 : i32
        %dma_start3A_675 = tpu.memref_slice %arg8[%dma_start3A_673, %dma_start3A_674] : memref<8x64xi32, #tpu.memory_space<vmem>> -> memref<1x64xi32, #tpu.memory_space<vmem>>
        %dma_start3A_676 = tpu.memref_squeeze %dma_start3A_675 : memref<1x64xi32, #tpu.memory_space<vmem>> -> memref<64xi32, #tpu.memory_space<vmem>>
        %dma_start3A_677 = arith.constant 0 : i32
        %dma_start3A_678 = tpu.memref_slice %arg4[%add3A_672, %dma_start3A_677] : memref<5120x64xi32, #tpu.memory_space<hbm>> -> memref<1x64xi32, #tpu.memory_space<hbm>>
        %dma_start3A_679 = tpu.memref_squeeze %dma_start3A_678 : memref<1x64xi32, #tpu.memory_space<hbm>> -> memref<64xi32, #tpu.memory_space<hbm>>
        %dma_start3A_680 = arith.constant 0 : i32
        %dma_start3A_681 = tpu.memref_slice %arg8[%dma_start3A_673, %dma_start3A_680] : memref<8x64xi32, #tpu.memory_space<vmem>> -> memref<1x64xi32, #tpu.memory_space<vmem>>
        %dma_start3A_682 = tpu.memref_squeeze %dma_start3A_681 : memref<1x64xi32, #tpu.memory_space<vmem>> -> memref<64xi32, #tpu.memory_space<vmem>>
        %dma_start3A_683 = arith.constant 0 : i32
        %dma_start3A_684 = tpu.memref_slice %arg4[%add3A_672, %dma_start3A_683] : memref<5120x64xi32, #tpu.memory_space<hbm>> -> memref<1x64xi32, #tpu.memory_space<hbm>>
        %dma_start3A_685 = tpu.memref_squeeze %dma_start3A_684 : memref<1x64xi32, #tpu.memory_space<hbm>> -> memref<64xi32, #tpu.memory_space<hbm>>
        tpu.enqueue_dma source(%dma_start3A_685 : memref<64xi32, #tpu.memory_space<hbm>>) target(%dma_start3A_682 : memref<64xi32, #tpu.memory_space<vmem>>) target_semaphore(%arg18 : memref<!tpu.dma_semaphore, #tpu.memory_space<semaphore_mem>>)
      } else {
      }
      %add3A_494 = arith.constant 4 : i32
      %add3A_495 = arith.addi %add3A_483, %add3A_494 : i32
      %lt3A_496 = arith.cmpi slt, %add3A_495, %select_n3A : i32
      %convert_element_type3A_497 = arith.extui %lt3A_496 : i1 to i32
      %cond3A_498 = arith.constant 0 : i32
      %cond3A_499 = arith.cmpi ne, %convert_element_type3A_497, %cond3A_498 : i32
      scf.if %cond3A_499 {
        %add3A_654 = arith.addi %add3A, %add3A_483 : i32
        %add3A_655 = arith.constant 4 : i32
        %add3A_656 = arith.addi %add3A_654, %add3A_655 : i32
        %dma_wait3A_657 = arith.constant 4 : i32
        %dma_wait3A_658 = arith.constant 0 : i32
        %dma_wait3A_659 = tpu.memref_slice %arg7[%dma_wait3A_657, %dma_wait3A_658] : memref<8x64xi32, #tpu.memory_space<vmem>> -> memref<1x64xi32, #tpu.memory_space<vmem>>
        %dma_wait3A_660 = tpu.memref_squeeze %dma_wait3A_659 : memref<1x64xi32, #tpu.memory_space<vmem>> -> memref<64xi32, #tpu.memory_space<vmem>>
        %dma_wait3A_661 = arith.constant 0 : i32
        %dma_wait3A_662 = tpu.memref_slice %arg3[%add3A_656, %dma_wait3A_661] : memref<5120x64xi32, #tpu.memory_space<hbm>> -> memref<1x64xi32, #tpu.memory_space<hbm>>
        %dma_wait3A_663 = tpu.memref_squeeze %dma_wait3A_662 : memref<1x64xi32, #tpu.memory_space<hbm>> -> memref<64xi32, #tpu.memory_space<hbm>>
        %dma_wait3A_664 = arith.constant 0 : i32
        %dma_wait3A_665 = tpu.memref_slice %arg7[%dma_wait3A_657, %dma_wait3A_664] : memref<8x64xi32, #tpu.memory_space<vmem>> -> memref<1x64xi32, #tpu.memory_space<vmem>>
        %dma_wait3A_666 = tpu.memref_squeeze %dma_wait3A_665 : memref<1x64xi32, #tpu.memory_space<vmem>> -> memref<64xi32, #tpu.memory_space<vmem>>
        %dma_wait3A_667 = arith.constant 0 : i32
        %dma_wait3A_668 = tpu.memref_slice %arg3[%add3A_656, %dma_wait3A_667] : memref<5120x64xi32, #tpu.memory_space<hbm>> -> memref<1x64xi32, #tpu.memory_space<hbm>>
        %dma_wait3A_669 = tpu.memref_squeeze %dma_wait3A_668 : memref<1x64xi32, #tpu.memory_space<hbm>> -> memref<64xi32, #tpu.memory_space<hbm>>
        tpu.wait_dma2 semaphore(%arg22 : memref<!tpu.dma_semaphore, #tpu.memory_space<semaphore_mem>>) src(%dma_wait3A_669 : memref<64xi32, #tpu.memory_space<hbm>>) dst(%dma_wait3A_666 : memref<64xi32, #tpu.memory_space<vmem>>)
        %add3A_670 = arith.addi %add3A, %add3A_483 : i32
        %add3A_671 = arith.constant 4 : i32
        %add3A_672 = arith.addi %add3A_670, %add3A_671 : i32
        %dma_wait3A_673 = arith.constant 4 : i32
        %dma_wait3A_674 = arith.constant 0 : i32
        %dma_wait3A_675 = tpu.memref_slice %arg8[%dma_wait3A_673, %dma_wait3A_674] : memref<8x64xi32, #tpu.memory_space<vmem>> -> memref<1x64xi32, #tpu.memory_space<vmem>>
        %dma_wait3A_676 = tpu.memref_squeeze %dma_wait3A_675 : memref<1x64xi32, #tpu.memory_space<vmem>> -> memref<64xi32, #tpu.memory_space<vmem>>
        %dma_wait3A_677 = arith.constant 0 : i32
        %dma_wait3A_678 = tpu.memref_slice %arg4[%add3A_672, %dma_wait3A_677] : memref<5120x64xi32, #tpu.memory_space<hbm>> -> memref<1x64xi32, #tpu.memory_space<hbm>>
        %dma_wait3A_679 = tpu.memref_squeeze %dma_wait3A_678 : memref<1x64xi32, #tpu.memory_space<hbm>> -> memref<64xi32, #tpu.memory_space<hbm>>
        %dma_wait3A_680 = arith.constant 0 : i32
        %dma_wait3A_681 = tpu.memref_slice %arg8[%dma_wait3A_673, %dma_wait3A_680] : memref<8x64xi32, #tpu.memory_space<vmem>> -> memref<1x64xi32, #tpu.memory_space<vmem>>
        %dma_wait3A_682 = tpu.memref_squeeze %dma_wait3A_681 : memref<1x64xi32, #tpu.memory_space<vmem>> -> memref<64xi32, #tpu.memory_space<vmem>>
        %dma_wait3A_683 = arith.constant 0 : i32
        %dma_wait3A_684 = tpu.memref_slice %arg4[%add3A_672, %dma_wait3A_683] : memref<5120x64xi32, #tpu.memory_space<hbm>> -> memref<1x64xi32, #tpu.memory_space<hbm>>
        %dma_wait3A_685 = tpu.memref_squeeze %dma_wait3A_684 : memref<1x64xi32, #tpu.memory_space<hbm>> -> memref<64xi32, #tpu.memory_space<hbm>>
        tpu.wait_dma2 semaphore(%arg22 : memref<!tpu.dma_semaphore, #tpu.memory_space<semaphore_mem>>) src(%dma_wait3A_685 : memref<64xi32, #tpu.memory_space<hbm>>) dst(%dma_wait3A_682 : memref<64xi32, #tpu.memory_space<vmem>>)
        %dma_start3A_686 = arith.constant 4 : i32
        %dma_start3A_687 = arith.constant 0 : i32
        %dma_start3A_688 = tpu.memref_slice %arg8[%dma_start3A_686, %dma_start3A_687] : memref<8x64xi32, #tpu.memory_space<vmem>> -> memref<1x64xi32, #tpu.memory_space<vmem>>
        %dma_start3A_689 = tpu.memref_squeeze %dma_start3A_688 : memref<1x64xi32, #tpu.memory_space<vmem>> -> memref<64xi32, #tpu.memory_space<vmem>>
        %dma_start3A_690 = arith.constant 0 : i32
        %dma_start3A_691 = arith.constant 0 : i32
        %dma_start3A_692 = tpu.memref_slice %arg2[%dma_start3A_690, %dma_start3A_691] : memref<10000x128xf32, #tpu.memory_space<hbm>> -> memref<10000x128xf32, #tpu.memory_space<hbm>>
        tpu.enqueue_indirect_dma source(%dma_start3A_692 : memref<10000x128xf32, #tpu.memory_space<hbm>>) target(%arg9 : memref<64x128xf32, #tpu.memory_space<vmem>>) offsets(%dma_start3A_689 : memref<64xi32, #tpu.memory_space<vmem>>) semaphore(%arg14 : memref<!tpu.dma_semaphore, #tpu.memory_space<semaphore_mem>>)
      } else {
      }
      %add3A_500 = arith.constant 1 : i32
      %add3A_501 = arith.addi %mul3A_481, %add3A_500 : i32
      %dma_wait3A_502 = arith.constant 1 : i32
      %dma_wait3A_503 = arith.constant 0 : i32
      %dma_wait3A_504 = tpu.memref_slice %arg8[%dma_wait3A_502, %dma_wait3A_503] : memref<8x64xi32, #tpu.memory_space<vmem>> -> memref<1x64xi32, #tpu.memory_space<vmem>>
      %dma_wait3A_505 = tpu.memref_squeeze %dma_wait3A_504 : memref<1x64xi32, #tpu.memory_space<vmem>> -> memref<64xi32, #tpu.memory_space<vmem>>
      %dma_wait3A_506 = arith.constant 0 : i32
      %dma_wait3A_507 = arith.constant 0 : i32
      %dma_wait3A_508 = tpu.memref_slice %arg2[%dma_wait3A_506, %dma_wait3A_507] : memref<10000x128xf32, #tpu.memory_space<hbm>> -> memref<10000x128xf32, #tpu.memory_space<hbm>>
      tpu.wait_indirect_dma semaphore(%arg15 : memref<!tpu.dma_semaphore, #tpu.memory_space<semaphore_mem>>) src(%dma_wait3A_508 : memref<10000x128xf32, #tpu.memory_space<hbm>>) dst(%arg10 : memref<64x128xf32, #tpu.memory_space<vmem>>)
      %run_scoped3A_509 = arith.constant 1 : i32
      "tpu.region"() ({
        %run_scoped3A_654 = tpu.sem_alloc : memref<!tpu.dma_semaphore, #tpu.memory_space<semaphore_mem>>
        %dma_start3A_655 = arith.constant 0 : i32
        %dma_start3A_656 = tpu.memref_slice %arg7[%run_scoped3A_509, %dma_start3A_655] : memref<8x64xi32, #tpu.memory_space<vmem>> -> memref<1x64xi32, #tpu.memory_space<vmem>>
        %dma_start3A_657 = tpu.memref_squeeze %dma_start3A_656 : memref<1x64xi32, #tpu.memory_space<vmem>> -> memref<64xi32, #tpu.memory_space<vmem>>
        %dma_start3A_658 = arith.constant 0 : i32
        %dma_start3A_659 = arith.constant 0 : i32
        %dma_start3A_660 = tpu.memref_slice %arg13[%dma_start3A_658, %dma_start3A_659] : memref<10112x128xf32, #tpu.memory_space<vmem_shared>> -> memref<10112x128xf32, #tpu.memory_space<vmem_shared>>
        tpu.enqueue_indirect_dma source(%arg10 : memref<64x128xf32, #tpu.memory_space<vmem>>) target(%dma_start3A_660 : memref<10112x128xf32, #tpu.memory_space<vmem_shared>>) offsets(%dma_start3A_657 : memref<64xi32, #tpu.memory_space<vmem>>) semaphore(%run_scoped3A_654 : memref<!tpu.dma_semaphore, #tpu.memory_space<semaphore_mem>>) {add = true}
        %dma_wait3A_661 = arith.constant 0 : i32
        %dma_wait3A_662 = tpu.memref_slice %arg7[%run_scoped3A_509, %dma_wait3A_661] : memref<8x64xi32, #tpu.memory_space<vmem>> -> memref<1x64xi32, #tpu.memory_space<vmem>>
        %dma_wait3A_663 = tpu.memref_squeeze %dma_wait3A_662 : memref<1x64xi32, #tpu.memory_space<vmem>> -> memref<64xi32, #tpu.memory_space<vmem>>
        %dma_wait3A_664 = arith.constant 0 : i32
        %dma_wait3A_665 = arith.constant 0 : i32
        %dma_wait3A_666 = tpu.memref_slice %arg13[%dma_wait3A_664, %dma_wait3A_665] : memref<10112x128xf32, #tpu.memory_space<vmem_shared>> -> memref<10112x128xf32, #tpu.memory_space<vmem_shared>>
        tpu.wait_indirect_dma semaphore(%run_scoped3A_654 : memref<!tpu.dma_semaphore, #tpu.memory_space<semaphore_mem>>) src(%arg10 : memref<64x128xf32, #tpu.memory_space<vmem>>) dst(%dma_wait3A_666 : memref<10112x128xf32, #tpu.memory_space<vmem_shared>>)
        tpu.yield
      }) : () -> ()
      %add3A_510 = arith.constant 8 : i32
      %add3A_511 = arith.addi %add3A_501, %add3A_510 : i32
      %lt3A_512 = arith.cmpi slt, %add3A_511, %select_n3A : i32
      %convert_element_type3A_513 = arith.extui %lt3A_512 : i1 to i32
      %cond3A_514 = arith.constant 0 : i32
      %cond3A_515 = arith.cmpi ne, %convert_element_type3A_513, %cond3A_514 : i32
      scf.if %cond3A_515 {
        %add3A_654 = arith.addi %add3A, %add3A_501 : i32
        %add3A_655 = arith.constant 8 : i32
        %add3A_656 = arith.addi %add3A_654, %add3A_655 : i32
        %dma_start3A_657 = arith.constant 1 : i32
        %dma_start3A_658 = arith.constant 0 : i32
        %dma_start3A_659 = tpu.memref_slice %arg7[%dma_start3A_657, %dma_start3A_658] : memref<8x64xi32, #tpu.memory_space<vmem>> -> memref<1x64xi32, #tpu.memory_space<vmem>>
        %dma_start3A_660 = tpu.memref_squeeze %dma_start3A_659 : memref<1x64xi32, #tpu.memory_space<vmem>> -> memref<64xi32, #tpu.memory_space<vmem>>
        %dma_start3A_661 = arith.constant 0 : i32
        %dma_start3A_662 = tpu.memref_slice %arg3[%add3A_656, %dma_start3A_661] : memref<5120x64xi32, #tpu.memory_space<hbm>> -> memref<1x64xi32, #tpu.memory_space<hbm>>
        %dma_start3A_663 = tpu.memref_squeeze %dma_start3A_662 : memref<1x64xi32, #tpu.memory_space<hbm>> -> memref<64xi32, #tpu.memory_space<hbm>>
        %dma_start3A_664 = arith.constant 0 : i32
        %dma_start3A_665 = tpu.memref_slice %arg7[%dma_start3A_657, %dma_start3A_664] : memref<8x64xi32, #tpu.memory_space<vmem>> -> memref<1x64xi32, #tpu.memory_space<vmem>>
        %dma_start3A_666 = tpu.memref_squeeze %dma_start3A_665 : memref<1x64xi32, #tpu.memory_space<vmem>> -> memref<64xi32, #tpu.memory_space<vmem>>
        %dma_start3A_667 = arith.constant 0 : i32
        %dma_start3A_668 = tpu.memref_slice %arg3[%add3A_656, %dma_start3A_667] : memref<5120x64xi32, #tpu.memory_space<hbm>> -> memref<1x64xi32, #tpu.memory_space<hbm>>
        %dma_start3A_669 = tpu.memref_squeeze %dma_start3A_668 : memref<1x64xi32, #tpu.memory_space<hbm>> -> memref<64xi32, #tpu.memory_space<hbm>>
        tpu.enqueue_dma source(%dma_start3A_669 : memref<64xi32, #tpu.memory_space<hbm>>) target(%dma_start3A_666 : memref<64xi32, #tpu.memory_space<vmem>>) target_semaphore(%arg19 : memref<!tpu.dma_semaphore, #tpu.memory_space<semaphore_mem>>)
        %add3A_670 = arith.addi %add3A, %add3A_501 : i32
        %add3A_671 = arith.constant 8 : i32
        %add3A_672 = arith.addi %add3A_670, %add3A_671 : i32
        %dma_start3A_673 = arith.constant 1 : i32
        %dma_start3A_674 = arith.constant 0 : i32
        %dma_start3A_675 = tpu.memref_slice %arg8[%dma_start3A_673, %dma_start3A_674] : memref<8x64xi32, #tpu.memory_space<vmem>> -> memref<1x64xi32, #tpu.memory_space<vmem>>
        %dma_start3A_676 = tpu.memref_squeeze %dma_start3A_675 : memref<1x64xi32, #tpu.memory_space<vmem>> -> memref<64xi32, #tpu.memory_space<vmem>>
        %dma_start3A_677 = arith.constant 0 : i32
        %dma_start3A_678 = tpu.memref_slice %arg4[%add3A_672, %dma_start3A_677] : memref<5120x64xi32, #tpu.memory_space<hbm>> -> memref<1x64xi32, #tpu.memory_space<hbm>>
        %dma_start3A_679 = tpu.memref_squeeze %dma_start3A_678 : memref<1x64xi32, #tpu.memory_space<hbm>> -> memref<64xi32, #tpu.memory_space<hbm>>
        %dma_start3A_680 = arith.constant 0 : i32
        %dma_start3A_681 = tpu.memref_slice %arg8[%dma_start3A_673, %dma_start3A_680] : memref<8x64xi32, #tpu.memory_space<vmem>> -> memref<1x64xi32, #tpu.memory_space<vmem>>
        %dma_start3A_682 = tpu.memref_squeeze %dma_start3A_681 : memref<1x64xi32, #tpu.memory_space<vmem>> -> memref<64xi32, #tpu.memory_space<vmem>>
        %dma_start3A_683 = arith.constant 0 : i32
        %dma_start3A_684 = tpu.memref_slice %arg4[%add3A_672, %dma_start3A_683] : memref<5120x64xi32, #tpu.memory_space<hbm>> -> memref<1x64xi32, #tpu.memory_space<hbm>>
        %dma_start3A_685 = tpu.memref_squeeze %dma_start3A_684 : memref<1x64xi32, #tpu.memory_space<hbm>> -> memref<64xi32, #tpu.memory_space<hbm>>
        tpu.enqueue_dma source(%dma_start3A_685 : memref<64xi32, #tpu.memory_space<hbm>>) target(%dma_start3A_682 : memref<64xi32, #tpu.memory_space<vmem>>) target_semaphore(%arg19 : memref<!tpu.dma_semaphore, #tpu.memory_space<semaphore_mem>>)
      } else {
      }
      %add3A_516 = arith.constant 4 : i32
      %add3A_517 = arith.addi %add3A_501, %add3A_516 : i32
      %lt3A_518 = arith.cmpi slt, %add3A_517, %select_n3A : i32
      %convert_element_type3A_519 = arith.extui %lt3A_518 : i1 to i32
      %cond3A_520 = arith.constant 0 : i32
      %cond3A_521 = arith.cmpi ne, %convert_element_type3A_519, %cond3A_520 : i32
      scf.if %cond3A_521 {
        %add3A_654 = arith.addi %add3A, %add3A_501 : i32
        %add3A_655 = arith.constant 4 : i32
        %add3A_656 = arith.addi %add3A_654, %add3A_655 : i32
        %dma_wait3A_657 = arith.constant 5 : i32
        %dma_wait3A_658 = arith.constant 0 : i32
        %dma_wait3A_659 = tpu.memref_slice %arg7[%dma_wait3A_657, %dma_wait3A_658] : memref<8x64xi32, #tpu.memory_space<vmem>> -> memref<1x64xi32, #tpu.memory_space<vmem>>
        %dma_wait3A_660 = tpu.memref_squeeze %dma_wait3A_659 : memref<1x64xi32, #tpu.memory_space<vmem>> -> memref<64xi32, #tpu.memory_space<vmem>>
        %dma_wait3A_661 = arith.constant 0 : i32
        %dma_wait3A_662 = tpu.memref_slice %arg3[%add3A_656, %dma_wait3A_661] : memref<5120x64xi32, #tpu.memory_space<hbm>> -> memref<1x64xi32, #tpu.memory_space<hbm>>
        %dma_wait3A_663 = tpu.memref_squeeze %dma_wait3A_662 : memref<1x64xi32, #tpu.memory_space<hbm>> -> memref<64xi32, #tpu.memory_space<hbm>>
        %dma_wait3A_664 = arith.constant 0 : i32
        %dma_wait3A_665 = tpu.memref_slice %arg7[%dma_wait3A_657, %dma_wait3A_664] : memref<8x64xi32, #tpu.memory_space<vmem>> -> memref<1x64xi32, #tpu.memory_space<vmem>>
        %dma_wait3A_666 = tpu.memref_squeeze %dma_wait3A_665 : memref<1x64xi32, #tpu.memory_space<vmem>> -> memref<64xi32, #tpu.memory_space<vmem>>
        %dma_wait3A_667 = arith.constant 0 : i32
        %dma_wait3A_668 = tpu.memref_slice %arg3[%add3A_656, %dma_wait3A_667] : memref<5120x64xi32, #tpu.memory_space<hbm>> -> memref<1x64xi32, #tpu.memory_space<hbm>>
        %dma_wait3A_669 = tpu.memref_squeeze %dma_wait3A_668 : memref<1x64xi32, #tpu.memory_space<hbm>> -> memref<64xi32, #tpu.memory_space<hbm>>
        tpu.wait_dma2 semaphore(%arg23 : memref<!tpu.dma_semaphore, #tpu.memory_space<semaphore_mem>>) src(%dma_wait3A_669 : memref<64xi32, #tpu.memory_space<hbm>>) dst(%dma_wait3A_666 : memref<64xi32, #tpu.memory_space<vmem>>)
        %add3A_670 = arith.addi %add3A, %add3A_501 : i32
        %add3A_671 = arith.constant 4 : i32
        %add3A_672 = arith.addi %add3A_670, %add3A_671 : i32
        %dma_wait3A_673 = arith.constant 5 : i32
        %dma_wait3A_674 = arith.constant 0 : i32
        %dma_wait3A_675 = tpu.memref_slice %arg8[%dma_wait3A_673, %dma_wait3A_674] : memref<8x64xi32, #tpu.memory_space<vmem>> -> memref<1x64xi32, #tpu.memory_space<vmem>>
        %dma_wait3A_676 = tpu.memref_squeeze %dma_wait3A_675 : memref<1x64xi32, #tpu.memory_space<vmem>> -> memref<64xi32, #tpu.memory_space<vmem>>
        %dma_wait3A_677 = arith.constant 0 : i32
        %dma_wait3A_678 = tpu.memref_slice %arg4[%add3A_672, %dma_wait3A_677] : memref<5120x64xi32, #tpu.memory_space<hbm>> -> memref<1x64xi32, #tpu.memory_space<hbm>>
        %dma_wait3A_679 = tpu.memref_squeeze %dma_wait3A_678 : memref<1x64xi32, #tpu.memory_space<hbm>> -> memref<64xi32, #tpu.memory_space<hbm>>
        %dma_wait3A_680 = arith.constant 0 : i32
        %dma_wait3A_681 = tpu.memref_slice %arg8[%dma_wait3A_673, %dma_wait3A_680] : memref<8x64xi32, #tpu.memory_space<vmem>> -> memref<1x64xi32, #tpu.memory_space<vmem>>
        %dma_wait3A_682 = tpu.memref_squeeze %dma_wait3A_681 : memref<1x64xi32, #tpu.memory_space<vmem>> -> memref<64xi32, #tpu.memory_space<vmem>>
        %dma_wait3A_683 = arith.constant 0 : i32
        %dma_wait3A_684 = tpu.memref_slice %arg4[%add3A_672, %dma_wait3A_683] : memref<5120x64xi32, #tpu.memory_space<hbm>> -> memref<1x64xi32, #tpu.memory_space<hbm>>
        %dma_wait3A_685 = tpu.memref_squeeze %dma_wait3A_684 : memref<1x64xi32, #tpu.memory_space<hbm>> -> memref<64xi32, #tpu.memory_space<hbm>>
        tpu.wait_dma2 semaphore(%arg23 : memref<!tpu.dma_semaphore, #tpu.memory_space<semaphore_mem>>) src(%dma_wait3A_685 : memref<64xi32, #tpu.memory_space<hbm>>) dst(%dma_wait3A_682 : memref<64xi32, #tpu.memory_space<vmem>>)
        %dma_start3A_686 = arith.constant 5 : i32
        %dma_start3A_687 = arith.constant 0 : i32
        %dma_start3A_688 = tpu.memref_slice %arg8[%dma_start3A_686, %dma_start3A_687] : memref<8x64xi32, #tpu.memory_space<vmem>> -> memref<1x64xi32, #tpu.memory_space<vmem>>
        %dma_start3A_689 = tpu.memref_squeeze %dma_start3A_688 : memref<1x64xi32, #tpu.memory_space<vmem>> -> memref<64xi32, #tpu.memory_space<vmem>>
        %dma_start3A_690 = arith.constant 0 : i32
        %dma_start3A_691 = arith.constant 0 : i32
        %dma_start3A_692 = tpu.memref_slice %arg2[%dma_start3A_690, %dma_start3A_691] : memref<10000x128xf32, #tpu.memory_space<hbm>> -> memref<10000x128xf32, #tpu.memory_space<hbm>>
        tpu.enqueue_indirect_dma source(%dma_start3A_692 : memref<10000x128xf32, #tpu.memory_space<hbm>>) target(%arg10 : memref<64x128xf32, #tpu.memory_space<vmem>>) offsets(%dma_start3A_689 : memref<64xi32, #tpu.memory_space<vmem>>) semaphore(%arg15 : memref<!tpu.dma_semaphore, #tpu.memory_space<semaphore_mem>>)
      } else {
      }
      %add3A_522 = arith.constant 2 : i32
      %add3A_523 = arith.addi %mul3A_481, %add3A_522 : i32
      %dma_wait3A_524 = arith.constant 2 : i32
      %dma_wait3A_525 = arith.constant 0 : i32
      %dma_wait3A_526 = tpu.memref_slice %arg8[%dma_wait3A_524, %dma_wait3A_525] : memref<8x64xi32, #tpu.memory_space<vmem>> -> memref<1x64xi32, #tpu.memory_space<vmem>>
      %dma_wait3A_527 = tpu.memref_squeeze %dma_wait3A_526 : memref<1x64xi32, #tpu.memory_space<vmem>> -> memref<64xi32, #tpu.memory_space<vmem>>
      %dma_wait3A_528 = arith.constant 0 : i32
      %dma_wait3A_529 = arith.constant 0 : i32
      %dma_wait3A_530 = tpu.memref_slice %arg2[%dma_wait3A_528, %dma_wait3A_529] : memref<10000x128xf32, #tpu.memory_space<hbm>> -> memref<10000x128xf32, #tpu.memory_space<hbm>>
      tpu.wait_indirect_dma semaphore(%arg16 : memref<!tpu.dma_semaphore, #tpu.memory_space<semaphore_mem>>) src(%dma_wait3A_530 : memref<10000x128xf32, #tpu.memory_space<hbm>>) dst(%arg11 : memref<64x128xf32, #tpu.memory_space<vmem>>)
      %run_scoped3A_531 = arith.constant 2 : i32
      "tpu.region"() ({
        %run_scoped3A_654 = tpu.sem_alloc : memref<!tpu.dma_semaphore, #tpu.memory_space<semaphore_mem>>
        %dma_start3A_655 = arith.constant 0 : i32
        %dma_start3A_656 = tpu.memref_slice %arg7[%run_scoped3A_531, %dma_start3A_655] : memref<8x64xi32, #tpu.memory_space<vmem>> -> memref<1x64xi32, #tpu.memory_space<vmem>>
        %dma_start3A_657 = tpu.memref_squeeze %dma_start3A_656 : memref<1x64xi32, #tpu.memory_space<vmem>> -> memref<64xi32, #tpu.memory_space<vmem>>
        %dma_start3A_658 = arith.constant 0 : i32
        %dma_start3A_659 = arith.constant 0 : i32
        %dma_start3A_660 = tpu.memref_slice %arg13[%dma_start3A_658, %dma_start3A_659] : memref<10112x128xf32, #tpu.memory_space<vmem_shared>> -> memref<10112x128xf32, #tpu.memory_space<vmem_shared>>
        tpu.enqueue_indirect_dma source(%arg11 : memref<64x128xf32, #tpu.memory_space<vmem>>) target(%dma_start3A_660 : memref<10112x128xf32, #tpu.memory_space<vmem_shared>>) offsets(%dma_start3A_657 : memref<64xi32, #tpu.memory_space<vmem>>) semaphore(%run_scoped3A_654 : memref<!tpu.dma_semaphore, #tpu.memory_space<semaphore_mem>>) {add = true}
        %dma_wait3A_661 = arith.constant 0 : i32
        %dma_wait3A_662 = tpu.memref_slice %arg7[%run_scoped3A_531, %dma_wait3A_661] : memref<8x64xi32, #tpu.memory_space<vmem>> -> memref<1x64xi32, #tpu.memory_space<vmem>>
        %dma_wait3A_663 = tpu.memref_squeeze %dma_wait3A_662 : memref<1x64xi32, #tpu.memory_space<vmem>> -> memref<64xi32, #tpu.memory_space<vmem>>
        %dma_wait3A_664 = arith.constant 0 : i32
        %dma_wait3A_665 = arith.constant 0 : i32
        %dma_wait3A_666 = tpu.memref_slice %arg13[%dma_wait3A_664, %dma_wait3A_665] : memref<10112x128xf32, #tpu.memory_space<vmem_shared>> -> memref<10112x128xf32, #tpu.memory_space<vmem_shared>>
        tpu.wait_indirect_dma semaphore(%run_scoped3A_654 : memref<!tpu.dma_semaphore, #tpu.memory_space<semaphore_mem>>) src(%arg11 : memref<64x128xf32, #tpu.memory_space<vmem>>) dst(%dma_wait3A_666 : memref<10112x128xf32, #tpu.memory_space<vmem_shared>>)
        tpu.yield
      }) : () -> ()
      %add3A_532 = arith.constant 8 : i32
      %add3A_533 = arith.addi %add3A_523, %add3A_532 : i32
      %lt3A_534 = arith.cmpi slt, %add3A_533, %select_n3A : i32
      %convert_element_type3A_535 = arith.extui %lt3A_534 : i1 to i32
      %cond3A_536 = arith.constant 0 : i32
      %cond3A_537 = arith.cmpi ne, %convert_element_type3A_535, %cond3A_536 : i32
      scf.if %cond3A_537 {
        %add3A_654 = arith.addi %add3A, %add3A_523 : i32
        %add3A_655 = arith.constant 8 : i32
        %add3A_656 = arith.addi %add3A_654, %add3A_655 : i32
        %dma_start3A_657 = arith.constant 2 : i32
        %dma_start3A_658 = arith.constant 0 : i32
        %dma_start3A_659 = tpu.memref_slice %arg7[%dma_start3A_657, %dma_start3A_658] : memref<8x64xi32, #tpu.memory_space<vmem>> -> memref<1x64xi32, #tpu.memory_space<vmem>>
        %dma_start3A_660 = tpu.memref_squeeze %dma_start3A_659 : memref<1x64xi32, #tpu.memory_space<vmem>> -> memref<64xi32, #tpu.memory_space<vmem>>
        %dma_start3A_661 = arith.constant 0 : i32
        %dma_start3A_662 = tpu.memref_slice %arg3[%add3A_656, %dma_start3A_661] : memref<5120x64xi32, #tpu.memory_space<hbm>> -> memref<1x64xi32, #tpu.memory_space<hbm>>
        %dma_start3A_663 = tpu.memref_squeeze %dma_start3A_662 : memref<1x64xi32, #tpu.memory_space<hbm>> -> memref<64xi32, #tpu.memory_space<hbm>>
        %dma_start3A_664 = arith.constant 0 : i32
        %dma_start3A_665 = tpu.memref_slice %arg7[%dma_start3A_657, %dma_start3A_664] : memref<8x64xi32, #tpu.memory_space<vmem>> -> memref<1x64xi32, #tpu.memory_space<vmem>>
        %dma_start3A_666 = tpu.memref_squeeze %dma_start3A_665 : memref<1x64xi32, #tpu.memory_space<vmem>> -> memref<64xi32, #tpu.memory_space<vmem>>
        %dma_start3A_667 = arith.constant 0 : i32
        %dma_start3A_668 = tpu.memref_slice %arg3[%add3A_656, %dma_start3A_667] : memref<5120x64xi32, #tpu.memory_space<hbm>> -> memref<1x64xi32, #tpu.memory_space<hbm>>
        %dma_start3A_669 = tpu.memref_squeeze %dma_start3A_668 : memref<1x64xi32, #tpu.memory_space<hbm>> -> memref<64xi32, #tpu.memory_space<hbm>>
        tpu.enqueue_dma source(%dma_start3A_669 : memref<64xi32, #tpu.memory_space<hbm>>) target(%dma_start3A_666 : memref<64xi32, #tpu.memory_space<vmem>>) target_semaphore(%arg20 : memref<!tpu.dma_semaphore, #tpu.memory_space<semaphore_mem>>)
        %add3A_670 = arith.addi %add3A, %add3A_523 : i32
        %add3A_671 = arith.constant 8 : i32
        %add3A_672 = arith.addi %add3A_670, %add3A_671 : i32
        %dma_start3A_673 = arith.constant 2 : i32
        %dma_start3A_674 = arith.constant 0 : i32
        %dma_start3A_675 = tpu.memref_slice %arg8[%dma_start3A_673, %dma_start3A_674] : memref<8x64xi32, #tpu.memory_space<vmem>> -> memref<1x64xi32, #tpu.memory_space<vmem>>
        %dma_start3A_676 = tpu.memref_squeeze %dma_start3A_675 : memref<1x64xi32, #tpu.memory_space<vmem>> -> memref<64xi32, #tpu.memory_space<vmem>>
        %dma_start3A_677 = arith.constant 0 : i32
        %dma_start3A_678 = tpu.memref_slice %arg4[%add3A_672, %dma_start3A_677] : memref<5120x64xi32, #tpu.memory_space<hbm>> -> memref<1x64xi32, #tpu.memory_space<hbm>>
        %dma_start3A_679 = tpu.memref_squeeze %dma_start3A_678 : memref<1x64xi32, #tpu.memory_space<hbm>> -> memref<64xi32, #tpu.memory_space<hbm>>
        %dma_start3A_680 = arith.constant 0 : i32
        %dma_start3A_681 = tpu.memref_slice %arg8[%dma_start3A_673, %dma_start3A_680] : memref<8x64xi32, #tpu.memory_space<vmem>> -> memref<1x64xi32, #tpu.memory_space<vmem>>
        %dma_start3A_682 = tpu.memref_squeeze %dma_start3A_681 : memref<1x64xi32, #tpu.memory_space<vmem>> -> memref<64xi32, #tpu.memory_space<vmem>>
        %dma_start3A_683 = arith.constant 0 : i32
        %dma_start3A_684 = tpu.memref_slice %arg4[%add3A_672, %dma_start3A_683] : memref<5120x64xi32, #tpu.memory_space<hbm>> -> memref<1x64xi32, #tpu.memory_space<hbm>>
        %dma_start3A_685 = tpu.memref_squeeze %dma_start3A_684 : memref<1x64xi32, #tpu.memory_space<hbm>> -> memref<64xi32, #tpu.memory_space<hbm>>
        tpu.enqueue_dma source(%dma_start3A_685 : memref<64xi32, #tpu.memory_space<hbm>>) target(%dma_start3A_682 : memref<64xi32, #tpu.memory_space<vmem>>) target_semaphore(%arg20 : memref<!tpu.dma_semaphore, #tpu.memory_space<semaphore_mem>>)
      } else {
      }
      %add3A_538 = arith.constant 4 : i32
      %add3A_539 = arith.addi %add3A_523, %add3A_538 : i32
      %lt3A_540 = arith.cmpi slt, %add3A_539, %select_n3A : i32
      %convert_element_type3A_541 = arith.extui %lt3A_540 : i1 to i32
      %cond3A_542 = arith.constant 0 : i32
      %cond3A_543 = arith.cmpi ne, %convert_element_type3A_541, %cond3A_542 : i32
      scf.if %cond3A_543 {
        %add3A_654 = arith.addi %add3A, %add3A_523 : i32
        %add3A_655 = arith.constant 4 : i32
        %add3A_656 = arith.addi %add3A_654, %add3A_655 : i32
        %dma_wait3A_657 = arith.constant 6 : i32
        %dma_wait3A_658 = arith.constant 0 : i32
        %dma_wait3A_659 = tpu.memref_slice %arg7[%dma_wait3A_657, %dma_wait3A_658] : memref<8x64xi32, #tpu.memory_space<vmem>> -> memref<1x64xi32, #tpu.memory_space<vmem>>
        %dma_wait3A_660 = tpu.memref_squeeze %dma_wait3A_659 : memref<1x64xi32, #tpu.memory_space<vmem>> -> memref<64xi32, #tpu.memory_space<vmem>>
        %dma_wait3A_661 = arith.constant 0 : i32
        %dma_wait3A_662 = tpu.memref_slice %arg3[%add3A_656, %dma_wait3A_661] : memref<5120x64xi32, #tpu.memory_space<hbm>> -> memref<1x64xi32, #tpu.memory_space<hbm>>
        %dma_wait3A_663 = tpu.memref_squeeze %dma_wait3A_662 : memref<1x64xi32, #tpu.memory_space<hbm>> -> memref<64xi32, #tpu.memory_space<hbm>>
        %dma_wait3A_664 = arith.constant 0 : i32
        %dma_wait3A_665 = tpu.memref_slice %arg7[%dma_wait3A_657, %dma_wait3A_664] : memref<8x64xi32, #tpu.memory_space<vmem>> -> memref<1x64xi32, #tpu.memory_space<vmem>>
        %dma_wait3A_666 = tpu.memref_squeeze %dma_wait3A_665 : memref<1x64xi32, #tpu.memory_space<vmem>> -> memref<64xi32, #tpu.memory_space<vmem>>
        %dma_wait3A_667 = arith.constant 0 : i32
        %dma_wait3A_668 = tpu.memref_slice %arg3[%add3A_656, %dma_wait3A_667] : memref<5120x64xi32, #tpu.memory_space<hbm>> -> memref<1x64xi32, #tpu.memory_space<hbm>>
        %dma_wait3A_669 = tpu.memref_squeeze %dma_wait3A_668 : memref<1x64xi32, #tpu.memory_space<hbm>> -> memref<64xi32, #tpu.memory_space<hbm>>
        tpu.wait_dma2 semaphore(%arg24 : memref<!tpu.dma_semaphore, #tpu.memory_space<semaphore_mem>>) src(%dma_wait3A_669 : memref<64xi32, #tpu.memory_space<hbm>>) dst(%dma_wait3A_666 : memref<64xi32, #tpu.memory_space<vmem>>)
        %add3A_670 = arith.addi %add3A, %add3A_523 : i32
        %add3A_671 = arith.constant 4 : i32
        %add3A_672 = arith.addi %add3A_670, %add3A_671 : i32
        %dma_wait3A_673 = arith.constant 6 : i32
        %dma_wait3A_674 = arith.constant 0 : i32
        %dma_wait3A_675 = tpu.memref_slice %arg8[%dma_wait3A_673, %dma_wait3A_674] : memref<8x64xi32, #tpu.memory_space<vmem>> -> memref<1x64xi32, #tpu.memory_space<vmem>>
        %dma_wait3A_676 = tpu.memref_squeeze %dma_wait3A_675 : memref<1x64xi32, #tpu.memory_space<vmem>> -> memref<64xi32, #tpu.memory_space<vmem>>
        %dma_wait3A_677 = arith.constant 0 : i32
        %dma_wait3A_678 = tpu.memref_slice %arg4[%add3A_672, %dma_wait3A_677] : memref<5120x64xi32, #tpu.memory_space<hbm>> -> memref<1x64xi32, #tpu.memory_space<hbm>>
        %dma_wait3A_679 = tpu.memref_squeeze %dma_wait3A_678 : memref<1x64xi32, #tpu.memory_space<hbm>> -> memref<64xi32, #tpu.memory_space<hbm>>
        %dma_wait3A_680 = arith.constant 0 : i32
        %dma_wait3A_681 = tpu.memref_slice %arg8[%dma_wait3A_673, %dma_wait3A_680] : memref<8x64xi32, #tpu.memory_space<vmem>> -> memref<1x64xi32, #tpu.memory_space<vmem>>
        %dma_wait3A_682 = tpu.memref_squeeze %dma_wait3A_681 : memref<1x64xi32, #tpu.memory_space<vmem>> -> memref<64xi32, #tpu.memory_space<vmem>>
        %dma_wait3A_683 = arith.constant 0 : i32
        %dma_wait3A_684 = tpu.memref_slice %arg4[%add3A_672, %dma_wait3A_683] : memref<5120x64xi32, #tpu.memory_space<hbm>> -> memref<1x64xi32, #tpu.memory_space<hbm>>
        %dma_wait3A_685 = tpu.memref_squeeze %dma_wait3A_684 : memref<1x64xi32, #tpu.memory_space<hbm>> -> memref<64xi32, #tpu.memory_space<hbm>>
        tpu.wait_dma2 semaphore(%arg24 : memref<!tpu.dma_semaphore, #tpu.memory_space<semaphore_mem>>) src(%dma_wait3A_685 : memref<64xi32, #tpu.memory_space<hbm>>) dst(%dma_wait3A_682 : memref<64xi32, #tpu.memory_space<vmem>>)
        %dma_start3A_686 = arith.constant 6 : i32
        %dma_start3A_687 = arith.constant 0 : i32
        %dma_start3A_688 = tpu.memref_slice %arg8[%dma_start3A_686, %dma_start3A_687] : memref<8x64xi32, #tpu.memory_space<vmem>> -> memref<1x64xi32, #tpu.memory_space<vmem>>
        %dma_start3A_689 = tpu.memref_squeeze %dma_start3A_688 : memref<1x64xi32, #tpu.memory_space<vmem>> -> memref<64xi32, #tpu.memory_space<vmem>>
        %dma_start3A_690 = arith.constant 0 : i32
        %dma_start3A_691 = arith.constant 0 : i32
        %dma_start3A_692 = tpu.memref_slice %arg2[%dma_start3A_690, %dma_start3A_691] : memref<10000x128xf32, #tpu.memory_space<hbm>> -> memref<10000x128xf32, #tpu.memory_space<hbm>>
        tpu.enqueue_indirect_dma source(%dma_start3A_692 : memref<10000x128xf32, #tpu.memory_space<hbm>>) target(%arg11 : memref<64x128xf32, #tpu.memory_space<vmem>>) offsets(%dma_start3A_689 : memref<64xi32, #tpu.memory_space<vmem>>) semaphore(%arg16 : memref<!tpu.dma_semaphore, #tpu.memory_space<semaphore_mem>>)
      } else {
      }
      %add3A_544 = arith.constant 3 : i32
      %add3A_545 = arith.addi %mul3A_481, %add3A_544 : i32
      %dma_wait3A_546 = arith.constant 3 : i32
      %dma_wait3A_547 = arith.constant 0 : i32
      %dma_wait3A_548 = tpu.memref_slice %arg8[%dma_wait3A_546, %dma_wait3A_547] : memref<8x64xi32, #tpu.memory_space<vmem>> -> memref<1x64xi32, #tpu.memory_space<vmem>>
      %dma_wait3A_549 = tpu.memref_squeeze %dma_wait3A_548 : memref<1x64xi32, #tpu.memory_space<vmem>> -> memref<64xi32, #tpu.memory_space<vmem>>
      %dma_wait3A_550 = arith.constant 0 : i32
      %dma_wait3A_551 = arith.constant 0 : i32
      %dma_wait3A_552 = tpu.memref_slice %arg2[%dma_wait3A_550, %dma_wait3A_551] : memref<10000x128xf32, #tpu.memory_space<hbm>> -> memref<10000x128xf32, #tpu.memory_space<hbm>>
      tpu.wait_indirect_dma semaphore(%arg17 : memref<!tpu.dma_semaphore, #tpu.memory_space<semaphore_mem>>) src(%dma_wait3A_552 : memref<10000x128xf32, #tpu.memory_space<hbm>>) dst(%arg12 : memref<64x128xf32, #tpu.memory_space<vmem>>)
      %run_scoped3A_553 = arith.constant 3 : i32
      "tpu.region"() ({
        %run_scoped3A_654 = tpu.sem_alloc : memref<!tpu.dma_semaphore, #tpu.memory_space<semaphore_mem>>
        %dma_start3A_655 = arith.constant 0 : i32
        %dma_start3A_656 = tpu.memref_slice %arg7[%run_scoped3A_553, %dma_start3A_655] : memref<8x64xi32, #tpu.memory_space<vmem>> -> memref<1x64xi32, #tpu.memory_space<vmem>>
        %dma_start3A_657 = tpu.memref_squeeze %dma_start3A_656 : memref<1x64xi32, #tpu.memory_space<vmem>> -> memref<64xi32, #tpu.memory_space<vmem>>
        %dma_start3A_658 = arith.constant 0 : i32
        %dma_start3A_659 = arith.constant 0 : i32
        %dma_start3A_660 = tpu.memref_slice %arg13[%dma_start3A_658, %dma_start3A_659] : memref<10112x128xf32, #tpu.memory_space<vmem_shared>> -> memref<10112x128xf32, #tpu.memory_space<vmem_shared>>
        tpu.enqueue_indirect_dma source(%arg12 : memref<64x128xf32, #tpu.memory_space<vmem>>) target(%dma_start3A_660 : memref<10112x128xf32, #tpu.memory_space<vmem_shared>>) offsets(%dma_start3A_657 : memref<64xi32, #tpu.memory_space<vmem>>) semaphore(%run_scoped3A_654 : memref<!tpu.dma_semaphore, #tpu.memory_space<semaphore_mem>>) {add = true}
        %dma_wait3A_661 = arith.constant 0 : i32
        %dma_wait3A_662 = tpu.memref_slice %arg7[%run_scoped3A_553, %dma_wait3A_661] : memref<8x64xi32, #tpu.memory_space<vmem>> -> memref<1x64xi32, #tpu.memory_space<vmem>>
        %dma_wait3A_663 = tpu.memref_squeeze %dma_wait3A_662 : memref<1x64xi32, #tpu.memory_space<vmem>> -> memref<64xi32, #tpu.memory_space<vmem>>
        %dma_wait3A_664 = arith.constant 0 : i32
        %dma_wait3A_665 = arith.constant 0 : i32
        %dma_wait3A_666 = tpu.memref_slice %arg13[%dma_wait3A_664, %dma_wait3A_665] : memref<10112x128xf32, #tpu.memory_space<vmem_shared>> -> memref<10112x128xf32, #tpu.memory_space<vmem_shared>>
        tpu.wait_indirect_dma semaphore(%run_scoped3A_654 : memref<!tpu.dma_semaphore, #tpu.memory_space<semaphore_mem>>) src(%arg12 : memref<64x128xf32, #tpu.memory_space<vmem>>) dst(%dma_wait3A_666 : memref<10112x128xf32, #tpu.memory_space<vmem_shared>>)
        tpu.yield
      }) : () -> ()
      %add3A_554 = arith.constant 8 : i32
      %add3A_555 = arith.addi %add3A_545, %add3A_554 : i32
      %lt3A_556 = arith.cmpi slt, %add3A_555, %select_n3A : i32
      %convert_element_type3A_557 = arith.extui %lt3A_556 : i1 to i32
      %cond3A_558 = arith.constant 0 : i32
      %cond3A_559 = arith.cmpi ne, %convert_element_type3A_557, %cond3A_558 : i32
      scf.if %cond3A_559 {
        %add3A_654 = arith.addi %add3A, %add3A_545 : i32
        %add3A_655 = arith.constant 8 : i32
        %add3A_656 = arith.addi %add3A_654, %add3A_655 : i32
        %dma_start3A_657 = arith.constant 3 : i32
        %dma_start3A_658 = arith.constant 0 : i32
        %dma_start3A_659 = tpu.memref_slice %arg7[%dma_start3A_657, %dma_start3A_658] : memref<8x64xi32, #tpu.memory_space<vmem>> -> memref<1x64xi32, #tpu.memory_space<vmem>>
        %dma_start3A_660 = tpu.memref_squeeze %dma_start3A_659 : memref<1x64xi32, #tpu.memory_space<vmem>> -> memref<64xi32, #tpu.memory_space<vmem>>
        %dma_start3A_661 = arith.constant 0 : i32
        %dma_start3A_662 = tpu.memref_slice %arg3[%add3A_656, %dma_start3A_661] : memref<5120x64xi32, #tpu.memory_space<hbm>> -> memref<1x64xi32, #tpu.memory_space<hbm>>
        %dma_start3A_663 = tpu.memref_squeeze %dma_start3A_662 : memref<1x64xi32, #tpu.memory_space<hbm>> -> memref<64xi32, #tpu.memory_space<hbm>>
        %dma_start3A_664 = arith.constant 0 : i32
        %dma_start3A_665 = tpu.memref_slice %arg7[%dma_start3A_657, %dma_start3A_664] : memref<8x64xi32, #tpu.memory_space<vmem>> -> memref<1x64xi32, #tpu.memory_space<vmem>>
        %dma_start3A_666 = tpu.memref_squeeze %dma_start3A_665 : memref<1x64xi32, #tpu.memory_space<vmem>> -> memref<64xi32, #tpu.memory_space<vmem>>
        %dma_start3A_667 = arith.constant 0 : i32
        %dma_start3A_668 = tpu.memref_slice %arg3[%add3A_656, %dma_start3A_667] : memref<5120x64xi32, #tpu.memory_space<hbm>> -> memref<1x64xi32, #tpu.memory_space<hbm>>
        %dma_start3A_669 = tpu.memref_squeeze %dma_start3A_668 : memref<1x64xi32, #tpu.memory_space<hbm>> -> memref<64xi32, #tpu.memory_space<hbm>>
        tpu.enqueue_dma source(%dma_start3A_669 : memref<64xi32, #tpu.memory_space<hbm>>) target(%dma_start3A_666 : memref<64xi32, #tpu.memory_space<vmem>>) target_semaphore(%arg21 : memref<!tpu.dma_semaphore, #tpu.memory_space<semaphore_mem>>)
        %add3A_670 = arith.addi %add3A, %add3A_545 : i32
        %add3A_671 = arith.constant 8 : i32
        %add3A_672 = arith.addi %add3A_670, %add3A_671 : i32
        %dma_start3A_673 = arith.constant 3 : i32
        %dma_start3A_674 = arith.constant 0 : i32
        %dma_start3A_675 = tpu.memref_slice %arg8[%dma_start3A_673, %dma_start3A_674] : memref<8x64xi32, #tpu.memory_space<vmem>> -> memref<1x64xi32, #tpu.memory_space<vmem>>
        %dma_start3A_676 = tpu.memref_squeeze %dma_start3A_675 : memref<1x64xi32, #tpu.memory_space<vmem>> -> memref<64xi32, #tpu.memory_space<vmem>>
        %dma_start3A_677 = arith.constant 0 : i32
        %dma_start3A_678 = tpu.memref_slice %arg4[%add3A_672, %dma_start3A_677] : memref<5120x64xi32, #tpu.memory_space<hbm>> -> memref<1x64xi32, #tpu.memory_space<hbm>>
        %dma_start3A_679 = tpu.memref_squeeze %dma_start3A_678 : memref<1x64xi32, #tpu.memory_space<hbm>> -> memref<64xi32, #tpu.memory_space<hbm>>
        %dma_start3A_680 = arith.constant 0 : i32
        %dma_start3A_681 = tpu.memref_slice %arg8[%dma_start3A_673, %dma_start3A_680] : memref<8x64xi32, #tpu.memory_space<vmem>> -> memref<1x64xi32, #tpu.memory_space<vmem>>
        %dma_start3A_682 = tpu.memref_squeeze %dma_start3A_681 : memref<1x64xi32, #tpu.memory_space<vmem>> -> memref<64xi32, #tpu.memory_space<vmem>>
        %dma_start3A_683 = arith.constant 0 : i32
        %dma_start3A_684 = tpu.memref_slice %arg4[%add3A_672, %dma_start3A_683] : memref<5120x64xi32, #tpu.memory_space<hbm>> -> memref<1x64xi32, #tpu.memory_space<hbm>>
        %dma_start3A_685 = tpu.memref_squeeze %dma_start3A_684 : memref<1x64xi32, #tpu.memory_space<hbm>> -> memref<64xi32, #tpu.memory_space<hbm>>
        tpu.enqueue_dma source(%dma_start3A_685 : memref<64xi32, #tpu.memory_space<hbm>>) target(%dma_start3A_682 : memref<64xi32, #tpu.memory_space<vmem>>) target_semaphore(%arg21 : memref<!tpu.dma_semaphore, #tpu.memory_space<semaphore_mem>>)
      } else {
      }
      %add3A_560 = arith.constant 4 : i32
      %add3A_561 = arith.addi %add3A_545, %add3A_560 : i32
      %lt3A_562 = arith.cmpi slt, %add3A_561, %select_n3A : i32
      %convert_element_type3A_563 = arith.extui %lt3A_562 : i1 to i32
      %cond3A_564 = arith.constant 0 : i32
      %cond3A_565 = arith.cmpi ne, %convert_element_type3A_563, %cond3A_564 : i32
      scf.if %cond3A_565 {
        %add3A_654 = arith.addi %add3A, %add3A_545 : i32
        %add3A_655 = arith.constant 4 : i32
        %add3A_656 = arith.addi %add3A_654, %add3A_655 : i32
        %dma_wait3A_657 = arith.constant 7 : i32
        %dma_wait3A_658 = arith.constant 0 : i32
        %dma_wait3A_659 = tpu.memref_slice %arg7[%dma_wait3A_657, %dma_wait3A_658] : memref<8x64xi32, #tpu.memory_space<vmem>> -> memref<1x64xi32, #tpu.memory_space<vmem>>
        %dma_wait3A_660 = tpu.memref_squeeze %dma_wait3A_659 : memref<1x64xi32, #tpu.memory_space<vmem>> -> memref<64xi32, #tpu.memory_space<vmem>>
        %dma_wait3A_661 = arith.constant 0 : i32
        %dma_wait3A_662 = tpu.memref_slice %arg3[%add3A_656, %dma_wait3A_661] : memref<5120x64xi32, #tpu.memory_space<hbm>> -> memref<1x64xi32, #tpu.memory_space<hbm>>
        %dma_wait3A_663 = tpu.memref_squeeze %dma_wait3A_662 : memref<1x64xi32, #tpu.memory_space<hbm>> -> memref<64xi32, #tpu.memory_space<hbm>>
        %dma_wait3A_664 = arith.constant 0 : i32
        %dma_wait3A_665 = tpu.memref_slice %arg7[%dma_wait3A_657, %dma_wait3A_664] : memref<8x64xi32, #tpu.memory_space<vmem>> -> memref<1x64xi32, #tpu.memory_space<vmem>>
        %dma_wait3A_666 = tpu.memref_squeeze %dma_wait3A_665 : memref<1x64xi32, #tpu.memory_space<vmem>> -> memref<64xi32, #tpu.memory_space<vmem>>
        %dma_wait3A_667 = arith.constant 0 : i32
        %dma_wait3A_668 = tpu.memref_slice %arg3[%add3A_656, %dma_wait3A_667] : memref<5120x64xi32, #tpu.memory_space<hbm>> -> memref<1x64xi32, #tpu.memory_space<hbm>>
        %dma_wait3A_669 = tpu.memref_squeeze %dma_wait3A_668 : memref<1x64xi32, #tpu.memory_space<hbm>> -> memref<64xi32, #tpu.memory_space<hbm>>
        tpu.wait_dma2 semaphore(%arg25 : memref<!tpu.dma_semaphore, #tpu.memory_space<semaphore_mem>>) src(%dma_wait3A_669 : memref<64xi32, #tpu.memory_space<hbm>>) dst(%dma_wait3A_666 : memref<64xi32, #tpu.memory_space<vmem>>)
        %add3A_670 = arith.addi %add3A, %add3A_545 : i32
        %add3A_671 = arith.constant 4 : i32
        %add3A_672 = arith.addi %add3A_670, %add3A_671 : i32
        %dma_wait3A_673 = arith.constant 7 : i32
        %dma_wait3A_674 = arith.constant 0 : i32
        %dma_wait3A_675 = tpu.memref_slice %arg8[%dma_wait3A_673, %dma_wait3A_674] : memref<8x64xi32, #tpu.memory_space<vmem>> -> memref<1x64xi32, #tpu.memory_space<vmem>>
        %dma_wait3A_676 = tpu.memref_squeeze %dma_wait3A_675 : memref<1x64xi32, #tpu.memory_space<vmem>> -> memref<64xi32, #tpu.memory_space<vmem>>
        %dma_wait3A_677 = arith.constant 0 : i32
        %dma_wait3A_678 = tpu.memref_slice %arg4[%add3A_672, %dma_wait3A_677] : memref<5120x64xi32, #tpu.memory_space<hbm>> -> memref<1x64xi32, #tpu.memory_space<hbm>>
        %dma_wait3A_679 = tpu.memref_squeeze %dma_wait3A_678 : memref<1x64xi32, #tpu.memory_space<hbm>> -> memref<64xi32, #tpu.memory_space<hbm>>
        %dma_wait3A_680 = arith.constant 0 : i32
        %dma_wait3A_681 = tpu.memref_slice %arg8[%dma_wait3A_673, %dma_wait3A_680] : memref<8x64xi32, #tpu.memory_space<vmem>> -> memref<1x64xi32, #tpu.memory_space<vmem>>
        %dma_wait3A_682 = tpu.memref_squeeze %dma_wait3A_681 : memref<1x64xi32, #tpu.memory_space<vmem>> -> memref<64xi32, #tpu.memory_space<vmem>>
        %dma_wait3A_683 = arith.constant 0 : i32
        %dma_wait3A_684 = tpu.memref_slice %arg4[%add3A_672, %dma_wait3A_683] : memref<5120x64xi32, #tpu.memory_space<hbm>> -> memref<1x64xi32, #tpu.memory_space<hbm>>
        %dma_wait3A_685 = tpu.memref_squeeze %dma_wait3A_684 : memref<1x64xi32, #tpu.memory_space<hbm>> -> memref<64xi32, #tpu.memory_space<hbm>>
        tpu.wait_dma2 semaphore(%arg25 : memref<!tpu.dma_semaphore, #tpu.memory_space<semaphore_mem>>) src(%dma_wait3A_685 : memref<64xi32, #tpu.memory_space<hbm>>) dst(%dma_wait3A_682 : memref<64xi32, #tpu.memory_space<vmem>>)
        %dma_start3A_686 = arith.constant 7 : i32
        %dma_start3A_687 = arith.constant 0 : i32
        %dma_start3A_688 = tpu.memref_slice %arg8[%dma_start3A_686, %dma_start3A_687] : memref<8x64xi32, #tpu.memory_space<vmem>> -> memref<1x64xi32, #tpu.memory_space<vmem>>
        %dma_start3A_689 = tpu.memref_squeeze %dma_start3A_688 : memref<1x64xi32, #tpu.memory_space<vmem>> -> memref<64xi32, #tpu.memory_space<vmem>>
        %dma_start3A_690 = arith.constant 0 : i32
        %dma_start3A_691 = arith.constant 0 : i32
        %dma_start3A_692 = tpu.memref_slice %arg2[%dma_start3A_690, %dma_start3A_691] : memref<10000x128xf32, #tpu.memory_space<hbm>> -> memref<10000x128xf32, #tpu.memory_space<hbm>>
        tpu.enqueue_indirect_dma source(%dma_start3A_692 : memref<10000x128xf32, #tpu.memory_space<hbm>>) target(%arg12 : memref<64x128xf32, #tpu.memory_space<vmem>>) offsets(%dma_start3A_689 : memref<64xi32, #tpu.memory_space<vmem>>) semaphore(%arg17 : memref<!tpu.dma_semaphore, #tpu.memory_space<semaphore_mem>>)
      } else {
      }
      %add3A_566 = arith.constant 4 : i32
      %add3A_567 = arith.addi %mul3A_481, %add3A_566 : i32
      %dma_wait3A_568 = arith.constant 4 : i32
      %dma_wait3A_569 = arith.constant 0 : i32
      %dma_wait3A_570 = tpu.memref_slice %arg8[%dma_wait3A_568, %dma_wait3A_569] : memref<8x64xi32, #tpu.memory_space<vmem>> -> memref<1x64xi32, #tpu.memory_space<vmem>>
      %dma_wait3A_571 = tpu.memref_squeeze %dma_wait3A_570 : memref<1x64xi32, #tpu.memory_space<vmem>> -> memref<64xi32, #tpu.memory_space<vmem>>
      %dma_wait3A_572 = arith.constant 0 : i32
      %dma_wait3A_573 = arith.constant 0 : i32
      %dma_wait3A_574 = tpu.memref_slice %arg2[%dma_wait3A_572, %dma_wait3A_573] : memref<10000x128xf32, #tpu.memory_space<hbm>> -> memref<10000x128xf32, #tpu.memory_space<hbm>>
      tpu.wait_indirect_dma semaphore(%arg14 : memref<!tpu.dma_semaphore, #tpu.memory_space<semaphore_mem>>) src(%dma_wait3A_574 : memref<10000x128xf32, #tpu.memory_space<hbm>>) dst(%arg9 : memref<64x128xf32, #tpu.memory_space<vmem>>)
      %run_scoped3A_575 = arith.constant 4 : i32
      "tpu.region"() ({
        %run_scoped3A_654 = tpu.sem_alloc : memref<!tpu.dma_semaphore, #tpu.memory_space<semaphore_mem>>
        %dma_start3A_655 = arith.constant 0 : i32
        %dma_start3A_656 = tpu.memref_slice %arg7[%run_scoped3A_575, %dma_start3A_655] : memref<8x64xi32, #tpu.memory_space<vmem>> -> memref<1x64xi32, #tpu.memory_space<vmem>>
        %dma_start3A_657 = tpu.memref_squeeze %dma_start3A_656 : memref<1x64xi32, #tpu.memory_space<vmem>> -> memref<64xi32, #tpu.memory_space<vmem>>
        %dma_start3A_658 = arith.constant 0 : i32
        %dma_start3A_659 = arith.constant 0 : i32
        %dma_start3A_660 = tpu.memref_slice %arg13[%dma_start3A_658, %dma_start3A_659] : memref<10112x128xf32, #tpu.memory_space<vmem_shared>> -> memref<10112x128xf32, #tpu.memory_space<vmem_shared>>
        tpu.enqueue_indirect_dma source(%arg9 : memref<64x128xf32, #tpu.memory_space<vmem>>) target(%dma_start3A_660 : memref<10112x128xf32, #tpu.memory_space<vmem_shared>>) offsets(%dma_start3A_657 : memref<64xi32, #tpu.memory_space<vmem>>) semaphore(%run_scoped3A_654 : memref<!tpu.dma_semaphore, #tpu.memory_space<semaphore_mem>>) {add = true}
        %dma_wait3A_661 = arith.constant 0 : i32
        %dma_wait3A_662 = tpu.memref_slice %arg7[%run_scoped3A_575, %dma_wait3A_661] : memref<8x64xi32, #tpu.memory_space<vmem>> -> memref<1x64xi32, #tpu.memory_space<vmem>>
        %dma_wait3A_663 = tpu.memref_squeeze %dma_wait3A_662 : memref<1x64xi32, #tpu.memory_space<vmem>> -> memref<64xi32, #tpu.memory_space<vmem>>
        %dma_wait3A_664 = arith.constant 0 : i32
        %dma_wait3A_665 = arith.constant 0 : i32
        %dma_wait3A_666 = tpu.memref_slice %arg13[%dma_wait3A_664, %dma_wait3A_665] : memref<10112x128xf32, #tpu.memory_space<vmem_shared>> -> memref<10112x128xf32, #tpu.memory_space<vmem_shared>>
        tpu.wait_indirect_dma semaphore(%run_scoped3A_654 : memref<!tpu.dma_semaphore, #tpu.memory_space<semaphore_mem>>) src(%arg9 : memref<64x128xf32, #tpu.memory_space<vmem>>) dst(%dma_wait3A_666 : memref<10112x128xf32, #tpu.memory_space<vmem_shared>>)
        tpu.yield
      }) : () -> ()
      %add3A_576 = arith.constant 8 : i32
      %add3A_577 = arith.addi %add3A_567, %add3A_576 : i32
      %lt3A_578 = arith.cmpi slt, %add3A_577, %select_n3A : i32
      %convert_element_type3A_579 = arith.extui %lt3A_578 : i1 to i32
      %cond3A_580 = arith.constant 0 : i32
      %cond3A_581 = arith.cmpi ne, %convert_element_type3A_579, %cond3A_580 : i32
      scf.if %cond3A_581 {
        %add3A_654 = arith.addi %add3A, %add3A_567 : i32
        %add3A_655 = arith.constant 8 : i32
        %add3A_656 = arith.addi %add3A_654, %add3A_655 : i32
        %dma_start3A_657 = arith.constant 4 : i32
        %dma_start3A_658 = arith.constant 0 : i32
        %dma_start3A_659 = tpu.memref_slice %arg7[%dma_start3A_657, %dma_start3A_658] : memref<8x64xi32, #tpu.memory_space<vmem>> -> memref<1x64xi32, #tpu.memory_space<vmem>>
        %dma_start3A_660 = tpu.memref_squeeze %dma_start3A_659 : memref<1x64xi32, #tpu.memory_space<vmem>> -> memref<64xi32, #tpu.memory_space<vmem>>
        %dma_start3A_661 = arith.constant 0 : i32
        %dma_start3A_662 = tpu.memref_slice %arg3[%add3A_656, %dma_start3A_661] : memref<5120x64xi32, #tpu.memory_space<hbm>> -> memref<1x64xi32, #tpu.memory_space<hbm>>
        %dma_start3A_663 = tpu.memref_squeeze %dma_start3A_662 : memref<1x64xi32, #tpu.memory_space<hbm>> -> memref<64xi32, #tpu.memory_space<hbm>>
        %dma_start3A_664 = arith.constant 0 : i32
        %dma_start3A_665 = tpu.memref_slice %arg7[%dma_start3A_657, %dma_start3A_664] : memref<8x64xi32, #tpu.memory_space<vmem>> -> memref<1x64xi32, #tpu.memory_space<vmem>>
        %dma_start3A_666 = tpu.memref_squeeze %dma_start3A_665 : memref<1x64xi32, #tpu.memory_space<vmem>> -> memref<64xi32, #tpu.memory_space<vmem>>
        %dma_start3A_667 = arith.constant 0 : i32
        %dma_start3A_668 = tpu.memref_slice %arg3[%add3A_656, %dma_start3A_667] : memref<5120x64xi32, #tpu.memory_space<hbm>> -> memref<1x64xi32, #tpu.memory_space<hbm>>
        %dma_start3A_669 = tpu.memref_squeeze %dma_start3A_668 : memref<1x64xi32, #tpu.memory_space<hbm>> -> memref<64xi32, #tpu.memory_space<hbm>>
        tpu.enqueue_dma source(%dma_start3A_669 : memref<64xi32, #tpu.memory_space<hbm>>) target(%dma_start3A_666 : memref<64xi32, #tpu.memory_space<vmem>>) target_semaphore(%arg22 : memref<!tpu.dma_semaphore, #tpu.memory_space<semaphore_mem>>)
        %add3A_670 = arith.addi %add3A, %add3A_567 : i32
        %add3A_671 = arith.constant 8 : i32
        %add3A_672 = arith.addi %add3A_670, %add3A_671 : i32
        %dma_start3A_673 = arith.constant 4 : i32
        %dma_start3A_674 = arith.constant 0 : i32
        %dma_start3A_675 = tpu.memref_slice %arg8[%dma_start3A_673, %dma_start3A_674] : memref<8x64xi32, #tpu.memory_space<vmem>> -> memref<1x64xi32, #tpu.memory_space<vmem>>
        %dma_start3A_676 = tpu.memref_squeeze %dma_start3A_675 : memref<1x64xi32, #tpu.memory_space<vmem>> -> memref<64xi32, #tpu.memory_space<vmem>>
        %dma_start3A_677 = arith.constant 0 : i32
        %dma_start3A_678 = tpu.memref_slice %arg4[%add3A_672, %dma_start3A_677] : memref<5120x64xi32, #tpu.memory_space<hbm>> -> memref<1x64xi32, #tpu.memory_space<hbm>>
        %dma_start3A_679 = tpu.memref_squeeze %dma_start3A_678 : memref<1x64xi32, #tpu.memory_space<hbm>> -> memref<64xi32, #tpu.memory_space<hbm>>
        %dma_start3A_680 = arith.constant 0 : i32
        %dma_start3A_681 = tpu.memref_slice %arg8[%dma_start3A_673, %dma_start3A_680] : memref<8x64xi32, #tpu.memory_space<vmem>> -> memref<1x64xi32, #tpu.memory_space<vmem>>
        %dma_start3A_682 = tpu.memref_squeeze %dma_start3A_681 : memref<1x64xi32, #tpu.memory_space<vmem>> -> memref<64xi32, #tpu.memory_space<vmem>>
        %dma_start3A_683 = arith.constant 0 : i32
        %dma_start3A_684 = tpu.memref_slice %arg4[%add3A_672, %dma_start3A_683] : memref<5120x64xi32, #tpu.memory_space<hbm>> -> memref<1x64xi32, #tpu.memory_space<hbm>>
        %dma_start3A_685 = tpu.memref_squeeze %dma_start3A_684 : memref<1x64xi32, #tpu.memory_space<hbm>> -> memref<64xi32, #tpu.memory_space<hbm>>
        tpu.enqueue_dma source(%dma_start3A_685 : memref<64xi32, #tpu.memory_space<hbm>>) target(%dma_start3A_682 : memref<64xi32, #tpu.memory_space<vmem>>) target_semaphore(%arg22 : memref<!tpu.dma_semaphore, #tpu.memory_space<semaphore_mem>>)
      } else {
      }
      %add3A_582 = arith.constant 4 : i32
      %add3A_583 = arith.addi %add3A_567, %add3A_582 : i32
      %lt3A_584 = arith.cmpi slt, %add3A_583, %select_n3A : i32
      %convert_element_type3A_585 = arith.extui %lt3A_584 : i1 to i32
      %cond3A_586 = arith.constant 0 : i32
      %cond3A_587 = arith.cmpi ne, %convert_element_type3A_585, %cond3A_586 : i32
      scf.if %cond3A_587 {
        %add3A_654 = arith.addi %add3A, %add3A_567 : i32
        %add3A_655 = arith.constant 4 : i32
        %add3A_656 = arith.addi %add3A_654, %add3A_655 : i32
        %dma_wait3A_657 = arith.constant 0 : i32
        %dma_wait3A_658 = arith.constant 0 : i32
        %dma_wait3A_659 = tpu.memref_slice %arg7[%dma_wait3A_657, %dma_wait3A_658] : memref<8x64xi32, #tpu.memory_space<vmem>> -> memref<1x64xi32, #tpu.memory_space<vmem>>
        %dma_wait3A_660 = tpu.memref_squeeze %dma_wait3A_659 : memref<1x64xi32, #tpu.memory_space<vmem>> -> memref<64xi32, #tpu.memory_space<vmem>>
        %dma_wait3A_661 = arith.constant 0 : i32
        %dma_wait3A_662 = tpu.memref_slice %arg3[%add3A_656, %dma_wait3A_661] : memref<5120x64xi32, #tpu.memory_space<hbm>> -> memref<1x64xi32, #tpu.memory_space<hbm>>
        %dma_wait3A_663 = tpu.memref_squeeze %dma_wait3A_662 : memref<1x64xi32, #tpu.memory_space<hbm>> -> memref<64xi32, #tpu.memory_space<hbm>>
        %dma_wait3A_664 = arith.constant 0 : i32
        %dma_wait3A_665 = tpu.memref_slice %arg7[%dma_wait3A_657, %dma_wait3A_664] : memref<8x64xi32, #tpu.memory_space<vmem>> -> memref<1x64xi32, #tpu.memory_space<vmem>>
        %dma_wait3A_666 = tpu.memref_squeeze %dma_wait3A_665 : memref<1x64xi32, #tpu.memory_space<vmem>> -> memref<64xi32, #tpu.memory_space<vmem>>
        %dma_wait3A_667 = arith.constant 0 : i32
        %dma_wait3A_668 = tpu.memref_slice %arg3[%add3A_656, %dma_wait3A_667] : memref<5120x64xi32, #tpu.memory_space<hbm>> -> memref<1x64xi32, #tpu.memory_space<hbm>>
        %dma_wait3A_669 = tpu.memref_squeeze %dma_wait3A_668 : memref<1x64xi32, #tpu.memory_space<hbm>> -> memref<64xi32, #tpu.memory_space<hbm>>
        tpu.wait_dma2 semaphore(%arg18 : memref<!tpu.dma_semaphore, #tpu.memory_space<semaphore_mem>>) src(%dma_wait3A_669 : memref<64xi32, #tpu.memory_space<hbm>>) dst(%dma_wait3A_666 : memref<64xi32, #tpu.memory_space<vmem>>)
        %add3A_670 = arith.addi %add3A, %add3A_567 : i32
        %add3A_671 = arith.constant 4 : i32
        %add3A_672 = arith.addi %add3A_670, %add3A_671 : i32
        %dma_wait3A_673 = arith.constant 0 : i32
        %dma_wait3A_674 = arith.constant 0 : i32
        %dma_wait3A_675 = tpu.memref_slice %arg8[%dma_wait3A_673, %dma_wait3A_674] : memref<8x64xi32, #tpu.memory_space<vmem>> -> memref<1x64xi32, #tpu.memory_space<vmem>>
        %dma_wait3A_676 = tpu.memref_squeeze %dma_wait3A_675 : memref<1x64xi32, #tpu.memory_space<vmem>> -> memref<64xi32, #tpu.memory_space<vmem>>
        %dma_wait3A_677 = arith.constant 0 : i32
        %dma_wait3A_678 = tpu.memref_slice %arg4[%add3A_672, %dma_wait3A_677] : memref<5120x64xi32, #tpu.memory_space<hbm>> -> memref<1x64xi32, #tpu.memory_space<hbm>>
        %dma_wait3A_679 = tpu.memref_squeeze %dma_wait3A_678 : memref<1x64xi32, #tpu.memory_space<hbm>> -> memref<64xi32, #tpu.memory_space<hbm>>
        %dma_wait3A_680 = arith.constant 0 : i32
        %dma_wait3A_681 = tpu.memref_slice %arg8[%dma_wait3A_673, %dma_wait3A_680] : memref<8x64xi32, #tpu.memory_space<vmem>> -> memref<1x64xi32, #tpu.memory_space<vmem>>
        %dma_wait3A_682 = tpu.memref_squeeze %dma_wait3A_681 : memref<1x64xi32, #tpu.memory_space<vmem>> -> memref<64xi32, #tpu.memory_space<vmem>>
        %dma_wait3A_683 = arith.constant 0 : i32
        %dma_wait3A_684 = tpu.memref_slice %arg4[%add3A_672, %dma_wait3A_683] : memref<5120x64xi32, #tpu.memory_space<hbm>> -> memref<1x64xi32, #tpu.memory_space<hbm>>
        %dma_wait3A_685 = tpu.memref_squeeze %dma_wait3A_684 : memref<1x64xi32, #tpu.memory_space<hbm>> -> memref<64xi32, #tpu.memory_space<hbm>>
        tpu.wait_dma2 semaphore(%arg18 : memref<!tpu.dma_semaphore, #tpu.memory_space<semaphore_mem>>) src(%dma_wait3A_685 : memref<64xi32, #tpu.memory_space<hbm>>) dst(%dma_wait3A_682 : memref<64xi32, #tpu.memory_space<vmem>>)
        %dma_start3A_686 = arith.constant 0 : i32
        %dma_start3A_687 = arith.constant 0 : i32
        %dma_start3A_688 = tpu.memref_slice %arg8[%dma_start3A_686, %dma_start3A_687] : memref<8x64xi32, #tpu.memory_space<vmem>> -> memref<1x64xi32, #tpu.memory_space<vmem>>
        %dma_start3A_689 = tpu.memref_squeeze %dma_start3A_688 : memref<1x64xi32, #tpu.memory_space<vmem>> -> memref<64xi32, #tpu.memory_space<vmem>>
        %dma_start3A_690 = arith.constant 0 : i32
        %dma_start3A_691 = arith.constant 0 : i32
        %dma_start3A_692 = tpu.memref_slice %arg2[%dma_start3A_690, %dma_start3A_691] : memref<10000x128xf32, #tpu.memory_space<hbm>> -> memref<10000x128xf32, #tpu.memory_space<hbm>>
        tpu.enqueue_indirect_dma source(%dma_start3A_692 : memref<10000x128xf32, #tpu.memory_space<hbm>>) target(%arg9 : memref<64x128xf32, #tpu.memory_space<vmem>>) offsets(%dma_start3A_689 : memref<64xi32, #tpu.memory_space<vmem>>) semaphore(%arg14 : memref<!tpu.dma_semaphore, #tpu.memory_space<semaphore_mem>>)
      } else {
      }
      %add3A_588 = arith.constant 5 : i32
      %add3A_589 = arith.addi %mul3A_481, %add3A_588 : i32
      %dma_wait3A_590 = arith.constant 5 : i32
      %dma_wait3A_591 = arith.constant 0 : i32
      %dma_wait3A_592 = tpu.memref_slice %arg8[%dma_wait3A_590, %dma_wait3A_591] : memref<8x64xi32, #tpu.memory_space<vmem>> -> memref<1x64xi32, #tpu.memory_space<vmem>>
      %dma_wait3A_593 = tpu.memref_squeeze %dma_wait3A_592 : memref<1x64xi32, #tpu.memory_space<vmem>> -> memref<64xi32, #tpu.memory_space<vmem>>
      %dma_wait3A_594 = arith.constant 0 : i32
      %dma_wait3A_595 = arith.constant 0 : i32
      %dma_wait3A_596 = tpu.memref_slice %arg2[%dma_wait3A_594, %dma_wait3A_595] : memref<10000x128xf32, #tpu.memory_space<hbm>> -> memref<10000x128xf32, #tpu.memory_space<hbm>>
      tpu.wait_indirect_dma semaphore(%arg15 : memref<!tpu.dma_semaphore, #tpu.memory_space<semaphore_mem>>) src(%dma_wait3A_596 : memref<10000x128xf32, #tpu.memory_space<hbm>>) dst(%arg10 : memref<64x128xf32, #tpu.memory_space<vmem>>)
      %run_scoped3A_597 = arith.constant 5 : i32
      "tpu.region"() ({
        %run_scoped3A_654 = tpu.sem_alloc : memref<!tpu.dma_semaphore, #tpu.memory_space<semaphore_mem>>
        %dma_start3A_655 = arith.constant 0 : i32
        %dma_start3A_656 = tpu.memref_slice %arg7[%run_scoped3A_597, %dma_start3A_655] : memref<8x64xi32, #tpu.memory_space<vmem>> -> memref<1x64xi32, #tpu.memory_space<vmem>>
        %dma_start3A_657 = tpu.memref_squeeze %dma_start3A_656 : memref<1x64xi32, #tpu.memory_space<vmem>> -> memref<64xi32, #tpu.memory_space<vmem>>
        %dma_start3A_658 = arith.constant 0 : i32
        %dma_start3A_659 = arith.constant 0 : i32
        %dma_start3A_660 = tpu.memref_slice %arg13[%dma_start3A_658, %dma_start3A_659] : memref<10112x128xf32, #tpu.memory_space<vmem_shared>> -> memref<10112x128xf32, #tpu.memory_space<vmem_shared>>
        tpu.enqueue_indirect_dma source(%arg10 : memref<64x128xf32, #tpu.memory_space<vmem>>) target(%dma_start3A_660 : memref<10112x128xf32, #tpu.memory_space<vmem_shared>>) offsets(%dma_start3A_657 : memref<64xi32, #tpu.memory_space<vmem>>) semaphore(%run_scoped3A_654 : memref<!tpu.dma_semaphore, #tpu.memory_space<semaphore_mem>>) {add = true}
        %dma_wait3A_661 = arith.constant 0 : i32
        %dma_wait3A_662 = tpu.memref_slice %arg7[%run_scoped3A_597, %dma_wait3A_661] : memref<8x64xi32, #tpu.memory_space<vmem>> -> memref<1x64xi32, #tpu.memory_space<vmem>>
        %dma_wait3A_663 = tpu.memref_squeeze %dma_wait3A_662 : memref<1x64xi32, #tpu.memory_space<vmem>> -> memref<64xi32, #tpu.memory_space<vmem>>
        %dma_wait3A_664 = arith.constant 0 : i32
        %dma_wait3A_665 = arith.constant 0 : i32
        %dma_wait3A_666 = tpu.memref_slice %arg13[%dma_wait3A_664, %dma_wait3A_665] : memref<10112x128xf32, #tpu.memory_space<vmem_shared>> -> memref<10112x128xf32, #tpu.memory_space<vmem_shared>>
        tpu.wait_indirect_dma semaphore(%run_scoped3A_654 : memref<!tpu.dma_semaphore, #tpu.memory_space<semaphore_mem>>) src(%arg10 : memref<64x128xf32, #tpu.memory_space<vmem>>) dst(%dma_wait3A_666 : memref<10112x128xf32, #tpu.memory_space<vmem_shared>>)
        tpu.yield
      }) : () -> ()
      %add3A_598 = arith.constant 8 : i32
      %add3A_599 = arith.addi %add3A_589, %add3A_598 : i32
      %lt3A_600 = arith.cmpi slt, %add3A_599, %select_n3A : i32
      %convert_element_type3A_601 = arith.extui %lt3A_600 : i1 to i32
      %cond3A_602 = arith.constant 0 : i32
      %cond3A_603 = arith.cmpi ne, %convert_element_type3A_601, %cond3A_602 : i32
      scf.if %cond3A_603 {
        %add3A_654 = arith.addi %add3A, %add3A_589 : i32
        %add3A_655 = arith.constant 8 : i32
        %add3A_656 = arith.addi %add3A_654, %add3A_655 : i32
        %dma_start3A_657 = arith.constant 5 : i32
        %dma_start3A_658 = arith.constant 0 : i32
        %dma_start3A_659 = tpu.memref_slice %arg7[%dma_start3A_657, %dma_start3A_658] : memref<8x64xi32, #tpu.memory_space<vmem>> -> memref<1x64xi32, #tpu.memory_space<vmem>>
        %dma_start3A_660 = tpu.memref_squeeze %dma_start3A_659 : memref<1x64xi32, #tpu.memory_space<vmem>> -> memref<64xi32, #tpu.memory_space<vmem>>
        %dma_start3A_661 = arith.constant 0 : i32
        %dma_start3A_662 = tpu.memref_slice %arg3[%add3A_656, %dma_start3A_661] : memref<5120x64xi32, #tpu.memory_space<hbm>> -> memref<1x64xi32, #tpu.memory_space<hbm>>
        %dma_start3A_663 = tpu.memref_squeeze %dma_start3A_662 : memref<1x64xi32, #tpu.memory_space<hbm>> -> memref<64xi32, #tpu.memory_space<hbm>>
        %dma_start3A_664 = arith.constant 0 : i32
        %dma_start3A_665 = tpu.memref_slice %arg7[%dma_start3A_657, %dma_start3A_664] : memref<8x64xi32, #tpu.memory_space<vmem>> -> memref<1x64xi32, #tpu.memory_space<vmem>>
        %dma_start3A_666 = tpu.memref_squeeze %dma_start3A_665 : memref<1x64xi32, #tpu.memory_space<vmem>> -> memref<64xi32, #tpu.memory_space<vmem>>
        %dma_start3A_667 = arith.constant 0 : i32
        %dma_start3A_668 = tpu.memref_slice %arg3[%add3A_656, %dma_start3A_667] : memref<5120x64xi32, #tpu.memory_space<hbm>> -> memref<1x64xi32, #tpu.memory_space<hbm>>
        %dma_start3A_669 = tpu.memref_squeeze %dma_start3A_668 : memref<1x64xi32, #tpu.memory_space<hbm>> -> memref<64xi32, #tpu.memory_space<hbm>>
        tpu.enqueue_dma source(%dma_start3A_669 : memref<64xi32, #tpu.memory_space<hbm>>) target(%dma_start3A_666 : memref<64xi32, #tpu.memory_space<vmem>>) target_semaphore(%arg23 : memref<!tpu.dma_semaphore, #tpu.memory_space<semaphore_mem>>)
        %add3A_670 = arith.addi %add3A, %add3A_589 : i32
        %add3A_671 = arith.constant 8 : i32
        %add3A_672 = arith.addi %add3A_670, %add3A_671 : i32
        %dma_start3A_673 = arith.constant 5 : i32
        %dma_start3A_674 = arith.constant 0 : i32
        %dma_start3A_675 = tpu.memref_slice %arg8[%dma_start3A_673, %dma_start3A_674] : memref<8x64xi32, #tpu.memory_space<vmem>> -> memref<1x64xi32, #tpu.memory_space<vmem>>
        %dma_start3A_676 = tpu.memref_squeeze %dma_start3A_675 : memref<1x64xi32, #tpu.memory_space<vmem>> -> memref<64xi32, #tpu.memory_space<vmem>>
        %dma_start3A_677 = arith.constant 0 : i32
        %dma_start3A_678 = tpu.memref_slice %arg4[%add3A_672, %dma_start3A_677] : memref<5120x64xi32, #tpu.memory_space<hbm>> -> memref<1x64xi32, #tpu.memory_space<hbm>>
        %dma_start3A_679 = tpu.memref_squeeze %dma_start3A_678 : memref<1x64xi32, #tpu.memory_space<hbm>> -> memref<64xi32, #tpu.memory_space<hbm>>
        %dma_start3A_680 = arith.constant 0 : i32
        %dma_start3A_681 = tpu.memref_slice %arg8[%dma_start3A_673, %dma_start3A_680] : memref<8x64xi32, #tpu.memory_space<vmem>> -> memref<1x64xi32, #tpu.memory_space<vmem>>
        %dma_start3A_682 = tpu.memref_squeeze %dma_start3A_681 : memref<1x64xi32, #tpu.memory_space<vmem>> -> memref<64xi32, #tpu.memory_space<vmem>>
        %dma_start3A_683 = arith.constant 0 : i32
        %dma_start3A_684 = tpu.memref_slice %arg4[%add3A_672, %dma_start3A_683] : memref<5120x64xi32, #tpu.memory_space<hbm>> -> memref<1x64xi32, #tpu.memory_space<hbm>>
        %dma_start3A_685 = tpu.memref_squeeze %dma_start3A_684 : memref<1x64xi32, #tpu.memory_space<hbm>> -> memref<64xi32, #tpu.memory_space<hbm>>
        tpu.enqueue_dma source(%dma_start3A_685 : memref<64xi32, #tpu.memory_space<hbm>>) target(%dma_start3A_682 : memref<64xi32, #tpu.memory_space<vmem>>) target_semaphore(%arg23 : memref<!tpu.dma_semaphore, #tpu.memory_space<semaphore_mem>>)
      } else {
      }
      %add3A_604 = arith.constant 4 : i32
      %add3A_605 = arith.addi %add3A_589, %add3A_604 : i32
      %lt3A_606 = arith.cmpi slt, %add3A_605, %select_n3A : i32
      %convert_element_type3A_607 = arith.extui %lt3A_606 : i1 to i32
      %cond3A_608 = arith.constant 0 : i32
      %cond3A_609 = arith.cmpi ne, %convert_element_type3A_607, %cond3A_608 : i32
      scf.if %cond3A_609 {
        %add3A_654 = arith.addi %add3A, %add3A_589 : i32
        %add3A_655 = arith.constant 4 : i32
        %add3A_656 = arith.addi %add3A_654, %add3A_655 : i32
        %dma_wait3A_657 = arith.constant 1 : i32
        %dma_wait3A_658 = arith.constant 0 : i32
        %dma_wait3A_659 = tpu.memref_slice %arg7[%dma_wait3A_657, %dma_wait3A_658] : memref<8x64xi32, #tpu.memory_space<vmem>> -> memref<1x64xi32, #tpu.memory_space<vmem>>
        %dma_wait3A_660 = tpu.memref_squeeze %dma_wait3A_659 : memref<1x64xi32, #tpu.memory_space<vmem>> -> memref<64xi32, #tpu.memory_space<vmem>>
        %dma_wait3A_661 = arith.constant 0 : i32
        %dma_wait3A_662 = tpu.memref_slice %arg3[%add3A_656, %dma_wait3A_661] : memref<5120x64xi32, #tpu.memory_space<hbm>> -> memref<1x64xi32, #tpu.memory_space<hbm>>
        %dma_wait3A_663 = tpu.memref_squeeze %dma_wait3A_662 : memref<1x64xi32, #tpu.memory_space<hbm>> -> memref<64xi32, #tpu.memory_space<hbm>>
        %dma_wait3A_664 = arith.constant 0 : i32
        %dma_wait3A_665 = tpu.memref_slice %arg7[%dma_wait3A_657, %dma_wait3A_664] : memref<8x64xi32, #tpu.memory_space<vmem>> -> memref<1x64xi32, #tpu.memory_space<vmem>>
        %dma_wait3A_666 = tpu.memref_squeeze %dma_wait3A_665 : memref<1x64xi32, #tpu.memory_space<vmem>> -> memref<64xi32, #tpu.memory_space<vmem>>
        %dma_wait3A_667 = arith.constant 0 : i32
        %dma_wait3A_668 = tpu.memref_slice %arg3[%add3A_656, %dma_wait3A_667] : memref<5120x64xi32, #tpu.memory_space<hbm>> -> memref<1x64xi32, #tpu.memory_space<hbm>>
        %dma_wait3A_669 = tpu.memref_squeeze %dma_wait3A_668 : memref<1x64xi32, #tpu.memory_space<hbm>> -> memref<64xi32, #tpu.memory_space<hbm>>
        tpu.wait_dma2 semaphore(%arg19 : memref<!tpu.dma_semaphore, #tpu.memory_space<semaphore_mem>>) src(%dma_wait3A_669 : memref<64xi32, #tpu.memory_space<hbm>>) dst(%dma_wait3A_666 : memref<64xi32, #tpu.memory_space<vmem>>)
        %add3A_670 = arith.addi %add3A, %add3A_589 : i32
        %add3A_671 = arith.constant 4 : i32
        %add3A_672 = arith.addi %add3A_670, %add3A_671 : i32
        %dma_wait3A_673 = arith.constant 1 : i32
        %dma_wait3A_674 = arith.constant 0 : i32
        %dma_wait3A_675 = tpu.memref_slice %arg8[%dma_wait3A_673, %dma_wait3A_674] : memref<8x64xi32, #tpu.memory_space<vmem>> -> memref<1x64xi32, #tpu.memory_space<vmem>>
        %dma_wait3A_676 = tpu.memref_squeeze %dma_wait3A_675 : memref<1x64xi32, #tpu.memory_space<vmem>> -> memref<64xi32, #tpu.memory_space<vmem>>
        %dma_wait3A_677 = arith.constant 0 : i32
        %dma_wait3A_678 = tpu.memref_slice %arg4[%add3A_672, %dma_wait3A_677] : memref<5120x64xi32, #tpu.memory_space<hbm>> -> memref<1x64xi32, #tpu.memory_space<hbm>>
        %dma_wait3A_679 = tpu.memref_squeeze %dma_wait3A_678 : memref<1x64xi32, #tpu.memory_space<hbm>> -> memref<64xi32, #tpu.memory_space<hbm>>
        %dma_wait3A_680 = arith.constant 0 : i32
        %dma_wait3A_681 = tpu.memref_slice %arg8[%dma_wait3A_673, %dma_wait3A_680] : memref<8x64xi32, #tpu.memory_space<vmem>> -> memref<1x64xi32, #tpu.memory_space<vmem>>
        %dma_wait3A_682 = tpu.memref_squeeze %dma_wait3A_681 : memref<1x64xi32, #tpu.memory_space<vmem>> -> memref<64xi32, #tpu.memory_space<vmem>>
        %dma_wait3A_683 = arith.constant 0 : i32
        %dma_wait3A_684 = tpu.memref_slice %arg4[%add3A_672, %dma_wait3A_683] : memref<5120x64xi32, #tpu.memory_space<hbm>> -> memref<1x64xi32, #tpu.memory_space<hbm>>
        %dma_wait3A_685 = tpu.memref_squeeze %dma_wait3A_684 : memref<1x64xi32, #tpu.memory_space<hbm>> -> memref<64xi32, #tpu.memory_space<hbm>>
        tpu.wait_dma2 semaphore(%arg19 : memref<!tpu.dma_semaphore, #tpu.memory_space<semaphore_mem>>) src(%dma_wait3A_685 : memref<64xi32, #tpu.memory_space<hbm>>) dst(%dma_wait3A_682 : memref<64xi32, #tpu.memory_space<vmem>>)
        %dma_start3A_686 = arith.constant 1 : i32
        %dma_start3A_687 = arith.constant 0 : i32
        %dma_start3A_688 = tpu.memref_slice %arg8[%dma_start3A_686, %dma_start3A_687] : memref<8x64xi32, #tpu.memory_space<vmem>> -> memref<1x64xi32, #tpu.memory_space<vmem>>
        %dma_start3A_689 = tpu.memref_squeeze %dma_start3A_688 : memref<1x64xi32, #tpu.memory_space<vmem>> -> memref<64xi32, #tpu.memory_space<vmem>>
        %dma_start3A_690 = arith.constant 0 : i32
        %dma_start3A_691 = arith.constant 0 : i32
        %dma_start3A_692 = tpu.memref_slice %arg2[%dma_start3A_690, %dma_start3A_691] : memref<10000x128xf32, #tpu.memory_space<hbm>> -> memref<10000x128xf32, #tpu.memory_space<hbm>>
        tpu.enqueue_indirect_dma source(%dma_start3A_692 : memref<10000x128xf32, #tpu.memory_space<hbm>>) target(%arg10 : memref<64x128xf32, #tpu.memory_space<vmem>>) offsets(%dma_start3A_689 : memref<64xi32, #tpu.memory_space<vmem>>) semaphore(%arg15 : memref<!tpu.dma_semaphore, #tpu.memory_space<semaphore_mem>>)
      } else {
      }
      %add3A_610 = arith.constant 6 : i32
      %add3A_611 = arith.addi %mul3A_481, %add3A_610 : i32
      %dma_wait3A_612 = arith.constant 6 : i32
      %dma_wait3A_613 = arith.constant 0 : i32
      %dma_wait3A_614 = tpu.memref_slice %arg8[%dma_wait3A_612, %dma_wait3A_613] : memref<8x64xi32, #tpu.memory_space<vmem>> -> memref<1x64xi32, #tpu.memory_space<vmem>>
      %dma_wait3A_615 = tpu.memref_squeeze %dma_wait3A_614 : memref<1x64xi32, #tpu.memory_space<vmem>> -> memref<64xi32, #tpu.memory_space<vmem>>
      %dma_wait3A_616 = arith.constant 0 : i32
      %dma_wait3A_617 = arith.constant 0 : i32
      %dma_wait3A_618 = tpu.memref_slice %arg2[%dma_wait3A_616, %dma_wait3A_617] : memref<10000x128xf32, #tpu.memory_space<hbm>> -> memref<10000x128xf32, #tpu.memory_space<hbm>>
      tpu.wait_indirect_dma semaphore(%arg16 : memref<!tpu.dma_semaphore, #tpu.memory_space<semaphore_mem>>) src(%dma_wait3A_618 : memref<10000x128xf32, #tpu.memory_space<hbm>>) dst(%arg11 : memref<64x128xf32, #tpu.memory_space<vmem>>)
      %run_scoped3A_619 = arith.constant 6 : i32
      "tpu.region"() ({
        %run_scoped3A_654 = tpu.sem_alloc : memref<!tpu.dma_semaphore, #tpu.memory_space<semaphore_mem>>
        %dma_start3A_655 = arith.constant 0 : i32
        %dma_start3A_656 = tpu.memref_slice %arg7[%run_scoped3A_619, %dma_start3A_655] : memref<8x64xi32, #tpu.memory_space<vmem>> -> memref<1x64xi32, #tpu.memory_space<vmem>>
        %dma_start3A_657 = tpu.memref_squeeze %dma_start3A_656 : memref<1x64xi32, #tpu.memory_space<vmem>> -> memref<64xi32, #tpu.memory_space<vmem>>
        %dma_start3A_658 = arith.constant 0 : i32
        %dma_start3A_659 = arith.constant 0 : i32
        %dma_start3A_660 = tpu.memref_slice %arg13[%dma_start3A_658, %dma_start3A_659] : memref<10112x128xf32, #tpu.memory_space<vmem_shared>> -> memref<10112x128xf32, #tpu.memory_space<vmem_shared>>
        tpu.enqueue_indirect_dma source(%arg11 : memref<64x128xf32, #tpu.memory_space<vmem>>) target(%dma_start3A_660 : memref<10112x128xf32, #tpu.memory_space<vmem_shared>>) offsets(%dma_start3A_657 : memref<64xi32, #tpu.memory_space<vmem>>) semaphore(%run_scoped3A_654 : memref<!tpu.dma_semaphore, #tpu.memory_space<semaphore_mem>>) {add = true}
        %dma_wait3A_661 = arith.constant 0 : i32
        %dma_wait3A_662 = tpu.memref_slice %arg7[%run_scoped3A_619, %dma_wait3A_661] : memref<8x64xi32, #tpu.memory_space<vmem>> -> memref<1x64xi32, #tpu.memory_space<vmem>>
        %dma_wait3A_663 = tpu.memref_squeeze %dma_wait3A_662 : memref<1x64xi32, #tpu.memory_space<vmem>> -> memref<64xi32, #tpu.memory_space<vmem>>
        %dma_wait3A_664 = arith.constant 0 : i32
        %dma_wait3A_665 = arith.constant 0 : i32
        %dma_wait3A_666 = tpu.memref_slice %arg13[%dma_wait3A_664, %dma_wait3A_665] : memref<10112x128xf32, #tpu.memory_space<vmem_shared>> -> memref<10112x128xf32, #tpu.memory_space<vmem_shared>>
        tpu.wait_indirect_dma semaphore(%run_scoped3A_654 : memref<!tpu.dma_semaphore, #tpu.memory_space<semaphore_mem>>) src(%arg11 : memref<64x128xf32, #tpu.memory_space<vmem>>) dst(%dma_wait3A_666 : memref<10112x128xf32, #tpu.memory_space<vmem_shared>>)
        tpu.yield
      }) : () -> ()
      %add3A_620 = arith.constant 8 : i32
      %add3A_621 = arith.addi %add3A_611, %add3A_620 : i32
      %lt3A_622 = arith.cmpi slt, %add3A_621, %select_n3A : i32
      %convert_element_type3A_623 = arith.extui %lt3A_622 : i1 to i32
      %cond3A_624 = arith.constant 0 : i32
      %cond3A_625 = arith.cmpi ne, %convert_element_type3A_623, %cond3A_624 : i32
      scf.if %cond3A_625 {
        %add3A_654 = arith.addi %add3A, %add3A_611 : i32
        %add3A_655 = arith.constant 8 : i32
        %add3A_656 = arith.addi %add3A_654, %add3A_655 : i32
        %dma_start3A_657 = arith.constant 6 : i32
        %dma_start3A_658 = arith.constant 0 : i32
        %dma_start3A_659 = tpu.memref_slice %arg7[%dma_start3A_657, %dma_start3A_658] : memref<8x64xi32, #tpu.memory_space<vmem>> -> memref<1x64xi32, #tpu.memory_space<vmem>>
        %dma_start3A_660 = tpu.memref_squeeze %dma_start3A_659 : memref<1x64xi32, #tpu.memory_space<vmem>> -> memref<64xi32, #tpu.memory_space<vmem>>
        %dma_start3A_661 = arith.constant 0 : i32
        %dma_start3A_662 = tpu.memref_slice %arg3[%add3A_656, %dma_start3A_661] : memref<5120x64xi32, #tpu.memory_space<hbm>> -> memref<1x64xi32, #tpu.memory_space<hbm>>
        %dma_start3A_663 = tpu.memref_squeeze %dma_start3A_662 : memref<1x64xi32, #tpu.memory_space<hbm>> -> memref<64xi32, #tpu.memory_space<hbm>>
        %dma_start3A_664 = arith.constant 0 : i32
        %dma_start3A_665 = tpu.memref_slice %arg7[%dma_start3A_657, %dma_start3A_664] : memref<8x64xi32, #tpu.memory_space<vmem>> -> memref<1x64xi32, #tpu.memory_space<vmem>>
        %dma_start3A_666 = tpu.memref_squeeze %dma_start3A_665 : memref<1x64xi32, #tpu.memory_space<vmem>> -> memref<64xi32, #tpu.memory_space<vmem>>
        %dma_start3A_667 = arith.constant 0 : i32
        %dma_start3A_668 = tpu.memref_slice %arg3[%add3A_656, %dma_start3A_667] : memref<5120x64xi32, #tpu.memory_space<hbm>> -> memref<1x64xi32, #tpu.memory_space<hbm>>
        %dma_start3A_669 = tpu.memref_squeeze %dma_start3A_668 : memref<1x64xi32, #tpu.memory_space<hbm>> -> memref<64xi32, #tpu.memory_space<hbm>>
        tpu.enqueue_dma source(%dma_start3A_669 : memref<64xi32, #tpu.memory_space<hbm>>) target(%dma_start3A_666 : memref<64xi32, #tpu.memory_space<vmem>>) target_semaphore(%arg24 : memref<!tpu.dma_semaphore, #tpu.memory_space<semaphore_mem>>)
        %add3A_670 = arith.addi %add3A, %add3A_611 : i32
        %add3A_671 = arith.constant 8 : i32
        %add3A_672 = arith.addi %add3A_670, %add3A_671 : i32
        %dma_start3A_673 = arith.constant 6 : i32
        %dma_start3A_674 = arith.constant 0 : i32
        %dma_start3A_675 = tpu.memref_slice %arg8[%dma_start3A_673, %dma_start3A_674] : memref<8x64xi32, #tpu.memory_space<vmem>> -> memref<1x64xi32, #tpu.memory_space<vmem>>
        %dma_start3A_676 = tpu.memref_squeeze %dma_start3A_675 : memref<1x64xi32, #tpu.memory_space<vmem>> -> memref<64xi32, #tpu.memory_space<vmem>>
        %dma_start3A_677 = arith.constant 0 : i32
        %dma_start3A_678 = tpu.memref_slice %arg4[%add3A_672, %dma_start3A_677] : memref<5120x64xi32, #tpu.memory_space<hbm>> -> memref<1x64xi32, #tpu.memory_space<hbm>>
        %dma_start3A_679 = tpu.memref_squeeze %dma_start3A_678 : memref<1x64xi32, #tpu.memory_space<hbm>> -> memref<64xi32, #tpu.memory_space<hbm>>
        %dma_start3A_680 = arith.constant 0 : i32
        %dma_start3A_681 = tpu.memref_slice %arg8[%dma_start3A_673, %dma_start3A_680] : memref<8x64xi32, #tpu.memory_space<vmem>> -> memref<1x64xi32, #tpu.memory_space<vmem>>
        %dma_start3A_682 = tpu.memref_squeeze %dma_start3A_681 : memref<1x64xi32, #tpu.memory_space<vmem>> -> memref<64xi32, #tpu.memory_space<vmem>>
        %dma_start3A_683 = arith.constant 0 : i32
        %dma_start3A_684 = tpu.memref_slice %arg4[%add3A_672, %dma_start3A_683] : memref<5120x64xi32, #tpu.memory_space<hbm>> -> memref<1x64xi32, #tpu.memory_space<hbm>>
        %dma_start3A_685 = tpu.memref_squeeze %dma_start3A_684 : memref<1x64xi32, #tpu.memory_space<hbm>> -> memref<64xi32, #tpu.memory_space<hbm>>
        tpu.enqueue_dma source(%dma_start3A_685 : memref<64xi32, #tpu.memory_space<hbm>>) target(%dma_start3A_682 : memref<64xi32, #tpu.memory_space<vmem>>) target_semaphore(%arg24 : memref<!tpu.dma_semaphore, #tpu.memory_space<semaphore_mem>>)
      } else {
      }
      %add3A_626 = arith.constant 4 : i32
      %add3A_627 = arith.addi %add3A_611, %add3A_626 : i32
      %lt3A_628 = arith.cmpi slt, %add3A_627, %select_n3A : i32
      %convert_element_type3A_629 = arith.extui %lt3A_628 : i1 to i32
      %cond3A_630 = arith.constant 0 : i32
      %cond3A_631 = arith.cmpi ne, %convert_element_type3A_629, %cond3A_630 : i32
      scf.if %cond3A_631 {
        %add3A_654 = arith.addi %add3A, %add3A_611 : i32
        %add3A_655 = arith.constant 4 : i32
        %add3A_656 = arith.addi %add3A_654, %add3A_655 : i32
        %dma_wait3A_657 = arith.constant 2 : i32
        %dma_wait3A_658 = arith.constant 0 : i32
        %dma_wait3A_659 = tpu.memref_slice %arg7[%dma_wait3A_657, %dma_wait3A_658] : memref<8x64xi32, #tpu.memory_space<vmem>> -> memref<1x64xi32, #tpu.memory_space<vmem>>
        %dma_wait3A_660 = tpu.memref_squeeze %dma_wait3A_659 : memref<1x64xi32, #tpu.memory_space<vmem>> -> memref<64xi32, #tpu.memory_space<vmem>>
        %dma_wait3A_661 = arith.constant 0 : i32
        %dma_wait3A_662 = tpu.memref_slice %arg3[%add3A_656, %dma_wait3A_661] : memref<5120x64xi32, #tpu.memory_space<hbm>> -> memref<1x64xi32, #tpu.memory_space<hbm>>
        %dma_wait3A_663 = tpu.memref_squeeze %dma_wait3A_662 : memref<1x64xi32, #tpu.memory_space<hbm>> -> memref<64xi32, #tpu.memory_space<hbm>>
        %dma_wait3A_664 = arith.constant 0 : i32
        %dma_wait3A_665 = tpu.memref_slice %arg7[%dma_wait3A_657, %dma_wait3A_664] : memref<8x64xi32, #tpu.memory_space<vmem>> -> memref<1x64xi32, #tpu.memory_space<vmem>>
        %dma_wait3A_666 = tpu.memref_squeeze %dma_wait3A_665 : memref<1x64xi32, #tpu.memory_space<vmem>> -> memref<64xi32, #tpu.memory_space<vmem>>
        %dma_wait3A_667 = arith.constant 0 : i32
        %dma_wait3A_668 = tpu.memref_slice %arg3[%add3A_656, %dma_wait3A_667] : memref<5120x64xi32, #tpu.memory_space<hbm>> -> memref<1x64xi32, #tpu.memory_space<hbm>>
        %dma_wait3A_669 = tpu.memref_squeeze %dma_wait3A_668 : memref<1x64xi32, #tpu.memory_space<hbm>> -> memref<64xi32, #tpu.memory_space<hbm>>
        tpu.wait_dma2 semaphore(%arg20 : memref<!tpu.dma_semaphore, #tpu.memory_space<semaphore_mem>>) src(%dma_wait3A_669 : memref<64xi32, #tpu.memory_space<hbm>>) dst(%dma_wait3A_666 : memref<64xi32, #tpu.memory_space<vmem>>)
        %add3A_670 = arith.addi %add3A, %add3A_611 : i32
        %add3A_671 = arith.constant 4 : i32
        %add3A_672 = arith.addi %add3A_670, %add3A_671 : i32
        %dma_wait3A_673 = arith.constant 2 : i32
        %dma_wait3A_674 = arith.constant 0 : i32
        %dma_wait3A_675 = tpu.memref_slice %arg8[%dma_wait3A_673, %dma_wait3A_674] : memref<8x64xi32, #tpu.memory_space<vmem>> -> memref<1x64xi32, #tpu.memory_space<vmem>>
        %dma_wait3A_676 = tpu.memref_squeeze %dma_wait3A_675 : memref<1x64xi32, #tpu.memory_space<vmem>> -> memref<64xi32, #tpu.memory_space<vmem>>
        %dma_wait3A_677 = arith.constant 0 : i32
        %dma_wait3A_678 = tpu.memref_slice %arg4[%add3A_672, %dma_wait3A_677] : memref<5120x64xi32, #tpu.memory_space<hbm>> -> memref<1x64xi32, #tpu.memory_space<hbm>>
        %dma_wait3A_679 = tpu.memref_squeeze %dma_wait3A_678 : memref<1x64xi32, #tpu.memory_space<hbm>> -> memref<64xi32, #tpu.memory_space<hbm>>
        %dma_wait3A_680 = arith.constant 0 : i32
        %dma_wait3A_681 = tpu.memref_slice %arg8[%dma_wait3A_673, %dma_wait3A_680] : memref<8x64xi32, #tpu.memory_space<vmem>> -> memref<1x64xi32, #tpu.memory_space<vmem>>
        %dma_wait3A_682 = tpu.memref_squeeze %dma_wait3A_681 : memref<1x64xi32, #tpu.memory_space<vmem>> -> memref<64xi32, #tpu.memory_space<vmem>>
        %dma_wait3A_683 = arith.constant 0 : i32
        %dma_wait3A_684 = tpu.memref_slice %arg4[%add3A_672, %dma_wait3A_683] : memref<5120x64xi32, #tpu.memory_space<hbm>> -> memref<1x64xi32, #tpu.memory_space<hbm>>
        %dma_wait3A_685 = tpu.memref_squeeze %dma_wait3A_684 : memref<1x64xi32, #tpu.memory_space<hbm>> -> memref<64xi32, #tpu.memory_space<hbm>>
        tpu.wait_dma2 semaphore(%arg20 : memref<!tpu.dma_semaphore, #tpu.memory_space<semaphore_mem>>) src(%dma_wait3A_685 : memref<64xi32, #tpu.memory_space<hbm>>) dst(%dma_wait3A_682 : memref<64xi32, #tpu.memory_space<vmem>>)
        %dma_start3A_686 = arith.constant 2 : i32
        %dma_start3A_687 = arith.constant 0 : i32
        %dma_start3A_688 = tpu.memref_slice %arg8[%dma_start3A_686, %dma_start3A_687] : memref<8x64xi32, #tpu.memory_space<vmem>> -> memref<1x64xi32, #tpu.memory_space<vmem>>
        %dma_start3A_689 = tpu.memref_squeeze %dma_start3A_688 : memref<1x64xi32, #tpu.memory_space<vmem>> -> memref<64xi32, #tpu.memory_space<vmem>>
        %dma_start3A_690 = arith.constant 0 : i32
        %dma_start3A_691 = arith.constant 0 : i32
        %dma_start3A_692 = tpu.memref_slice %arg2[%dma_start3A_690, %dma_start3A_691] : memref<10000x128xf32, #tpu.memory_space<hbm>> -> memref<10000x128xf32, #tpu.memory_space<hbm>>
        tpu.enqueue_indirect_dma source(%dma_start3A_692 : memref<10000x128xf32, #tpu.memory_space<hbm>>) target(%arg11 : memref<64x128xf32, #tpu.memory_space<vmem>>) offsets(%dma_start3A_689 : memref<64xi32, #tpu.memory_space<vmem>>) semaphore(%arg16 : memref<!tpu.dma_semaphore, #tpu.memory_space<semaphore_mem>>)
      } else {
      }
      %add3A_632 = arith.constant 7 : i32
      %add3A_633 = arith.addi %mul3A_481, %add3A_632 : i32
      %dma_wait3A_634 = arith.constant 7 : i32
      %dma_wait3A_635 = arith.constant 0 : i32
      %dma_wait3A_636 = tpu.memref_slice %arg8[%dma_wait3A_634, %dma_wait3A_635] : memref<8x64xi32, #tpu.memory_space<vmem>> -> memref<1x64xi32, #tpu.memory_space<vmem>>
      %dma_wait3A_637 = tpu.memref_squeeze %dma_wait3A_636 : memref<1x64xi32, #tpu.memory_space<vmem>> -> memref<64xi32, #tpu.memory_space<vmem>>
      %dma_wait3A_638 = arith.constant 0 : i32
      %dma_wait3A_639 = arith.constant 0 : i32
      %dma_wait3A_640 = tpu.memref_slice %arg2[%dma_wait3A_638, %dma_wait3A_639] : memref<10000x128xf32, #tpu.memory_space<hbm>> -> memref<10000x128xf32, #tpu.memory_space<hbm>>
      tpu.wait_indirect_dma semaphore(%arg17 : memref<!tpu.dma_semaphore, #tpu.memory_space<semaphore_mem>>) src(%dma_wait3A_640 : memref<10000x128xf32, #tpu.memory_space<hbm>>) dst(%arg12 : memref<64x128xf32, #tpu.memory_space<vmem>>)
      %run_scoped3A_641 = arith.constant 7 : i32
      "tpu.region"() ({
        %run_scoped3A_654 = tpu.sem_alloc : memref<!tpu.dma_semaphore, #tpu.memory_space<semaphore_mem>>
        %dma_start3A_655 = arith.constant 0 : i32
        %dma_start3A_656 = tpu.memref_slice %arg7[%run_scoped3A_641, %dma_start3A_655] : memref<8x64xi32, #tpu.memory_space<vmem>> -> memref<1x64xi32, #tpu.memory_space<vmem>>
        %dma_start3A_657 = tpu.memref_squeeze %dma_start3A_656 : memref<1x64xi32, #tpu.memory_space<vmem>> -> memref<64xi32, #tpu.memory_space<vmem>>
        %dma_start3A_658 = arith.constant 0 : i32
        %dma_start3A_659 = arith.constant 0 : i32
        %dma_start3A_660 = tpu.memref_slice %arg13[%dma_start3A_658, %dma_start3A_659] : memref<10112x128xf32, #tpu.memory_space<vmem_shared>> -> memref<10112x128xf32, #tpu.memory_space<vmem_shared>>
        tpu.enqueue_indirect_dma source(%arg12 : memref<64x128xf32, #tpu.memory_space<vmem>>) target(%dma_start3A_660 : memref<10112x128xf32, #tpu.memory_space<vmem_shared>>) offsets(%dma_start3A_657 : memref<64xi32, #tpu.memory_space<vmem>>) semaphore(%run_scoped3A_654 : memref<!tpu.dma_semaphore, #tpu.memory_space<semaphore_mem>>) {add = true}
        %dma_wait3A_661 = arith.constant 0 : i32
        %dma_wait3A_662 = tpu.memref_slice %arg7[%run_scoped3A_641, %dma_wait3A_661] : memref<8x64xi32, #tpu.memory_space<vmem>> -> memref<1x64xi32, #tpu.memory_space<vmem>>
        %dma_wait3A_663 = tpu.memref_squeeze %dma_wait3A_662 : memref<1x64xi32, #tpu.memory_space<vmem>> -> memref<64xi32, #tpu.memory_space<vmem>>
        %dma_wait3A_664 = arith.constant 0 : i32
        %dma_wait3A_665 = arith.constant 0 : i32
        %dma_wait3A_666 = tpu.memref_slice %arg13[%dma_wait3A_664, %dma_wait3A_665] : memref<10112x128xf32, #tpu.memory_space<vmem_shared>> -> memref<10112x128xf32, #tpu.memory_space<vmem_shared>>
        tpu.wait_indirect_dma semaphore(%run_scoped3A_654 : memref<!tpu.dma_semaphore, #tpu.memory_space<semaphore_mem>>) src(%arg12 : memref<64x128xf32, #tpu.memory_space<vmem>>) dst(%dma_wait3A_666 : memref<10112x128xf32, #tpu.memory_space<vmem_shared>>)
        tpu.yield
      }) : () -> ()
      %add3A_642 = arith.constant 8 : i32
      %add3A_643 = arith.addi %add3A_633, %add3A_642 : i32
      %lt3A_644 = arith.cmpi slt, %add3A_643, %select_n3A : i32
      %convert_element_type3A_645 = arith.extui %lt3A_644 : i1 to i32
      %cond3A_646 = arith.constant 0 : i32
      %cond3A_647 = arith.cmpi ne, %convert_element_type3A_645, %cond3A_646 : i32
      scf.if %cond3A_647 {
        %add3A_654 = arith.addi %add3A, %add3A_633 : i32
        %add3A_655 = arith.constant 8 : i32
        %add3A_656 = arith.addi %add3A_654, %add3A_655 : i32
        %dma_start3A_657 = arith.constant 7 : i32
        %dma_start3A_658 = arith.constant 0 : i32
        %dma_start3A_659 = tpu.memref_slice %arg7[%dma_start3A_657, %dma_start3A_658] : memref<8x64xi32, #tpu.memory_space<vmem>> -> memref<1x64xi32, #tpu.memory_space<vmem>>
        %dma_start3A_660 = tpu.memref_squeeze %dma_start3A_659 : memref<1x64xi32, #tpu.memory_space<vmem>> -> memref<64xi32, #tpu.memory_space<vmem>>
        %dma_start3A_661 = arith.constant 0 : i32
        %dma_start3A_662 = tpu.memref_slice %arg3[%add3A_656, %dma_start3A_661] : memref<5120x64xi32, #tpu.memory_space<hbm>> -> memref<1x64xi32, #tpu.memory_space<hbm>>
        %dma_start3A_663 = tpu.memref_squeeze %dma_start3A_662 : memref<1x64xi32, #tpu.memory_space<hbm>> -> memref<64xi32, #tpu.memory_space<hbm>>
        %dma_start3A_664 = arith.constant 0 : i32
        %dma_start3A_665 = tpu.memref_slice %arg7[%dma_start3A_657, %dma_start3A_664] : memref<8x64xi32, #tpu.memory_space<vmem>> -> memref<1x64xi32, #tpu.memory_space<vmem>>
        %dma_start3A_666 = tpu.memref_squeeze %dma_start3A_665 : memref<1x64xi32, #tpu.memory_space<vmem>> -> memref<64xi32, #tpu.memory_space<vmem>>
        %dma_start3A_667 = arith.constant 0 : i32
        %dma_start3A_668 = tpu.memref_slice %arg3[%add3A_656, %dma_start3A_667] : memref<5120x64xi32, #tpu.memory_space<hbm>> -> memref<1x64xi32, #tpu.memory_space<hbm>>
        %dma_start3A_669 = tpu.memref_squeeze %dma_start3A_668 : memref<1x64xi32, #tpu.memory_space<hbm>> -> memref<64xi32, #tpu.memory_space<hbm>>
        tpu.enqueue_dma source(%dma_start3A_669 : memref<64xi32, #tpu.memory_space<hbm>>) target(%dma_start3A_666 : memref<64xi32, #tpu.memory_space<vmem>>) target_semaphore(%arg25 : memref<!tpu.dma_semaphore, #tpu.memory_space<semaphore_mem>>)
        %add3A_670 = arith.addi %add3A, %add3A_633 : i32
        %add3A_671 = arith.constant 8 : i32
        %add3A_672 = arith.addi %add3A_670, %add3A_671 : i32
        %dma_start3A_673 = arith.constant 7 : i32
        %dma_start3A_674 = arith.constant 0 : i32
        %dma_start3A_675 = tpu.memref_slice %arg8[%dma_start3A_673, %dma_start3A_674] : memref<8x64xi32, #tpu.memory_space<vmem>> -> memref<1x64xi32, #tpu.memory_space<vmem>>
        %dma_start3A_676 = tpu.memref_squeeze %dma_start3A_675 : memref<1x64xi32, #tpu.memory_space<vmem>> -> memref<64xi32, #tpu.memory_space<vmem>>
        %dma_start3A_677 = arith.constant 0 : i32
        %dma_start3A_678 = tpu.memref_slice %arg4[%add3A_672, %dma_start3A_677] : memref<5120x64xi32, #tpu.memory_space<hbm>> -> memref<1x64xi32, #tpu.memory_space<hbm>>
        %dma_start3A_679 = tpu.memref_squeeze %dma_start3A_678 : memref<1x64xi32, #tpu.memory_space<hbm>> -> memref<64xi32, #tpu.memory_space<hbm>>
        %dma_start3A_680 = arith.constant 0 : i32
        %dma_start3A_681 = tpu.memref_slice %arg8[%dma_start3A_673, %dma_start3A_680] : memref<8x64xi32, #tpu.memory_space<vmem>> -> memref<1x64xi32, #tpu.memory_space<vmem>>
        %dma_start3A_682 = tpu.memref_squeeze %dma_start3A_681 : memref<1x64xi32, #tpu.memory_space<vmem>> -> memref<64xi32, #tpu.memory_space<vmem>>
        %dma_start3A_683 = arith.constant 0 : i32
        %dma_start3A_684 = tpu.memref_slice %arg4[%add3A_672, %dma_start3A_683] : memref<5120x64xi32, #tpu.memory_space<hbm>> -> memref<1x64xi32, #tpu.memory_space<hbm>>
        %dma_start3A_685 = tpu.memref_squeeze %dma_start3A_684 : memref<1x64xi32, #tpu.memory_space<hbm>> -> memref<64xi32, #tpu.memory_space<hbm>>
        tpu.enqueue_dma source(%dma_start3A_685 : memref<64xi32, #tpu.memory_space<hbm>>) target(%dma_start3A_682 : memref<64xi32, #tpu.memory_space<vmem>>) target_semaphore(%arg25 : memref<!tpu.dma_semaphore, #tpu.memory_space<semaphore_mem>>)
      } else {
      }
      %add3A_648 = arith.constant 4 : i32
      %add3A_649 = arith.addi %add3A_633, %add3A_648 : i32
      %lt3A_650 = arith.cmpi slt, %add3A_649, %select_n3A : i32
      %convert_element_type3A_651 = arith.extui %lt3A_650 : i1 to i32
      %cond3A_652 = arith.constant 0 : i32
      %cond3A_653 = arith.cmpi ne, %convert_element_type3A_651, %cond3A_652 : i32
      scf.if %cond3A_653 {
        %add3A_654 = arith.addi %add3A, %add3A_633 : i32
        %add3A_655 = arith.constant 4 : i32
        %add3A_656 = arith.addi %add3A_654, %add3A_655 : i32
        %dma_wait3A_657 = arith.constant 3 : i32
        %dma_wait3A_658 = arith.constant 0 : i32
        %dma_wait3A_659 = tpu.memref_slice %arg7[%dma_wait3A_657, %dma_wait3A_658] : memref<8x64xi32, #tpu.memory_space<vmem>> -> memref<1x64xi32, #tpu.memory_space<vmem>>
        %dma_wait3A_660 = tpu.memref_squeeze %dma_wait3A_659 : memref<1x64xi32, #tpu.memory_space<vmem>> -> memref<64xi32, #tpu.memory_space<vmem>>
        %dma_wait3A_661 = arith.constant 0 : i32
        %dma_wait3A_662 = tpu.memref_slice %arg3[%add3A_656, %dma_wait3A_661] : memref<5120x64xi32, #tpu.memory_space<hbm>> -> memref<1x64xi32, #tpu.memory_space<hbm>>
        %dma_wait3A_663 = tpu.memref_squeeze %dma_wait3A_662 : memref<1x64xi32, #tpu.memory_space<hbm>> -> memref<64xi32, #tpu.memory_space<hbm>>
        %dma_wait3A_664 = arith.constant 0 : i32
        %dma_wait3A_665 = tpu.memref_slice %arg7[%dma_wait3A_657, %dma_wait3A_664] : memref<8x64xi32, #tpu.memory_space<vmem>> -> memref<1x64xi32, #tpu.memory_space<vmem>>
        %dma_wait3A_666 = tpu.memref_squeeze %dma_wait3A_665 : memref<1x64xi32, #tpu.memory_space<vmem>> -> memref<64xi32, #tpu.memory_space<vmem>>
        %dma_wait3A_667 = arith.constant 0 : i32
        %dma_wait3A_668 = tpu.memref_slice %arg3[%add3A_656, %dma_wait3A_667] : memref<5120x64xi32, #tpu.memory_space<hbm>> -> memref<1x64xi32, #tpu.memory_space<hbm>>
        %dma_wait3A_669 = tpu.memref_squeeze %dma_wait3A_668 : memref<1x64xi32, #tpu.memory_space<hbm>> -> memref<64xi32, #tpu.memory_space<hbm>>
        tpu.wait_dma2 semaphore(%arg21 : memref<!tpu.dma_semaphore, #tpu.memory_space<semaphore_mem>>) src(%dma_wait3A_669 : memref<64xi32, #tpu.memory_space<hbm>>) dst(%dma_wait3A_666 : memref<64xi32, #tpu.memory_space<vmem>>)
        %add3A_670 = arith.addi %add3A, %add3A_633 : i32
        %add3A_671 = arith.constant 4 : i32
        %add3A_672 = arith.addi %add3A_670, %add3A_671 : i32
        %dma_wait3A_673 = arith.constant 3 : i32
        %dma_wait3A_674 = arith.constant 0 : i32
        %dma_wait3A_675 = tpu.memref_slice %arg8[%dma_wait3A_673, %dma_wait3A_674] : memref<8x64xi32, #tpu.memory_space<vmem>> -> memref<1x64xi32, #tpu.memory_space<vmem>>
        %dma_wait3A_676 = tpu.memref_squeeze %dma_wait3A_675 : memref<1x64xi32, #tpu.memory_space<vmem>> -> memref<64xi32, #tpu.memory_space<vmem>>
        %dma_wait3A_677 = arith.constant 0 : i32
        %dma_wait3A_678 = tpu.memref_slice %arg4[%add3A_672, %dma_wait3A_677] : memref<5120x64xi32, #tpu.memory_space<hbm>> -> memref<1x64xi32, #tpu.memory_space<hbm>>
        %dma_wait3A_679 = tpu.memref_squeeze %dma_wait3A_678 : memref<1x64xi32, #tpu.memory_space<hbm>> -> memref<64xi32, #tpu.memory_space<hbm>>
        %dma_wait3A_680 = arith.constant 0 : i32
        %dma_wait3A_681 = tpu.memref_slice %arg8[%dma_wait3A_673, %dma_wait3A_680] : memref<8x64xi32, #tpu.memory_space<vmem>> -> memref<1x64xi32, #tpu.memory_space<vmem>>
        %dma_wait3A_682 = tpu.memref_squeeze %dma_wait3A_681 : memref<1x64xi32, #tpu.memory_space<vmem>> -> memref<64xi32, #tpu.memory_space<vmem>>
        %dma_wait3A_683 = arith.constant 0 : i32
        %dma_wait3A_684 = tpu.memref_slice %arg4[%add3A_672, %dma_wait3A_683] : memref<5120x64xi32, #tpu.memory_space<hbm>> -> memref<1x64xi32, #tpu.memory_space<hbm>>
        %dma_wait3A_685 = tpu.memref_squeeze %dma_wait3A_684 : memref<1x64xi32, #tpu.memory_space<hbm>> -> memref<64xi32, #tpu.memory_space<hbm>>
        tpu.wait_dma2 semaphore(%arg21 : memref<!tpu.dma_semaphore, #tpu.memory_space<semaphore_mem>>) src(%dma_wait3A_685 : memref<64xi32, #tpu.memory_space<hbm>>) dst(%dma_wait3A_682 : memref<64xi32, #tpu.memory_space<vmem>>)
        %dma_start3A_686 = arith.constant 3 : i32
        %dma_start3A_687 = arith.constant 0 : i32
        %dma_start3A_688 = tpu.memref_slice %arg8[%dma_start3A_686, %dma_start3A_687] : memref<8x64xi32, #tpu.memory_space<vmem>> -> memref<1x64xi32, #tpu.memory_space<vmem>>
        %dma_start3A_689 = tpu.memref_squeeze %dma_start3A_688 : memref<1x64xi32, #tpu.memory_space<vmem>> -> memref<64xi32, #tpu.memory_space<vmem>>
        %dma_start3A_690 = arith.constant 0 : i32
        %dma_start3A_691 = arith.constant 0 : i32
        %dma_start3A_692 = tpu.memref_slice %arg2[%dma_start3A_690, %dma_start3A_691] : memref<10000x128xf32, #tpu.memory_space<hbm>> -> memref<10000x128xf32, #tpu.memory_space<hbm>>
        tpu.enqueue_indirect_dma source(%dma_start3A_692 : memref<10000x128xf32, #tpu.memory_space<hbm>>) target(%arg12 : memref<64x128xf32, #tpu.memory_space<vmem>>) offsets(%dma_start3A_689 : memref<64xi32, #tpu.memory_space<vmem>>) semaphore(%arg17 : memref<!tpu.dma_semaphore, #tpu.memory_space<semaphore_mem>>)
      } else {
      }
    }
    %barrier3A_438 = arith.constant 0 : index
    tpu.barrier barrier_id(%barrier3A_438)
    %add3A_439 = arith.constant 0 : i32
    %add3A_440 = arith.addi %mul3A_5, %add3A_439 : i32
    "tpu.region"() ({
      %run_scoped3A = tpu.sem_alloc : memref<!tpu.dma_semaphore, #tpu.memory_space<semaphore_mem>>
      %dma_start3A_479 = arith.constant 0 : i32
      %dma_start3A_480 = arith.constant 0 : i32
      %dma_start3A_481 = tpu.memref_slice %arg9[%dma_start3A_479, %dma_start3A_480] : memref<64x128xf32, #tpu.memory_space<vmem>> -> memref<64x128xf32, #tpu.memory_space<vmem>>
      %dma_start3A_482 = arith.constant 0 : i32
      %dma_start3A_483 = tpu.memref_slice %arg13[%add3A_440, %dma_start3A_482] : memref<10112x128xf32, #tpu.memory_space<vmem_shared>> -> memref<64x128xf32, #tpu.memory_space<vmem_shared>>
      %dma_start3A_484 = arith.constant 0 : i32
      %dma_start3A_485 = arith.constant 0 : i32
      %dma_start3A_486 = tpu.memref_slice %arg9[%dma_start3A_484, %dma_start3A_485] : memref<64x128xf32, #tpu.memory_space<vmem>> -> memref<64x128xf32, #tpu.memory_space<vmem>>
      %dma_start3A_487 = arith.constant 0 : i32
      %dma_start3A_488 = tpu.memref_slice %arg13[%add3A_440, %dma_start3A_487] : memref<10112x128xf32, #tpu.memory_space<vmem_shared>> -> memref<64x128xf32, #tpu.memory_space<vmem_shared>>
      tpu.enqueue_dma source(%dma_start3A_488 : memref<64x128xf32, #tpu.memory_space<vmem_shared>>) target(%dma_start3A_486 : memref<64x128xf32, #tpu.memory_space<vmem>>) target_semaphore(%run_scoped3A : memref<!tpu.dma_semaphore, #tpu.memory_space<semaphore_mem>>)
      %dma_wait3A_489 = arith.constant 0 : i32
      %dma_wait3A_490 = arith.constant 0 : i32
      %dma_wait3A_491 = tpu.memref_slice %arg9[%dma_wait3A_489, %dma_wait3A_490] : memref<64x128xf32, #tpu.memory_space<vmem>> -> memref<64x128xf32, #tpu.memory_space<vmem>>
      %dma_wait3A_492 = arith.constant 0 : i32
      %dma_wait3A_493 = tpu.memref_slice %arg13[%add3A_440, %dma_wait3A_492] : memref<10112x128xf32, #tpu.memory_space<vmem_shared>> -> memref<64x128xf32, #tpu.memory_space<vmem_shared>>
      %dma_wait3A_494 = arith.constant 0 : i32
      %dma_wait3A_495 = arith.constant 0 : i32
      %dma_wait3A_496 = tpu.memref_slice %arg9[%dma_wait3A_494, %dma_wait3A_495] : memref<64x128xf32, #tpu.memory_space<vmem>> -> memref<64x128xf32, #tpu.memory_space<vmem>>
      %dma_wait3A_497 = arith.constant 0 : i32
      %dma_wait3A_498 = tpu.memref_slice %arg13[%add3A_440, %dma_wait3A_497] : memref<10112x128xf32, #tpu.memory_space<vmem_shared>> -> memref<64x128xf32, #tpu.memory_space<vmem_shared>>
      tpu.wait_dma2 semaphore(%run_scoped3A : memref<!tpu.dma_semaphore, #tpu.memory_space<semaphore_mem>>) src(%dma_wait3A_498 : memref<64x128xf32, #tpu.memory_space<vmem_shared>>) dst(%dma_wait3A_496 : memref<64x128xf32, #tpu.memory_space<vmem>>)
      tpu.yield
    }) : () -> ()
    %add3A_441 = arith.constant 0 : i32
    %add3A_442 = arith.addi %mul3A_5, %add3A_441 : i32
    "tpu.region"() ({
      %run_scoped3A = tpu.sem_alloc : memref<!tpu.dma_semaphore, #tpu.memory_space<semaphore_mem>>
      %dma_start3A_479 = arith.constant 0 : i32
      %dma_start3A_480 = arith.constant 0 : i32
      %dma_start3A_481 = tpu.memref_slice %arg9[%dma_start3A_479, %dma_start3A_480] : memref<64x128xf32, #tpu.memory_space<vmem>> -> memref<64x128xf32, #tpu.memory_space<vmem>>
      %dma_start3A_482 = arith.constant 0 : i32
      %dma_start3A_483 = tpu.memref_slice %arg6[%arg0, %add3A_442, %dma_start3A_482] : memref<2x10112x128xf32, #tpu.memory_space<hbm>> -> memref<1x64x128xf32, #tpu.memory_space<hbm>>
      %dma_start3A_484 = tpu.memref_squeeze %dma_start3A_483 : memref<1x64x128xf32, #tpu.memory_space<hbm>> -> memref<64x128xf32, #tpu.memory_space<hbm>>
      %dma_start3A_485 = arith.constant 0 : i32
      %dma_start3A_486 = tpu.memref_slice %arg6[%arg0, %add3A_442, %dma_start3A_485] : memref<2x10112x128xf32, #tpu.memory_space<hbm>> -> memref<1x64x128xf32, #tpu.memory_space<hbm>>
      %dma_start3A_487 = tpu.memref_squeeze %dma_start3A_486 : memref<1x64x128xf32, #tpu.memory_space<hbm>> -> memref<64x128xf32, #tpu.memory_space<hbm>>
      %dma_start3A_488 = arith.constant 0 : i32
      %dma_start3A_489 = arith.constant 0 : i32
      %dma_start3A_490 = tpu.memref_slice %arg9[%dma_start3A_488, %dma_start3A_489] : memref<64x128xf32, #tpu.memory_space<vmem>> -> memref<64x128xf32, #tpu.memory_space<vmem>>
      tpu.enqueue_dma source(%dma_start3A_490 : memref<64x128xf32, #tpu.memory_space<vmem>>) target(%dma_start3A_487 : memref<64x128xf32, #tpu.memory_space<hbm>>) target_semaphore(%run_scoped3A : memref<!tpu.dma_semaphore, #tpu.memory_space<semaphore_mem>>)
      %dma_wait3A_491 = arith.constant 0 : i32
      %dma_wait3A_492 = arith.constant 0 : i32
      %dma_wait3A_493 = tpu.memref_slice %arg9[%dma_wait3A_491, %dma_wait3A_492] : memref<64x128xf32, #tpu.memory_space<vmem>> -> memref<64x128xf32, #tpu.memory_space<vmem>>
      %dma_wait3A_494 = arith.constant 0 : i32
      %dma_wait3A_495 = tpu.memref_slice %arg6[%arg0, %add3A_442, %dma_wait3A_494] : memref<2x10112x128xf32, #tpu.memory_space<hbm>> -> memref<1x64x128xf32, #tpu.memory_space<hbm>>
      %dma_wait3A_496 = tpu.memref_squeeze %dma_wait3A_495 : memref<1x64x128xf32, #tpu.memory_space<hbm>> -> memref<64x128xf32, #tpu.memory_space<hbm>>
      %dma_wait3A_497 = arith.constant 0 : i32
      %dma_wait3A_498 = tpu.memref_slice %arg6[%arg0, %add3A_442, %dma_wait3A_497] : memref<2x10112x128xf32, #tpu.memory_space<hbm>> -> memref<1x64x128xf32, #tpu.memory_space<hbm>>
      %dma_wait3A_499 = tpu.memref_squeeze %dma_wait3A_498 : memref<1x64x128xf32, #tpu.memory_space<hbm>> -> memref<64x128xf32, #tpu.memory_space<hbm>>
      %dma_wait3A_500 = arith.constant 0 : i32
      %dma_wait3A_501 = arith.constant 0 : i32
      %dma_wait3A_502 = tpu.memref_slice %arg9[%dma_wait3A_500, %dma_wait3A_501] : memref<64x128xf32, #tpu.memory_space<vmem>> -> memref<64x128xf32, #tpu.memory_space<vmem>>
      tpu.wait_dma2 semaphore(%run_scoped3A : memref<!tpu.dma_semaphore, #tpu.memory_space<semaphore_mem>>) src(%dma_wait3A_502 : memref<64x128xf32, #tpu.memory_space<vmem>>) dst(%dma_wait3A_499 : memref<64x128xf32, #tpu.memory_space<hbm>>)
      tpu.yield
    }) : () -> ()
    %add3A_443 = arith.constant 64 : i32
    %add3A_444 = arith.addi %mul3A_5, %add3A_443 : i32
    "tpu.region"() ({
      %run_scoped3A = tpu.sem_alloc : memref<!tpu.dma_semaphore, #tpu.memory_space<semaphore_mem>>
      %dma_start3A_479 = arith.constant 0 : i32
      %dma_start3A_480 = arith.constant 0 : i32
      %dma_start3A_481 = tpu.memref_slice %arg9[%dma_start3A_479, %dma_start3A_480] : memref<64x128xf32, #tpu.memory_space<vmem>> -> memref<64x128xf32, #tpu.memory_space<vmem>>
      %dma_start3A_482 = arith.constant 0 : i32
      %dma_start3A_483 = tpu.memref_slice %arg13[%add3A_444, %dma_start3A_482] : memref<10112x128xf32, #tpu.memory_space<vmem_shared>> -> memref<64x128xf32, #tpu.memory_space<vmem_shared>>
      %dma_start3A_484 = arith.constant 0 : i32
      %dma_start3A_485 = arith.constant 0 : i32
      %dma_start3A_486 = tpu.memref_slice %arg9[%dma_start3A_484, %dma_start3A_485] : memref<64x128xf32, #tpu.memory_space<vmem>> -> memref<64x128xf32, #tpu.memory_space<vmem>>
      %dma_start3A_487 = arith.constant 0 : i32
      %dma_start3A_488 = tpu.memref_slice %arg13[%add3A_444, %dma_start3A_487] : memref<10112x128xf32, #tpu.memory_space<vmem_shared>> -> memref<64x128xf32, #tpu.memory_space<vmem_shared>>
      tpu.enqueue_dma source(%dma_start3A_488 : memref<64x128xf32, #tpu.memory_space<vmem_shared>>) target(%dma_start3A_486 : memref<64x128xf32, #tpu.memory_space<vmem>>) target_semaphore(%run_scoped3A : memref<!tpu.dma_semaphore, #tpu.memory_space<semaphore_mem>>)
      %dma_wait3A_489 = arith.constant 0 : i32
      %dma_wait3A_490 = arith.constant 0 : i32
      %dma_wait3A_491 = tpu.memref_slice %arg9[%dma_wait3A_489, %dma_wait3A_490] : memref<64x128xf32, #tpu.memory_space<vmem>> -> memref<64x128xf32, #tpu.memory_space<vmem>>
      %dma_wait3A_492 = arith.constant 0 : i32
      %dma_wait3A_493 = tpu.memref_slice %arg13[%add3A_444, %dma_wait3A_492] : memref<10112x128xf32, #tpu.memory_space<vmem_shared>> -> memref<64x128xf32, #tpu.memory_space<vmem_shared>>
      %dma_wait3A_494 = arith.constant 0 : i32
      %dma_wait3A_495 = arith.constant 0 : i32
      %dma_wait3A_496 = tpu.memref_slice %arg9[%dma_wait3A_494, %dma_wait3A_495] : memref<64x128xf32, #tpu.memory_space<vmem>> -> memref<64x128xf32, #tpu.memory_space<vmem>>
      %dma_wait3A_497 = arith.constant 0 : i32
      %dma_wait3A_498 = tpu.memref_slice %arg13[%add3A_444, %dma_wait3A_497] : memref<10112x128xf32, #tpu.memory_space<vmem_shared>> -> memref<64x128xf32, #tpu.memory_space<vmem_shared>>
      tpu.wait_dma2 semaphore(%run_scoped3A : memref<!tpu.dma_semaphore, #tpu.memory_space<semaphore_mem>>) src(%dma_wait3A_498 : memref<64x128xf32, #tpu.memory_space<vmem_shared>>) dst(%dma_wait3A_496 : memref<64x128xf32, #tpu.memory_space<vmem>>)
      tpu.yield
    }) : () -> ()
    %add3A_445 = arith.constant 64 : i32
    %add3A_446 = arith.addi %mul3A_5, %add3A_445 : i32
    "tpu.region"() ({
      %run_scoped3A = tpu.sem_alloc : memref<!tpu.dma_semaphore, #tpu.memory_space<semaphore_mem>>
      %dma_start3A_479 = arith.constant 0 : i32
      %dma_start3A_480 = arith.constant 0 : i32
      %dma_start3A_481 = tpu.memref_slice %arg9[%dma_start3A_479, %dma_start3A_480] : memref<64x128xf32, #tpu.memory_space<vmem>> -> memref<64x128xf32, #tpu.memory_space<vmem>>
      %dma_start3A_482 = arith.constant 0 : i32
      %dma_start3A_483 = tpu.memref_slice %arg6[%arg0, %add3A_446, %dma_start3A_482] : memref<2x10112x128xf32, #tpu.memory_space<hbm>> -> memref<1x64x128xf32, #tpu.memory_space<hbm>>
      %dma_start3A_484 = tpu.memref_squeeze %dma_start3A_483 : memref<1x64x128xf32, #tpu.memory_space<hbm>> -> memref<64x128xf32, #tpu.memory_space<hbm>>
      %dma_start3A_485 = arith.constant 0 : i32
      %dma_start3A_486 = tpu.memref_slice %arg6[%arg0, %add3A_446, %dma_start3A_485] : memref<2x10112x128xf32, #tpu.memory_space<hbm>> -> memref<1x64x128xf32, #tpu.memory_space<hbm>>
      %dma_start3A_487 = tpu.memref_squeeze %dma_start3A_486 : memref<1x64x128xf32, #tpu.memory_space<hbm>> -> memref<64x128xf32, #tpu.memory_space<hbm>>
      %dma_start3A_488 = arith.constant 0 : i32
      %dma_start3A_489 = arith.constant 0 : i32
      %dma_start3A_490 = tpu.memref_slice %arg9[%dma_start3A_488, %dma_start3A_489] : memref<64x128xf32, #tpu.memory_space<vmem>> -> memref<64x128xf32, #tpu.memory_space<vmem>>
      tpu.enqueue_dma source(%dma_start3A_490 : memref<64x128xf32, #tpu.memory_space<vmem>>) target(%dma_start3A_487 : memref<64x128xf32, #tpu.memory_space<hbm>>) target_semaphore(%run_scoped3A : memref<!tpu.dma_semaphore, #tpu.memory_space<semaphore_mem>>)
      %dma_wait3A_491 = arith.constant 0 : i32
      %dma_wait3A_492 = arith.constant 0 : i32
      %dma_wait3A_493 = tpu.memref_slice %arg9[%dma_wait3A_491, %dma_wait3A_492] : memref<64x128xf32, #tpu.memory_space<vmem>> -> memref<64x128xf32, #tpu.memory_space<vmem>>
      %dma_wait3A_494 = arith.constant 0 : i32
      %dma_wait3A_495 = tpu.memref_slice %arg6[%arg0, %add3A_446, %dma_wait3A_494] : memref<2x10112x128xf32, #tpu.memory_space<hbm>> -> memref<1x64x128xf32, #tpu.memory_space<hbm>>
      %dma_wait3A_496 = tpu.memref_squeeze %dma_wait3A_495 : memref<1x64x128xf32, #tpu.memory_space<hbm>> -> memref<64x128xf32, #tpu.memory_space<hbm>>
      %dma_wait3A_497 = arith.constant 0 : i32
      %dma_wait3A_498 = tpu.memref_slice %arg6[%arg0, %add3A_446, %dma_wait3A_497] : memref<2x10112x128xf32, #tpu.memory_space<hbm>> -> memref<1x64x128xf32, #tpu.memory_space<hbm>>
      %dma_wait3A_499 = tpu.memref_squeeze %dma_wait3A_498 : memref<1x64x128xf32, #tpu.memory_space<hbm>> -> memref<64x128xf32, #tpu.memory_space<hbm>>
      %dma_wait3A_500 = arith.constant 0 : i32
      %dma_wait3A_501 = arith.constant 0 : i32
      %dma_wait3A_502 = tpu.memref_slice %arg9[%dma_wait3A_500, %dma_wait3A_501] : memref<64x128xf32, #tpu.memory_space<vmem>> -> memref<64x128xf32, #tpu.memory_space<vmem>>
      tpu.wait_dma2 semaphore(%run_scoped3A : memref<!tpu.dma_semaphore, #tpu.memory_space<semaphore_mem>>) src(%dma_wait3A_502 : memref<64x128xf32, #tpu.memory_space<vmem>>) dst(%dma_wait3A_499 : memref<64x128xf32, #tpu.memory_space<hbm>>)
      tpu.yield
    }) : () -> ()
    %add3A_447 = arith.constant 128 : i32
    %add3A_448 = arith.addi %mul3A_5, %add3A_447 : i32
    "tpu.region"() ({
      %run_scoped3A = tpu.sem_alloc : memref<!tpu.dma_semaphore, #tpu.memory_space<semaphore_mem>>
      %dma_start3A_479 = arith.constant 0 : i32
      %dma_start3A_480 = arith.constant 0 : i32
      %dma_start3A_481 = tpu.memref_slice %arg9[%dma_start3A_479, %dma_start3A_480] : memref<64x128xf32, #tpu.memory_space<vmem>> -> memref<64x128xf32, #tpu.memory_space<vmem>>
      %dma_start3A_482 = arith.constant 0 : i32
      %dma_start3A_483 = tpu.memref_slice %arg13[%add3A_448, %dma_start3A_482] : memref<10112x128xf32, #tpu.memory_space<vmem_shared>> -> memref<64x128xf32, #tpu.memory_space<vmem_shared>>
      %dma_start3A_484 = arith.constant 0 : i32
      %dma_start3A_485 = arith.constant 0 : i32
      %dma_start3A_486 = tpu.memref_slice %arg9[%dma_start3A_484, %dma_start3A_485] : memref<64x128xf32, #tpu.memory_space<vmem>> -> memref<64x128xf32, #tpu.memory_space<vmem>>
      %dma_start3A_487 = arith.constant 0 : i32
      %dma_start3A_488 = tpu.memref_slice %arg13[%add3A_448, %dma_start3A_487] : memref<10112x128xf32, #tpu.memory_space<vmem_shared>> -> memref<64x128xf32, #tpu.memory_space<vmem_shared>>
      tpu.enqueue_dma source(%dma_start3A_488 : memref<64x128xf32, #tpu.memory_space<vmem_shared>>) target(%dma_start3A_486 : memref<64x128xf32, #tpu.memory_space<vmem>>) target_semaphore(%run_scoped3A : memref<!tpu.dma_semaphore, #tpu.memory_space<semaphore_mem>>)
      %dma_wait3A_489 = arith.constant 0 : i32
      %dma_wait3A_490 = arith.constant 0 : i32
      %dma_wait3A_491 = tpu.memref_slice %arg9[%dma_wait3A_489, %dma_wait3A_490] : memref<64x128xf32, #tpu.memory_space<vmem>> -> memref<64x128xf32, #tpu.memory_space<vmem>>
      %dma_wait3A_492 = arith.constant 0 : i32
      %dma_wait3A_493 = tpu.memref_slice %arg13[%add3A_448, %dma_wait3A_492] : memref<10112x128xf32, #tpu.memory_space<vmem_shared>> -> memref<64x128xf32, #tpu.memory_space<vmem_shared>>
      %dma_wait3A_494 = arith.constant 0 : i32
      %dma_wait3A_495 = arith.constant 0 : i32
      %dma_wait3A_496 = tpu.memref_slice %arg9[%dma_wait3A_494, %dma_wait3A_495] : memref<64x128xf32, #tpu.memory_space<vmem>> -> memref<64x128xf32, #tpu.memory_space<vmem>>
      %dma_wait3A_497 = arith.constant 0 : i32
      %dma_wait3A_498 = tpu.memref_slice %arg13[%add3A_448, %dma_wait3A_497] : memref<10112x128xf32, #tpu.memory_space<vmem_shared>> -> memref<64x128xf32, #tpu.memory_space<vmem_shared>>
      tpu.wait_dma2 semaphore(%run_scoped3A : memref<!tpu.dma_semaphore, #tpu.memory_space<semaphore_mem>>) src(%dma_wait3A_498 : memref<64x128xf32, #tpu.memory_space<vmem_shared>>) dst(%dma_wait3A_496 : memref<64x128xf32, #tpu.memory_space<vmem>>)
      tpu.yield
    }) : () -> ()
    %add3A_449 = arith.constant 128 : i32
    %add3A_450 = arith.addi %mul3A_5, %add3A_449 : i32
    "tpu.region"() ({
      %run_scoped3A = tpu.sem_alloc : memref<!tpu.dma_semaphore, #tpu.memory_space<semaphore_mem>>
      %dma_start3A_479 = arith.constant 0 : i32
      %dma_start3A_480 = arith.constant 0 : i32
      %dma_start3A_481 = tpu.memref_slice %arg9[%dma_start3A_479, %dma_start3A_480] : memref<64x128xf32, #tpu.memory_space<vmem>> -> memref<64x128xf32, #tpu.memory_space<vmem>>
      %dma_start3A_482 = arith.constant 0 : i32
      %dma_start3A_483 = tpu.memref_slice %arg6[%arg0, %add3A_450, %dma_start3A_482] : memref<2x10112x128xf32, #tpu.memory_space<hbm>> -> memref<1x64x128xf32, #tpu.memory_space<hbm>>
      %dma_start3A_484 = tpu.memref_squeeze %dma_start3A_483 : memref<1x64x128xf32, #tpu.memory_space<hbm>> -> memref<64x128xf32, #tpu.memory_space<hbm>>
      %dma_start3A_485 = arith.constant 0 : i32
      %dma_start3A_486 = tpu.memref_slice %arg6[%arg0, %add3A_450, %dma_start3A_485] : memref<2x10112x128xf32, #tpu.memory_space<hbm>> -> memref<1x64x128xf32, #tpu.memory_space<hbm>>
      %dma_start3A_487 = tpu.memref_squeeze %dma_start3A_486 : memref<1x64x128xf32, #tpu.memory_space<hbm>> -> memref<64x128xf32, #tpu.memory_space<hbm>>
      %dma_start3A_488 = arith.constant 0 : i32
      %dma_start3A_489 = arith.constant 0 : i32
      %dma_start3A_490 = tpu.memref_slice %arg9[%dma_start3A_488, %dma_start3A_489] : memref<64x128xf32, #tpu.memory_space<vmem>> -> memref<64x128xf32, #tpu.memory_space<vmem>>
      tpu.enqueue_dma source(%dma_start3A_490 : memref<64x128xf32, #tpu.memory_space<vmem>>) target(%dma_start3A_487 : memref<64x128xf32, #tpu.memory_space<hbm>>) target_semaphore(%run_scoped3A : memref<!tpu.dma_semaphore, #tpu.memory_space<semaphore_mem>>)
      %dma_wait3A_491 = arith.constant 0 : i32
      %dma_wait3A_492 = arith.constant 0 : i32
      %dma_wait3A_493 = tpu.memref_slice %arg9[%dma_wait3A_491, %dma_wait3A_492] : memref<64x128xf32, #tpu.memory_space<vmem>> -> memref<64x128xf32, #tpu.memory_space<vmem>>
      %dma_wait3A_494 = arith.constant 0 : i32
      %dma_wait3A_495 = tpu.memref_slice %arg6[%arg0, %add3A_450, %dma_wait3A_494] : memref<2x10112x128xf32, #tpu.memory_space<hbm>> -> memref<1x64x128xf32, #tpu.memory_space<hbm>>
      %dma_wait3A_496 = tpu.memref_squeeze %dma_wait3A_495 : memref<1x64x128xf32, #tpu.memory_space<hbm>> -> memref<64x128xf32, #tpu.memory_space<hbm>>
      %dma_wait3A_497 = arith.constant 0 : i32
      %dma_wait3A_498 = tpu.memref_slice %arg6[%arg0, %add3A_450, %dma_wait3A_497] : memref<2x10112x128xf32, #tpu.memory_space<hbm>> -> memref<1x64x128xf32, #tpu.memory_space<hbm>>
      %dma_wait3A_499 = tpu.memref_squeeze %dma_wait3A_498 : memref<1x64x128xf32, #tpu.memory_space<hbm>> -> memref<64x128xf32, #tpu.memory_space<hbm>>
      %dma_wait3A_500 = arith.constant 0 : i32
      %dma_wait3A_501 = arith.constant 0 : i32
      %dma_wait3A_502 = tpu.memref_slice %arg9[%dma_wait3A_500, %dma_wait3A_501] : memref<64x128xf32, #tpu.memory_space<vmem>> -> memref<64x128xf32, #tpu.memory_space<vmem>>
      tpu.wait_dma2 semaphore(%run_scoped3A : memref<!tpu.dma_semaphore, #tpu.memory_space<semaphore_mem>>) src(%dma_wait3A_502 : memref<64x128xf32, #tpu.memory_space<vmem>>) dst(%dma_wait3A_499 : memref<64x128xf32, #tpu.memory_space<hbm>>)
      tpu.yield
    }) : () -> ()
    %add3A_451 = arith.constant 192 : i32
    %add3A_452 = arith.addi %mul3A_5, %add3A_451 : i32
    "tpu.region"() ({
      %run_scoped3A = tpu.sem_alloc : memref<!tpu.dma_semaphore, #tpu.memory_space<semaphore_mem>>
      %dma_start3A_479 = arith.constant 0 : i32
      %dma_start3A_480 = arith.constant 0 : i32
      %dma_start3A_481 = tpu.memref_slice %arg9[%dma_start3A_479, %dma_start3A_480] : memref<64x128xf32, #tpu.memory_space<vmem>> -> memref<64x128xf32, #tpu.memory_space<vmem>>
      %dma_start3A_482 = arith.constant 0 : i32
      %dma_start3A_483 = tpu.memref_slice %arg13[%add3A_452, %dma_start3A_482] : memref<10112x128xf32, #tpu.memory_space<vmem_shared>> -> memref<64x128xf32, #tpu.memory_space<vmem_shared>>
      %dma_start3A_484 = arith.constant 0 : i32
      %dma_start3A_485 = arith.constant 0 : i32
      %dma_start3A_486 = tpu.memref_slice %arg9[%dma_start3A_484, %dma_start3A_485] : memref<64x128xf32, #tpu.memory_space<vmem>> -> memref<64x128xf32, #tpu.memory_space<vmem>>
      %dma_start3A_487 = arith.constant 0 : i32
      %dma_start3A_488 = tpu.memref_slice %arg13[%add3A_452, %dma_start3A_487] : memref<10112x128xf32, #tpu.memory_space<vmem_shared>> -> memref<64x128xf32, #tpu.memory_space<vmem_shared>>
      tpu.enqueue_dma source(%dma_start3A_488 : memref<64x128xf32, #tpu.memory_space<vmem_shared>>) target(%dma_start3A_486 : memref<64x128xf32, #tpu.memory_space<vmem>>) target_semaphore(%run_scoped3A : memref<!tpu.dma_semaphore, #tpu.memory_space<semaphore_mem>>)
      %dma_wait3A_489 = arith.constant 0 : i32
      %dma_wait3A_490 = arith.constant 0 : i32
      %dma_wait3A_491 = tpu.memref_slice %arg9[%dma_wait3A_489, %dma_wait3A_490] : memref<64x128xf32, #tpu.memory_space<vmem>> -> memref<64x128xf32, #tpu.memory_space<vmem>>
      %dma_wait3A_492 = arith.constant 0 : i32
      %dma_wait3A_493 = tpu.memref_slice %arg13[%add3A_452, %dma_wait3A_492] : memref<10112x128xf32, #tpu.memory_space<vmem_shared>> -> memref<64x128xf32, #tpu.memory_space<vmem_shared>>
      %dma_wait3A_494 = arith.constant 0 : i32
      %dma_wait3A_495 = arith.constant 0 : i32
      %dma_wait3A_496 = tpu.memref_slice %arg9[%dma_wait3A_494, %dma_wait3A_495] : memref<64x128xf32, #tpu.memory_space<vmem>> -> memref<64x128xf32, #tpu.memory_space<vmem>>
      %dma_wait3A_497 = arith.constant 0 : i32
      %dma_wait3A_498 = tpu.memref_slice %arg13[%add3A_452, %dma_wait3A_497] : memref<10112x128xf32, #tpu.memory_space<vmem_shared>> -> memref<64x128xf32, #tpu.memory_space<vmem_shared>>
      tpu.wait_dma2 semaphore(%run_scoped3A : memref<!tpu.dma_semaphore, #tpu.memory_space<semaphore_mem>>) src(%dma_wait3A_498 : memref<64x128xf32, #tpu.memory_space<vmem_shared>>) dst(%dma_wait3A_496 : memref<64x128xf32, #tpu.memory_space<vmem>>)
      tpu.yield
    }) : () -> ()
    %add3A_453 = arith.constant 192 : i32
    %add3A_454 = arith.addi %mul3A_5, %add3A_453 : i32
    "tpu.region"() ({
      %run_scoped3A = tpu.sem_alloc : memref<!tpu.dma_semaphore, #tpu.memory_space<semaphore_mem>>
      %dma_start3A_479 = arith.constant 0 : i32
      %dma_start3A_480 = arith.constant 0 : i32
      %dma_start3A_481 = tpu.memref_slice %arg9[%dma_start3A_479, %dma_start3A_480] : memref<64x128xf32, #tpu.memory_space<vmem>> -> memref<64x128xf32, #tpu.memory_space<vmem>>
      %dma_start3A_482 = arith.constant 0 : i32
      %dma_start3A_483 = tpu.memref_slice %arg6[%arg0, %add3A_454, %dma_start3A_482] : memref<2x10112x128xf32, #tpu.memory_space<hbm>> -> memref<1x64x128xf32, #tpu.memory_space<hbm>>
      %dma_start3A_484 = tpu.memref_squeeze %dma_start3A_483 : memref<1x64x128xf32, #tpu.memory_space<hbm>> -> memref<64x128xf32, #tpu.memory_space<hbm>>
      %dma_start3A_485 = arith.constant 0 : i32
      %dma_start3A_486 = tpu.memref_slice %arg6[%arg0, %add3A_454, %dma_start3A_485] : memref<2x10112x128xf32, #tpu.memory_space<hbm>> -> memref<1x64x128xf32, #tpu.memory_space<hbm>>
      %dma_start3A_487 = tpu.memref_squeeze %dma_start3A_486 : memref<1x64x128xf32, #tpu.memory_space<hbm>> -> memref<64x128xf32, #tpu.memory_space<hbm>>
      %dma_start3A_488 = arith.constant 0 : i32
      %dma_start3A_489 = arith.constant 0 : i32
      %dma_start3A_490 = tpu.memref_slice %arg9[%dma_start3A_488, %dma_start3A_489] : memref<64x128xf32, #tpu.memory_space<vmem>> -> memref<64x128xf32, #tpu.memory_space<vmem>>
      tpu.enqueue_dma source(%dma_start3A_490 : memref<64x128xf32, #tpu.memory_space<vmem>>) target(%dma_start3A_487 : memref<64x128xf32, #tpu.memory_space<hbm>>) target_semaphore(%run_scoped3A : memref<!tpu.dma_semaphore, #tpu.memory_space<semaphore_mem>>)
      %dma_wait3A_491 = arith.constant 0 : i32
      %dma_wait3A_492 = arith.constant 0 : i32
      %dma_wait3A_493 = tpu.memref_slice %arg9[%dma_wait3A_491, %dma_wait3A_492] : memref<64x128xf32, #tpu.memory_space<vmem>> -> memref<64x128xf32, #tpu.memory_space<vmem>>
      %dma_wait3A_494 = arith.constant 0 : i32
      %dma_wait3A_495 = tpu.memref_slice %arg6[%arg0, %add3A_454, %dma_wait3A_494] : memref<2x10112x128xf32, #tpu.memory_space<hbm>> -> memref<1x64x128xf32, #tpu.memory_space<hbm>>
      %dma_wait3A_496 = tpu.memref_squeeze %dma_wait3A_495 : memref<1x64x128xf32, #tpu.memory_space<hbm>> -> memref<64x128xf32, #tpu.memory_space<hbm>>
      %dma_wait3A_497 = arith.constant 0 : i32
      %dma_wait3A_498 = tpu.memref_slice %arg6[%arg0, %add3A_454, %dma_wait3A_497] : memref<2x10112x128xf32, #tpu.memory_space<hbm>> -> memref<1x64x128xf32, #tpu.memory_space<hbm>>
      %dma_wait3A_499 = tpu.memref_squeeze %dma_wait3A_498 : memref<1x64x128xf32, #tpu.memory_space<hbm>> -> memref<64x128xf32, #tpu.memory_space<hbm>>
      %dma_wait3A_500 = arith.constant 0 : i32
      %dma_wait3A_501 = arith.constant 0 : i32
      %dma_wait3A_502 = tpu.memref_slice %arg9[%dma_wait3A_500, %dma_wait3A_501] : memref<64x128xf32, #tpu.memory_space<vmem>> -> memref<64x128xf32, #tpu.memory_space<vmem>>
      tpu.wait_dma2 semaphore(%run_scoped3A : memref<!tpu.dma_semaphore, #tpu.memory_space<semaphore_mem>>) src(%dma_wait3A_502 : memref<64x128xf32, #tpu.memory_space<vmem>>) dst(%dma_wait3A_499 : memref<64x128xf32, #tpu.memory_space<hbm>>)
      tpu.yield
    }) : () -> ()
    %add3A_455 = arith.constant 256 : i32
    %add3A_456 = arith.addi %mul3A_5, %add3A_455 : i32
    "tpu.region"() ({
      %run_scoped3A = tpu.sem_alloc : memref<!tpu.dma_semaphore, #tpu.memory_space<semaphore_mem>>
      %dma_start3A_479 = arith.constant 0 : i32
      %dma_start3A_480 = arith.constant 0 : i32
      %dma_start3A_481 = tpu.memref_slice %arg9[%dma_start3A_479, %dma_start3A_480] : memref<64x128xf32, #tpu.memory_space<vmem>> -> memref<64x128xf32, #tpu.memory_space<vmem>>
      %dma_start3A_482 = arith.constant 0 : i32
      %dma_start3A_483 = tpu.memref_slice %arg13[%add3A_456, %dma_start3A_482] : memref<10112x128xf32, #tpu.memory_space<vmem_shared>> -> memref<64x128xf32, #tpu.memory_space<vmem_shared>>
      %dma_start3A_484 = arith.constant 0 : i32
      %dma_start3A_485 = arith.constant 0 : i32
      %dma_start3A_486 = tpu.memref_slice %arg9[%dma_start3A_484, %dma_start3A_485] : memref<64x128xf32, #tpu.memory_space<vmem>> -> memref<64x128xf32, #tpu.memory_space<vmem>>
      %dma_start3A_487 = arith.constant 0 : i32
      %dma_start3A_488 = tpu.memref_slice %arg13[%add3A_456, %dma_start3A_487] : memref<10112x128xf32, #tpu.memory_space<vmem_shared>> -> memref<64x128xf32, #tpu.memory_space<vmem_shared>>
      tpu.enqueue_dma source(%dma_start3A_488 : memref<64x128xf32, #tpu.memory_space<vmem_shared>>) target(%dma_start3A_486 : memref<64x128xf32, #tpu.memory_space<vmem>>) target_semaphore(%run_scoped3A : memref<!tpu.dma_semaphore, #tpu.memory_space<semaphore_mem>>)
      %dma_wait3A_489 = arith.constant 0 : i32
      %dma_wait3A_490 = arith.constant 0 : i32
      %dma_wait3A_491 = tpu.memref_slice %arg9[%dma_wait3A_489, %dma_wait3A_490] : memref<64x128xf32, #tpu.memory_space<vmem>> -> memref<64x128xf32, #tpu.memory_space<vmem>>
      %dma_wait3A_492 = arith.constant 0 : i32
      %dma_wait3A_493 = tpu.memref_slice %arg13[%add3A_456, %dma_wait3A_492] : memref<10112x128xf32, #tpu.memory_space<vmem_shared>> -> memref<64x128xf32, #tpu.memory_space<vmem_shared>>
      %dma_wait3A_494 = arith.constant 0 : i32
      %dma_wait3A_495 = arith.constant 0 : i32
      %dma_wait3A_496 = tpu.memref_slice %arg9[%dma_wait3A_494, %dma_wait3A_495] : memref<64x128xf32, #tpu.memory_space<vmem>> -> memref<64x128xf32, #tpu.memory_space<vmem>>
      %dma_wait3A_497 = arith.constant 0 : i32
      %dma_wait3A_498 = tpu.memref_slice %arg13[%add3A_456, %dma_wait3A_497] : memref<10112x128xf32, #tpu.memory_space<vmem_shared>> -> memref<64x128xf32, #tpu.memory_space<vmem_shared>>
      tpu.wait_dma2 semaphore(%run_scoped3A : memref<!tpu.dma_semaphore, #tpu.memory_space<semaphore_mem>>) src(%dma_wait3A_498 : memref<64x128xf32, #tpu.memory_space<vmem_shared>>) dst(%dma_wait3A_496 : memref<64x128xf32, #tpu.memory_space<vmem>>)
      tpu.yield
    }) : () -> ()
    %add3A_457 = arith.constant 256 : i32
    %add3A_458 = arith.addi %mul3A_5, %add3A_457 : i32
    "tpu.region"() ({
      %run_scoped3A = tpu.sem_alloc : memref<!tpu.dma_semaphore, #tpu.memory_space<semaphore_mem>>
      %dma_start3A_479 = arith.constant 0 : i32
      %dma_start3A_480 = arith.constant 0 : i32
      %dma_start3A_481 = tpu.memref_slice %arg9[%dma_start3A_479, %dma_start3A_480] : memref<64x128xf32, #tpu.memory_space<vmem>> -> memref<64x128xf32, #tpu.memory_space<vmem>>
      %dma_start3A_482 = arith.constant 0 : i32
      %dma_start3A_483 = tpu.memref_slice %arg6[%arg0, %add3A_458, %dma_start3A_482] : memref<2x10112x128xf32, #tpu.memory_space<hbm>> -> memref<1x64x128xf32, #tpu.memory_space<hbm>>
      %dma_start3A_484 = tpu.memref_squeeze %dma_start3A_483 : memref<1x64x128xf32, #tpu.memory_space<hbm>> -> memref<64x128xf32, #tpu.memory_space<hbm>>
      %dma_start3A_485 = arith.constant 0 : i32
      %dma_start3A_486 = tpu.memref_slice %arg6[%arg0, %add3A_458, %dma_start3A_485] : memref<2x10112x128xf32, #tpu.memory_space<hbm>> -> memref<1x64x128xf32, #tpu.memory_space<hbm>>
      %dma_start3A_487 = tpu.memref_squeeze %dma_start3A_486 : memref<1x64x128xf32, #tpu.memory_space<hbm>> -> memref<64x128xf32, #tpu.memory_space<hbm>>
      %dma_start3A_488 = arith.constant 0 : i32
      %dma_start3A_489 = arith.constant 0 : i32
      %dma_start3A_490 = tpu.memref_slice %arg9[%dma_start3A_488, %dma_start3A_489] : memref<64x128xf32, #tpu.memory_space<vmem>> -> memref<64x128xf32, #tpu.memory_space<vmem>>
      tpu.enqueue_dma source(%dma_start3A_490 : memref<64x128xf32, #tpu.memory_space<vmem>>) target(%dma_start3A_487 : memref<64x128xf32, #tpu.memory_space<hbm>>) target_semaphore(%run_scoped3A : memref<!tpu.dma_semaphore, #tpu.memory_space<semaphore_mem>>)
      %dma_wait3A_491 = arith.constant 0 : i32
      %dma_wait3A_492 = arith.constant 0 : i32
      %dma_wait3A_493 = tpu.memref_slice %arg9[%dma_wait3A_491, %dma_wait3A_492] : memref<64x128xf32, #tpu.memory_space<vmem>> -> memref<64x128xf32, #tpu.memory_space<vmem>>
      %dma_wait3A_494 = arith.constant 0 : i32
      %dma_wait3A_495 = tpu.memref_slice %arg6[%arg0, %add3A_458, %dma_wait3A_494] : memref<2x10112x128xf32, #tpu.memory_space<hbm>> -> memref<1x64x128xf32, #tpu.memory_space<hbm>>
      %dma_wait3A_496 = tpu.memref_squeeze %dma_wait3A_495 : memref<1x64x128xf32, #tpu.memory_space<hbm>> -> memref<64x128xf32, #tpu.memory_space<hbm>>
      %dma_wait3A_497 = arith.constant 0 : i32
      %dma_wait3A_498 = tpu.memref_slice %arg6[%arg0, %add3A_458, %dma_wait3A_497] : memref<2x10112x128xf32, #tpu.memory_space<hbm>> -> memref<1x64x128xf32, #tpu.memory_space<hbm>>
      %dma_wait3A_499 = tpu.memref_squeeze %dma_wait3A_498 : memref<1x64x128xf32, #tpu.memory_space<hbm>> -> memref<64x128xf32, #tpu.memory_space<hbm>>
      %dma_wait3A_500 = arith.constant 0 : i32
      %dma_wait3A_501 = arith.constant 0 : i32
      %dma_wait3A_502 = tpu.memref_slice %arg9[%dma_wait3A_500, %dma_wait3A_501] : memref<64x128xf32, #tpu.memory_space<vmem>> -> memref<64x128xf32, #tpu.memory_space<vmem>>
      tpu.wait_dma2 semaphore(%run_scoped3A : memref<!tpu.dma_semaphore, #tpu.memory_space<semaphore_mem>>) src(%dma_wait3A_502 : memref<64x128xf32, #tpu.memory_space<vmem>>) dst(%dma_wait3A_499 : memref<64x128xf32, #tpu.memory_space<hbm>>)
      tpu.yield
    }) : () -> ()
    %add3A_459 = arith.constant 320 : i32
    %add3A_460 = arith.addi %mul3A_5, %add3A_459 : i32
    "tpu.region"() ({
      %run_scoped3A = tpu.sem_alloc : memref<!tpu.dma_semaphore, #tpu.memory_space<semaphore_mem>>
      %dma_start3A_479 = arith.constant 0 : i32
      %dma_start3A_480 = arith.constant 0 : i32
      %dma_start3A_481 = tpu.memref_slice %arg9[%dma_start3A_479, %dma_start3A_480] : memref<64x128xf32, #tpu.memory_space<vmem>> -> memref<64x128xf32, #tpu.memory_space<vmem>>
      %dma_start3A_482 = arith.constant 0 : i32
      %dma_start3A_483 = tpu.memref_slice %arg13[%add3A_460, %dma_start3A_482] : memref<10112x128xf32, #tpu.memory_space<vmem_shared>> -> memref<64x128xf32, #tpu.memory_space<vmem_shared>>
      %dma_start3A_484 = arith.constant 0 : i32
      %dma_start3A_485 = arith.constant 0 : i32
      %dma_start3A_486 = tpu.memref_slice %arg9[%dma_start3A_484, %dma_start3A_485] : memref<64x128xf32, #tpu.memory_space<vmem>> -> memref<64x128xf32, #tpu.memory_space<vmem>>
      %dma_start3A_487 = arith.constant 0 : i32
      %dma_start3A_488 = tpu.memref_slice %arg13[%add3A_460, %dma_start3A_487] : memref<10112x128xf32, #tpu.memory_space<vmem_shared>> -> memref<64x128xf32, #tpu.memory_space<vmem_shared>>
      tpu.enqueue_dma source(%dma_start3A_488 : memref<64x128xf32, #tpu.memory_space<vmem_shared>>) target(%dma_start3A_486 : memref<64x128xf32, #tpu.memory_space<vmem>>) target_semaphore(%run_scoped3A : memref<!tpu.dma_semaphore, #tpu.memory_space<semaphore_mem>>)
      %dma_wait3A_489 = arith.constant 0 : i32
      %dma_wait3A_490 = arith.constant 0 : i32
      %dma_wait3A_491 = tpu.memref_slice %arg9[%dma_wait3A_489, %dma_wait3A_490] : memref<64x128xf32, #tpu.memory_space<vmem>> -> memref<64x128xf32, #tpu.memory_space<vmem>>
      %dma_wait3A_492 = arith.constant 0 : i32
      %dma_wait3A_493 = tpu.memref_slice %arg13[%add3A_460, %dma_wait3A_492] : memref<10112x128xf32, #tpu.memory_space<vmem_shared>> -> memref<64x128xf32, #tpu.memory_space<vmem_shared>>
      %dma_wait3A_494 = arith.constant 0 : i32
      %dma_wait3A_495 = arith.constant 0 : i32
      %dma_wait3A_496 = tpu.memref_slice %arg9[%dma_wait3A_494, %dma_wait3A_495] : memref<64x128xf32, #tpu.memory_space<vmem>> -> memref<64x128xf32, #tpu.memory_space<vmem>>
      %dma_wait3A_497 = arith.constant 0 : i32
      %dma_wait3A_498 = tpu.memref_slice %arg13[%add3A_460, %dma_wait3A_497] : memref<10112x128xf32, #tpu.memory_space<vmem_shared>> -> memref<64x128xf32, #tpu.memory_space<vmem_shared>>
      tpu.wait_dma2 semaphore(%run_scoped3A : memref<!tpu.dma_semaphore, #tpu.memory_space<semaphore_mem>>) src(%dma_wait3A_498 : memref<64x128xf32, #tpu.memory_space<vmem_shared>>) dst(%dma_wait3A_496 : memref<64x128xf32, #tpu.memory_space<vmem>>)
      tpu.yield
    }) : () -> ()
    %add3A_461 = arith.constant 320 : i32
    %add3A_462 = arith.addi %mul3A_5, %add3A_461 : i32
    "tpu.region"() ({
      %run_scoped3A = tpu.sem_alloc : memref<!tpu.dma_semaphore, #tpu.memory_space<semaphore_mem>>
      %dma_start3A_479 = arith.constant 0 : i32
      %dma_start3A_480 = arith.constant 0 : i32
      %dma_start3A_481 = tpu.memref_slice %arg9[%dma_start3A_479, %dma_start3A_480] : memref<64x128xf32, #tpu.memory_space<vmem>> -> memref<64x128xf32, #tpu.memory_space<vmem>>
      %dma_start3A_482 = arith.constant 0 : i32
      %dma_start3A_483 = tpu.memref_slice %arg6[%arg0, %add3A_462, %dma_start3A_482] : memref<2x10112x128xf32, #tpu.memory_space<hbm>> -> memref<1x64x128xf32, #tpu.memory_space<hbm>>
      %dma_start3A_484 = tpu.memref_squeeze %dma_start3A_483 : memref<1x64x128xf32, #tpu.memory_space<hbm>> -> memref<64x128xf32, #tpu.memory_space<hbm>>
      %dma_start3A_485 = arith.constant 0 : i32
      %dma_start3A_486 = tpu.memref_slice %arg6[%arg0, %add3A_462, %dma_start3A_485] : memref<2x10112x128xf32, #tpu.memory_space<hbm>> -> memref<1x64x128xf32, #tpu.memory_space<hbm>>
      %dma_start3A_487 = tpu.memref_squeeze %dma_start3A_486 : memref<1x64x128xf32, #tpu.memory_space<hbm>> -> memref<64x128xf32, #tpu.memory_space<hbm>>
      %dma_start3A_488 = arith.constant 0 : i32
      %dma_start3A_489 = arith.constant 0 : i32
      %dma_start3A_490 = tpu.memref_slice %arg9[%dma_start3A_488, %dma_start3A_489] : memref<64x128xf32, #tpu.memory_space<vmem>> -> memref<64x128xf32, #tpu.memory_space<vmem>>
      tpu.enqueue_dma source(%dma_start3A_490 : memref<64x128xf32, #tpu.memory_space<vmem>>) target(%dma_start3A_487 : memref<64x128xf32, #tpu.memory_space<hbm>>) target_semaphore(%run_scoped3A : memref<!tpu.dma_semaphore, #tpu.memory_space<semaphore_mem>>)
      %dma_wait3A_491 = arith.constant 0 : i32
      %dma_wait3A_492 = arith.constant 0 : i32
      %dma_wait3A_493 = tpu.memref_slice %arg9[%dma_wait3A_491, %dma_wait3A_492] : memref<64x128xf32, #tpu.memory_space<vmem>> -> memref<64x128xf32, #tpu.memory_space<vmem>>
      %dma_wait3A_494 = arith.constant 0 : i32
      %dma_wait3A_495 = tpu.memref_slice %arg6[%arg0, %add3A_462, %dma_wait3A_494] : memref<2x10112x128xf32, #tpu.memory_space<hbm>> -> memref<1x64x128xf32, #tpu.memory_space<hbm>>
      %dma_wait3A_496 = tpu.memref_squeeze %dma_wait3A_495 : memref<1x64x128xf32, #tpu.memory_space<hbm>> -> memref<64x128xf32, #tpu.memory_space<hbm>>
      %dma_wait3A_497 = arith.constant 0 : i32
      %dma_wait3A_498 = tpu.memref_slice %arg6[%arg0, %add3A_462, %dma_wait3A_497] : memref<2x10112x128xf32, #tpu.memory_space<hbm>> -> memref<1x64x128xf32, #tpu.memory_space<hbm>>
      %dma_wait3A_499 = tpu.memref_squeeze %dma_wait3A_498 : memref<1x64x128xf32, #tpu.memory_space<hbm>> -> memref<64x128xf32, #tpu.memory_space<hbm>>
      %dma_wait3A_500 = arith.constant 0 : i32
      %dma_wait3A_501 = arith.constant 0 : i32
      %dma_wait3A_502 = tpu.memref_slice %arg9[%dma_wait3A_500, %dma_wait3A_501] : memref<64x128xf32, #tpu.memory_space<vmem>> -> memref<64x128xf32, #tpu.memory_space<vmem>>
      tpu.wait_dma2 semaphore(%run_scoped3A : memref<!tpu.dma_semaphore, #tpu.memory_space<semaphore_mem>>) src(%dma_wait3A_502 : memref<64x128xf32, #tpu.memory_space<vmem>>) dst(%dma_wait3A_499 : memref<64x128xf32, #tpu.memory_space<hbm>>)
      tpu.yield
    }) : () -> ()
    %add3A_463 = arith.constant 384 : i32
    %add3A_464 = arith.addi %mul3A_5, %add3A_463 : i32
    "tpu.region"() ({
      %run_scoped3A = tpu.sem_alloc : memref<!tpu.dma_semaphore, #tpu.memory_space<semaphore_mem>>
      %dma_start3A_479 = arith.constant 0 : i32
      %dma_start3A_480 = arith.constant 0 : i32
      %dma_start3A_481 = tpu.memref_slice %arg9[%dma_start3A_479, %dma_start3A_480] : memref<64x128xf32, #tpu.memory_space<vmem>> -> memref<64x128xf32, #tpu.memory_space<vmem>>
      %dma_start3A_482 = arith.constant 0 : i32
      %dma_start3A_483 = tpu.memref_slice %arg13[%add3A_464, %dma_start3A_482] : memref<10112x128xf32, #tpu.memory_space<vmem_shared>> -> memref<64x128xf32, #tpu.memory_space<vmem_shared>>
      %dma_start3A_484 = arith.constant 0 : i32
      %dma_start3A_485 = arith.constant 0 : i32
      %dma_start3A_486 = tpu.memref_slice %arg9[%dma_start3A_484, %dma_start3A_485] : memref<64x128xf32, #tpu.memory_space<vmem>> -> memref<64x128xf32, #tpu.memory_space<vmem>>
      %dma_start3A_487 = arith.constant 0 : i32
      %dma_start3A_488 = tpu.memref_slice %arg13[%add3A_464, %dma_start3A_487] : memref<10112x128xf32, #tpu.memory_space<vmem_shared>> -> memref<64x128xf32, #tpu.memory_space<vmem_shared>>
      tpu.enqueue_dma source(%dma_start3A_488 : memref<64x128xf32, #tpu.memory_space<vmem_shared>>) target(%dma_start3A_486 : memref<64x128xf32, #tpu.memory_space<vmem>>) target_semaphore(%run_scoped3A : memref<!tpu.dma_semaphore, #tpu.memory_space<semaphore_mem>>)
      %dma_wait3A_489 = arith.constant 0 : i32
      %dma_wait3A_490 = arith.constant 0 : i32
      %dma_wait3A_491 = tpu.memref_slice %arg9[%dma_wait3A_489, %dma_wait3A_490] : memref<64x128xf32, #tpu.memory_space<vmem>> -> memref<64x128xf32, #tpu.memory_space<vmem>>
      %dma_wait3A_492 = arith.constant 0 : i32
      %dma_wait3A_493 = tpu.memref_slice %arg13[%add3A_464, %dma_wait3A_492] : memref<10112x128xf32, #tpu.memory_space<vmem_shared>> -> memref<64x128xf32, #tpu.memory_space<vmem_shared>>
      %dma_wait3A_494 = arith.constant 0 : i32
      %dma_wait3A_495 = arith.constant 0 : i32
      %dma_wait3A_496 = tpu.memref_slice %arg9[%dma_wait3A_494, %dma_wait3A_495] : memref<64x128xf32, #tpu.memory_space<vmem>> -> memref<64x128xf32, #tpu.memory_space<vmem>>
      %dma_wait3A_497 = arith.constant 0 : i32
      %dma_wait3A_498 = tpu.memref_slice %arg13[%add3A_464, %dma_wait3A_497] : memref<10112x128xf32, #tpu.memory_space<vmem_shared>> -> memref<64x128xf32, #tpu.memory_space<vmem_shared>>
      tpu.wait_dma2 semaphore(%run_scoped3A : memref<!tpu.dma_semaphore, #tpu.memory_space<semaphore_mem>>) src(%dma_wait3A_498 : memref<64x128xf32, #tpu.memory_space<vmem_shared>>) dst(%dma_wait3A_496 : memref<64x128xf32, #tpu.memory_space<vmem>>)
      tpu.yield
    }) : () -> ()
    %add3A_465 = arith.constant 384 : i32
    %add3A_466 = arith.addi %mul3A_5, %add3A_465 : i32
    "tpu.region"() ({
      %run_scoped3A = tpu.sem_alloc : memref<!tpu.dma_semaphore, #tpu.memory_space<semaphore_mem>>
      %dma_start3A_479 = arith.constant 0 : i32
      %dma_start3A_480 = arith.constant 0 : i32
      %dma_start3A_481 = tpu.memref_slice %arg9[%dma_start3A_479, %dma_start3A_480] : memref<64x128xf32, #tpu.memory_space<vmem>> -> memref<64x128xf32, #tpu.memory_space<vmem>>
      %dma_start3A_482 = arith.constant 0 : i32
      %dma_start3A_483 = tpu.memref_slice %arg6[%arg0, %add3A_466, %dma_start3A_482] : memref<2x10112x128xf32, #tpu.memory_space<hbm>> -> memref<1x64x128xf32, #tpu.memory_space<hbm>>
      %dma_start3A_484 = tpu.memref_squeeze %dma_start3A_483 : memref<1x64x128xf32, #tpu.memory_space<hbm>> -> memref<64x128xf32, #tpu.memory_space<hbm>>
      %dma_start3A_485 = arith.constant 0 : i32
      %dma_start3A_486 = tpu.memref_slice %arg6[%arg0, %add3A_466, %dma_start3A_485] : memref<2x10112x128xf32, #tpu.memory_space<hbm>> -> memref<1x64x128xf32, #tpu.memory_space<hbm>>
      %dma_start3A_487 = tpu.memref_squeeze %dma_start3A_486 : memref<1x64x128xf32, #tpu.memory_space<hbm>> -> memref<64x128xf32, #tpu.memory_space<hbm>>
      %dma_start3A_488 = arith.constant 0 : i32
      %dma_start3A_489 = arith.constant 0 : i32
      %dma_start3A_490 = tpu.memref_slice %arg9[%dma_start3A_488, %dma_start3A_489] : memref<64x128xf32, #tpu.memory_space<vmem>> -> memref<64x128xf32, #tpu.memory_space<vmem>>
      tpu.enqueue_dma source(%dma_start3A_490 : memref<64x128xf32, #tpu.memory_space<vmem>>) target(%dma_start3A_487 : memref<64x128xf32, #tpu.memory_space<hbm>>) target_semaphore(%run_scoped3A : memref<!tpu.dma_semaphore, #tpu.memory_space<semaphore_mem>>)
      %dma_wait3A_491 = arith.constant 0 : i32
      %dma_wait3A_492 = arith.constant 0 : i32
      %dma_wait3A_493 = tpu.memref_slice %arg9[%dma_wait3A_491, %dma_wait3A_492] : memref<64x128xf32, #tpu.memory_space<vmem>> -> memref<64x128xf32, #tpu.memory_space<vmem>>
      %dma_wait3A_494 = arith.constant 0 : i32
      %dma_wait3A_495 = tpu.memref_slice %arg6[%arg0, %add3A_466, %dma_wait3A_494] : memref<2x10112x128xf32, #tpu.memory_space<hbm>> -> memref<1x64x128xf32, #tpu.memory_space<hbm>>
      %dma_wait3A_496 = tpu.memref_squeeze %dma_wait3A_495 : memref<1x64x128xf32, #tpu.memory_space<hbm>> -> memref<64x128xf32, #tpu.memory_space<hbm>>
      %dma_wait3A_497 = arith.constant 0 : i32
      %dma_wait3A_498 = tpu.memref_slice %arg6[%arg0, %add3A_466, %dma_wait3A_497] : memref<2x10112x128xf32, #tpu.memory_space<hbm>> -> memref<1x64x128xf32, #tpu.memory_space<hbm>>
      %dma_wait3A_499 = tpu.memref_squeeze %dma_wait3A_498 : memref<1x64x128xf32, #tpu.memory_space<hbm>> -> memref<64x128xf32, #tpu.memory_space<hbm>>
      %dma_wait3A_500 = arith.constant 0 : i32
      %dma_wait3A_501 = arith.constant 0 : i32
      %dma_wait3A_502 = tpu.memref_slice %arg9[%dma_wait3A_500, %dma_wait3A_501] : memref<64x128xf32, #tpu.memory_space<vmem>> -> memref<64x128xf32, #tpu.memory_space<vmem>>
      tpu.wait_dma2 semaphore(%run_scoped3A : memref<!tpu.dma_semaphore, #tpu.memory_space<semaphore_mem>>) src(%dma_wait3A_502 : memref<64x128xf32, #tpu.memory_space<vmem>>) dst(%dma_wait3A_499 : memref<64x128xf32, #tpu.memory_space<hbm>>)
      tpu.yield
    }) : () -> ()
    %add3A_467 = arith.constant 448 : i32
    %add3A_468 = arith.addi %mul3A_5, %add3A_467 : i32
    "tpu.region"() ({
      %run_scoped3A = tpu.sem_alloc : memref<!tpu.dma_semaphore, #tpu.memory_space<semaphore_mem>>
      %dma_start3A_479 = arith.constant 0 : i32
      %dma_start3A_480 = arith.constant 0 : i32
      %dma_start3A_481 = tpu.memref_slice %arg9[%dma_start3A_479, %dma_start3A_480] : memref<64x128xf32, #tpu.memory_space<vmem>> -> memref<64x128xf32, #tpu.memory_space<vmem>>
      %dma_start3A_482 = arith.constant 0 : i32
      %dma_start3A_483 = tpu.memref_slice %arg13[%add3A_468, %dma_start3A_482] : memref<10112x128xf32, #tpu.memory_space<vmem_shared>> -> memref<64x128xf32, #tpu.memory_space<vmem_shared>>
      %dma_start3A_484 = arith.constant 0 : i32
      %dma_start3A_485 = arith.constant 0 : i32
      %dma_start3A_486 = tpu.memref_slice %arg9[%dma_start3A_484, %dma_start3A_485] : memref<64x128xf32, #tpu.memory_space<vmem>> -> memref<64x128xf32, #tpu.memory_space<vmem>>
      %dma_start3A_487 = arith.constant 0 : i32
      %dma_start3A_488 = tpu.memref_slice %arg13[%add3A_468, %dma_start3A_487] : memref<10112x128xf32, #tpu.memory_space<vmem_shared>> -> memref<64x128xf32, #tpu.memory_space<vmem_shared>>
      tpu.enqueue_dma source(%dma_start3A_488 : memref<64x128xf32, #tpu.memory_space<vmem_shared>>) target(%dma_start3A_486 : memref<64x128xf32, #tpu.memory_space<vmem>>) target_semaphore(%run_scoped3A : memref<!tpu.dma_semaphore, #tpu.memory_space<semaphore_mem>>)
      %dma_wait3A_489 = arith.constant 0 : i32
      %dma_wait3A_490 = arith.constant 0 : i32
      %dma_wait3A_491 = tpu.memref_slice %arg9[%dma_wait3A_489, %dma_wait3A_490] : memref<64x128xf32, #tpu.memory_space<vmem>> -> memref<64x128xf32, #tpu.memory_space<vmem>>
      %dma_wait3A_492 = arith.constant 0 : i32
      %dma_wait3A_493 = tpu.memref_slice %arg13[%add3A_468, %dma_wait3A_492] : memref<10112x128xf32, #tpu.memory_space<vmem_shared>> -> memref<64x128xf32, #tpu.memory_space<vmem_shared>>
      %dma_wait3A_494 = arith.constant 0 : i32
      %dma_wait3A_495 = arith.constant 0 : i32
      %dma_wait3A_496 = tpu.memref_slice %arg9[%dma_wait3A_494, %dma_wait3A_495] : memref<64x128xf32, #tpu.memory_space<vmem>> -> memref<64x128xf32, #tpu.memory_space<vmem>>
      %dma_wait3A_497 = arith.constant 0 : i32
      %dma_wait3A_498 = tpu.memref_slice %arg13[%add3A_468, %dma_wait3A_497] : memref<10112x128xf32, #tpu.memory_space<vmem_shared>> -> memref<64x128xf32, #tpu.memory_space<vmem_shared>>
      tpu.wait_dma2 semaphore(%run_scoped3A : memref<!tpu.dma_semaphore, #tpu.memory_space<semaphore_mem>>) src(%dma_wait3A_498 : memref<64x128xf32, #tpu.memory_space<vmem_shared>>) dst(%dma_wait3A_496 : memref<64x128xf32, #tpu.memory_space<vmem>>)
      tpu.yield
    }) : () -> ()
    %add3A_469 = arith.constant 448 : i32
    %add3A_470 = arith.addi %mul3A_5, %add3A_469 : i32
    "tpu.region"() ({
      %run_scoped3A = tpu.sem_alloc : memref<!tpu.dma_semaphore, #tpu.memory_space<semaphore_mem>>
      %dma_start3A_479 = arith.constant 0 : i32
      %dma_start3A_480 = arith.constant 0 : i32
      %dma_start3A_481 = tpu.memref_slice %arg9[%dma_start3A_479, %dma_start3A_480] : memref<64x128xf32, #tpu.memory_space<vmem>> -> memref<64x128xf32, #tpu.memory_space<vmem>>
      %dma_start3A_482 = arith.constant 0 : i32
      %dma_start3A_483 = tpu.memref_slice %arg6[%arg0, %add3A_470, %dma_start3A_482] : memref<2x10112x128xf32, #tpu.memory_space<hbm>> -> memref<1x64x128xf32, #tpu.memory_space<hbm>>
      %dma_start3A_484 = tpu.memref_squeeze %dma_start3A_483 : memref<1x64x128xf32, #tpu.memory_space<hbm>> -> memref<64x128xf32, #tpu.memory_space<hbm>>
      %dma_start3A_485 = arith.constant 0 : i32
      %dma_start3A_486 = tpu.memref_slice %arg6[%arg0, %add3A_470, %dma_start3A_485] : memref<2x10112x128xf32, #tpu.memory_space<hbm>> -> memref<1x64x128xf32, #tpu.memory_space<hbm>>
      %dma_start3A_487 = tpu.memref_squeeze %dma_start3A_486 : memref<1x64x128xf32, #tpu.memory_space<hbm>> -> memref<64x128xf32, #tpu.memory_space<hbm>>
      %dma_start3A_488 = arith.constant 0 : i32
      %dma_start3A_489 = arith.constant 0 : i32
      %dma_start3A_490 = tpu.memref_slice %arg9[%dma_start3A_488, %dma_start3A_489] : memref<64x128xf32, #tpu.memory_space<vmem>> -> memref<64x128xf32, #tpu.memory_space<vmem>>
      tpu.enqueue_dma source(%dma_start3A_490 : memref<64x128xf32, #tpu.memory_space<vmem>>) target(%dma_start3A_487 : memref<64x128xf32, #tpu.memory_space<hbm>>) target_semaphore(%run_scoped3A : memref<!tpu.dma_semaphore, #tpu.memory_space<semaphore_mem>>)
      %dma_wait3A_491 = arith.constant 0 : i32
      %dma_wait3A_492 = arith.constant 0 : i32
      %dma_wait3A_493 = tpu.memref_slice %arg9[%dma_wait3A_491, %dma_wait3A_492] : memref<64x128xf32, #tpu.memory_space<vmem>> -> memref<64x128xf32, #tpu.memory_space<vmem>>
      %dma_wait3A_494 = arith.constant 0 : i32
      %dma_wait3A_495 = tpu.memref_slice %arg6[%arg0, %add3A_470, %dma_wait3A_494] : memref<2x10112x128xf32, #tpu.memory_space<hbm>> -> memref<1x64x128xf32, #tpu.memory_space<hbm>>
      %dma_wait3A_496 = tpu.memref_squeeze %dma_wait3A_495 : memref<1x64x128xf32, #tpu.memory_space<hbm>> -> memref<64x128xf32, #tpu.memory_space<hbm>>
      %dma_wait3A_497 = arith.constant 0 : i32
      %dma_wait3A_498 = tpu.memref_slice %arg6[%arg0, %add3A_470, %dma_wait3A_497] : memref<2x10112x128xf32, #tpu.memory_space<hbm>> -> memref<1x64x128xf32, #tpu.memory_space<hbm>>
      %dma_wait3A_499 = tpu.memref_squeeze %dma_wait3A_498 : memref<1x64x128xf32, #tpu.memory_space<hbm>> -> memref<64x128xf32, #tpu.memory_space<hbm>>
      %dma_wait3A_500 = arith.constant 0 : i32
      %dma_wait3A_501 = arith.constant 0 : i32
      %dma_wait3A_502 = tpu.memref_slice %arg9[%dma_wait3A_500, %dma_wait3A_501] : memref<64x128xf32, #tpu.memory_space<vmem>> -> memref<64x128xf32, #tpu.memory_space<vmem>>
      tpu.wait_dma2 semaphore(%run_scoped3A : memref<!tpu.dma_semaphore, #tpu.memory_space<semaphore_mem>>) src(%dma_wait3A_502 : memref<64x128xf32, #tpu.memory_space<vmem>>) dst(%dma_wait3A_499 : memref<64x128xf32, #tpu.memory_space<hbm>>)
      tpu.yield
    }) : () -> ()
    %add3A_471 = arith.constant 512 : i32
    %add3A_472 = arith.addi %mul3A_5, %add3A_471 : i32
    "tpu.region"() ({
      %run_scoped3A = tpu.sem_alloc : memref<!tpu.dma_semaphore, #tpu.memory_space<semaphore_mem>>
      %dma_start3A_479 = arith.constant 0 : i32
      %dma_start3A_480 = arith.constant 0 : i32
      %dma_start3A_481 = tpu.memref_slice %arg9[%dma_start3A_479, %dma_start3A_480] : memref<64x128xf32, #tpu.memory_space<vmem>> -> memref<64x128xf32, #tpu.memory_space<vmem>>
      %dma_start3A_482 = arith.constant 0 : i32
      %dma_start3A_483 = tpu.memref_slice %arg13[%add3A_472, %dma_start3A_482] : memref<10112x128xf32, #tpu.memory_space<vmem_shared>> -> memref<64x128xf32, #tpu.memory_space<vmem_shared>>
      %dma_start3A_484 = arith.constant 0 : i32
      %dma_start3A_485 = arith.constant 0 : i32
      %dma_start3A_486 = tpu.memref_slice %arg9[%dma_start3A_484, %dma_start3A_485] : memref<64x128xf32, #tpu.memory_space<vmem>> -> memref<64x128xf32, #tpu.memory_space<vmem>>
      %dma_start3A_487 = arith.constant 0 : i32
      %dma_start3A_488 = tpu.memref_slice %arg13[%add3A_472, %dma_start3A_487] : memref<10112x128xf32, #tpu.memory_space<vmem_shared>> -> memref<64x128xf32, #tpu.memory_space<vmem_shared>>
      tpu.enqueue_dma source(%dma_start3A_488 : memref<64x128xf32, #tpu.memory_space<vmem_shared>>) target(%dma_start3A_486 : memref<64x128xf32, #tpu.memory_space<vmem>>) target_semaphore(%run_scoped3A : memref<!tpu.dma_semaphore, #tpu.memory_space<semaphore_mem>>)
      %dma_wait3A_489 = arith.constant 0 : i32
      %dma_wait3A_490 = arith.constant 0 : i32
      %dma_wait3A_491 = tpu.memref_slice %arg9[%dma_wait3A_489, %dma_wait3A_490] : memref<64x128xf32, #tpu.memory_space<vmem>> -> memref<64x128xf32, #tpu.memory_space<vmem>>
      %dma_wait3A_492 = arith.constant 0 : i32
      %dma_wait3A_493 = tpu.memref_slice %arg13[%add3A_472, %dma_wait3A_492] : memref<10112x128xf32, #tpu.memory_space<vmem_shared>> -> memref<64x128xf32, #tpu.memory_space<vmem_shared>>
      %dma_wait3A_494 = arith.constant 0 : i32
      %dma_wait3A_495 = arith.constant 0 : i32
      %dma_wait3A_496 = tpu.memref_slice %arg9[%dma_wait3A_494, %dma_wait3A_495] : memref<64x128xf32, #tpu.memory_space<vmem>> -> memref<64x128xf32, #tpu.memory_space<vmem>>
      %dma_wait3A_497 = arith.constant 0 : i32
      %dma_wait3A_498 = tpu.memref_slice %arg13[%add3A_472, %dma_wait3A_497] : memref<10112x128xf32, #tpu.memory_space<vmem_shared>> -> memref<64x128xf32, #tpu.memory_space<vmem_shared>>
      tpu.wait_dma2 semaphore(%run_scoped3A : memref<!tpu.dma_semaphore, #tpu.memory_space<semaphore_mem>>) src(%dma_wait3A_498 : memref<64x128xf32, #tpu.memory_space<vmem_shared>>) dst(%dma_wait3A_496 : memref<64x128xf32, #tpu.memory_space<vmem>>)
      tpu.yield
    }) : () -> ()
    %add3A_473 = arith.constant 512 : i32
    %add3A_474 = arith.addi %mul3A_5, %add3A_473 : i32
    "tpu.region"() ({
      %run_scoped3A = tpu.sem_alloc : memref<!tpu.dma_semaphore, #tpu.memory_space<semaphore_mem>>
      %dma_start3A_479 = arith.constant 0 : i32
      %dma_start3A_480 = arith.constant 0 : i32
      %dma_start3A_481 = tpu.memref_slice %arg9[%dma_start3A_479, %dma_start3A_480] : memref<64x128xf32, #tpu.memory_space<vmem>> -> memref<64x128xf32, #tpu.memory_space<vmem>>
      %dma_start3A_482 = arith.constant 0 : i32
      %dma_start3A_483 = tpu.memref_slice %arg6[%arg0, %add3A_474, %dma_start3A_482] : memref<2x10112x128xf32, #tpu.memory_space<hbm>> -> memref<1x64x128xf32, #tpu.memory_space<hbm>>
      %dma_start3A_484 = tpu.memref_squeeze %dma_start3A_483 : memref<1x64x128xf32, #tpu.memory_space<hbm>> -> memref<64x128xf32, #tpu.memory_space<hbm>>
      %dma_start3A_485 = arith.constant 0 : i32
      %dma_start3A_486 = tpu.memref_slice %arg6[%arg0, %add3A_474, %dma_start3A_485] : memref<2x10112x128xf32, #tpu.memory_space<hbm>> -> memref<1x64x128xf32, #tpu.memory_space<hbm>>
      %dma_start3A_487 = tpu.memref_squeeze %dma_start3A_486 : memref<1x64x128xf32, #tpu.memory_space<hbm>> -> memref<64x128xf32, #tpu.memory_space<hbm>>
      %dma_start3A_488 = arith.constant 0 : i32
      %dma_start3A_489 = arith.constant 0 : i32
      %dma_start3A_490 = tpu.memref_slice %arg9[%dma_start3A_488, %dma_start3A_489] : memref<64x128xf32, #tpu.memory_space<vmem>> -> memref<64x128xf32, #tpu.memory_space<vmem>>
      tpu.enqueue_dma source(%dma_start3A_490 : memref<64x128xf32, #tpu.memory_space<vmem>>) target(%dma_start3A_487 : memref<64x128xf32, #tpu.memory_space<hbm>>) target_semaphore(%run_scoped3A : memref<!tpu.dma_semaphore, #tpu.memory_space<semaphore_mem>>)
      %dma_wait3A_491 = arith.constant 0 : i32
      %dma_wait3A_492 = arith.constant 0 : i32
      %dma_wait3A_493 = tpu.memref_slice %arg9[%dma_wait3A_491, %dma_wait3A_492] : memref<64x128xf32, #tpu.memory_space<vmem>> -> memref<64x128xf32, #tpu.memory_space<vmem>>
      %dma_wait3A_494 = arith.constant 0 : i32
      %dma_wait3A_495 = tpu.memref_slice %arg6[%arg0, %add3A_474, %dma_wait3A_494] : memref<2x10112x128xf32, #tpu.memory_space<hbm>> -> memref<1x64x128xf32, #tpu.memory_space<hbm>>
      %dma_wait3A_496 = tpu.memref_squeeze %dma_wait3A_495 : memref<1x64x128xf32, #tpu.memory_space<hbm>> -> memref<64x128xf32, #tpu.memory_space<hbm>>
      %dma_wait3A_497 = arith.constant 0 : i32
      %dma_wait3A_498 = tpu.memref_slice %arg6[%arg0, %add3A_474, %dma_wait3A_497] : memref<2x10112x128xf32, #tpu.memory_space<hbm>> -> memref<1x64x128xf32, #tpu.memory_space<hbm>>
      %dma_wait3A_499 = tpu.memref_squeeze %dma_wait3A_498 : memref<1x64x128xf32, #tpu.memory_space<hbm>> -> memref<64x128xf32, #tpu.memory_space<hbm>>
      %dma_wait3A_500 = arith.constant 0 : i32
      %dma_wait3A_501 = arith.constant 0 : i32
      %dma_wait3A_502 = tpu.memref_slice %arg9[%dma_wait3A_500, %dma_wait3A_501] : memref<64x128xf32, #tpu.memory_space<vmem>> -> memref<64x128xf32, #tpu.memory_space<vmem>>
      tpu.wait_dma2 semaphore(%run_scoped3A : memref<!tpu.dma_semaphore, #tpu.memory_space<semaphore_mem>>) src(%dma_wait3A_502 : memref<64x128xf32, #tpu.memory_space<vmem>>) dst(%dma_wait3A_499 : memref<64x128xf32, #tpu.memory_space<hbm>>)
      tpu.yield
    }) : () -> ()
    %add3A_475 = arith.constant 576 : i32
    %add3A_476 = arith.addi %mul3A_5, %add3A_475 : i32
    "tpu.region"() ({
      %run_scoped3A = tpu.sem_alloc : memref<!tpu.dma_semaphore, #tpu.memory_space<semaphore_mem>>
      %dma_start3A_479 = arith.constant 0 : i32
      %dma_start3A_480 = arith.constant 0 : i32
      %dma_start3A_481 = tpu.memref_slice %arg9[%dma_start3A_479, %dma_start3A_480] : memref<64x128xf32, #tpu.memory_space<vmem>> -> memref<56x128xf32, #tpu.memory_space<vmem>>
      %dma_start3A_482 = arith.constant 0 : i32
      %dma_start3A_483 = tpu.memref_slice %arg13[%add3A_476, %dma_start3A_482] : memref<10112x128xf32, #tpu.memory_space<vmem_shared>> -> memref<56x128xf32, #tpu.memory_space<vmem_shared>>
      %dma_start3A_484 = arith.constant 0 : i32
      %dma_start3A_485 = arith.constant 0 : i32
      %dma_start3A_486 = tpu.memref_slice %arg9[%dma_start3A_484, %dma_start3A_485] : memref<64x128xf32, #tpu.memory_space<vmem>> -> memref<56x128xf32, #tpu.memory_space<vmem>>
      %dma_start3A_487 = arith.constant 0 : i32
      %dma_start3A_488 = tpu.memref_slice %arg13[%add3A_476, %dma_start3A_487] : memref<10112x128xf32, #tpu.memory_space<vmem_shared>> -> memref<56x128xf32, #tpu.memory_space<vmem_shared>>
      tpu.enqueue_dma source(%dma_start3A_488 : memref<56x128xf32, #tpu.memory_space<vmem_shared>>) target(%dma_start3A_486 : memref<56x128xf32, #tpu.memory_space<vmem>>) target_semaphore(%run_scoped3A : memref<!tpu.dma_semaphore, #tpu.memory_space<semaphore_mem>>)
      %dma_wait3A_489 = arith.constant 0 : i32
      %dma_wait3A_490 = arith.constant 0 : i32
      %dma_wait3A_491 = tpu.memref_slice %arg9[%dma_wait3A_489, %dma_wait3A_490] : memref<64x128xf32, #tpu.memory_space<vmem>> -> memref<56x128xf32, #tpu.memory_space<vmem>>
      %dma_wait3A_492 = arith.constant 0 : i32
      %dma_wait3A_493 = tpu.memref_slice %arg13[%add3A_476, %dma_wait3A_492] : memref<10112x128xf32, #tpu.memory_space<vmem_shared>> -> memref<56x128xf32, #tpu.memory_space<vmem_shared>>
      %dma_wait3A_494 = arith.constant 0 : i32
      %dma_wait3A_495 = arith.constant 0 : i32
      %dma_wait3A_496 = tpu.memref_slice %arg9[%dma_wait3A_494, %dma_wait3A_495] : memref<64x128xf32, #tpu.memory_space<vmem>> -> memref<56x128xf32, #tpu.memory_space<vmem>>
      %dma_wait3A_497 = arith.constant 0 : i32
      %dma_wait3A_498 = tpu.memref_slice %arg13[%add3A_476, %dma_wait3A_497] : memref<10112x128xf32, #tpu.memory_space<vmem_shared>> -> memref<56x128xf32, #tpu.memory_space<vmem_shared>>
      tpu.wait_dma2 semaphore(%run_scoped3A : memref<!tpu.dma_semaphore, #tpu.memory_space<semaphore_mem>>) src(%dma_wait3A_498 : memref<56x128xf32, #tpu.memory_space<vmem_shared>>) dst(%dma_wait3A_496 : memref<56x128xf32, #tpu.memory_space<vmem>>)
      tpu.yield
    }) : () -> ()
    %add3A_477 = arith.constant 576 : i32
    %add3A_478 = arith.addi %mul3A_5, %add3A_477 : i32
    "tpu.region"() ({
      %run_scoped3A = tpu.sem_alloc : memref<!tpu.dma_semaphore, #tpu.memory_space<semaphore_mem>>
      %dma_start3A_479 = arith.constant 0 : i32
      %dma_start3A_480 = arith.constant 0 : i32
      %dma_start3A_481 = tpu.memref_slice %arg9[%dma_start3A_479, %dma_start3A_480] : memref<64x128xf32, #tpu.memory_space<vmem>> -> memref<56x128xf32, #tpu.memory_space<vmem>>
      %dma_start3A_482 = arith.constant 0 : i32
      %dma_start3A_483 = tpu.memref_slice %arg6[%arg0, %add3A_478, %dma_start3A_482] : memref<2x10112x128xf32, #tpu.memory_space<hbm>> -> memref<1x56x128xf32, #tpu.memory_space<hbm>>
      %dma_start3A_484 = tpu.memref_squeeze %dma_start3A_483 : memref<1x56x128xf32, #tpu.memory_space<hbm>> -> memref<56x128xf32, #tpu.memory_space<hbm>>
      %dma_start3A_485 = arith.constant 0 : i32
      %dma_start3A_486 = tpu.memref_slice %arg6[%arg0, %add3A_478, %dma_start3A_485] : memref<2x10112x128xf32, #tpu.memory_space<hbm>> -> memref<1x56x128xf32, #tpu.memory_space<hbm>>
      %dma_start3A_487 = tpu.memref_squeeze %dma_start3A_486 : memref<1x56x128xf32, #tpu.memory_space<hbm>> -> memref<56x128xf32, #tpu.memory_space<hbm>>
      %dma_start3A_488 = arith.constant 0 : i32
      %dma_start3A_489 = arith.constant 0 : i32
      %dma_start3A_490 = tpu.memref_slice %arg9[%dma_start3A_488, %dma_start3A_489] : memref<64x128xf32, #tpu.memory_space<vmem>> -> memref<56x128xf32, #tpu.memory_space<vmem>>
      tpu.enqueue_dma source(%dma_start3A_490 : memref<56x128xf32, #tpu.memory_space<vmem>>) target(%dma_start3A_487 : memref<56x128xf32, #tpu.memory_space<hbm>>) target_semaphore(%run_scoped3A : memref<!tpu.dma_semaphore, #tpu.memory_space<semaphore_mem>>)
      %dma_wait3A_491 = arith.constant 0 : i32
      %dma_wait3A_492 = arith.constant 0 : i32
      %dma_wait3A_493 = tpu.memref_slice %arg9[%dma_wait3A_491, %dma_wait3A_492] : memref<64x128xf32, #tpu.memory_space<vmem>> -> memref<56x128xf32, #tpu.memory_space<vmem>>
      %dma_wait3A_494 = arith.constant 0 : i32
      %dma_wait3A_495 = tpu.memref_slice %arg6[%arg0, %add3A_478, %dma_wait3A_494] : memref<2x10112x128xf32, #tpu.memory_space<hbm>> -> memref<1x56x128xf32, #tpu.memory_space<hbm>>
      %dma_wait3A_496 = tpu.memref_squeeze %dma_wait3A_495 : memref<1x56x128xf32, #tpu.memory_space<hbm>> -> memref<56x128xf32, #tpu.memory_space<hbm>>
      %dma_wait3A_497 = arith.constant 0 : i32
      %dma_wait3A_498 = tpu.memref_slice %arg6[%arg0, %add3A_478, %dma_wait3A_497] : memref<2x10112x128xf32, #tpu.memory_space<hbm>> -> memref<1x56x128xf32, #tpu.memory_space<hbm>>
      %dma_wait3A_499 = tpu.memref_squeeze %dma_wait3A_498 : memref<1x56x128xf32, #tpu.memory_space<hbm>> -> memref<56x128xf32, #tpu.memory_space<hbm>>
      %dma_wait3A_500 = arith.constant 0 : i32
      %dma_wait3A_501 = arith.constant 0 : i32
      %dma_wait3A_502 = tpu.memref_slice %arg9[%dma_wait3A_500, %dma_wait3A_501] : memref<64x128xf32, #tpu.memory_space<vmem>> -> memref<56x128xf32, #tpu.memory_space<vmem>>
      tpu.wait_dma2 semaphore(%run_scoped3A : memref<!tpu.dma_semaphore, #tpu.memory_space<semaphore_mem>>) src(%dma_wait3A_502 : memref<56x128xf32, #tpu.memory_space<vmem>>) dst(%dma_wait3A_499 : memref<56x128xf32, #tpu.memory_space<hbm>>)
      tpu.yield
    }) : () -> ()
    return
  }
}

module attributes {stable_mosaic.version = 14 : i64} {
  func.func @_combine_body(%arg0: i32, %arg1: memref<1000x128xf32, #tpu.memory_space<vmem>>, %arg2: memref<2x1000x128xf32, #tpu.memory_space<vmem>>, %arg3: memref<2x1000x128xf32, #tpu.memory_space<vmem>>, %arg4: memref<128x128xf32, #tpu.memory_space<vmem>>, %arg5: memref<128x128xf32, #tpu.memory_space<vmem>>, %arg6: memref<1x128xf32, #tpu.memory_space<vmem>>, %arg7: memref<1000x128xf32, #tpu.memory_space<vmem>>) attributes {dimension_semantics = [#tpu.dimension_semantics<arbitrary>], iteration_bounds = array<i64: 10>, scalar_prefetch = 0 : i64, scratch_operands = 0 : i64, tpu.core_type = #tpu.core_type<tc>, window_params = [{transform_indices = @transform_0, window_bounds = array<i64: 1000, 128>}, {transform_indices = @transform_1, window_bounds = array<i64: 2, 1000, 128>}, {transform_indices = @transform_2, window_bounds = array<i64: 2, 1000, 128>}, {pipeline_mode = #tpu.pipeline_mode<synchronous>, transform_indices = @transform_3, window_bounds = array<i64: 128, 128>}, {pipeline_mode = #tpu.pipeline_mode<synchronous>, transform_indices = @transform_4, window_bounds = array<i64: 128, 128>}, {pipeline_mode = #tpu.pipeline_mode<synchronous>, transform_indices = @transform_5, window_bounds = array<i64: 1, 128>}, {transform_indices = @transform_6, window_bounds = array<i64: 1000, 128>}]} {
    %get3A = arith.constant 0 : index
    %get3A_0 = arith.constant 0 : index
    %get3A_1 = vector.load %arg1[%get3A, %get3A_0] : memref<1000x128xf32, #tpu.memory_space<vmem>>, vector<1000x128xf32>
    %get3A_2 = arith.constant 0 : index
    %get3A_3 = arith.constant 0 : index
    %get3A_4 = arith.constant 0 : index
    %get3A_5 = vector.load %arg2[%get3A_2, %get3A_3, %get3A_4] : memref<2x1000x128xf32, #tpu.memory_space<vmem>>, vector<1x1000x128xf32>
    %get3A_6 = vector.shape_cast %get3A_5 : vector<1x1000x128xf32> to vector<1000x128xf32>
    %get3A_7 = arith.constant 1 : index
    %get3A_8 = arith.constant 0 : index
    %get3A_9 = arith.constant 0 : index
    %get3A_10 = vector.load %arg2[%get3A_7, %get3A_8, %get3A_9] : memref<2x1000x128xf32, #tpu.memory_space<vmem>>, vector<1x1000x128xf32>
    %get3A_11 = vector.shape_cast %get3A_10 : vector<1x1000x128xf32> to vector<1000x128xf32>
    %add3A = arith.addf %get3A_6, %get3A_11 : vector<1000x128xf32>
    %get3A_12 = arith.constant 0 : index
    %get3A_13 = arith.constant 0 : index
    %get3A_14 = arith.constant 0 : index
    %get3A_15 = vector.load %arg3[%get3A_12, %get3A_13, %get3A_14] : memref<2x1000x128xf32, #tpu.memory_space<vmem>>, vector<1x1000x1xf32>
    %get3A_16 = vector.shape_cast %get3A_15 : vector<1x1000x1xf32> to vector<1000x1xf32>
    %get3A_17 = arith.constant 1 : index
    %get3A_18 = arith.constant 0 : index
    %get3A_19 = arith.constant 0 : index
    %get3A_20 = vector.load %arg3[%get3A_17, %get3A_18, %get3A_19] : memref<2x1000x128xf32, #tpu.memory_space<vmem>>, vector<1x1000x1xf32>
    %get3A_21 = vector.shape_cast %get3A_20 : vector<1x1000x1xf32> to vector<1000x1xf32>
    %add3A_22 = arith.addf %get3A_16, %get3A_21 : vector<1000x1xf32>
    %get3A_23 = arith.constant 0 : index
    %get3A_24 = arith.constant 0 : index
    %get3A_25 = vector.load %arg4[%get3A_23, %get3A_24] : memref<128x128xf32, #tpu.memory_space<vmem>>, vector<128x128xf32>
    %dot_general3A = arith.constant dense<0.000000e+00> : vector<1000x128xf32>
    %dot_general3A_26 = tpu.matmul %get3A_1, %get3A_25, %dot_general3A {dimension_numbers = #tpu.dot_dimension_numbers<[1], [1], [0], [0], [0, 0, 1, 0], [], []>, transpose_lhs_hint = false} : vector<1000x128xf32>, vector<128x128xf32>, vector<1000x128xf32> -> vector<1000x128xf32>
    %get3A_27 = arith.constant 0 : index
    %get3A_28 = arith.constant 0 : index
    %get3A_29 = vector.load %arg5[%get3A_27, %get3A_28] : memref<128x128xf32, #tpu.memory_space<vmem>>, vector<128x128xf32>
    %dot_general3A_30 = arith.constant dense<0.000000e+00> : vector<1000x128xf32>
    %dot_general3A_31 = tpu.matmul %add3A, %get3A_29, %dot_general3A_30 {dimension_numbers = #tpu.dot_dimension_numbers<[1], [1], [0], [0], [0, 0, 1, 0], [], []>, transpose_lhs_hint = false} : vector<1000x128xf32>, vector<128x128xf32>, vector<1000x128xf32> -> vector<1000x128xf32>
    %get3A_32 = arith.constant 0 : index
    %get3A_33 = arith.constant 0 : index
    %get3A_34 = vector.load %arg6[%get3A_32, %get3A_33] : memref<1x128xf32, #tpu.memory_space<vmem>>, vector<1x128xf32>
    %add3A_35 = vector.broadcast %get3A_34 : vector<1x128xf32> to vector<1000x128xf32>
    %add3A_36 = arith.addf %dot_general3A_26, %add3A_35 : vector<1000x128xf32>
    %mul3A = vector.broadcast %add3A_22 : vector<1000x1xf32> to vector<1000x128xf32>
    %mul3A_37 = arith.mulf %mul3A, %add3A_36 : vector<1000x128xf32>
    %add3A_38 = arith.addf %mul3A_37, %dot_general3A_31 : vector<1000x128xf32>
    %swap3A = arith.constant 0 : index
    %swap3A_39 = arith.constant 0 : index
    %swap3A_40 = vector.load %arg7[%swap3A, %swap3A_39] : memref<1000x128xf32, #tpu.memory_space<vmem>>, vector<1000x128xf32>
    tpu.vector_store %arg7[%swap3A, %swap3A_39], %add3A_38 {strides = array<i32>} : memref<1000x128xf32, #tpu.memory_space<vmem>>, vector<1000x128xf32>,
    return
  }
  func.func @transform_0(%arg0: i32) -> (i32, i32) {
    %c0_i32 = arith.constant 0 : i32
    %c0_i32_0 = arith.constant 0 : i32
    return %arg0, %c0_i32 : i32, i32
  }
  func.func @transform_1(%arg0: i32) -> (i32, i32, i32) {
    %c0_i32 = arith.constant 0 : i32
    %c0_i32_0 = arith.constant 0 : i32
    %c0_i32_1 = arith.constant 0 : i32
    return %c0_i32, %arg0, %c0_i32_0 : i32, i32, i32
  }
  func.func @transform_2(%arg0: i32) -> (i32, i32, i32) {
    %c0_i32 = arith.constant 0 : i32
    %c0_i32_0 = arith.constant 0 : i32
    %c0_i32_1 = arith.constant 0 : i32
    return %c0_i32, %arg0, %c0_i32_0 : i32, i32, i32
  }
  func.func @transform_3(%arg0: i32) -> (i32, i32) {
    %c0_i32 = arith.constant 0 : i32
    %c0_i32_0 = arith.constant 0 : i32
    %c0_i32_1 = arith.constant 0 : i32
    return %c0_i32, %c0_i32_0 : i32, i32
  }
  func.func @transform_4(%arg0: i32) -> (i32, i32) {
    %c0_i32 = arith.constant 0 : i32
    %c0_i32_0 = arith.constant 0 : i32
    %c0_i32_1 = arith.constant 0 : i32
    return %c0_i32, %c0_i32_0 : i32, i32
  }
  func.func @transform_5(%arg0: i32) -> (i32, i32) {
    %c0_i32 = arith.constant 0 : i32
    %c0_i32_0 = arith.constant 0 : i32
    %c0_i32_1 = arith.constant 0 : i32
    return %c0_i32, %c0_i32_0 : i32, i32
  }
  func.func @transform_6(%arg0: i32) -> (i32, i32) {
    %c0_i32 = arith.constant 0 : i32
    %c0_i32_0 = arith.constant 0 : i32
    return %arg0, %c0_i32 : i32, i32
  }
}

</mosaic_0001>

<sc_bundles>
// kernel: kernel.5.cloned.1.call-start
scs
__scs_entry_jumppad:
0x0: {  	(pc) =	sbr.rel $0x88, $3  }
0x1: {  	(tag) =	ssettag $0x0;
	lr =	simm.s32 $0x1  }
0x2: {  	[smem:$0x3F9D] =	sst lr;
	_ =	strace $0xD0000000  }
0x3: {  	_ = 	snop  }
0x4: {  	_ = 	snop  }
0x5: {  	_ = 	snop  }
0x6: {  	_ = 	snop  }
0x7: {  	_ = 	snop  }
__scs_overlays_trampoline_lowered:
0x8: {  	[smem:$0x3FAC] =	sst s0  }
0x9: {  	[smem:$0x3FAD] =	sst s1  }
0xa: {  	[smem:$0x3FAE] =	sst s2  }
0xb: {  	[smem:$0x3FAF] =	sst s3  }
0xc: {  	[smem:$0x3FB0] =	sst s4  }
0xd: {  	[smem:$0x3FB1] =	sst s5  }
0xe: {  	[smem:$0x3FB2] =	sst s6  }
0xf: {  	[smem:$0x3FB3] =	sst s7  }
0x10: {  	[smem:$0x3FB4] =	sst s8  }
0x11: {  	[smem:$0x3FB5] =	sst s9;
	s0 =	simm.s32 @!p0 $0x0  }
0x12: {  	s1 =	sld [smem:$0x3F9B];
	s0 =	simm.s32 @p0 $0x1  }
0x13: {  	[smem:$0x3FB6] =	sst s0;
	s0 =	simm.s32 @!p1 $0x0  }
0x14: {  	s2 =	sld [smem:$0x3F9A];
	s0 =	simm.s32 @p1 $0x1  }
0x15: {  	[smem:$0x3FB7] =	sst s0;
	s0 =	simm.s32 @!p2 $0x0  }
0x16: {  	s3 =	sld [smem:$0x3FDB];
	s0 =	simm.s32 @p2 $0x1  }
0x17: {  	s4 =	simm.s32 $0x1BF5;
	[smem:$0x3FB9] =	sst s0  }
0x18: {  	s0 =	sld [smem:$0x3F9C];
	_ =	swait.ge [sflag:s4], $0x0  }
0x19: {  	s7 =	sld [smem:$0x3F9D]  }
0x1a: {  	s8 =	sadd.s32 $0xFFFFE003, lr  }
0x1b: {  	s9 =	sadd.s32 $0xFFFFFEF7, lr;
	s5 =	simm.s32 $0xFFFFFFFF;
	p2 =	slt.u32 s8, $0xFFFFF086  }
0x1c: {  	p1 =	slt.u32 s9, $0xF7A;
	s5 =	simm.s32 @!p2 $0x0  }
0x1d: {  	s5 =	simm.s32 @p1 $0x1;
	p0 =	seq.s32 s7, s2  }
0x1e: {  	s7 =	smul.u32 @!p0 $0xF7A, s2;
	p2 =	seq.s32 @!p0 s5, $0x0  }
0x1f: {  	s9 =	smul.u32 $0xF7A, s1;
	s8 =	simm.s32 @!p0 $0x1BF5;
	p2 =	por !p2, p0  }
0x20: {  	[sflag:s8] =	ssyncset.s32 @!p0 $0xFFFFF086;
	s6 =	sadd.s32 @!p0 s3, s7;
	s7 =	simm.s32 @!p0 $0x108  }
0x21: {  	s3 =	sadd.s32 s3, s9;
	s6 =	sadd.s32 @!p0 $0x88, s6;
	s7 =	simm.s32 @p2 $0x1082  }
0x22: {  	[simem:s7], [sflag:s8] =	dma.local @!p0 [hbm:s6], $0xF7A  }
0x23: {  	s9 =	sor.u32 $0xD0000000, s2;
	s6 =	simm.s32 $0x108;
	_ =	swait.ge @!p0 [sflag:s8], $0x0  }
0x24: {  	s3 =	sadd.s32 $0x88, s3;
	s6 =	simm.s32 @!p1 $0x1082;
	[sflag:s4] =	ssyncset.s32 $0xFFFFF086  }
0x25: {  	[simem:s6], [sflag:s4] =	dma.local [hbm:s3], $0xF7A  }
0x26: {  	[smem:$0x3F9D] =	sst s1;
	(tag) =	ssettag s2;
	_ =	strace s9  }
0x27: {  	s1 =	sld [smem:$0x3FAD]  }
0x28: {  	s2 =	sld [smem:$0x3FAE]  }
0x29: {  	s4 =	sld [smem:$0x3FB0]  }
0x2a: {  	p0 =	seq.s32 s5, $0x0;
	s5 =	sld [smem:$0x3FB1]  }
0x2b: {  	s6 =	sld [smem:$0x3FB2]  }
0x2c: {  	s7 =	sld [smem:$0x3FB3]  }
0x2d: {  	s3 =	simm.s32 $0x108;
	s8 =	sld [smem:$0x3FB4]  }
0x2e: {  	s3 =	simm.s32 @!p0 $0x1082;
	s9 =	sld [smem:$0x3FB5]  }
0x2f: {  	lr =	sadd.s32 s0, s3;
	s0 =	sld [smem:$0x3FAC]  }
0x30: {  	s3 =	sld [smem:$0x3FAF]  }
0x31: {  	[smem:$0x3FB8] =	sst s10  }
0x32: {  	s10 =	sld [smem:$0x3FB6];
	_ =	sdelay $0x3  }
0x33: {  	p0 =	seq.s32 s10, $0x1;
	s10 =	sld [smem:$0x3FB8];
	_ =	sdelay $0x3  }
0x34: {  	[smem:$0x3FB8] =	sst s10  }
0x35: {  	s10 =	sld [smem:$0x3FB7];
	_ =	sdelay $0x3  }
0x36: {  	p1 =	seq.s32 s10, $0x1;
	s10 =	sld [smem:$0x3FB8];
	_ =	sdelay $0x3  }
0x37: {  	[smem:$0x3FB8] =	sst s10  }
0x38: {  	s10 =	sld [smem:$0x3FB9]  }
0x39: {  	_ = 	snop;
	(pc) =	sbr.ind lr, $3  }
0x3a: {  	_ = 	snop  }
0x3b: {  	_ = 	snop  }
0x3c: {  	p2 =	seq.s32 s10, $0x1;
	s10 =	sld [smem:$0x3FB8]  }
0x3d: {  	_ =	shalt  }
0x3e: {  	_ =	shalt  }
0x3f: {  	_ =	shalt  }
0x40: {  	_ =	shalt  }
0x41: {  	_ =	shalt  }
0x42: {  	_ =	shalt  }
0x43: {  	_ =	shalt  }
0x44: {  	_ =	shalt  }
0x45: {  	_ =	shalt  }
0x46: {  	_ =	shalt  }
0x47: {  	_ =	shalt  }
0x48: {  	_ =	shalt  }
0x49: {  	_ =	shalt  }
0x4a: {  	_ =	shalt  }
0x4b: {  	_ =	shalt  }
0x4c: {  	_ =	shalt  }
0x4d: {  	_ =	shalt  }
0x4e: {  	_ =	shalt  }
0x4f: {  	_ =	shalt  }
0x50: {  	_ =	shalt  }
0x51: {  	_ =	shalt  }
0x52: {  	_ =	shalt  }
0x53: {  	_ =	shalt  }
0x54: {  	_ =	shalt  }
0x55: {  	_ =	shalt  }
0x56: {  	_ =	shalt  }
0x57: {  	_ =	shalt  }
0x58: {  	_ =	shalt  }
0x59: {  	_ =	shalt  }
0x5a: {  	_ =	shalt  }
0x5b: {  	_ =	shalt  }
0x5c: {  	_ =	shalt  }
0x5d: {  	_ =	shalt  }
0x5e: {  	_ =	shalt  }
0x5f: {  	_ =	shalt  }
0x60: {  	_ =	shalt  }
0x61: {  	_ =	shalt  }
0x62: {  	_ =	shalt  }
0x63: {  	_ =	shalt  }
0x64: {  	_ =	shalt  }
0x65: {  	_ =	shalt  }
0x66: {  	_ =	shalt  }
0x67: {  	_ =	shalt  }
0x68: {  	_ =	shalt  }
0x69: {  	_ =	shalt  }
0x6a: {  	_ =	shalt  }
0x6b: {  	_ =	shalt  }
0x6c: {  	_ =	shalt  }
0x6d: {  	_ =	shalt  }
0x6e: {  	_ =	shalt  }
0x6f: {  	_ =	shalt  }
0x70: {  	_ =	shalt  }
0x71: {  	_ =	shalt  }
0x72: {  	_ =	shalt  }
0x73: {  	_ =	shalt  }
0x74: {  	_ =	shalt  }
0x75: {  	_ =	shalt  }
0x76: {  	_ =	shalt  }
0x77: {  	_ =	shalt  }
0x78: {  	_ =	shalt  }
0x79: {  	_ =	shalt  }
0x7a: {  	_ =	shalt  }
0x7b: {  	_ =	shalt  }
0x7c: {  	_ =	shalt  }
0x7d: {  	_ =	shalt  }
0x7e: {  	_ =	shalt  }
0x7f: {  	_ =	shalt  }
0x80: {  	_ =	shalt  }
0x81: {  	_ =	shalt  }
0x82: {  	_ =	shalt  }
0x83: {  	_ =	shalt  }
0x84: {  	_ =	shalt  }
0x85: {  	_ =	shalt  }
0x86: {  	_ =	shalt  }
0x87: {  	_ =	shalt  }
.Lfunc_end0:
.L_simem_size_0:
called_computation_lowered:
.L_overlay_start_0:
0x88: {  	s2 =	sld [smem:$0x3FD9]  }
0x89: {  	s3 =	sld [smem:$0x3FFE];
	_ =	sdelay $0x1  }
0x8a: {  	s1 =	srdreg.scid  }
0x8b: {  	s0 =	sand.u32 $0x1, s1  }
0x8c: {  	s17 =	sshll.u32 s0, $0xA;
	s2 =	sadd.s32 s3, s2  }
0x8d: {  	s2 =	sadd.s32 s2, s17  }
0x8e: {  	[smem:$0x3FC4] =	sst s2  }
0x8f: {  	_ = 	snop  }
0x90: {  	s2 =	sld [smem:$0x3FC9]  }
0x91: {  	s18 =	sld [smem:$0x3FD0];
	(tm) =	ssettm $0x1  }
0x92: {  	s4 =	sld [smem:$0x3FFB];
	_ =	sdelay $0x3  }
0x93: {  	_ =	strace s4  }
0x94: {  	s4 =	sld [smem:$0x3FFC];
	_ =	sdelay $0x3  }
0x95: {  	_ =	strace s4  }
0x96: {  	s4 =	sld [smem:$0x3FFD];
	_ =	sdelay $0x3  }
0x97: {  	_ =	strace s4  }
0x98: {  	_ =	strace $0x8FFFFFFF  }
0x99: {  	s19 =	sld [smem:$0x3FDB];
	_ =	sdelay $0x1  }
0x9a: {  	s5 =	simm.s32 $_scs_section_size  }
0x9b: {  	s6 =	simm.s32 $_size__tile_overlayer_lowered;
	s7 =	simm.s32 $_tile_overlayer_lowered  }
0x9c: {  	s22 =	simm.s32 $0x1BFF;
	s21 =	sshll.u32 s7, $0x1;
	s4 =	sadd.s32 s5, s19  }
0x9d: {  	s8 =	simm.s32 $0x0;
	s20 =	sshll.u32 s6, $0x1;
	s6 =	sadd.s32 s21, s4  }
0x9e: {  	[timem:s8], [sflag:s22] =	dma.local [hbm:s6], s20  }
0x9f: {  	_ =	swait.ge [sflag:s22], s20  }
0xa0: {  	s5 =	ssub.s32 $0x0, s20;
	[sflag:s22] =	ssyncset.done $0x0  }
0xa1: {  	[sflag:s22] =	ssyncadd.s32 s5;
	_ =	sdelay $0x1  }
0xa2: {  	s23 =	simm.s32 $0x1B8B  }
0xa3: {  	_ =	swait.ge [sflag:s23], $0x1  }
0xa4: {  	[sflag:s23] =	ssyncset.done $0x0  }
0xa5: {  	s25 =	simm.s32 $0x1B8E;
	s24 =	sld [smem:$0x3FFE];
	[sflag:s23] =	ssyncadd.s32 $0xFFFFFFFF  }
0xa6: {  	s26 =	simm.s32 $execute0_lowered;
	[smem:$0x3FD2] =	sst s25  }
0xa7: {  	s6 =	sshll.u32 s26, $0x1;
	_ =	strace $0x80000046;
	[dreg:$0x1] =	wrdreg $0xFFFFFFFF  }
0xa8: {  	s28 =	simm.s32 $_size_execute0_lowered;
	s4 =	sadd.s32 s4, s6;
	[dreg:$0x0] =	wrdreg $0x0  }
0xa9: {  	s6 =	sshll.u32 s28, $0x1;
	[dreg:$0x2] =	wrdreg s4  }
0xaa: {  	[dreg:$0x3] =	wrdreg s6  }
0xab: {  	[dreg:$0x4] =	wrdreg $0xC0  }
0xac: {  	_ =	task [dreg:s8], $0x5FFFF  }
0xad: {  	[dreg:$0x1] =	wrdreg $0xFFFFFFFF  }
0xae: {  	[dreg:$0x0] =	wrdreg $0x60  }
0xaf: {  	[dreg:$0x2] =	wrdreg s2  }
0xb0: {  	[dreg:$0x3] =	wrdreg s18  }
0xb1: {  	[dreg:$0x4] =	wrdreg s24  }
0xb2: {  	[dreg:$0x5] =	wrdreg $0x88000  }
0xb3: {  	[dreg:$0x6] =	wrdreg $0x9  }
0xb4: {  	_ =	task.clear_ibuf [dreg:s8], $0x7FFFF;
	_ =	strace $0x90000046  }
0xb5: {  	s29 =	simm.s32 $0x9;
	_ =	strace $0x80000048  }
0xb6: {  	_ =	swait.ge [sflag:s29], $0x1  }
0xb7: {  	[sflag:s29] =	ssyncadd.s32 $0xFFFFFFFF  }
0xb8: {  	_ =	strace $0x90000048  }
0xb9: {  	_ =	sfence  }
0xba: {  	s30 =	sld [smem:$0x0];
	_ =	sdelay $0x2  }
0xbb: {  	s31 =	sshll.u32 s1, $0xD;
	s1 =	sshrl.u32 s1, $0x2  }
0xbc: {  	s3 =	sand.u32 $0x4000, s31;
	s1 =	sadd.s32 s1, s30  }
0xbd: {  	s0 =	sor.u32 s3, s0;
	s1 =	sshll.u32 s1, $0x11  }
0xbe: {  	s0 =	sor.u32 s1, s0  }
0xbf: {  	s0 =	sadd.s32 $0x8F2B, s0  }
0xc0: {  	[sflag:s0] =	ssyncadd.remote.s32 $0x1  }
0xc1: {  	_ =	sfence.sel $0xFFFF  }
0xc2: {  	[dreg:$0x0] =	wrdreg $0xFFFFFFFF;
	(pc) =	sbr.abs _section_cstart, $3  }
0xc3: {  	[dreg:$0x1] =	wrdreg $0xFFFFFFFF  }
0xc4: {  	_ =	task.clear_ibuf [dreg:s8], $0x2FFFF;
	_ =	strace $0x9FFFFFFF  }
0xc5: {  	(tm) =	ssettm $0x7FFFFFFF  }
tec
execute0_lowered:
.L_overlay_start_1:
0x0: {  	(tag) =	ssettag $0x1  }
0x1: {  	s1 =	rddreg [dreg:$0x0]  }
0x2: {  	s2 =	rddreg [dreg:$0x1]  }
0x3: {  	s3 =	rddreg [dreg:$0x2]  }
0x4: {  	s4 =	rddreg [dreg:$0x3]  }
0x5: {  	s0 =	srdreg.scid;
	s24 =	stileid.u32  }
0x6: {  	s5 =	simm.s32 $0x138;
	s22 =	simm.s32 $0x0;
	s8 =	sand.u32 $0x1, s0  }
0x7: {  	[smem:$0x7FF] =	sst s22;
	s21 =	smul.u32 $0x13C00, s24;
	s6 =	sadd.s32 $0x1200, s3  }
0x8: {  	s18 =	sadd.s32 $0x1F600, s3;
	s3 =	sadd.s32 $0x1F200, s3;
	s9 =	smul.u32 $0x1380, s8  }
0x9: {  	p0 =	seq.s32 s8, $0x0;
	_ =	strace $0x80000047;
	s19 =	smul.u32 $0x13C000, s8  }
0xa: {  	s23 =	ssub.s32 $0x2, s8;
	s8 =	smul.u32 $0x9C000, s8;
	[smem:$0x7E0] =	sst s3  }
0xb: {  	[smem:$0x7F0] =	sst s6;
	s5 =	simm.s32 @!p0 $0x8;
	s10 =	sshrl.u32 s23, $0x1  }
0xc: {  	s11 =	sadd.s32 $0x2000, s21;
	s12 =	sadd.s32 $0x4000, s21;
	s13 =	sadd.s32 $0x6000, s21  }
0xd: {  	s14 =	sadd.s32 $0x8000, s21;
	s15 =	sadd.s32 $0xA000, s21;
	s22 =	sadd.s32 $0xFFFFFFF8, s5  }
0xe: {  	s16 =	sadd.s32 $0xC000, s21;
	s25 =	sadd.s32 $0xFFFFFFFC, s5;
	[dreg:$0x5] =	wrdreg s22  }
0xf: {  	s17 =	sadd.s32 $0xE000, s21;
	s26 =	sadd.s32 $0xFFFFFFFB, s5;
	[dreg:$0x6] =	wrdreg s25  }
0x10: {  	s20 =	smul.u32 s24, s5;
	s7 =	sadd.s32 $0xFFFFFFFA, s5;
	[dreg:$0x7] =	wrdreg s26  }
0x11: {  	s0 =	ssub.s32 s23, s10;
	s23 =	sadd.s32 $0xFFFFFFF9, s5;
	[dreg:$0x8] =	wrdreg s7  }
0x12: {  	s10 =	sadd.s32 $0x10000, s21;
	s28 =	sadd.s32 s17, s4;
	[dreg:$0x9] =	wrdreg s23  }
0x13: {  	s26 =	sshll.u32 s5, $0x4;
	s9 =	sadd.s32 s9, s20;
	s20 =	sshll.u32 s20, $0x7  }
0x14: {  	s29 =	sadd.s32 s10, s4;
	[smem:$0x7FB] =	sst s28;
	s8 =	sadd.s32 s8, s20  }
0x15: {  	s0 =	smax.u32 s0, $0x1;
	[dreg:$0xa] =	wrdreg s26;
	s25 =	sadd.s32 $0x780, s8  }
0x16: {  	[smem:$0x7F2] =	sst s0;
	s23 =	sadd.s32 $0x700, s8;
	s22 =	sshrl.u32 s25, $0x3  }
0x17: {  	[smem:$0x7FC] =	sst s29;
	s25 =	sshrl.u32 s23, $0x3;
	s7 =	sadd.s32 s22, s6  }
0x18: {  	s23 =	sadd.s32 $0x12000, s21;
	s22 =	sadd.s32 s22, s2;
	[dreg:$0xb] =	wrdreg s7  }
0x19: {  	s21 =	sadd.s32 s21, s19;
	s26 =	sadd.s32 s25, s6;
	[dreg:$0xc] =	wrdreg s22  }
0x1a: {  	s21 =	sshrl.u32 s21, $0x3;
	s31 =	sadd.s32 s23, s4;
	[dreg:$0xd] =	wrdreg s26  }
0x1b: {  	s7 =	sadd.s32 $0x680, s8;
	s22 =	sadd.s32 s25, s2;
	[smem:$0x7FD] =	sst s31  }
0x1c: {  	s21 =	sadd.s32 s18, s21;
	s25 =	sshrl.u32 s7, $0x3;
	[dreg:$0xe] =	wrdreg s22  }
0x1d: {  	s7 =	sadd.s32 $0x600, s8;
	[dreg:$0x19] =	wrdreg s21;
	s26 =	sadd.s32 s25, s6  }
0x1e: {  	s22 =	sadd.s32 s25, s2;
	s25 =	sshrl.u32 s7, $0x3;
	[dreg:$0xf] =	wrdreg s26  }
0x1f: {  	s3 =	sshll.u32 s9, $0x4;
	[dreg:$0x10] =	wrdreg s22;
	s26 =	sadd.s32 s25, s6  }
0x20: {  	s7 =	sadd.s32 $0x580, s8;
	s22 =	sadd.s32 s25, s2;
	[dreg:$0x11] =	wrdreg s26  }
0x21: {  	s25 =	sshrl.u32 s7, $0x3;
	s7 =	sadd.s32 $0x500, s8;
	[dreg:$0x12] =	wrdreg s22  }
0x22: {  	s26 =	sadd.s32 s25, s6;
	s22 =	sadd.s32 s25, s2;
	s20 =	sshrl.u32 s7, $0x3  }
0x23: {  	s25 =	sadd.s32 s19, s11;
	s7 =	sadd.s32 s19, s13;
	[dreg:$0x13] =	wrdreg s26  }
0x24: {  	[dreg:$0x14] =	wrdreg s22;
	s22 =	sadd.s32 s20, s6;
	s20 =	sadd.s32 s20, s2  }
0x25: {  	s21 =	sshrl.u32 s25, $0x3;
	s26 =	sadd.s32 s19, s12;
	[dreg:$0x15] =	wrdreg s22  }
0x26: {  	s25 =	sadd.s32 s19, s14;
	s12 =	sadd.s32 s12, s4;
	[dreg:$0x16] =	wrdreg s20  }
0x27: {  	s14 =	sadd.s32 s14, s4;
	s21 =	sadd.s32 s18, s21;
	[smem:$0x7F6] =	sst s12  }
0x28: {  	s20 =	sshrl.u32 s26, $0x3;
	s22 =	sshrl.u32 s7, $0x3;
	[smem:$0x7F8] =	sst s14  }
0x29: {  	s7 =	sadd.s32 s19, s15;
	s15 =	sadd.s32 s15, s4;
	[dreg:$0x1a] =	wrdreg s21  }
0x2a: {  	s26 =	sshrl.u32 s25, $0x3;
	s20 =	sadd.s32 s18, s20;
	[smem:$0x7F9] =	sst s15  }
0x2b: {  	s25 =	sadd.s32 s19, s16;
	[dreg:$0x1b] =	wrdreg s20;
	s20 =	sadd.s32 s18, s22  }
0x2c: {  	s22 =	sshrl.u32 s7, $0x3;
	s7 =	sadd.s32 s19, s17;
	[dreg:$0x1c] =	wrdreg s20  }
0x2d: {  	s20 =	sadd.s32 s18, s26;
	s26 =	sshrl.u32 s25, $0x3;
	s25 =	sadd.s32 s19, s10  }
0x2e: {  	s19 =	sadd.s32 s19, s23;
	s23 =	sor.u32 $0x30, s3;
	[dreg:$0x1d] =	wrdreg s20  }
0x2f: {  	s20 =	sadd.s32 s18, s22;
	s22 =	sshrl.u32 s7, $0x3;
	s7 =	sadd.s32 $0x480, s8  }
0x30: {  	[dreg:$0x1e] =	wrdreg s20;
	s20 =	sadd.s32 s18, s26;
	s26 =	sshrl.u32 s25, $0x3  }
0x31: {  	s25 =	smul.u32 $0x4F000, s24;
	s24 =	sadd.s32 s2, s23;
	[dreg:$0x1f] =	wrdreg s20  }
0x32: {  	s21 =	sshrl.u32 s7, $0x3;
	s20 =	sadd.s32 s18, s22;
	[smem:$0x7E5] =	sst s24  }
0x33: {  	s7 =	sadd.s32 s21, s2;
	[smem:$0x7DD] =	sst s20  }
0x34: {  	s24 =	sadd.s32 $0x400, s8;
	[dreg:$0x18] =	wrdreg s7  }
0x35: {  	s19 =	sshrl.u32 s19, $0x3;
	s20 =	sadd.s32 s18, s26;
	[smem:$0x7F3] =	sst s24  }
0x36: {  	s18 =	sadd.s32 s18, s19;
	[smem:$0x7DE] =	sst s20  }
0x37: {  	s26 =	sadd.s32 s21, s6;
	[smem:$0x7DF] =	sst s18  }
0x38: {  	s9 =	sor.u32 $0x10, s3;
	s7 =	sadd.s32 s11, s4;
	[dreg:$0x17] =	wrdreg s26  }
0x39: {  	s19 =	sshrl.u32 s25, $0x2;
	s25 =	sadd.s32 s13, s4;
	[smem:$0x7F5] =	sst s7  }
0x3a: {  	s20 =	sadd.s32 s2, s9;
	[smem:$0x7F7] =	sst s25  }
0x3b: {  	s21 =	sor.u32 $0x20, s3;
	s9 =	sadd.s32 s6, s9;
	[smem:$0x7E1] =	sst s20  }
0x3c: {  	s11 =	sor.u32 $0x40, s3;
	s22 =	sadd.s32 s2, s21;
	[smem:$0x7E2] =	sst s9  }
0x3d: {  	s13 =	sadd.s32 s2, s11;
	[smem:$0x7E3] =	sst s22  }
0x3e: {  	s30 =	simm.s32 $0x40;
	s18 =	sadd.s32 s2, s3;
	[smem:$0x7E7] =	sst s13  }
0x3f: {  	s0 =	simm.s32 $0x4800;
	s19 =	sadd.s32 s19, s4;
	[smem:$0x7EB] =	sst s18  }
0x40: {  	s8 =	simm.s32 $0xD;
	s26 =	sadd.s32 s16, s4;
	[smem:$0x7F4] =	sst s19  }
0x41: {  	s16 =	sor.u32 $0x50, s3;
	s9 =	sadd.s32 s6, s21;
	[smem:$0x7FA] =	sst s26  }
0x42: {  	s24 =	simm.s32 $0x4;
	s17 =	sadd.s32 s2, s16;
	[smem:$0x7E4] =	sst s9  }
0x43: {  	s20 =	sadd.s32 s6, s3;
	s21 =	sor.u32 $0x60, s3;
	[smem:$0x7E9] =	sst s17  }
0x44: {  	s3 =	sor.u32 $0x70, s3;
	s9 =	sadd.s32 s6, s23;
	[smem:$0x7EC] =	sst s20  }
0x45: {  	s13 =	simm.s32 $0x2800;
	s22 =	sadd.s32 s2, s21;
	[smem:$0x7E6] =	sst s9  }
0x46: {  	s18 =	simm.s32 $0x200;
	s23 =	sadd.s32 s2, s3;
	[smem:$0x7ED] =	sst s22  }
0x47: {  	s3 =	sadd.s32 s6, s3;
	s20 =	simm.s32 $0x6800;
	[smem:$0x7EF] =	sst s23  }
0x48: {  	s17 =	simm.s32 $0x180;
	s9 =	sadd.s32 s6, s11;
	[smem:$0x7F1] =	sst s3  }
0x49: {  	s3 =	simm.s32 $0x800;
	s22 =	simm.s32 $0x2;
	s23 =	simm.s32 $0x3  }
0x4a: {  	[smem:$0x7E8] =	sst s9;
	s9 =	sadd.s32 s6, s16;
	s16 =	simm.s32 $0x380  }
0x4b: {  	[smem:$0x7EA] =	sst s9;
	s9 =	sadd.s32 s6, s21;
	s21 =	simm.s32 $0x1  }
0x4c: {  	s6 =	simm.s32 $0x0;
	[smem:$0x7EE] =	sst s9;
	s9 =	simm.s32 $0x300  }
.LBB2_1:
0x4d: {  	s10 =	sld [smem:$0x7E0];
	_ =	sdelay $0x1  }
0x4e: {  	[smem:$0x7DC] =	sst s6;
	s11 =	simm.s32 $0x0  }
0x4f: {  	[tilespmem:s3], [sflag:$0xD] =	stream.linear.gather [hbm4b:s10+s11], $0x2000, $0x38;
	[tilespmem:$0x1C400] =	vst v63  }
0x50: {  	_ =	swait.ge [sflag:s8], $0x2000  }
0x51: {  	[sflag:s8] =	ssyncset.done $0x0  }
0x52: {  	[sflag:s8] =	ssyncadd.s32 $0xFFFFE000  }
0x53: {  	[spmem:s19] =	stream.linear.scatter [tilespmem:s3], [sflag:$0xD], $0x2000, $0x38;
	[tilespmem:$0x1C400] =	vst v63  }
0x54: {  	_ =	swait.ge [sflag:s8], $0x2000  }
0x55: {  	[sflag:s8] =	ssyncset.done $0x0  }
0x56: {  	[sflag:s8] =	ssyncadd.s32 $0xFFFFE000  }
0x57: {  	[spmem:s7] =	stream.linear.scatter [tilespmem:s3], [sflag:$0xD], $0x2000, $0x38;
	[tilespmem:$0x1C400] =	vst v63  }
0x58: {  	_ =	swait.ge [sflag:s8], $0x2000  }
0x59: {  	[sflag:s8] =	ssyncset.done $0x0  }
0x5a: {  	[sflag:s8] =	ssyncadd.s32 $0xFFFFE000  }
0x5b: {  	[spmem:s12] =	stream.linear.scatter [tilespmem:s3], [sflag:$0xD], $0x2000, $0x38;
	[tilespmem:$0x1C400] =	vst v63  }
0x5c: {  	_ =	swait.ge [sflag:s8], $0x2000  }
0x5d: {  	[sflag:s8] =	ssyncset.done $0x0  }
0x5e: {  	[sflag:s8] =	ssyncadd.s32 $0xFFFFE000  }
0x5f: {  	[spmem:s25] =	stream.linear.scatter [tilespmem:s3], [sflag:$0xD], $0x2000, $0x38;
	[tilespmem:$0x1C400] =	vst v63  }
0x60: {  	_ =	swait.ge [sflag:s8], $0x2000  }
0x61: {  	[sflag:s8] =	ssyncset.done $0x0  }
0x62: {  	[sflag:s8] =	ssyncadd.s32 $0xFFFFE000  }
0x63: {  	[spmem:s14] =	stream.linear.scatter [tilespmem:s3], [sflag:$0xD], $0x2000, $0x38;
	[tilespmem:$0x1C400] =	vst v63  }
0x64: {  	_ =	swait.ge [sflag:s8], $0x2000  }
0x65: {  	[sflag:s8] =	ssyncset.done $0x0  }
0x66: {  	[sflag:s8] =	ssyncadd.s32 $0xFFFFE000  }
0x67: {  	[spmem:s15] =	stream.linear.scatter [tilespmem:s3], [sflag:$0xD], $0x2000, $0x38;
	[tilespmem:$0x1C400] =	vst v63  }
0x68: {  	_ =	swait.ge [sflag:s8], $0x2000  }
0x69: {  	[sflag:s8] =	ssyncset.done $0x0  }
0x6a: {  	[sflag:s8] =	ssyncadd.s32 $0xFFFFE000  }
0x6b: {  	[spmem:s26] =	stream.linear.scatter [tilespmem:s3], [sflag:$0xD], $0x2000, $0x38;
	[tilespmem:$0x1C400] =	vst v63  }
0x6c: {  	_ =	swait.ge [sflag:s8], $0x2000  }
0x6d: {  	[sflag:s8] =	ssyncset.done $0x0  }
0x6e: {  	[sflag:s8] =	ssyncadd.s32 $0xFFFFE000  }
0x6f: {  	[spmem:s28] =	stream.linear.scatter [tilespmem:s3], [sflag:$0xD], $0x2000, $0x38;
	[tilespmem:$0x1C400] =	vst v63  }
0x70: {  	_ =	swait.ge [sflag:s8], $0x2000  }
0x71: {  	[sflag:s8] =	ssyncset.done $0x0  }
0x72: {  	[sflag:s8] =	ssyncadd.s32 $0xFFFFE000  }
0x73: {  	[spmem:s29] =	stream.linear.scatter [tilespmem:s3], [sflag:$0xD], $0x2000, $0x38;
	[tilespmem:$0x1C400] =	vst v63  }
0x74: {  	_ =	swait.ge [sflag:s8], $0x2000  }
0x75: {  	[sflag:s8] =	ssyncset.done $0x0  }
0x76: {  	[sflag:s8] =	ssyncadd.s32 $0xFFFFE000  }
0x77: {  	[spmem:s31] =	stream.linear.scatter [tilespmem:s3], [sflag:$0xD], $0x1C00, $0x38;
	[tilespmem:$0x1C400] =	vst v63  }
0x78: {  	_ =	swait.ge [sflag:s8], $0x1C00  }
0x79: {  	[sflag:s8] =	ssyncset.done $0x0  }
0x7a: {  	[sflag:s8] =	ssyncadd.s32 $0xFFFFE400  }
0x7b: {  	[bflag:$0x0] =	sbarrier.arrive $0xFFFF  }
0x7c: {  	s15 =	sld [smem:$0x7EB];
	_ =	sdelay $0x1  }
0x7d: {  	s19 =	sld [smem:$0x7EC]  }
0x7e: {  	[tilespmem:s11], [sflag:$0x5] =	stream.linear.gather [hbm4b:s15+s11], $0x80, $0x38;
	[tilespmem:$0x1C400] =	vst v63  }
0x7f: {  	s25 =	simm.s32 $0x400;
	s26 =	sld [smem:$0x7E1]  }
0x80: {  	[tilespmem:s25], [sflag:$0x5] =	stream.linear.gather [hbm4b:s19+s11], $0x80, $0x38;
	[tilespmem:$0x1C400] =	vst v63  }
0x81: {  	s31 =	simm.s32 $0x80;
	s6 =	sld [smem:$0x7E2]  }
0x82: {  	[tilespmem:s31], [sflag:$0x6] =	stream.linear.gather [hbm4b:s26+s11], $0x80, $0x38;
	[tilespmem:$0x1C400] =	vst v63  }
0x83: {  	s12 =	simm.s32 $0x480;
	s7 =	sld [smem:$0x7E3]  }
0x84: {  	[tilespmem:s12], [sflag:$0x6] =	stream.linear.gather [hbm4b:s6+s11], $0x80, $0x38;
	[tilespmem:$0x1C400] =	vst v63  }
0x85: {  	s14 =	simm.s32 $0x100;
	s15 =	sld [smem:$0x7E4]  }
0x86: {  	[tilespmem:s14], [sflag:$0x7] =	stream.linear.gather [hbm4b:s7+s11], $0x80, $0x38;
	[tilespmem:$0x1C400] =	vst v63  }
0x87: {  	s19 =	sld [smem:$0x7E5];
	s14 =	simm.s32 $0x500  }
0x88: {  	[tilespmem:s14], [sflag:$0x7] =	stream.linear.gather [hbm4b:s15+s11], $0x80, $0x38;
	[tilespmem:$0x1C400] =	vst v63  }
0x89: {  	s26 =	sld [smem:$0x7E6]  }
0x8a: {  	[tilespmem:s17], [sflag:$0x8] =	stream.linear.gather [hbm4b:s19+s11], $0x80, $0x38;
	[tilespmem:$0x1C400] =	vst v63  }
0x8b: {  	s31 =	sld [smem:$0x7E7];
	s15 =	simm.s32 $0x580  }
0x8c: {  	[tilespmem:s15], [sflag:$0x8] =	stream.linear.gather [hbm4b:s26+s11], $0x80, $0x38;
	[tilespmem:$0x1C400] =	vst v63  }
0x8d: {  	s6 =	sld [smem:$0x7E8]  }
0x8e: {  	[tilespmem:s18], [sflag:$0x9] =	stream.linear.gather [hbm4b:s31+s11], $0x80, $0x38;
	[tilespmem:$0x1C400] =	vst v63  }
0x8f: {  	s7 =	simm.s32 $0x600;
	s19 =	sld [smem:$0x7E9]  }
0x90: {  	[tilespmem:s7], [sflag:$0x9] =	stream.linear.gather [hbm4b:s6+s11], $0x80, $0x38;
	[tilespmem:$0x1C400] =	vst v63  }
0x91: {  	s26 =	sld [smem:$0x7EA];
	s6 =	simm.s32 $0x280  }
0x92: {  	[tilespmem:s6], [sflag:$0xA] =	stream.linear.gather [hbm4b:s19+s11], $0x80, $0x38;
	[tilespmem:$0x1C400] =	vst v63  }
0x93: {  	s31 =	simm.s32 $0x680;
	s19 =	sld [smem:$0x7ED]  }
0x94: {  	[tilespmem:s31], [sflag:$0xA] =	stream.linear.gather [hbm4b:s26+s11], $0x80, $0x38;
	[tilespmem:$0x1C400] =	vst v63  }
0x95: {  	s26 =	sld [smem:$0x7EE]  }
0x96: {  	[tilespmem:s9], [sflag:$0xB] =	stream.linear.gather [hbm4b:s19+s11], $0x80, $0x38;
	[tilespmem:$0x1C400] =	vst v63  }
0x97: {  	s7 =	sld [smem:$0x7EF];
	s31 =	simm.s32 $0x700  }
0x98: {  	[tilespmem:s31], [sflag:$0xB] =	stream.linear.gather [hbm4b:s26+s11], $0x80, $0x38;
	[tilespmem:$0x1C400] =	vst v63  }
0x99: {  	s9 =	sld [smem:$0x7F1]  }
0x9a: {  	[tilespmem:s16], [sflag:$0xC] =	stream.linear.gather [hbm4b:s7+s11], $0x80, $0x38;
	[tilespmem:$0x1C400] =	vst v63  }
0x9b: {  	s19 =	simm.s32 $0x5;
	s16 =	simm.s32 $0x780  }
0x9c: {  	[tilespmem:s16], [sflag:$0xC] =	stream.linear.gather [hbm4b:s9+s11], $0x80, $0x38;
	[tilespmem:$0x1C400] =	vst v63  }
0x9d: {  	_ =	swait.ge [sflag:s19], $0x80  }
0x9e: {  	[sflag:s19] =	ssyncset.done $0x0  }
0x9f: {  	[sflag:s19] =	ssyncadd.s32 $0xFFFFFF80  }
0xa0: {  	_ =	swait.ge [sflag:s19], $0x80  }
0xa1: {  	[sflag:s19] =	ssyncset.done $0x0  }
0xa2: {  	[sflag:s19] =	ssyncadd.s32 $0xFFFFFF80  }
0xa3: {  	[tilespmem:s3], [sflag:$0x1] =	stream.indirect.gather [hbm4b:s1+s30], $0x80, s25, s30, $0xb8;
	[tilespmem:$0x1C400] =	vst v63  }
0xa4: {  	s25 =	simm.s32 $0x6  }
0xa5: {  	_ =	swait.ge [sflag:s25], $0x80  }
0xa6: {  	[sflag:s25] =	ssyncset.done $0x0  }
0xa7: {  	[sflag:s25] =	ssyncadd.s32 $0xFFFFFF80  }
0xa8: {  	_ =	swait.ge [sflag:s25], $0x80  }
0xa9: {  	[sflag:s25] =	ssyncset.done $0x0  }
0xaa: {  	s26 =	simm.s32 $0x7;
	[sflag:s25] =	ssyncadd.s32 $0xFFFFFF80  }
0xab: {  	[tilespmem:s13], [sflag:$0x2] =	stream.indirect.gather [hbm4b:s1+s30], $0x80, s12, s30, $0xb8;
	[tilespmem:$0x1C400] =	vst v63  }
0xac: {  	_ =	swait.ge [sflag:s26], $0x80  }
0xad: {  	[sflag:s26] =	ssyncset.done $0x0  }
0xae: {  	[sflag:s26] =	ssyncadd.s32 $0xFFFFFF80  }
0xaf: {  	_ =	swait.ge [sflag:s26], $0x80  }
0xb0: {  	[sflag:s26] =	ssyncset.done $0x0  }
0xb1: {  	s31 =	simm.s32 $0x8;
	[sflag:s26] =	ssyncadd.s32 $0xFFFFFF80  }
0xb2: {  	[tilespmem:s0], [sflag:$0x3] =	stream.indirect.gather [hbm4b:s1+s30], $0x80, s14, s30, $0xb8;
	[tilespmem:$0x1C400] =	vst v63  }
0xb3: {  	_ =	swait.ge [sflag:s31], $0x80  }
0xb4: {  	[sflag:s31] =	ssyncset.done $0x0  }
0xb5: {  	[sflag:s31] =	ssyncadd.s32 $0xFFFFFF80  }
0xb6: {  	s28 =	simm.s32 $0x0;
	s29 =	simm.s32 $0x0;
	_ =	swait.ge [sflag:s31], $0x80  }
0xb7: {  	s7 =	simm.s32 $0x380;
	[sflag:s31] =	ssyncset.done $0x0;
	s26 =	sld [smem:$0x7F3]  }
0xb8: {  	s9 =	simm.s32 $0x300;
	s16 =	sld [smem:$0x7F0];
	[sflag:s31] =	ssyncadd.s32 $0xFFFFFF80  }
0xb9: {  	[tilespmem:s20], [sflag:$0x4] =	stream.indirect.gather [hbm4b:s1+s30], $0x80, s15, s30, $0xb8;
	[tilespmem:$0x1C400] =	vst v63  }
.LBB2_2:
0xba: {  	_ =	swait.ge [sflag:s21], $0x2000  }
0xbb: {  	[sflag:s21] =	ssyncset.done $0x0  }
0xbc: {  	s10 =	simm.s32 $0x0;
	[sflag:s21] =	ssyncadd.s32 $0xFFFFE000  }
0xbd: {  	[spmem:s4] =	stream.indirect.scatter.add.f32 [tilespmem:s3], [sflag:$0xD], $0x80, s10, s30, $0xb8;
	[tilespmem:$0x1C400] =	vst v63  }
0xbe: {  	_ =	swait.ge [sflag:s8], $0x2000  }
0xbf: {  	s11 =	rddreg [dreg:$0x5]  }
0xc0: {  	[sflag:s8] =	ssyncset.done $0x0;
	p0 =	sge.u32 s28, s11  }
0xc1: {  	s25 =	rddreg [dreg:$0x6];
	[sflag:s8] =	ssyncadd.s32 $0xFFFFE000;
	s11 =	sshrl.u32 @!p0 s26, $0x3  }
0xc2: {  	p1 =	sge.u32 s28, s25;
	s19 =	simm.s32 @!p0 $0x0;
	s15 =	sadd.s32 @!p0 s2, s11  }
0xc3: {  	[tilespmem:s19], [sflag:$0x5] =	stream.linear.gather @!p0 [hbm4b:s15+s19], $0x80, $0x38;
	[tilespmem:$0x1C400] =	vst v63  }
0xc4: {  	s31 =	sadd.s32 @!p0 s16, s11;
	s11 =	simm.s32 @!p0 $0x400;
	s15 =	simm.s32 @!p1 $0x9  }
0xc5: {  	[tilespmem:s11], [sflag:$0x5] =	stream.linear.gather @!p0 [hbm4b:s31+s19], $0x80, $0x38;
	[tilespmem:$0x1C400] =	vst v63  }
0xc6: {  	_ =	swait.ge @!p1 [sflag:s15], $0x80  }
0xc7: {  	[sflag:s15] =	ssyncset.done @!p1 $0x0  }
0xc8: {  	[sflag:s15] =	ssyncadd.s32 @!p1 $0xFFFFFF80  }
0xc9: {  	_ =	swait.ge @!p1 [sflag:s15], $0x80  }
0xca: {  	s19 =	simm.s32 @!p1 $0x600;
	[sflag:s15] =	ssyncset.done @!p1 $0x0  }
0xcb: {  	s31 =	simm.s32 @!p1 $0x800;
	[sflag:s15] =	ssyncadd.s32 @!p1 $0xFFFFFF80;
	s15 =	simm.s32 @!p1 $0x40  }
0xcc: {  	[tilespmem:s31], [sflag:$0x1] =	stream.indirect.gather @!p1 [hbm4b:s1+s15], $0x80, s19, s15, $0xb8;
	[tilespmem:$0x1C400] =	vst v63  }
0xcd: {  	_ =	swait.ge [sflag:s22], $0x2000  }
0xce: {  	[sflag:s22] =	ssyncset.done $0x0  }
0xcf: {  	s31 =	simm.s32 $0x80;
	[sflag:s22] =	ssyncadd.s32 $0xFFFFE000  }
0xd0: {  	[spmem:s4] =	stream.indirect.scatter.add.f32 [tilespmem:s13], [sflag:$0xD], $0x80, s31, s30, $0xb8;
	[tilespmem:$0x1C400] =	vst v63  }
0xd1: {  	s12 =	sadd.s32 $0x9, s28;
	_ =	swait.ge [sflag:s8], $0x2000  }
0xd2: {  	p1 =	sge.u32 s12, s5;
	s15 =	rddreg [dreg:$0x18]  }
0xd3: {  	s19 =	simm.s32 @!p1 $0x0;
	s25 =	rddreg [dreg:$0x17]  }
0xd4: {  	s31 =	simm.s32 @!p1 $0x80;
	[sflag:s8] =	ssyncset.done $0x0;
	s14 =	rddreg [dreg:$0x7]  }
0xd5: {  	[sflag:s8] =	ssyncadd.s32 $0xFFFFE000;
	s15 =	sadd.s32 @!p1 s29, s15;
	p2 =	sge.u32 s28, s14  }
0xd6: {  	[tilespmem:s31], [sflag:$0x6] =	stream.linear.gather @!p1 [hbm4b:s15+s19], $0x80, $0x38;
	[tilespmem:$0x1C400] =	vst v63  }
0xd7: {  	s25 =	sadd.s32 @!p1 s29, s25;
	s31 =	simm.s32 @!p1 $0x480;
	s15 =	simm.s32 @!p2 $0xA  }
0xd8: {  	[tilespmem:s31], [sflag:$0x6] =	stream.linear.gather @!p1 [hbm4b:s25+s19], $0x80, $0x38;
	[tilespmem:$0x1C400] =	vst v63  }
0xd9: {  	_ =	swait.ge @!p2 [sflag:s15], $0x80  }
0xda: {  	[sflag:s15] =	ssyncset.done @!p2 $0x0  }
0xdb: {  	[sflag:s15] =	ssyncadd.s32 @!p2 $0xFFFFFF80  }
0xdc: {  	_ =	swait.ge @!p2 [sflag:s15], $0x80  }
0xdd: {  	s19 =	simm.s32 @!p2 $0x680;
	[sflag:s15] =	ssyncset.done @!p2 $0x0  }
0xde: {  	s25 =	simm.s32 @!p2 $0x2800;
	[sflag:s15] =	ssyncadd.s32 @!p2 $0xFFFFFF80;
	s15 =	simm.s32 @!p2 $0x40  }
0xdf: {  	[tilespmem:s25], [sflag:$0x2] =	stream.indirect.gather @!p2 [hbm4b:s1+s15], $0x80, s19, s15, $0xb8;
	[tilespmem:$0x1C400] =	vst v63  }
0xe0: {  	_ =	swait.ge [sflag:s23], $0x2000  }
0xe1: {  	[sflag:s23] =	ssyncset.done $0x0  }
0xe2: {  	s10 =	sadd.s32 $0xA, s28;
	s25 =	simm.s32 $0x100;
	[sflag:s23] =	ssyncadd.s32 $0xFFFFE000  }
0xe3: {  	[spmem:s4] =	stream.indirect.scatter.add.f32 [tilespmem:s0], [sflag:$0xD], $0x80, s25, s30, $0xb8;
	[tilespmem:$0x1C400] =	vst v63  }
0xe4: {  	p2 =	sge.u32 s10, s5;
	_ =	swait.ge [sflag:s8], $0x2000  }
0xe5: {  	s14 =	smov.u32 s2;
	s19 =	simm.s32 @!p2 $0x0;
	s15 =	rddreg [dreg:$0x16]  }
0xe6: {  	s25 =	simm.s32 @!p2 $0x100;
	[sflag:s8] =	ssyncset.done $0x0;
	s2 =	rddreg [dreg:$0x15]  }
0xe7: {  	s12 =	rddreg [dreg:$0x8];
	[sflag:s8] =	ssyncadd.s32 $0xFFFFE000;
	s15 =	sadd.s32 @!p2 s29, s15  }
0xe8: {  	[tilespmem:s25], [sflag:$0x7] =	stream.linear.gather @!p2 [hbm4b:s15+s19], $0x80, $0x38;
	[tilespmem:$0x1C400] =	vst v63  }
0xe9: {  	s2 =	sadd.s32 @!p2 s29, s2;
	p3 =	sge.u32 s28, s12;
	s15 =	simm.s32 @!p2 $0x500  }
0xea: {  	[tilespmem:s15], [sflag:$0x7] =	stream.linear.gather @!p2 [hbm4b:s2+s19], $0x80, $0x38;
	[tilespmem:$0x1C400] =	vst v63  }
0xeb: {  	s2 =	simm.s32 @!p3 $0xB  }
0xec: {  	_ =	swait.ge @!p3 [sflag:s2], $0x80  }
0xed: {  	[sflag:s2] =	ssyncset.done @!p3 $0x0  }
0xee: {  	[sflag:s2] =	ssyncadd.s32 @!p3 $0xFFFFFF80  }
0xef: {  	_ =	swait.ge @!p3 [sflag:s2], $0x80  }
0xf0: {  	s25 =	simm.s32 @!p3 $0x4800;
	[sflag:s2] =	ssyncset.done @!p3 $0x0  }
0xf1: {  	s19 =	simm.s32 @!p3 $0x700;
	[sflag:s2] =	ssyncadd.s32 @!p3 $0xFFFFFF80;
	s2 =	simm.s32 @!p3 $0x40  }
0xf2: {  	[tilespmem:s25], [sflag:$0x3] =	stream.indirect.gather @!p3 [hbm4b:s1+s2], $0x80, s19, s2, $0xb8;
	[tilespmem:$0x1C400] =	vst v63  }
0xf3: {  	_ =	swait.ge [sflag:s24], $0x2000  }
0xf4: {  	[sflag:s24] =	ssyncset.done $0x0  }
0xf5: {  	[sflag:s24] =	ssyncadd.s32 $0xFFFFE000  }
0xf6: {  	[spmem:s4] =	stream.indirect.scatter.add.f32 [tilespmem:s20], [sflag:$0xD], $0x80, s17, s30, $0xb8;
	[tilespmem:$0x1C400] =	vst v63  }
0xf7: {  	s10 =	sadd.s32 $0xB, s28;
	_ =	swait.ge [sflag:s8], $0x2000  }
0xf8: {  	p3 =	sge.u32 s10, s5;
	s2 =	rddreg [dreg:$0x14]  }
0xf9: {  	s25 =	simm.s32 @!p3 $0x0;
	s10 =	rddreg [dreg:$0x13]  }
0xfa: {  	s19 =	simm.s32 @!p3 $0x180;
	[sflag:s8] =	ssyncset.done $0x0;
	s12 =	rddreg [dreg:$0x9]  }
0xfb: {  	[sflag:s8] =	ssyncadd.s32 $0xFFFFE000;
	s2 =	sadd.s32 @!p3 s29, s2;
	p4 =	sge.u32 s28, s12  }
0xfc: {  	[tilespmem:s19], [sflag:$0x8] =	stream.linear.gather @!p3 [hbm4b:s2+s25], $0x80, $0x38;
	[tilespmem:$0x1C400] =	vst v63  }
0xfd: {  	s10 =	sadd.s32 @!p3 s29, s10;
	s19 =	simm.s32 @!p3 $0x580;
	s2 =	simm.s32 @!p4 $0xC  }
0xfe: {  	[tilespmem:s19], [sflag:$0x8] =	stream.linear.gather @!p3 [hbm4b:s10+s25], $0x80, $0x38;
	[tilespmem:$0x1C400] =	vst v63  }
0xff: {  	_ =	swait.ge @!p4 [sflag:s2], $0x80  }
0x100: {  	[sflag:s2] =	ssyncset.done @!p4 $0x0  }
0x101: {  	[sflag:s2] =	ssyncadd.s32 @!p4 $0xFFFFFF80  }
0x102: {  	_ =	swait.ge @!p4 [sflag:s2], $0x80  }
0x103: {  	s10 =	simm.s32 @!p4 $0x780;
	[sflag:s2] =	ssyncset.done @!p4 $0x0  }
0x104: {  	s25 =	simm.s32 @!p4 $0x6800;
	[sflag:s2] =	ssyncadd.s32 @!p4 $0xFFFFFF80;
	s2 =	simm.s32 @!p4 $0x40  }
0x105: {  	[tilespmem:s25], [sflag:$0x4] =	stream.indirect.gather @!p4 [hbm4b:s1+s2], $0x80, s10, s2, $0xb8;
	[tilespmem:$0x1C400] =	vst v63  }
0x106: {  	_ =	swait.ge [sflag:s21], $0x2000  }
0x107: {  	s25 =	sadd.s32 $0xC, s28;
	[sflag:s21] =	ssyncset.done $0x0  }
0x108: {  	p4 =	sge.u32 s25, s5;
	[sflag:s21] =	ssyncadd.s32 $0xFFFFE000  }
0x109: {  	[spmem:s4] =	stream.indirect.scatter.add.f32 [tilespmem:s3], [sflag:$0xD], $0x80, s18, s30, $0xb8;
	[tilespmem:$0x1C400] =	vst v63  }
0x10a: {  	s25 =	simm.s32 @!p4 $0x0;
	_ =	swait.ge [sflag:s8], $0x2000  }
0x10b: {  	s12 =	simm.s32 @!p4 $0x200;
	s2 =	rddreg [dreg:$0x12];
	[sflag:s8] =	ssyncset.done $0x0  }
0x10c: {  	s10 =	rddreg [dreg:$0x11];
	[sflag:s8] =	ssyncadd.s32 $0xFFFFE000;
	s2 =	sadd.s32 @!p4 s29, s2  }
0x10d: {  	[tilespmem:s12], [sflag:$0x9] =	stream.linear.gather @!p4 [hbm4b:s2+s25], $0x80, $0x38;
	[tilespmem:$0x1C400] =	vst v63  }
0x10e: {  	s2 =	sadd.s32 @!p4 s29, s10;
	s10 =	simm.s32 @!p4 $0x600  }
0x10f: {  	[tilespmem:s10], [sflag:$0x9] =	stream.linear.gather @!p4 [hbm4b:s2+s25], $0x80, $0x38;
	[tilespmem:$0x1C400] =	vst v63  }
0x110: {  	s2 =	simm.s32 @!p0 $0x5  }
0x111: {  	_ =	swait.ge @!p0 [sflag:s2], $0x80  }
0x112: {  	[sflag:s2] =	ssyncset.done @!p0 $0x0  }
0x113: {  	[sflag:s2] =	ssyncadd.s32 @!p0 $0xFFFFFF80  }
0x114: {  	_ =	swait.ge @!p0 [sflag:s2], $0x80  }
0x115: {  	[sflag:s2] =	ssyncset.done @!p0 $0x0  }
0x116: {  	s10 =	simm.s32 @!p0 $0x800;
	[sflag:s2] =	ssyncadd.s32 @!p0 $0xFFFFFF80;
	s2 =	simm.s32 @!p0 $0x40  }
0x117: {  	[tilespmem:s10], [sflag:$0x1] =	stream.indirect.gather @!p0 [hbm4b:s1+s2], $0x80, s11, s2, $0xb8;
	[tilespmem:$0x1C400] =	vst v63  }
0x118: {  	_ =	swait.ge [sflag:s22], $0x2000  }
0x119: {  	s11 =	sadd.s32 $0xD, s28;
	[sflag:s22] =	ssyncset.done $0x0  }
0x11a: {  	p0 =	sge.u32 s11, s5;
	[sflag:s22] =	ssyncadd.s32 $0xFFFFE000  }
0x11b: {  	[spmem:s4] =	stream.indirect.scatter.add.f32 [tilespmem:s13], [sflag:$0xD], $0x80, s6, s30, $0xb8;
	[tilespmem:$0x1C400] =	vst v63  }
0x11c: {  	s11 =	simm.s32 @!p0 $0x0;
	_ =	swait.ge [sflag:s8], $0x2000  }
0x11d: {  	s12 =	simm.s32 @!p0 $0x280;
	s2 =	rddreg [dreg:$0x10];
	[sflag:s8] =	ssyncset.done $0x0  }
0x11e: {  	s10 =	rddreg [dreg:$0xf];
	[sflag:s8] =	ssyncadd.s32 $0xFFFFE000;
	s2 =	sadd.s32 @!p0 s29, s2  }
0x11f: {  	[tilespmem:s12], [sflag:$0xA] =	stream.linear.gather @!p0 [hbm4b:s2+s11], $0x80, $0x38;
	[tilespmem:$0x1C400] =	vst v63  }
0x120: {  	s2 =	sadd.s32 @!p0 s29, s10;
	s10 =	simm.s32 @!p0 $0x680  }
0x121: {  	[tilespmem:s10], [sflag:$0xA] =	stream.linear.gather @!p0 [hbm4b:s2+s11], $0x80, $0x38;
	[tilespmem:$0x1C400] =	vst v63  }
0x122: {  	s2 =	simm.s32 @!p1 $0x6  }
0x123: {  	_ =	swait.ge @!p1 [sflag:s2], $0x80  }
0x124: {  	[sflag:s2] =	ssyncset.done @!p1 $0x0  }
0x125: {  	[sflag:s2] =	ssyncadd.s32 @!p1 $0xFFFFFF80  }
0x126: {  	_ =	swait.ge @!p1 [sflag:s2], $0x80  }
0x127: {  	[sflag:s2] =	ssyncset.done @!p1 $0x0  }
0x128: {  	s10 =	simm.s32 @!p1 $0x2800;
	[sflag:s2] =	ssyncadd.s32 @!p1 $0xFFFFFF80;
	s2 =	simm.s32 @!p1 $0x40  }
0x129: {  	[tilespmem:s10], [sflag:$0x2] =	stream.indirect.gather @!p1 [hbm4b:s1+s2], $0x80, s31, s2, $0xb8;
	[tilespmem:$0x1C400] =	vst v63  }
0x12a: {  	_ =	swait.ge [sflag:s23], $0x2000  }
0x12b: {  	s12 =	sadd.s32 $0xE, s28;
	[sflag:s23] =	ssyncset.done $0x0  }
0x12c: {  	p0 =	sge.u32 s12, s5;
	[sflag:s23] =	ssyncadd.s32 $0xFFFFE000  }
0x12d: {  	[spmem:s4] =	stream.indirect.scatter.add.f32 [tilespmem:s0], [sflag:$0xD], $0x80, s9, s30, $0xb8;
	[tilespmem:$0x1C400] =	vst v63  }
0x12e: {  	s11 =	simm.s32 @!p0 $0x0;
	_ =	swait.ge [sflag:s8], $0x2000  }
0x12f: {  	s12 =	simm.s32 @!p0 $0x300;
	s2 =	rddreg [dreg:$0xe];
	[sflag:s8] =	ssyncset.done $0x0  }
0x130: {  	s10 =	rddreg [dreg:$0xd];
	[sflag:s8] =	ssyncadd.s32 $0xFFFFE000;
	s2 =	sadd.s32 @!p0 s29, s2  }
0x131: {  	[tilespmem:s12], [sflag:$0xB] =	stream.linear.gather @!p0 [hbm4b:s2+s11], $0x80, $0x38;
	[tilespmem:$0x1C400] =	vst v63  }
0x132: {  	s2 =	sadd.s32 @!p0 s29, s10;
	s10 =	simm.s32 @!p0 $0x700  }
0x133: {  	[tilespmem:s10], [sflag:$0xB] =	stream.linear.gather @!p0 [hbm4b:s2+s11], $0x80, $0x38;
	[tilespmem:$0x1C400] =	vst v63  }
0x134: {  	s2 =	simm.s32 @!p2 $0x7  }
0x135: {  	_ =	swait.ge @!p2 [sflag:s2], $0x80  }
0x136: {  	[sflag:s2] =	ssyncset.done @!p2 $0x0  }
0x137: {  	[sflag:s2] =	ssyncadd.s32 @!p2 $0xFFFFFF80  }
0x138: {  	_ =	swait.ge @!p2 [sflag:s2], $0x80  }
0x139: {  	[sflag:s2] =	ssyncset.done @!p2 $0x0  }
0x13a: {  	s10 =	simm.s32 @!p2 $0x4800;
	[sflag:s2] =	ssyncadd.s32 @!p2 $0xFFFFFF80;
	s2 =	simm.s32 @!p2 $0x40  }
0x13b: {  	[tilespmem:s10], [sflag:$0x3] =	stream.indirect.gather @!p2 [hbm4b:s1+s2], $0x80, s15, s2, $0xb8;
	[tilespmem:$0x1C400] =	vst v63  }
0x13c: {  	_ =	swait.ge [sflag:s24], $0x2000  }
0x13d: {  	s25 =	sadd.s32 $0xF, s28;
	[sflag:s24] =	ssyncset.done $0x0  }
0x13e: {  	p0 =	sge.u32 s25, s5;
	[sflag:s24] =	ssyncadd.s32 $0xFFFFE000  }
0x13f: {  	[spmem:s4] =	stream.indirect.scatter.add.f32 [tilespmem:s20], [sflag:$0xD], $0x80, s7, s30, $0xb8;
	[tilespmem:$0x1C400] =	vst v63  }
0x140: {  	s11 =	simm.s32 @!p0 $0x0;
	_ =	swait.ge [sflag:s8], $0x2000  }
0x141: {  	s12 =	simm.s32 @!p0 $0x380;
	s2 =	rddreg [dreg:$0xc];
	[sflag:s8] =	ssyncset.done $0x0  }
0x142: {  	s10 =	rddreg [dreg:$0xb];
	[sflag:s8] =	ssyncadd.s32 $0xFFFFE000;
	s2 =	sadd.s32 @!p0 s29, s2  }
0x143: {  	[tilespmem:s12], [sflag:$0xC] =	stream.linear.gather @!p0 [hbm4b:s2+s11], $0x80, $0x38;
	[tilespmem:$0x1C400] =	vst v63  }
0x144: {  	s2 =	sadd.s32 @!p0 s29, s10;
	s10 =	simm.s32 @!p0 $0x780  }
0x145: {  	[tilespmem:s10], [sflag:$0xC] =	stream.linear.gather @!p0 [hbm4b:s2+s11], $0x80, $0x38;
	[tilespmem:$0x1C400] =	vst v63  }
0x146: {  	s2 =	simm.s32 @!p3 $0x8  }
0x147: {  	_ =	swait.ge @!p3 [sflag:s2], $0x80  }
0x148: {  	[sflag:s2] =	ssyncset.done @!p3 $0x0  }
0x149: {  	[sflag:s2] =	ssyncadd.s32 @!p3 $0xFFFFFF80  }
0x14a: {  	_ =	swait.ge @!p3 [sflag:s2], $0x80  }
0x14b: {  	s29 =	sadd.s32 $0x80, s29;
	s31 =	rddreg [dreg:$0xa]  }
0x14c: {  	p0 =	sne.s32 s31, s29  }
.Ltmp0:
0x14d: {  	_ = 	snop;
	(pc) =	sbr.rel @p0 .LBB2_2-.Ltmp0, $4  }
0x14e: {  	[sflag:s2] =	ssyncset.done @!p3 $0x0  }
0x14f: {  	s10 =	simm.s32 @!p3 $0x6800;
	[sflag:s2] =	ssyncadd.s32 @!p3 $0xFFFFFF80;
	s2 =	simm.s32 @!p3 $0x40  }
0x150: {  	[tilespmem:s10], [sflag:$0x4] =	stream.indirect.gather @!p3 [hbm4b:s1+s2], $0x80, s19, s2, $0xb8;
	[tilespmem:$0x1C400] =	vst v63  }
0x151: {  	s26 =	sadd.s32 $0x400, s26;
	s28 =	sadd.s32 $0x8, s28;
	s2 =	smov.u32 s14  }
0x152: {  	[bflag:$0x0] =	sbarrier.arrive $0xFFFF  }
0x153: {  	s19 =	sld [smem:$0x7F4];
	_ =	sdelay $0x2  }
0x154: {  	[tilespmem:s3], [sflag:$0xD] =	stream.linear.gather [spmem:s19], $0x2000, $0x38;
	[tilespmem:$0x1C400] =	vst v63  }
0x155: {  	_ =	swait.ge [sflag:s8], $0x2000  }
0x156: {  	[sflag:s8] =	ssyncset.done $0x0  }
0x157: {  	s6 =	simm.s32 $0x0;
	s10 =	rddreg [dreg:$0x19];
	[sflag:s8] =	ssyncadd.s32 $0xFFFFE000  }
0x158: {  	[hbm4b:s10+s6] =	stream.linear.scatter [tilespmem:s3], [sflag:$0xD], $0x2000, $0x38;
	[tilespmem:$0x1C400] =	vst v63  }
0x159: {  	_ =	swait.ge [sflag:s8], $0x2000  }
0x15a: {  	s7 =	sld [smem:$0x7F5]  }
0x15b: {  	[sflag:s8] =	ssyncset.done $0x0  }
0x15c: {  	[sflag:s8] =	ssyncadd.s32 $0xFFFFE000  }
0x15d: {  	[tilespmem:s3], [sflag:$0xD] =	stream.linear.gather [spmem:s7], $0x2000, $0x38;
	[tilespmem:$0x1C400] =	vst v63  }
0x15e: {  	_ =	swait.ge [sflag:s8], $0x2000  }
0x15f: {  	[sflag:s8] =	ssyncset.done $0x0  }
0x160: {  	s12 =	rddreg [dreg:$0x1a];
	[sflag:s8] =	ssyncadd.s32 $0xFFFFE000  }
0x161: {  	[hbm4b:s12+s6] =	stream.linear.scatter [tilespmem:s3], [sflag:$0xD], $0x2000, $0x38;
	[tilespmem:$0x1C400] =	vst v63  }
0x162: {  	_ =	swait.ge [sflag:s8], $0x2000  }
0x163: {  	s12 =	sld [smem:$0x7F6]  }
0x164: {  	[sflag:s8] =	ssyncset.done $0x0  }
0x165: {  	[sflag:s8] =	ssyncadd.s32 $0xFFFFE000  }
0x166: {  	[tilespmem:s3], [sflag:$0xD] =	stream.linear.gather [spmem:s12], $0x2000, $0x38;
	[tilespmem:$0x1C400] =	vst v63  }
0x167: {  	_ =	swait.ge [sflag:s8], $0x2000  }
0x168: {  	[sflag:s8] =	ssyncset.done $0x0  }
0x169: {  	s14 =	rddreg [dreg:$0x1b];
	[sflag:s8] =	ssyncadd.s32 $0xFFFFE000  }
0x16a: {  	[hbm4b:s14+s6] =	stream.linear.scatter [tilespmem:s3], [sflag:$0xD], $0x2000, $0x38;
	[tilespmem:$0x1C400] =	vst v63  }
0x16b: {  	_ =	swait.ge [sflag:s8], $0x2000  }
0x16c: {  	s25 =	sld [smem:$0x7F7]  }
0x16d: {  	[sflag:s8] =	ssyncset.done $0x0  }
0x16e: {  	[sflag:s8] =	ssyncadd.s32 $0xFFFFE000  }
0x16f: {  	[tilespmem:s3], [sflag:$0xD] =	stream.linear.gather [spmem:s25], $0x2000, $0x38;
	[tilespmem:$0x1C400] =	vst v63  }
0x170: {  	_ =	swait.ge [sflag:s8], $0x2000  }
0x171: {  	[sflag:s8] =	ssyncset.done $0x0  }
0x172: {  	s15 =	rddreg [dreg:$0x1c];
	[sflag:s8] =	ssyncadd.s32 $0xFFFFE000  }
0x173: {  	[hbm4b:s15+s6] =	stream.linear.scatter [tilespmem:s3], [sflag:$0xD], $0x2000, $0x38;
	[tilespmem:$0x1C400] =	vst v63  }
0x174: {  	_ =	swait.ge [sflag:s8], $0x2000  }
0x175: {  	s14 =	sld [smem:$0x7F8]  }
0x176: {  	[sflag:s8] =	ssyncset.done $0x0  }
0x177: {  	[sflag:s8] =	ssyncadd.s32 $0xFFFFE000  }
0x178: {  	[tilespmem:s3], [sflag:$0xD] =	stream.linear.gather [spmem:s14], $0x2000, $0x38;
	[tilespmem:$0x1C400] =	vst v63  }
0x179: {  	_ =	swait.ge [sflag:s8], $0x2000  }
0x17a: {  	[sflag:s8] =	ssyncset.done $0x0  }
0x17b: {  	s16 =	rddreg [dreg:$0x1d];
	[sflag:s8] =	ssyncadd.s32 $0xFFFFE000  }
0x17c: {  	[hbm4b:s16+s6] =	stream.linear.scatter [tilespmem:s3], [sflag:$0xD], $0x2000, $0x38;
	[tilespmem:$0x1C400] =	vst v63  }
0x17d: {  	_ =	swait.ge [sflag:s8], $0x2000  }
0x17e: {  	s15 =	sld [smem:$0x7F9]  }
0x17f: {  	[sflag:s8] =	ssyncset.done $0x0  }
0x180: {  	[sflag:s8] =	ssyncadd.s32 $0xFFFFE000  }
0x181: {  	[tilespmem:s3], [sflag:$0xD] =	stream.linear.gather [spmem:s15], $0x2000, $0x38;
	[tilespmem:$0x1C400] =	vst v63  }
0x182: {  	_ =	swait.ge [sflag:s8], $0x2000  }
0x183: {  	[sflag:s8] =	ssyncset.done $0x0  }
0x184: {  	s26 =	rddreg [dreg:$0x1e];
	[sflag:s8] =	ssyncadd.s32 $0xFFFFE000  }
0x185: {  	[hbm4b:s26+s6] =	stream.linear.scatter [tilespmem:s3], [sflag:$0xD], $0x2000, $0x38;
	[tilespmem:$0x1C400] =	vst v63  }
0x186: {  	_ =	swait.ge [sflag:s8], $0x2000  }
0x187: {  	s26 =	sld [smem:$0x7FA]  }
0x188: {  	[sflag:s8] =	ssyncset.done $0x0  }
0x189: {  	[sflag:s8] =	ssyncadd.s32 $0xFFFFE000  }
0x18a: {  	[tilespmem:s3], [sflag:$0xD] =	stream.linear.gather [spmem:s26], $0x2000, $0x38;
	[tilespmem:$0x1C400] =	vst v63  }
0x18b: {  	_ =	swait.ge [sflag:s8], $0x2000  }
0x18c: {  	[sflag:s8] =	ssyncset.done $0x0  }
0x18d: {  	s9 =	rddreg [dreg:$0x1f];
	[sflag:s8] =	ssyncadd.s32 $0xFFFFE000  }
0x18e: {  	[hbm4b:s9+s6] =	stream.linear.scatter [tilespmem:s3], [sflag:$0xD], $0x2000, $0x38;
	[tilespmem:$0x1C400] =	vst v63  }
0x18f: {  	_ =	swait.ge [sflag:s8], $0x2000  }
0x190: {  	s28 =	sld [smem:$0x7FB]  }
0x191: {  	[sflag:s8] =	ssyncset.done $0x0  }
0x192: {  	[sflag:s8] =	ssyncadd.s32 $0xFFFFE000  }
0x193: {  	[tilespmem:s3], [sflag:$0xD] =	stream.linear.gather [spmem:s28], $0x2000, $0x38;
	[tilespmem:$0x1C400] =	vst v63  }
0x194: {  	_ =	swait.ge [sflag:s8], $0x2000  }
0x195: {  	s11 =	sld [smem:$0x7DD]  }
0x196: {  	[sflag:s8] =	ssyncset.done $0x0  }
0x197: {  	[sflag:s8] =	ssyncadd.s32 $0xFFFFE000  }
0x198: {  	[hbm4b:s11+s6] =	stream.linear.scatter [tilespmem:s3], [sflag:$0xD], $0x2000, $0x38;
	[tilespmem:$0x1C400] =	vst v63  }
0x199: {  	_ =	swait.ge [sflag:s8], $0x2000  }
0x19a: {  	s29 =	sld [smem:$0x7FC]  }
0x19b: {  	[sflag:s8] =	ssyncset.done $0x0  }
0x19c: {  	[sflag:s8] =	ssyncadd.s32 $0xFFFFE000  }
0x19d: {  	[tilespmem:s3], [sflag:$0xD] =	stream.linear.gather [spmem:s29], $0x2000, $0x38;
	[tilespmem:$0x1C400] =	vst v63  }
0x19e: {  	_ =	swait.ge [sflag:s8], $0x2000  }
0x19f: {  	s16 =	sld [smem:$0x7DE]  }
0x1a0: {  	[sflag:s8] =	ssyncset.done $0x0  }
0x1a1: {  	[sflag:s8] =	ssyncadd.s32 $0xFFFFE000  }
0x1a2: {  	[hbm4b:s16+s6] =	stream.linear.scatter [tilespmem:s3], [sflag:$0xD], $0x2000, $0x38;
	[tilespmem:$0x1C400] =	vst v63  }
0x1a3: {  	_ =	swait.ge [sflag:s8], $0x2000  }
0x1a4: {  	s31 =	sld [smem:$0x7FD]  }
0x1a5: {  	[sflag:s8] =	ssyncset.done $0x0  }
0x1a6: {  	[sflag:s8] =	ssyncadd.s32 $0xFFFFE000  }
0x1a7: {  	[tilespmem:s3], [sflag:$0xD] =	stream.linear.gather [spmem:s31], $0x1C00, $0x38;
	[tilespmem:$0x1C400] =	vst v63  }
0x1a8: {  	_ =	swait.ge [sflag:s8], $0x1C00  }
0x1a9: {  	s9 =	sld [smem:$0x7DF]  }
0x1aa: {  	[sflag:s8] =	ssyncset.done $0x0  }
0x1ab: {  	[sflag:s8] =	ssyncadd.s32 $0xFFFFE400  }
0x1ac: {  	[hbm4b:s9+s6] =	stream.linear.scatter [tilespmem:s3], [sflag:$0xD], $0x1C00, $0x38;
	[tilespmem:$0x1C400] =	vst v63  }
0x1ad: {  	_ =	swait.ge [sflag:s8], $0x1C00  }
0x1ae: {  	s11 =	sld [smem:$0x7DC]  }
0x1af: {  	s16 =	sld [smem:$0x7F2];
	_ =	sdelay $0x1  }
0x1b0: {  	s6 =	sadd.s32 $0x1, s11  }
0x1b1: {  	p0 =	sne.s32 s6, s16  }
.Ltmp1:
0x1b2: {  	_ = 	snop;
	(pc) =	sbr.rel @p0 .LBB2_1-.Ltmp1, $3  }
0x1b3: {  	_ =	sdelay $0x1  }
0x1b4: {  	[sflag:s8] =	ssyncset.done $0x0  }
0x1b5: {  	s9 =	simm.s32 $0x300;
	[sflag:s8] =	ssyncadd.s32 $0xFFFFE400;
	s16 =	simm.s32 $0x380  }
0x1b6: {  	_ =	sfence.sel $0x180000  }
0x1b7: {  	[bflag:$0x0] =	sbarrier.arrive $0xFFFF  }
0x1b8: {  	_ =	strace $0x90000047  }
0x1b9: {  	s0 =	stileid.u32;
	[bflag:$0x2] =	sbarrier.arrive $0xFFFF  }
0x1ba: {  	p0 =	sne.s32 s0, $0x0;
	s0 =	rddreg [dreg:$0x4]  }
0x1bb: {  	s0 =	sadd.s32 @!p0 $0x100000, s0  }
0x1bc: {  	[sflag:s0] =	ssyncadd.tile.s32 @!p0 $0x1;
	_ =	shalt  }
.Lfunc_end2:
_tile_overlayer_lowered:
.L_overlay_start_2:
0x1bd: {  	(tag) =	ssettag $0x2  }
0x1be: {  	s0 =	rddreg [dreg:$0x0];
	s2 =	stileid.u32  }
0x1bf: {  	s1 =	rddreg [dreg:$0x1];
	p0 =	sne.s32 s2, $0x0  }
0x1c0: {  	s3 =	rddreg [dreg:$0x2];
	[bflag:$0x3] =	sbarrier.arrive $0xFFFF;
	s2 =	simm.s32 @!p0 $0x1C0D  }
0x1c1: {  	[timem:s3], [sflag:s2] =	dma.local @!p0 [hbm:s0], s1  }
0x1c2: {  	s0 =	simm.s32 @!p0 $0xD  }
0x1c3: {  	_ =	swait.ge @!p0 [sflag:s0], s1  }
0x1c4: {  	s1 =	ssub.s32 @!p0 $0x0, s1;
	[sflag:s0] =	ssyncset.done @!p0 $0x0  }
0x1c5: {  	[sflag:s0] =	ssyncadd.s32 @!p0 s1  }
0x1c6: {  	[bflag:$0x3] =	sbarrier.arrive $0xFFFF  }
0x1c7: {  	_ =	shalt  }

// kernel: kernel.8.cloned.1.call-start
scs
__scs_entry_jumppad:
0x0: {  	(pc) =	sbr.rel $0x88, $3  }
0x1: {  	(tag) =	ssettag $0x0;
	lr =	simm.s32 $0x1  }
0x2: {  	[smem:$0x3F9D] =	sst lr;
	_ =	strace $0xD0000000  }
0x3: {  	_ = 	snop  }
0x4: {  	_ = 	snop  }
0x5: {  	_ = 	snop  }
0x6: {  	_ = 	snop  }
0x7: {  	_ = 	snop  }
__scs_overlays_trampoline_lowered:
0x8: {  	[smem:$0x3FAC] =	sst s0  }
0x9: {  	[smem:$0x3FAD] =	sst s1  }
0xa: {  	[smem:$0x3FAE] =	sst s2  }
0xb: {  	[smem:$0x3FAF] =	sst s3  }
0xc: {  	[smem:$0x3FB0] =	sst s4  }
0xd: {  	[smem:$0x3FB1] =	sst s5  }
0xe: {  	[smem:$0x3FB2] =	sst s6  }
0xf: {  	[smem:$0x3FB3] =	sst s7  }
0x10: {  	[smem:$0x3FB4] =	sst s8  }
0x11: {  	[smem:$0x3FB5] =	sst s9;
	s0 =	simm.s32 @!p0 $0x0  }
0x12: {  	s1 =	sld [smem:$0x3F9B];
	s0 =	simm.s32 @p0 $0x1  }
0x13: {  	[smem:$0x3FB6] =	sst s0;
	s0 =	simm.s32 @!p1 $0x0  }
0x14: {  	s2 =	sld [smem:$0x3F9A];
	s0 =	simm.s32 @p1 $0x1  }
0x15: {  	[smem:$0x3FB7] =	sst s0;
	s0 =	simm.s32 @!p2 $0x0  }
0x16: {  	s3 =	sld [smem:$0x3FDB];
	s0 =	simm.s32 @p2 $0x1  }
0x17: {  	s4 =	simm.s32 $0x1BF5;
	[smem:$0x3FB9] =	sst s0  }
0x18: {  	s0 =	sld [smem:$0x3F9C];
	_ =	swait.ge [sflag:s4], $0x0  }
0x19: {  	s7 =	sld [smem:$0x3F9D]  }
0x1a: {  	s8 =	sadd.s32 $0xFFFFE003, lr  }
0x1b: {  	s9 =	sadd.s32 $0xFFFFFEF7, lr;
	s5 =	simm.s32 $0xFFFFFFFF;
	p2 =	slt.u32 s8, $0xFFFFF086  }
0x1c: {  	p1 =	slt.u32 s9, $0xF7A;
	s5 =	simm.s32 @!p2 $0x0  }
0x1d: {  	s5 =	simm.s32 @p1 $0x1;
	p0 =	seq.s32 s7, s2  }
0x1e: {  	s7 =	smul.u32 @!p0 $0xF7A, s2;
	p2 =	seq.s32 @!p0 s5, $0x0  }
0x1f: {  	s9 =	smul.u32 $0xF7A, s1;
	s8 =	simm.s32 @!p0 $0x1BF5;
	p2 =	por !p2, p0  }
0x20: {  	[sflag:s8] =	ssyncset.s32 @!p0 $0xFFFFF086;
	s6 =	sadd.s32 @!p0 s3, s7;
	s7 =	simm.s32 @!p0 $0x108  }
0x21: {  	s3 =	sadd.s32 s3, s9;
	s6 =	sadd.s32 @!p0 $0x88, s6;
	s7 =	simm.s32 @p2 $0x1082  }
0x22: {  	[simem:s7], [sflag:s8] =	dma.local @!p0 [hbm:s6], $0xF7A  }
0x23: {  	s9 =	sor.u32 $0xD0000000, s2;
	s6 =	simm.s32 $0x108;
	_ =	swait.ge @!p0 [sflag:s8], $0x0  }
0x24: {  	s3 =	sadd.s32 $0x88, s3;
	s6 =	simm.s32 @!p1 $0x1082;
	[sflag:s4] =	ssyncset.s32 $0xFFFFF086  }
0x25: {  	[simem:s6], [sflag:s4] =	dma.local [hbm:s3], $0xF7A  }
0x26: {  	[smem:$0x3F9D] =	sst s1;
	(tag) =	ssettag s2;
	_ =	strace s9  }
0x27: {  	s1 =	sld [smem:$0x3FAD]  }
0x28: {  	s2 =	sld [smem:$0x3FAE]  }
0x29: {  	s4 =	sld [smem:$0x3FB0]  }
0x2a: {  	p0 =	seq.s32 s5, $0x0;
	s5 =	sld [smem:$0x3FB1]  }
0x2b: {  	s6 =	sld [smem:$0x3FB2]  }
0x2c: {  	s7 =	sld [smem:$0x3FB3]  }
0x2d: {  	s3 =	simm.s32 $0x108;
	s8 =	sld [smem:$0x3FB4]  }
0x2e: {  	s3 =	simm.s32 @!p0 $0x1082;
	s9 =	sld [smem:$0x3FB5]  }
0x2f: {  	lr =	sadd.s32 s0, s3;
	s0 =	sld [smem:$0x3FAC]  }
0x30: {  	s3 =	sld [smem:$0x3FAF]  }
0x31: {  	[smem:$0x3FB8] =	sst s10  }
0x32: {  	s10 =	sld [smem:$0x3FB6];
	_ =	sdelay $0x3  }
0x33: {  	p0 =	seq.s32 s10, $0x1;
	s10 =	sld [smem:$0x3FB8];
	_ =	sdelay $0x3  }
0x34: {  	[smem:$0x3FB8] =	sst s10  }
0x35: {  	s10 =	sld [smem:$0x3FB7];
	_ =	sdelay $0x3  }
0x36: {  	p1 =	seq.s32 s10, $0x1;
	s10 =	sld [smem:$0x3FB8];
	_ =	sdelay $0x3  }
0x37: {  	[smem:$0x3FB8] =	sst s10  }
0x38: {  	s10 =	sld [smem:$0x3FB9]  }
0x39: {  	_ = 	snop;
	(pc) =	sbr.ind lr, $3  }
0x3a: {  	_ = 	snop  }
0x3b: {  	_ = 	snop  }
0x3c: {  	p2 =	seq.s32 s10, $0x1;
	s10 =	sld [smem:$0x3FB8]  }
0x3d: {  	_ =	shalt  }
0x3e: {  	_ =	shalt  }
0x3f: {  	_ =	shalt  }
0x40: {  	_ =	shalt  }
0x41: {  	_ =	shalt  }
0x42: {  	_ =	shalt  }
0x43: {  	_ =	shalt  }
0x44: {  	_ =	shalt  }
0x45: {  	_ =	shalt  }
0x46: {  	_ =	shalt  }
0x47: {  	_ =	shalt  }
0x48: {  	_ =	shalt  }
0x49: {  	_ =	shalt  }
0x4a: {  	_ =	shalt  }
0x4b: {  	_ =	shalt  }
0x4c: {  	_ =	shalt  }
0x4d: {  	_ =	shalt  }
0x4e: {  	_ =	shalt  }
0x4f: {  	_ =	shalt  }
0x50: {  	_ =	shalt  }
0x51: {  	_ =	shalt  }
0x52: {  	_ =	shalt  }
0x53: {  	_ =	shalt  }
0x54: {  	_ =	shalt  }
0x55: {  	_ =	shalt  }
0x56: {  	_ =	shalt  }
0x57: {  	_ =	shalt  }
0x58: {  	_ =	shalt  }
0x59: {  	_ =	shalt  }
0x5a: {  	_ =	shalt  }
0x5b: {  	_ =	shalt  }
0x5c: {  	_ =	shalt  }
0x5d: {  	_ =	shalt  }
0x5e: {  	_ =	shalt  }
0x5f: {  	_ =	shalt  }
0x60: {  	_ =	shalt  }
0x61: {  	_ =	shalt  }
0x62: {  	_ =	shalt  }
0x63: {  	_ =	shalt  }
0x64: {  	_ =	shalt  }
0x65: {  	_ =	shalt  }
0x66: {  	_ =	shalt  }
0x67: {  	_ =	shalt  }
0x68: {  	_ =	shalt  }
0x69: {  	_ =	shalt  }
0x6a: {  	_ =	shalt  }
0x6b: {  	_ =	shalt  }
0x6c: {  	_ =	shalt  }
0x6d: {  	_ =	shalt  }
0x6e: {  	_ =	shalt  }
0x6f: {  	_ =	shalt  }
0x70: {  	_ =	shalt  }
0x71: {  	_ =	shalt  }
0x72: {  	_ =	shalt  }
0x73: {  	_ =	shalt  }
0x74: {  	_ =	shalt  }
0x75: {  	_ =	shalt  }
0x76: {  	_ =	shalt  }
0x77: {  	_ =	shalt  }
0x78: {  	_ =	shalt  }
0x79: {  	_ =	shalt  }
0x7a: {  	_ =	shalt  }
0x7b: {  	_ =	shalt  }
0x7c: {  	_ =	shalt  }
0x7d: {  	_ =	shalt  }
0x7e: {  	_ =	shalt  }
0x7f: {  	_ =	shalt  }
0x80: {  	_ =	shalt  }
0x81: {  	_ =	shalt  }
0x82: {  	_ =	shalt  }
0x83: {  	_ =	shalt  }
0x84: {  	_ =	shalt  }
0x85: {  	_ =	shalt  }
0x86: {  	_ =	shalt  }
0x87: {  	_ =	shalt  }
.Lfunc_end0:
.L_simem_size_0:
called_computation.1_lowered:
.L_overlay_start_0:
0x88: {  	s2 =	sld [smem:$0x3FD9]  }
0x89: {  	s3 =	sld [smem:$0x3FFE];
	_ =	sdelay $0x1  }
0x8a: {  	s1 =	srdreg.scid  }
0x8b: {  	s0 =	sand.u32 $0x1, s1  }
0x8c: {  	s17 =	sshll.u32 s0, $0xA;
	s2 =	sadd.s32 s3, s2  }
0x8d: {  	s2 =	sadd.s32 s2, s17  }
0x8e: {  	[smem:$0x3FC4] =	sst s2  }
0x8f: {  	_ = 	snop  }
0x90: {  	(tm) =	ssettm $0x1  }
0x91: {  	s18 =	sld [smem:$0x3FFB];
	_ =	sdelay $0x3  }
0x92: {  	_ =	strace s18  }
0x93: {  	s2 =	sld [smem:$0x3FFC];
	_ =	sdelay $0x3  }
0x94: {  	_ =	strace s2  }
0x95: {  	s2 =	sld [smem:$0x3FFD];
	_ =	sdelay $0x3  }
0x96: {  	_ =	strace s2  }
0x97: {  	_ =	strace $0x8FFFFFFF  }
0x98: {  	s19 =	sld [smem:$0x3FDB];
	_ =	sdelay $0x1  }
0x99: {  	s20 =	simm.s32 $_scs_section_size  }
0x9a: {  	s4 =	simm.s32 $_size__tile_overlayer_lowered;
	s5 =	simm.s32 $_tile_overlayer_lowered  }
0x9b: {  	s6 =	simm.s32 $0x1BFF;
	s21 =	sshll.u32 s5, $0x1;
	s3 =	sadd.s32 s20, s19  }
0x9c: {  	s22 =	simm.s32 $0x0;
	s4 =	sshll.u32 s4, $0x1;
	s5 =	sadd.s32 s21, s3  }
0x9d: {  	[timem:s22], [sflag:s6] =	dma.local [hbm:s5], s4  }
0x9e: {  	_ =	swait.ge [sflag:s6], s4  }
0x9f: {  	s4 =	ssub.s32 $0x0, s4;
	[sflag:s6] =	ssyncset.done $0x0  }
0xa0: {  	[sflag:s6] =	ssyncadd.s32 s4;
	_ =	sdelay $0x1  }
0xa1: {  	s23 =	simm.s32 $0x1B8B  }
0xa2: {  	_ =	swait.ge [sflag:s23], $0x1  }
0xa3: {  	[sflag:s23] =	ssyncset.done $0x0  }
0xa4: {  	[sflag:s23] =	ssyncadd.s32 $0xFFFFFFFF  }
0xa5: {  	s4 =	sld [smem:$0x0]  }
0xa6: {  	s5 =	sand.u32 $0xFFFFFFFE, s1  }
0xa7: {  	p0 =	sne.s32 s1, s5  }
0xa8: {  	s5 =	sshll.u32 @p0 s5, $0xE  }
0xa9: {  	s5 =	sadd.s32 @p0 $0x11B8D, s5;
	s6 =	sshll.u32 @p0 s4, $0x11  }
0xaa: {  	s5 =	sor.u32 @p0 s6, s5  }
0xab: {  	[sflag:s5] =	ssyncadd.remote.s32 @p0 $0x1;
	_ =	sdelay $0x1  }
0xac: {  	s5 =	simm.s32 @p0 $0x1B8D  }
0xad: {  	_ =	swait.eq @p0 [sflag:s5], $0x1  }
0xae: {  	[sflag:s5] =	ssyncadd.s32 @p0 $0xFFFFFFFF  }
0xaf: {  	s6 =	sshll.u32 @!p0 s1, $0xE  }
0xb0: {  	s6 =	sor.u32 @!p0 $0x4000, s6;
	s5 =	simm.s32 @!p0 $0x1B8D  }
0xb1: {  	s4 =	sshll.u32 @!p0 s4, $0x11;
	s6 =	sadd.s32 @!p0 $0x11B8D, s6;
	_ =	swait.eq @!p0 [sflag:s5], $0x1  }
0xb2: {  	s4 =	sor.u32 @!p0 s4, s6;
	[sflag:s5] =	ssyncadd.s32 @!p0 $0xFFFFFFFF  }
0xb3: {  	s25 =	simm.s32 $0x1B8E;
	s24 =	sld [smem:$0x3FFE];
	[sflag:s4] =	ssyncadd.remote.s32 @!p0 $0x1  }
0xb4: {  	s26 =	simm.s32 $execute0_lowered;
	[smem:$0x3FD2] =	sst s25  }
0xb5: {  	s5 =	sshll.u32 s26, $0x1;
	_ =	strace $0x80000049;
	[dreg:$0x1] =	wrdreg $0xFFFFFFFF  }
0xb6: {  	s28 =	simm.s32 $_size_execute0_lowered;
	s3 =	sadd.s32 s3, s5;
	[dreg:$0x0] =	wrdreg $0x0  }
0xb7: {  	s5 =	sshll.u32 s28, $0x1;
	[dreg:$0x2] =	wrdreg s3  }
0xb8: {  	[dreg:$0x3] =	wrdreg s5  }
0xb9: {  	[dreg:$0x4] =	wrdreg $0xC0  }
0xba: {  	_ =	task [dreg:s22], $0x5FFFF  }
0xbb: {  	[dreg:$0x1] =	wrdreg $0xFFFFFFFF  }
0xbc: {  	[dreg:$0x0] =	wrdreg $0x60  }
0xbd: {  	[dreg:$0x2] =	wrdreg s24  }
0xbe: {  	[dreg:$0x3] =	wrdreg $0x42000  }
0xbf: {  	[dreg:$0x4] =	wrdreg $0xA  }
0xc0: {  	_ =	task.clear_ibuf [dreg:s22], $0x5FFFF;
	_ =	strace $0x90000049  }
0xc1: {  	s29 =	simm.s32 $0xA;
	_ =	strace $0x8000004B  }
0xc2: {  	_ =	swait.ge [sflag:s29], $0x1  }
0xc3: {  	[sflag:s29] =	ssyncadd.s32 $0xFFFFFFFF  }
0xc4: {  	_ =	strace $0x9000004B  }
0xc5: {  	_ =	sfence  }
0xc6: {  	s30 =	sld [smem:$0x0];
	_ =	sdelay $0x2  }
0xc7: {  	s31 =	sshll.u32 s1, $0xD;
	s1 =	sshrl.u32 s1, $0x2  }
0xc8: {  	s4 =	sand.u32 $0x4000, s31;
	s1 =	sadd.s32 s1, s30  }
0xc9: {  	s0 =	sor.u32 s4, s0;
	s1 =	sshll.u32 s1, $0x11  }
0xca: {  	s0 =	sor.u32 s1, s0  }
0xcb: {  	s0 =	sadd.s32 $0x8F2B, s0  }
0xcc: {  	[sflag:s0] =	ssyncadd.remote.s32 $0x1  }
0xcd: {  	_ =	sfence.sel $0xFFFF  }
0xce: {  	[dreg:$0x0] =	wrdreg $0xFFFFFFFF;
	(pc) =	sbr.abs _section_cstart, $3  }
0xcf: {  	[dreg:$0x1] =	wrdreg $0xFFFFFFFF  }
0xd0: {  	_ =	task.clear_ibuf [dreg:s22], $0x2FFFF;
	_ =	strace $0x9FFFFFFF  }
0xd1: {  	(tm) =	ssettm $0x7FFFFFFF  }
tec
execute0_lowered:
.L_overlay_start_1:
0x0: {  	(tag) =	ssettag $0x1  }
0x1: {  	s0 =	rddreg [dreg:$0x0]  }
0x2: {  	s1 =	rddreg [dreg:$0x1];
	s2 =	simm.s32 $0x0;
	s3 =	srdreg.scid  }
0x3: {  	s21 =	stileid.u32;
	s28 =	simm.s32 $0x180;
	s29 =	simm.s32 $0x1  }
0x4: {  	s30 =	simm.s32 $0x3;
	s31 =	simm.s32 $0x4;
	[smem:$0x7FF] =	sst s2  }
0x5: {  	s4 =	sadd.s32 $0x15200, s0;
	s5 =	sadd.s32 $0x6EE00, s0;
	s8 =	smul.u32 $0x4F000, s21  }
0x6: {  	s3 =	sand.u32 $0x1, s3;
	s6 =	sadd.s32 $0x6E600, s0;
	s16 =	smul.u32 $0x13C00, s21  }
0x7: {  	s0 =	sadd.s32 $0x6F600, s0;
	_ =	strace $0x8000004A;
	[dreg:$0x3] =	wrdreg s5  }
0x8: {  	[dreg:$0x4] =	wrdreg s6;
	s7 =	ssub.s32 $0x2, s3;
	s10 =	sshll.u32 s3, $0x4  }
0x9: {  	s3 =	smul.u32 $0x13C000, s3;
	s9 =	sshrl.u32 s7, $0x1;
	s23 =	sor.u32 s21, s10  }
0xa: {  	s8 =	sshrl.u32 s8, $0x2;
	s17 =	sadd.s32 $0x4000, s16;
	s19 =	sadd.s32 $0x8000, s16  }
0xb: {  	s20 =	sadd.s32 $0xC000, s16;
	s21 =	sadd.s32 $0x10000, s16;
	s22 =	ssub.s32 s7, s9  }
0xc: {  	s7 =	smul.u32 $0x2800, s23;
	s8 =	sadd.s32 s8, s1;
	s9 =	sadd.s32 s17, s1  }
0xd: {  	s10 =	sadd.s32 s19, s1;
	s12 =	sadd.s32 s20, s1;
	s13 =	sadd.s32 s21, s1  }
0xe: {  	s18 =	sadd.s32 s16, s3;
	s17 =	sadd.s32 s3, s17;
	s19 =	sadd.s32 s3, s19  }
0xf: {  	s20 =	sadd.s32 s3, s20;
	s3 =	sadd.s32 s3, s21;
	s18 =	sshrl.u32 s18, $0x3  }
0x10: {  	s23 =	sshrl.u32 s17, $0x3;
	s19 =	sshrl.u32 s19, $0x3;
	s20 =	sshrl.u32 s20, $0x3  }
0x11: {  	s3 =	sshrl.u32 s3, $0x3;
	s22 =	smax.u32 s22, $0x1;
	s11 =	sshrl.u32 s7, $0x3  }
0x12: {  	s17 =	sadd.s32 s0, s18;
	s18 =	sadd.s32 s0, s23;
	s11 =	sadd.s32 s4, s11  }
.Ltmp0:
0x13: {  	s19 =	sadd.s32 s0, s19;
	s24 =	sadd.s32 $0x10, s11;
	(pc) =	sbr.rel .LBB2_1-.Ltmp0, $4  }
0x14: {  	s20 =	sadd.s32 s0, s20;
	s25 =	sadd.s32 $0x20, s11;
	[dreg:$0x5] =	wrdreg s24  }
0x15: {  	s21 =	sadd.s32 s0, s3;
	s26 =	sadd.s32 $0x30, s11;
	[dreg:$0x6] =	wrdreg s25  }
0x16: {  	s23 =	simm.s32 $0x200;
	s0 =	simm.s32 $0x0;
	[dreg:$0x7] =	wrdreg s26  }
0x17: {  	s24 =	simm.s32 $0x5;
	s25 =	simm.s32 $0x80;
	s26 =	simm.s32 $0x100  }
.LBB2_4:
0x18: {  	_ =	swait.ge [sflag:s31], $0x80  }
0x19: {  	[sflag:s31] =	ssyncset.done $0x0  }
0x1a: {  	[sflag:s31] =	ssyncadd.s32 $0xFFFFFF80  }
0x1b: {  	[spmem:s1] =	stream.indirect.scatter.add.f32 [tilespmem:s23], [sflag:$0x5], $0x80, s28, s25, $0xb8;
	[tilespmem:$0x17E00] =	vst v63  }
0x1c: {  	_ =	swait.ge [sflag:s24], $0x4000  }
0x1d: {  	[sflag:s24] =	ssyncset.done $0x0  }
0x1e: {  	[sflag:s24] =	ssyncadd.s32 $0xFFFFC000  }
0x1f: {  	[bflag:$0x0] =	sbarrier.arrive $0xFFFF  }
0x20: {  	[tilespmem:s23], [sflag:$0x5] =	stream.linear.gather [spmem:s8], $0x4000, $0x38;
	[tilespmem:$0x17E00] =	vst v63  }
0x21: {  	_ =	swait.ge [sflag:s24], $0x4000  }
0x22: {  	[sflag:s24] =	ssyncset.done $0x0  }
0x23: {  	[sflag:s24] =	ssyncadd.s32 $0xFFFFC000  }
0x24: {  	[hbm4b:s17+s2] =	stream.linear.scatter [tilespmem:s23], [sflag:$0x5], $0x4000, $0x38;
	[tilespmem:$0x17E00] =	vst v63  }
0x25: {  	_ =	swait.ge [sflag:s24], $0x4000  }
0x26: {  	[sflag:s24] =	ssyncset.done $0x0  }
0x27: {  	[sflag:s24] =	ssyncadd.s32 $0xFFFFC000  }
0x28: {  	[tilespmem:s23], [sflag:$0x5] =	stream.linear.gather [spmem:s9], $0x4000, $0x38;
	[tilespmem:$0x17E00] =	vst v63  }
0x29: {  	_ =	swait.ge [sflag:s24], $0x4000  }
0x2a: {  	[sflag:s24] =	ssyncset.done $0x0  }
0x2b: {  	[sflag:s24] =	ssyncadd.s32 $0xFFFFC000  }
0x2c: {  	[hbm4b:s18+s2] =	stream.linear.scatter [tilespmem:s23], [sflag:$0x5], $0x4000, $0x38;
	[tilespmem:$0x17E00] =	vst v63  }
0x2d: {  	_ =	swait.ge [sflag:s24], $0x4000  }
0x2e: {  	[sflag:s24] =	ssyncset.done $0x0  }
0x2f: {  	[sflag:s24] =	ssyncadd.s32 $0xFFFFC000  }
0x30: {  	[tilespmem:s23], [sflag:$0x5] =	stream.linear.gather [spmem:s10], $0x4000, $0x38;
	[tilespmem:$0x17E00] =	vst v63  }
0x31: {  	_ =	swait.ge [sflag:s24], $0x4000  }
0x32: {  	[sflag:s24] =	ssyncset.done $0x0  }
0x33: {  	[sflag:s24] =	ssyncadd.s32 $0xFFFFC000  }
0x34: {  	[hbm4b:s19+s2] =	stream.linear.scatter [tilespmem:s23], [sflag:$0x5], $0x4000, $0x38;
	[tilespmem:$0x17E00] =	vst v63  }
0x35: {  	_ =	swait.ge [sflag:s24], $0x4000  }
0x36: {  	[sflag:s24] =	ssyncset.done $0x0  }
0x37: {  	[sflag:s24] =	ssyncadd.s32 $0xFFFFC000  }
0x38: {  	[tilespmem:s23], [sflag:$0x5] =	stream.linear.gather [spmem:s12], $0x4000, $0x38;
	[tilespmem:$0x17E00] =	vst v63  }
0x39: {  	_ =	swait.ge [sflag:s24], $0x4000  }
0x3a: {  	[sflag:s24] =	ssyncset.done $0x0  }
0x3b: {  	[sflag:s24] =	ssyncadd.s32 $0xFFFFC000  }
0x3c: {  	[hbm4b:s20+s2] =	stream.linear.scatter [tilespmem:s23], [sflag:$0x5], $0x4000, $0x38;
	[tilespmem:$0x17E00] =	vst v63  }
0x3d: {  	_ =	swait.ge [sflag:s24], $0x4000  }
0x3e: {  	[sflag:s24] =	ssyncset.done $0x0  }
0x3f: {  	[sflag:s24] =	ssyncadd.s32 $0xFFFFC000  }
0x40: {  	[tilespmem:s23], [sflag:$0x5] =	stream.linear.gather [spmem:s13], $0x3C00, $0x38;
	[tilespmem:$0x17E00] =	vst v63  }
0x41: {  	s0 =	sadd.s32 $0x1, s0;
	_ =	swait.ge [sflag:s24], $0x3C00  }
0x42: {  	p0 =	sne.s32 s0, s22;
	[sflag:s24] =	ssyncset.done $0x0  }
.Ltmp1:
0x43: {  	[sflag:s24] =	ssyncadd.s32 $0xFFFFC400;
	(pc) =	sbr.rel @!p0 .LBB2_5-.Ltmp1, $4  }
0x44: {  	[hbm4b:s21+s2] =	stream.linear.scatter [tilespmem:s23], [sflag:$0x5], $0x3C00, $0x38;
	[tilespmem:$0x17E00] =	vst v63  }
0x45: {  	_ =	swait.ge [sflag:s24], $0x3C00  }
0x46: {  	[sflag:s24] =	ssyncset.done $0x0  }
0x47: {  	[sflag:s24] =	ssyncadd.s32 $0xFFFFC400  }
.LBB2_1:
0x48: {  	s3 =	rddreg [dreg:$0x3]  }
0x49: {  	[tilespmem:s23], [sflag:$0x5] =	stream.linear.gather [hbm4b:s3+s2], $0x4000, $0x38;
	[tilespmem:$0x17E00] =	vst v63  }
0x4a: {  	_ =	swait.ge [sflag:s24], $0x4000  }
0x4b: {  	[sflag:s24] =	ssyncset.done $0x0  }
0x4c: {  	[sflag:s24] =	ssyncadd.s32 $0xFFFFC000  }
0x4d: {  	[spmem:s8] =	stream.linear.scatter [tilespmem:s23], [sflag:$0x5], $0x4000, $0x38;
	[tilespmem:$0x17E00] =	vst v63  }
0x4e: {  	_ =	swait.ge [sflag:s24], $0x4000  }
0x4f: {  	[sflag:s24] =	ssyncset.done $0x0  }
0x50: {  	[sflag:s24] =	ssyncadd.s32 $0xFFFFC000  }
0x51: {  	[spmem:s9] =	stream.linear.scatter [tilespmem:s23], [sflag:$0x5], $0x4000, $0x38;
	[tilespmem:$0x17E00] =	vst v63  }
0x52: {  	_ =	swait.ge [sflag:s24], $0x4000  }
0x53: {  	[sflag:s24] =	ssyncset.done $0x0  }
0x54: {  	[sflag:s24] =	ssyncadd.s32 $0xFFFFC000  }
0x55: {  	[spmem:s10] =	stream.linear.scatter [tilespmem:s23], [sflag:$0x5], $0x4000, $0x38;
	[tilespmem:$0x17E00] =	vst v63  }
0x56: {  	_ =	swait.ge [sflag:s24], $0x4000  }
0x57: {  	[sflag:s24] =	ssyncset.done $0x0  }
0x58: {  	[sflag:s24] =	ssyncadd.s32 $0xFFFFC000  }
0x59: {  	[spmem:s12] =	stream.linear.scatter [tilespmem:s23], [sflag:$0x5], $0x4000, $0x38;
	[tilespmem:$0x17E00] =	vst v63  }
0x5a: {  	_ =	swait.ge [sflag:s24], $0x4000  }
0x5b: {  	[sflag:s24] =	ssyncset.done $0x0  }
0x5c: {  	[sflag:s24] =	ssyncadd.s32 $0xFFFFC000  }
0x5d: {  	[spmem:s13] =	stream.linear.scatter [tilespmem:s23], [sflag:$0x5], $0x3C00, $0x38;
	[tilespmem:$0x17E00] =	vst v63  }
0x5e: {  	_ =	swait.ge [sflag:s24], $0x3C00  }
0x5f: {  	[sflag:s24] =	ssyncset.done $0x0  }
0x60: {  	s6 =	rddreg [dreg:$0x4];
	[sflag:s24] =	ssyncadd.s32 $0xFFFFC400  }
0x61: {  	[tilespmem:s23], [sflag:$0x5] =	stream.linear.gather [hbm4b:s6+s2], $0x4000, $0x38;
	[tilespmem:$0x17E00] =	vst v63  }
0x62: {  	_ =	swait.ge [sflag:s24], $0x4000  }
0x63: {  	[sflag:s24] =	ssyncset.done $0x0  }
0x64: {  	[sflag:s24] =	ssyncadd.s32 $0xFFFFC000  }
0x65: {  	[bflag:$0x0] =	sbarrier.arrive $0xFFFF  }
0x66: {  	[tilespmem:s2], [sflag:$0x1] =	stream.linear.gather [hbm4b:s11+s2], $0x80, $0x38;
	[tilespmem:$0x17E00] =	vst v63  }
0x67: {  	s14 =	rddreg [dreg:$0x5]  }
0x68: {  	[tilespmem:s25], [sflag:$0x2] =	stream.linear.gather [hbm4b:s14+s2], $0x80, $0x38;
	[tilespmem:$0x17E00] =	vst v63  }
0x69: {  	s15 =	rddreg [dreg:$0x6]  }
0x6a: {  	[tilespmem:s26], [sflag:$0x3] =	stream.linear.gather [hbm4b:s15+s2], $0x80, $0x38;
	[tilespmem:$0x17E00] =	vst v63  }
0x6b: {  	s3 =	simm.s32 $0x380;
	s16 =	rddreg [dreg:$0x7]  }
0x6c: {  	[tilespmem:s28], [sflag:$0x4] =	stream.linear.gather [hbm4b:s16+s2], $0x80, $0x38;
	[tilespmem:$0x17E00] =	vst v63  }
.LBB2_2:
0x6d: {  	_ =	swait.ge [sflag:s29], $0x80  }
0x6e: {  	[sflag:s29] =	ssyncset.done $0x0  }
0x6f: {  	[sflag:s29] =	ssyncadd.s32 $0xFFFFFF80  }
0x70: {  	[spmem:s1] =	stream.indirect.scatter.add.f32 [tilespmem:s23], [sflag:$0x5], $0x80, s2, s25, $0xb8;
	[tilespmem:$0x17E00] =	vst v63  }
0x71: {  	_ =	swait.ge [sflag:s24], $0x4000  }
0x72: {  	p0 =	seq.s32 s3, $0x2980;
	[sflag:s24] =	ssyncset.done $0x0  }
0x73: {  	s5 =	simm.s32 @p0 $0x2;
	[sflag:s24] =	ssyncadd.s32 $0xFFFFC000  }
0x74: {  	_ =	swait.ge @p0 [sflag:s5], $0x80  }
0x75: {  	[sflag:s5] =	ssyncset.done @p0 $0x0  }
0x76: {  	s6 =	simm.s32 @p0 $0x200;
	[sflag:s5] =	ssyncadd.s32 @p0 $0xFFFFFF80;
	s5 =	simm.s32 @p0 $0x80  }
0x77: {  	[spmem:s1] =	stream.indirect.scatter.add.f32 @p0 [tilespmem:s6], [sflag:$0x5], $0x80, s5, s5, $0xb8;
	[tilespmem:$0x17E00] =	vst v63  }
0x78: {  	s5 =	sadd.s32 @!p0 $0xFFFFFE80, s3  }
0x79: {  	s6 =	sand.u32 @!p0 $0x7C00, s5  }
0x7a: {  	s14 =	simm.s32 @p0 $0x5;
	s5 =	sand.u32 @!p0 $0x200, s5;
	s6 =	sadd.s32 @!p0 s7, s6  }
0x7b: {  	_ =	swait.ge @p0 [sflag:s14], $0x4000;
	s5 =	sor.u32 @!p0 s5, s6  }
0x7c: {  	[sflag:s14] =	ssyncset.done @p0 $0x0;
	s5 =	sshrl.u32 @!p0 s5, $0x3  }
0x7d: {  	[sflag:s14] =	ssyncadd.s32 @p0 $0xFFFFC000;
	s6 =	simm.s32 @!p0 $0x0;
	s5 =	sadd.s32 @!p0 s4, s5  }
0x7e: {  	[tilespmem:s6], [sflag:$0x1] =	stream.linear.gather @!p0 [hbm4b:s5+s6], $0x80, $0x38;
	[tilespmem:$0x17E00] =	vst v63  }
0x7f: {  	s5 =	simm.s32 @!p0 $0x2  }
0x80: {  	_ =	swait.ge @!p0 [sflag:s5], $0x80  }
0x81: {  	[sflag:s5] =	ssyncset.done @!p0 $0x0  }
0x82: {  	s14 =	simm.s32 @!p0 $0x200;
	[sflag:s5] =	ssyncadd.s32 @!p0 $0xFFFFFF80;
	s5 =	simm.s32 @!p0 $0x80  }
0x83: {  	[spmem:s1] =	stream.indirect.scatter.add.f32 @!p0 [tilespmem:s14], [sflag:$0x5], $0x80, s5, s5, $0xb8;
	[tilespmem:$0x17E00] =	vst v63  }
0x84: {  	s14 =	sadd.s32 @!p0 $0xFFFFFF00, s3  }
0x85: {  	s15 =	sand.u32 @!p0 $0x7C00, s14  }
0x86: {  	s16 =	simm.s32 @!p0 $0x5;
	s14 =	sand.u32 @!p0 $0x280, s14;
	s15 =	sadd.s32 @!p0 s7, s15  }
0x87: {  	_ =	swait.ge @!p0 [sflag:s16], $0x4000;
	s14 =	sor.u32 @!p0 s14, s15  }
0x88: {  	[sflag:s16] =	ssyncset.done @!p0 $0x0;
	s14 =	sshrl.u32 @!p0 s14, $0x3  }
0x89: {  	[sflag:s16] =	ssyncadd.s32 @!p0 $0xFFFFC000;
	s14 =	sadd.s32 @!p0 s4, s14  }
0x8a: {  	[tilespmem:s5], [sflag:$0x2] =	stream.linear.gather @!p0 [hbm4b:s14+s6], $0x80, $0x38;
	[tilespmem:$0x17E00] =	vst v63  }
0x8b: {  	_ =	swait.ge [sflag:s30], $0x80  }
0x8c: {  	[sflag:s30] =	ssyncset.done $0x0  }
.Ltmp2:
0x8d: {  	[sflag:s30] =	ssyncadd.s32 $0xFFFFFF80;
	(pc) =	sbr.rel @p0 .LBB2_4-.Ltmp2, $4  }
0x8e: {  	[spmem:s1] =	stream.indirect.scatter.add.f32 [tilespmem:s23], [sflag:$0x5], $0x80, s26, s25, $0xb8;
	[tilespmem:$0x17E00] =	vst v63  }
0x8f: {  	_ =	swait.ge [sflag:s24], $0x4000  }
0x90: {  	[sflag:s24] =	ssyncset.done $0x0  }
0x91: {  	[sflag:s24] =	ssyncadd.s32 $0xFFFFC000  }
0x92: {  	s5 =	sadd.s32 $0xFFFFFF80, s3  }
0x93: {  	s6 =	sand.u32 $0x7C00, s5  }
0x94: {  	s5 =	sand.u32 $0x300, s5;
	s6 =	sadd.s32 s7, s6  }
0x95: {  	s5 =	sor.u32 s5, s6  }
0x96: {  	s5 =	sshrl.u32 s5, $0x3  }
0x97: {  	s5 =	sadd.s32 s4, s5  }
0x98: {  	[tilespmem:s26], [sflag:$0x3] =	stream.linear.gather [hbm4b:s5+s2], $0x80, $0x38;
	[tilespmem:$0x17E00] =	vst v63  }
0x99: {  	_ =	swait.ge [sflag:s31], $0x80  }
0x9a: {  	[sflag:s31] =	ssyncset.done $0x0  }
0x9b: {  	s15 =	sand.u32 $0x7C00, s3;
	[sflag:s31] =	ssyncadd.s32 $0xFFFFFF80  }
0x9c: {  	[spmem:s1] =	stream.indirect.scatter.add.f32 [tilespmem:s23], [sflag:$0x5], $0x80, s28, s25, $0xb8;
	[tilespmem:$0x17E00] =	vst v63  }
.Ltmp3:
0x9d: {  	s16 =	sand.u32 $0x380, s3;
	s5 =	sadd.s32 s7, s15;
	(pc) =	sbr.rel .LBB2_2-.Ltmp3, $4  }
0x9e: {  	s5 =	sor.u32 s16, s5;
	_ =	swait.ge [sflag:s24], $0x4000  }
0x9f: {  	s5 =	sshrl.u32 s5, $0x3;
	[sflag:s24] =	ssyncset.done $0x0  }
0xa0: {  	s3 =	sadd.s32 $0x200, s3;
	s5 =	sadd.s32 s4, s5;
	[sflag:s24] =	ssyncadd.s32 $0xFFFFC000  }
0xa1: {  	[tilespmem:s28], [sflag:$0x4] =	stream.linear.gather [hbm4b:s5+s2], $0x80, $0x38;
	[tilespmem:$0x17E00] =	vst v63  }
.LBB2_5:
0xa2: {  	_ =	sfence.sel $0x180000  }
0xa3: {  	[bflag:$0x0] =	sbarrier.arrive $0xFFFF  }
0xa4: {  	_ =	strace $0x9000004A  }
0xa5: {  	s0 =	stileid.u32;
	[bflag:$0x2] =	sbarrier.arrive $0xFFFF  }
0xa6: {  	p0 =	sne.s32 s0, $0x0;
	s0 =	rddreg [dreg:$0x2]  }
0xa7: {  	s0 =	sadd.s32 @!p0 $0x100000, s0  }
0xa8: {  	[sflag:s0] =	ssyncadd.tile.s32 @!p0 $0x1;
	_ =	shalt  }
.Lfunc_end2:
_tile_overlayer_lowered:
.L_overlay_start_2:
0xa9: {  	(tag) =	ssettag $0x2  }
0xaa: {  	s0 =	rddreg [dreg:$0x0];
	s2 =	stileid.u32  }
0xab: {  	s1 =	rddreg [dreg:$0x1];
	p0 =	sne.s32 s2, $0x0  }
0xac: {  	s3 =	rddreg [dreg:$0x2];
	[bflag:$0x3] =	sbarrier.arrive $0xFFFF;
	s2 =	simm.s32 @!p0 $0x1C05  }
0xad: {  	[timem:s3], [sflag:s2] =	dma.local @!p0 [hbm:s0], s1  }
0xae: {  	s0 =	simm.s32 @!p0 $0x5  }
0xaf: {  	_ =	swait.ge @!p0 [sflag:s0], s1  }
0xb0: {  	s1 =	ssub.s32 @!p0 $0x0, s1;
	[sflag:s0] =	ssyncset.done @!p0 $0x0  }
0xb1: {  	[sflag:s0] =	ssyncadd.s32 @!p0 s1  }
0xb2: {  	[bflag:$0x3] =	sbarrier.arrive $0xFFFF  }
0xb3: {  	_ =	shalt  }

</sc_bundles>
